<compile_context>
chip_gen: v7x
topology: tpu7x:2x2x1
jax: 0.10.2.dev20260603
libtpu: 0.0.44.dev20260713+nightly
codegen_flags: <defaults>
</compile_context>

<pallas_src>
import functools

import jax
import jax.numpy as jnp
from jax import lax
from jax.experimental import pallas as pl
from jax.experimental.pallas import tpu as pltpu
from jax.experimental.pallas import tpu_sc as plsc

IN_SIZE = 10000
DIM = 64
HEADS = 8
HID = DIM * HEADS
N_MOD = 3
N_SRC = 8192
BATCH = 4096
N_EDGES = 65536
E_FULL = N_EDGES + BATCH
EPT = E_FULL // 16
CH = 32
NCH = EPT // CH

_DN = lax.GatherDimensionNumbers(
    offset_dims=(), collapsed_slice_dims=(0,), start_index_map=(0,))


def _take(vec16, idx):
    return lax.gather(vec16, jnp.full((16, 1), idx, jnp.int32), _DN, (1,),
                      mode=lax.GatherScatterMode.PROMISE_IN_BOUNDS)


def _sc_gather(pre_flat, n_id):
    mesh = plsc.VectorSubcoreMesh(core_axis_name="c", subcore_axis_name="s")

    @functools.partial(
        pl.kernel,
        out_type=jax.ShapeDtypeStruct((N_MOD * N_SRC, HID), jnp.float32),
        mesh=mesh,
        scratch_types=[
            pltpu.VMEM((256,), jnp.int32),
            pltpu.VMEM((128,), jnp.int32),
            pltpu.VMEM((128, HID), jnp.float32),
            pltpu.SemaphoreType.DMA,
        ],
        compiler_params=pltpu.CompilerParams(needs_layout_passes=False),
    )
    def k(pre_hbm, nid_hbm, out_hbm, nid_v, idx_v, rows_v, sem):
        c = lax.axis_index("c")
        s = lax.axis_index("s")
        wid = s * 2 + c
        base = wid * 256
        pltpu.sync_copy(nid_hbm.at[pl.ds(base, 256)], nid_v)
        for m in range(N_MOD):
            for ch in range(2):
                def fill(kk, _, ch=ch, m=m):
                    idx_v[pl.ds(kk * 16, 16)] = (
                        nid_v[pl.ds(ch * 128 + kk * 16, 16)] + m * IN_SIZE)
                    return 0
                lax.fori_loop(0, 8, fill, 0)
                pltpu.async_copy(pre_hbm.at[idx_v], rows_v, sem).wait()
                pltpu.sync_copy(
                    rows_v, out_hbm.at[pl.ds(m * N_SRC + base + ch * 128, 128)])

    return k(pre_flat, n_id)


def _att_project(x, w, attrow):
    kcol = lax.broadcasted_iota(jnp.int32, (HID, HEADS), 0) // DIM
    hrow = lax.broadcasted_iota(jnp.int32, (HID, HEADS), 1)
    blockdiag = (kcol == hrow).astype(jnp.float32)
    V = jnp.dot((w * attrow).astype(jnp.bfloat16),
                blockdiag.astype(jnp.bfloat16),
                preferred_element_type=jnp.float32)
    return lax.dot_general(V.astype(jnp.bfloat16), x.astype(jnp.bfloat16),
                           (((0,), (1,)), ((), ())),
                           preferred_element_type=jnp.float32)


def _h_body(g_ref, w_ref, att_ref, b_ref, h_ref, a_ref):
    x = g_ref[0] + b_ref[0]
    h = jnp.dot(x.astype(jnp.bfloat16), w_ref[0].astype(jnp.bfloat16),
                preferred_element_type=jnp.float32)
    h_ref[0] = h
    a_ref[0] = _att_project(x, w_ref[0], att_ref[0])


def _tc_dense(G, W_src, att_src, pre_b):
    R = 512
    return pl.pallas_call(
        _h_body,
        grid=(N_MOD, N_SRC // R),
        in_specs=[
            pl.BlockSpec((1, R, HID), lambda m, r: (m, r, 0)),
            pl.BlockSpec((1, HID, HID), lambda m, r: (m, 0, 0)),
            pl.BlockSpec((1, 1, HID), lambda m, r: (m, 0, 0)),
            pl.BlockSpec((1, 1, HID), lambda m, r: (m, 0, 0)),
        ],
        out_specs=[
            pl.BlockSpec((1, R, HID), lambda m, r: (m, r, 0)),
            pl.BlockSpec((1, HEADS, R), lambda m, r: (m, 0, r)),
        ],
        out_shape=[
            jax.ShapeDtypeStruct((N_MOD, N_SRC, HID), jnp.float32),
            jax.ShapeDtypeStruct((N_MOD, HEADS, N_SRC), jnp.float32),
        ],
    )(G.reshape(N_MOD, N_SRC, HID), W_src, att_src.reshape(N_MOD, 1, HID),
      pre_b.reshape(N_MOD, 1, HID))


def _adst_body(g_ref, w_ref, att_ref, b_ref, a_ref):
    x = g_ref[0] + b_ref[0]
    a_ref[0] = _att_project(x, w_ref[0], att_ref[0])


def _tc_adst(G, W_dst, att_dst, pre_b):
    R = 512
    return pl.pallas_call(
        _adst_body,
        grid=(N_MOD, BATCH // R),
        in_specs=[
            pl.BlockSpec((1, R, HID), lambda m, r: (m, r, 0)),
            pl.BlockSpec((1, HID, HID), lambda m, r: (m, 0, 0)),
            pl.BlockSpec((1, 1, HID), lambda m, r: (m, 0, 0)),
            pl.BlockSpec((1, 1, HID), lambda m, r: (m, 0, 0)),
        ],
        out_specs=pl.BlockSpec((1, HEADS, R), lambda m, r: (m, 0, r)),
        out_shape=jax.ShapeDtypeStruct((N_MOD, HEADS, BATCH), jnp.float32),
    )(G.reshape(N_MOD, N_SRC, HID), W_dst, att_dst.reshape(N_MOD, 1, HID),
      pre_b.reshape(N_MOD, 1, HID))


def _pack_pairs(aT):
    b = lax.convert_element_type(aT, jnp.bfloat16)
    u = lax.bitcast_convert_type(b, jnp.uint16).astype(jnp.uint32)
    packed = u[:, 0::2, :] | (u[:, 1::2, :] << 16)
    return lax.bitcast_convert_type(packed, jnp.float32).reshape(N_MOD, 2, -1)


def _sc_edge(h_flat, aT_src, aT_dst, src, dst, w):
    mesh = plsc.VectorSubcoreMesh(core_axis_name="c", subcore_axis_name="s")

    @functools.partial(
        pl.kernel,
        out_type=[
            jax.ShapeDtypeStruct((N_MOD, 2, 2, BATCH, 128), jnp.float32),
            jax.ShapeDtypeStruct((N_MOD, 2, BATCH * 4), jnp.float32),
        ],
        mesh=mesh,
        scratch_types=[
            pltpu.VMEM((EPT,), jnp.int32),
            pltpu.VMEM((EPT,), jnp.int32),
            pltpu.VMEM((EPT,), jnp.float32),
            pltpu.VMEM((2 * N_SRC,), jnp.float32),
            pltpu.VMEM((2 * BATCH,), jnp.float32),
            pltpu.VMEM((128,), jnp.float32),
            pltpu.VMEM((128,), jnp.float32),
            pltpu.VMEM((128,), jnp.int32),
            pltpu.VMEM((128,), jnp.int32),
            pltpu.VMEM((CH,), jnp.int32),
            pltpu.VMEM((CH,), jnp.int32),
            pltpu.VMEM((CH,), jnp.int32),
            pltpu.VMEM((CH,), jnp.int32),
            pltpu.VMEM((CH,), jnp.int32),
            pltpu.VMEM((CH,), jnp.int32),
            pltpu.VMEM((CH, 128), jnp.float32),
            pltpu.VMEM((CH, 128), jnp.float32),
            pltpu.VMEM((CH, 128), jnp.float32),
            pltpu.VMEM((CH, 128), jnp.float32),
            pltpu.VMEM((1024,), jnp.float32),
            pltpu.SemaphoreType.DMA,
            pltpu.SemaphoreType.DMA,
            pltpu.SemaphoreType.DMA,
            pltpu.SemaphoreType.DMA,
            pltpu.VMEM_SHARED((BATCH * 4,), jnp.float32),
            pltpu.VMEM_SHARED((BATCH, 128), jnp.float32),
            pltpu.VMEM_SHARED((BATCH, 128), jnp.float32),
        ],
        compiler_params=pltpu.CompilerParams(needs_layout_passes=False),
    )
    def k(h_hbm, as_hbm, ad_hbm, src_hbm, dst_hbm, w_hbm, out_hbm, den_hbm,
          src_v, dst_v, w_v, asrc_v, adst_v, cf0, cf1, di0, di1,
          gia0, gib0, gia1, gib1, dst0, dst1,
          ra0, rb0, ra1, rb1, dnorm_v, sa0, sb0, sa1, sb1,
          denom_sp, agg_a, agg_b):
        c = lax.axis_index("c")
        s = lax.axis_index("s")
        ebase = s * EPT
        r0 = s * 256
        pltpu.sync_copy(src_hbm.at[pl.ds(ebase, EPT)], src_v)
        pltpu.sync_copy(dst_hbm.at[pl.ds(ebase, EPT)], dst_v)
        pltpu.sync_copy(w_hbm.at[pl.ds(ebase, EPT)], w_v)
        iota = lax.iota(jnp.int32, 16)
        zero16 = jnp.zeros((16,), jnp.float32)

        def _scale_rows(rows, cf, q, hbase):
            for ee in range(4):
                e = q * 4 + ee
                sp = [_take(cf, ee * 4 + hbase + hh) for hh in range(2)]
                for j in range(128 // 16):
                    rows[e, pl.ds(j * 16, 16)] = (
                        rows[e, pl.ds(j * 16, 16)] * sp[j // 4])

        SLOTS = ((cf0, di0, gia0, gib0, dst0, ra0, rb0, sa0, sb0),
                 (cf1, di1, gia1, gib1, dst1, ra1, rb1, sa1, sb1))

        def mod_body(m, _):
            def zrow(kk, _):
                for j in range(128 // 16):
                    ra0[kk, pl.ds(j * 16, 16)] = zero16
                    rb0[kk, pl.ds(j * 16, 16)] = zero16
                return 0
            lax.fori_loop(0, CH, zrow, 0)

            def zd(kk, _):
                dnorm_v[pl.ds(kk * 16, 16)] = zero16
                return 0
            lax.fori_loop(0, 64, zd, 0)
            pltpu.sync_copy(dnorm_v, denom_sp.at[pl.ds(r0 * 4, 1024)])

            def zsp(kk, _):
                pltpu.sync_copy(ra0, agg_a.at[pl.ds(r0 + kk * CH, CH)])
                pltpu.sync_copy(rb0, agg_b.at[pl.ds(r0 + kk * CH, CH)])
                return 0
            lax.fori_loop(0, 256 // CH, zsp, 0)

            pltpu.sync_copy(as_hbm.at[m, c], asrc_v)
            pltpu.sync_copy(ad_hbm.at[m, c], adst_v)
            plsc.subcore_barrier()

            gbase = m * (4 * N_SRC) + 2 * c

            def issue(chn, slot):
                cf, di, gia, gib, dstv, ra, rb, sa, sb = SLOTS[slot]
                off = chn * CH
                for kq in range(CH // 16):
                    s16 = src_v[pl.ds(off + kq * 16, 16)]
                    gia[pl.ds(kq * 16, 16)] = s16 * 4 + gbase
                    gib[pl.ds(kq * 16, 16)] = s16 * 4 + (gbase + 1)
                    dstv[pl.ds(kq * 16, 16)] = dst_v[pl.ds(off + kq * 16, 16)]
                pltpu.async_copy(h_hbm.at[gia], ra, sa)
                pltpu.async_copy(h_hbm.at[gib], rb, sb)

            def alpha(chn, slot):
                cf, di, gia, gib, dstv, ra, rb, sa, sb = SLOTS[slot]
                off = chn * CH
                for kq in range(CH // 16):
                    s16 = src_v[pl.ds(off + kq * 16, 16)]
                    d16 = dst_v[pl.ds(off + kq * 16, 16)]
                    w16 = w_v[pl.ds(off + kq * 16, 16)]
                    pos0 = kq * 16
                    for p in range(2):
                        vai = plsc.bitcast(
                            plsc.load_gather(asrc_v, [p * N_SRC + s16]),
                            jnp.int32)
                        vbi = plsc.bitcast(
                            plsc.load_gather(adst_v, [p * BATCH + d16]),
                            jnp.int32)
                        for par in range(2):
                            hh = p * 2 + par
                            if par == 0:
                                av = plsc.bitcast(vai << 16, jnp.float32)
                                bv = plsc.bitcast(vbi << 16, jnp.float32)
                            else:
                                msk = jnp.full((16,), -65536, jnp.int32)
                                av = plsc.bitcast(vai & msk, jnp.float32)
                                bv = plsc.bitcast(vbi & msk, jnp.float32)
                            al = av + bv
                            al = jnp.where(al >= 0, al, al * 0.1) * w16
                            ea = jnp.exp(al)
                            pos = (iota + pos0) * 4 + hh
                            plsc.store_scatter(cf, [pos], ea)
                            plsc.store_scatter(di, [pos], d16 * 4 + hh)
                pltpu.sync_copy(cf, denom_sp.at[di], add=True)

            def drain_scale_scatter(slot):
                cf, di, gia, gib, dstv, ra, rb, sa, sb = SLOTS[slot]
                pltpu.make_async_copy(h_hbm.at[gia], ra, sa).wait()
                pltpu.make_async_copy(h_hbm.at[gib], rb, sb).wait()

                def sc(q, _):
                    cfv = cf[pl.ds(q * 16, 16)]
                    _scale_rows(ra, cfv, q, 0)
                    _scale_rows(rb, cfv, q, 2)
                    return 0
                lax.fori_loop(0, CH // 4, sc, 0)
                pltpu.sync_copy(ra, agg_a.at[dstv], add=True)
                pltpu.sync_copy(rb, agg_b.at[dstv], add=True)

            issue(0, 0)

            def pair_body(pp, _):
                issue(pp * 2 + 1, 1)
                alpha(pp * 2, 0)
                drain_scale_scatter(0)

                @pl.when(pp + 1 < NCH // 2)
                def _():
                    issue(pp * 2 + 2, 0)
                alpha(pp * 2 + 1, 1)
                drain_scale_scatter(1)
                return 0
            lax.fori_loop(0, NCH // 2, pair_body, 0)
            plsc.subcore_barrier()

            pltpu.sync_copy(agg_a.at[pl.ds(r0, 256)],
                            out_hbm.at[m, c, 0, pl.ds(r0, 256)])
            pltpu.sync_copy(agg_b.at[pl.ds(r0, 256)],
                            out_hbm.at[m, c, 1, pl.ds(r0, 256)])
            pltpu.sync_copy(denom_sp.at[pl.ds(r0 * 4, 1024)],
                            den_hbm.at[m, c, pl.ds(r0 * 4, 1024)])
            return 0

        lax.fori_loop(0, N_MOD, mod_body, 0)

    return k(h_flat, aT_src, aT_dst, src, dst, w)


def _fuse_body(agg_ref, den_ref, gb_ref, cf_ref, w_ref, b_ref, emb_ref):
    rowhead = lax.broadcasted_iota(jnp.int32, (4, 256), 0)
    colhead = lax.broadcasted_iota(jnp.int32, (4, 256), 1) // DIM
    expand = (rowhead == colhead).astype(jnp.float32)
    xs = jnp.zeros((512, HID), jnp.float32)
    for m in range(N_MOD):
        parts = []
        for cc in range(2):
            part = jnp.concatenate(
                [agg_ref[m, cc, 0], agg_ref[m, cc, 1]], axis=1)
            rec = 1.0 / (den_ref[m, cc] + 1e-16)
            part = part * jnp.dot(rec, expand,
                                  precision=lax.Precision.HIGHEST,
                                  preferred_element_type=jnp.float32)
            parts.append(part)
        om = jnp.concatenate(parts, axis=1) + gb_ref[m][None, :]
        xs = xs + cf_ref[:, m:m + 1] * om
    emb_ref[...] = (
        jnp.dot(xs, w_ref[...], preferred_element_type=jnp.float32)
        + b_ref[...])


def _tc_fuse(agg, den, gat_b, coefm, emb_WT, emb_b):
    R = 512
    return pl.pallas_call(
        _fuse_body,
        grid=(BATCH // R,),
        in_specs=[
            pl.BlockSpec((N_MOD, 2, 2, R, 128), lambda r: (0, 0, 0, r, 0)),
            pl.BlockSpec((N_MOD, 2, R, 4), lambda r: (0, 0, r, 0)),
            pl.BlockSpec((N_MOD, HID), lambda r: (0, 0)),
            pl.BlockSpec((R, N_MOD), lambda r: (r, 0)),
            pl.BlockSpec((HID, 128), lambda r: (0, 0)),
            pl.BlockSpec((1, 128), lambda r: (0, 0)),
        ],
        out_specs=pl.BlockSpec((R, 128), lambda r: (r, 0)),
        out_shape=jax.ShapeDtypeStruct((BATCH, 128), jnp.float32),
    )(agg, den, gat_b, coefm, emb_WT, emb_b)


def _dot_body(a_ref, b_ref, o_ref):
    o_ref[...] = lax.dot_general(
        a_ref[...].astype(jnp.bfloat16), b_ref[...].astype(jnp.bfloat16),
        (((1,), (1,)), ((), ())),
        preferred_element_type=jnp.float32)


def _tc_gram(emb):
    blk = 512
    g = BATCH // blk
    return pl.pallas_call(
        _dot_body,
        grid=(g, g),
        in_specs=[
            pl.BlockSpec((blk, 128), lambda i, j: (i, 0)),
            pl.BlockSpec((blk, 128), lambda i, j: (j, 0)),
        ],
        out_specs=pl.BlockSpec((blk, blk), lambda i, j: (i, j)),
        out_shape=jax.ShapeDtypeStruct((BATCH, BATCH), jnp.float32),
    )(emb, emb)


def kernel(n_id, edge_index, weights, masks, pre_W, pre_b, W_src, W_dst,
           att_src, att_dst, gat_b, scales, emb_W, emb_b):
    net_scales = jax.nn.softmax(scales, axis=-1)
    random_mask = jnp.ones_like(masks)
    mask_sum = 1.0 / (1.0 + jnp.sum(random_mask, axis=-1)) ** 20
    random_mask = random_mask + mask_sum[:, None]
    random_mask = random_mask + (
        1.0 / (1.0 + jnp.sum(masks, axis=-1)) ** 20)[:, None]
    m = masks * random_mask
    interp_masks = jax.nn.softmax(m + (1.0 - m) * (-1e10), axis=-1)
    coefm = net_scales * interp_masks

    src = edge_index[0].astype(jnp.int32)
    dst = edge_index[1].astype(jnp.int32)
    loop = jnp.arange(BATCH, dtype=jnp.int32)
    src_full = jnp.concatenate([src, loop])
    dst_full = jnp.concatenate([dst, loop])
    w_full = jnp.concatenate([weights, jnp.ones((BATCH,), weights.dtype)])

    G = _sc_gather(pre_W.reshape(N_MOD * IN_SIZE, HID),
                   n_id.astype(jnp.int32))
    h, aT_src = _tc_dense(G, W_src, att_src, pre_b)
    aT_dst = _tc_adst(G, W_dst, att_dst, pre_b)
    agg, den = _sc_edge(h.reshape(N_MOD * N_SRC * 4, 128),
                        _pack_pairs(aT_src), _pack_pairs(aT_dst),
                        src_full, dst_full, w_full)
    emb = _tc_fuse(agg, den.reshape(N_MOD, 2, BATCH, 4), gat_b, coefm,
                   emb_W.T, emb_b[None, :])
    dot = _tc_gram(emb)
    return dot, emb, net_scales

# --- scband reference (transcript-rebuilt; emitter-appended) ---
"""Pipeline reference for scband-multi-view-gat-19756849561859 (READ-ONLY COPY).

The authoritative reference and input builder live on the scoring server;
editing this copy changes nothing except your own understanding.
"""

import jax, jax.numpy as jnp
import numpy as np

IN_SIZE = 10000
DIM = 64
HEADS = 8
HID = DIM * HEADS
N_MOD = 3
N_SRC = 8192
BATCH = 4096
N_EDGES = 65536
EMB_SIZE = 128


def setup_inputs(seed: int = 0) -> dict:
    key = jax.random.key(seed)
    ks = jax.random.split(key, 16)
    n_id = jax.random.randint(ks[0], (N_SRC,), 0, IN_SIZE)
    src = jax.random.randint(ks[1], (N_EDGES,), 0, N_SRC)
    dst = jax.random.randint(ks[2], (N_EDGES,), 0, BATCH)
    edge_index = jnp.stack([src, dst])
    weights = jax.random.uniform(ks[3], (N_EDGES,), jnp.float32)
    masks = jnp.ones((BATCH, N_MOD), jnp.float32)
    pre_W = jax.random.normal(ks[4], (N_MOD, IN_SIZE, HID), jnp.float32) * 0.02
    pre_b = jnp.zeros((N_MOD, HID), jnp.float32)
    W_src = jax.random.normal(ks[5], (N_MOD, HID, HID), jnp.float32) * (1.0 / np.sqrt(HID))
    W_dst = jax.random.normal(ks[6], (N_MOD, HID, HID), jnp.float32) * (1.0 / np.sqrt(HID))
    att_src = jax.random.normal(ks[7], (N_MOD, HEADS, DIM), jnp.float32) * 0.1
    att_dst = jax.random.normal(ks[8], (N_MOD, HEADS, DIM), jnp.float32) * 0.1
    gat_b = jnp.zeros((N_MOD, HID), jnp.float32)
    scales = jnp.full((1, N_MOD), 1.0 / N_MOD, jnp.float32)
    emb_W = jax.random.normal(ks[9], (EMB_SIZE, HID), jnp.float32) * (1.0 / np.sqrt(HID))
    emb_b = jnp.zeros((EMB_SIZE,), jnp.float32)
    return {'n_id': n_id, 'edge_index': edge_index, 'weights': weights, 'masks': masks,
            'pre_W': pre_W, 'pre_b': pre_b, 'W_src': W_src, 'W_dst': W_dst,
            'att_src': att_src, 'att_dst': att_dst, 'gat_b': gat_b, 'scales': scales,
            'emb_W': emb_W, 'emb_b': emb_b}


def _interp(scales, masks):
    # Interp module in evaluate=True mode: random_(1, 2) always yields 1 -> deterministic
    net_scales = jax.nn.softmax(scales, axis=-1)
    random_mask = jnp.ones_like(masks)
    mask_sum = 1.0 / (1.0 + jnp.sum(random_mask, axis=-1)) ** 20
    random_mask = random_mask + mask_sum[:, None]
    random_mask = random_mask + (1.0 / (1.0 + jnp.sum(masks, axis=-1)) ** 20)[:, None]
    m = masks * random_mask
    interp_masks = jax.nn.softmax(m + (1.0 - m) * (-1e10), axis=-1)
    return net_scales, interp_masks


def _forward(n_id, edge_index, weights, masks, pre_W, pre_b, W_src, W_dst, att_src, att_dst, gat_b, scales, emb_W, emb_b):
    net_scales, interp_masks = _interp(scales, masks)
    src = edge_index[0]
    dst = edge_index[1]
    # add_self_loops=True on the 4096 dst nodes (which are the first BATCH entries of the src set), weight 1.0
    loop = jnp.arange(BATCH, dtype=src.dtype)
    src_full = jnp.concatenate([src, loop])
    dst_full = jnp.concatenate([dst, loop])
    w_full = jnp.concatenate([weights, jnp.ones((BATCH,), weights.dtype)])
    x_store = jnp.zeros((BATCH, HID), jnp.float32)
    for i in range(N_MOD):
        # pre_gat: x = pre_gat.weight.T[n_id] + bias  (embedding-style gather)
        x = pre_W[i][n_id] + pre_b[i]
        # WeightedGATConv (bipartite): (x, x[:size[1]])
        h_src = (x @ W_src[i]).reshape(N_SRC, HEADS, DIM)
        h_dst = (x[:BATCH] @ W_dst[i]).reshape(BATCH, HEADS, DIM)
        a_src = jnp.sum(h_src * att_src[i][None, :, :], axis=-1)
        a_dst = jnp.sum(h_dst * att_dst[i][None, :, :], axis=-1)
        alpha = a_src[src_full] + a_dst[dst_full]
        alpha = jnp.where(alpha >= 0, alpha, 0.1 * alpha)  # leaky_relu, negative_slope=alpha=0.1
        alpha = alpha * w_full[:, None]  # edge weights modulate attention
        amax = jax.ops.segment_max(alpha, dst_full, num_segments=BATCH)
        amax = jnp.where(jnp.isfinite(amax), amax, 0.0)
        ex = jnp.exp(alpha - amax[dst_full])
        denom = jax.ops.segment_sum(ex, dst_full, num_segments=BATCH)
        alpha = ex / (denom[dst_full] + 1e-16)
        msg = h_src[src_full] * alpha[:, :, None]
        agg = jax.ops.segment_sum(msg, dst_full, num_segments=BATCH)
        out = agg.reshape(BATCH, HID) + gat_b[i]
        # scale by learned network coefficients and interpolation mask
        x_store = x_store + net_scales[:, i] * interp_masks[:, i][:, None] * out
    emb = x_store @ emb_W.T + emb_b
    dot = emb @ emb.T
    return dot, emb, net_scales


def reference(n_id, edge_index, weights, masks, pre_W, pre_b, W_src, W_dst, att_src, att_dst, gat_b, scales, emb_W, emb_b):
    return _forward(n_id, edge_index, weights, masks, pre_W, pre_b, W_src, W_dst, att_src, att_dst, gat_b, scales, emb_W, emb_b)

if __name__ == "__main__":
    import jax
    _d = setup_inputs()
    print(jax.jit(kernel)(*tuple(_d.values())))

</pallas_src>

<mosaic_0001>
#map = affine_map<(d0, d1) -> (0, 0)>
#map1 = affine_map<(d0, d1) -> (0, 0, 0)>
#map2 = affine_map<(d0, d1) -> (0)>
#map3 = affine_map<(d0, d1) -> (0, 0, 0, 0, 0)>
module attributes {stable_mosaic.version = 14 : i64} {
  func.func @k(%arg0: i32, %arg1: i32, %arg2: memref<98304x128xf32, #tpu.memory_space<hbm>>, %arg3: memref<3x2x16384xf32, #tpu.memory_space<hbm>>, %arg4: memref<3x2x8192xf32, #tpu.memory_space<hbm>>, %arg5: memref<69632xi32, #tpu.memory_space<hbm>>, %arg6: memref<69632xi32, #tpu.memory_space<hbm>>, %arg7: memref<69632xf32, #tpu.memory_space<hbm>>, %arg8: memref<3x2x2x4096x128xf32, #tpu.memory_space<hbm>>, %arg9: memref<3x2x16384xf32, #tpu.memory_space<hbm>>, %arg10: memref<4352xi32, #tpu.memory_space<vmem>>, %arg11: memref<4352xi32, #tpu.memory_space<vmem>>, %arg12: memref<4352xf32, #tpu.memory_space<vmem>>, %arg13: memref<16384xf32, #tpu.memory_space<vmem>>, %arg14: memref<8192xf32, #tpu.memory_space<vmem>>, %arg15: memref<128xf32, #tpu.memory_space<vmem>>, %arg16: memref<128xf32, #tpu.memory_space<vmem>>, %arg17: memref<128xi32, #tpu.memory_space<vmem>>, %arg18: memref<128xi32, #tpu.memory_space<vmem>>, %arg19: memref<32xi32, #tpu.memory_space<vmem>>, %arg20: memref<32xi32, #tpu.memory_space<vmem>>, %arg21: memref<32xi32, #tpu.memory_space<vmem>>, %arg22: memref<32xi32, #tpu.memory_space<vmem>>, %arg23: memref<32xi32, #tpu.memory_space<vmem>>, %arg24: memref<32xi32, #tpu.memory_space<vmem>>, %arg25: memref<32x128xf32, #tpu.memory_space<vmem>>, %arg26: memref<32x128xf32, #tpu.memory_space<vmem>>, %arg27: memref<32x128xf32, #tpu.memory_space<vmem>>, %arg28: memref<32x128xf32, #tpu.memory_space<vmem>>, %arg29: memref<1024xf32, #tpu.memory_space<vmem>>, %arg30: memref<!tpu.dma_semaphore, #tpu.memory_space<semaphore_mem>>, %arg31: memref<!tpu.dma_semaphore, #tpu.memory_space<semaphore_mem>>, %arg32: memref<!tpu.dma_semaphore, #tpu.memory_space<semaphore_mem>>, %arg33: memref<!tpu.dma_semaphore, #tpu.memory_space<semaphore_mem>>, %arg34: memref<16384xf32, #tpu.memory_space<vmem_shared>>, %arg35: memref<4096x128xf32, #tpu.memory_space<vmem_shared>>, %arg36: memref<4096x128xf32, #tpu.memory_space<vmem_shared>>) attributes {dimension_semantics = [#tpu.dimension_semantics<core_parallel>, #tpu.dimension_semantics<subcore_parallel>], iteration_bounds = array<i64: 2, 16>, scalar_prefetch = 0 : i64, scratch_operands = 27 : i64, tpu.core_type = #tpu.core_type<sc_vector_subcore>, window_params = [{transform_indices = #map}, {transform_indices = #map1}, {transform_indices = #map1}, {transform_indices = #map2}, {transform_indices = #map2}, {transform_indices = #map2}, {transform_indices = #map3}, {transform_indices = #map1}]} {
    %mul3A = arith.constant 4352 : i32
    %mul3A_0 = arith.muli %arg1, %mul3A : i32
    %mul3A_1 = arith.constant 256 : i32
    %mul3A_2 = arith.muli %arg1, %mul3A_1 : i32
    "tpu.region"() ({
      %run_scoped3A = tpu.sem_alloc : memref<!tpu.dma_semaphore, #tpu.memory_space<semaphore_mem>>
      %dma_start3A = tpu.memref_slice %arg5[%mul3A_0] : memref<69632xi32, #tpu.memory_space<hbm>> -> memref<4352xi32, #tpu.memory_space<hbm>>
      %dma_start3A_10 = tpu.memref_slice %arg5[%mul3A_0] : memref<69632xi32, #tpu.memory_space<hbm>> -> memref<4352xi32, #tpu.memory_space<hbm>>
      tpu.enqueue_dma source(%dma_start3A_10 : memref<4352xi32, #tpu.memory_space<hbm>>) target(%arg10 : memref<4352xi32, #tpu.memory_space<vmem>>) target_semaphore(%run_scoped3A : memref<!tpu.dma_semaphore, #tpu.memory_space<semaphore_mem>>)
      %dma_wait3A = tpu.memref_slice %arg5[%mul3A_0] : memref<69632xi32, #tpu.memory_space<hbm>> -> memref<4352xi32, #tpu.memory_space<hbm>>
      %dma_wait3A_11 = tpu.memref_slice %arg5[%mul3A_0] : memref<69632xi32, #tpu.memory_space<hbm>> -> memref<4352xi32, #tpu.memory_space<hbm>>
      tpu.wait_dma2 semaphore(%run_scoped3A : memref<!tpu.dma_semaphore, #tpu.memory_space<semaphore_mem>>) src(%dma_wait3A_11 : memref<4352xi32, #tpu.memory_space<hbm>>) dst(%arg10 : memref<4352xi32, #tpu.memory_space<vmem>>)
      tpu.yield
    }) : () -> ()
    "tpu.region"() ({
      %run_scoped3A = tpu.sem_alloc : memref<!tpu.dma_semaphore, #tpu.memory_space<semaphore_mem>>
      %dma_start3A = tpu.memref_slice %arg6[%mul3A_0] : memref<69632xi32, #tpu.memory_space<hbm>> -> memref<4352xi32, #tpu.memory_space<hbm>>
      %dma_start3A_10 = tpu.memref_slice %arg6[%mul3A_0] : memref<69632xi32, #tpu.memory_space<hbm>> -> memref<4352xi32, #tpu.memory_space<hbm>>
      tpu.enqueue_dma source(%dma_start3A_10 : memref<4352xi32, #tpu.memory_space<hbm>>) target(%arg11 : memref<4352xi32, #tpu.memory_space<vmem>>) target_semaphore(%run_scoped3A : memref<!tpu.dma_semaphore, #tpu.memory_space<semaphore_mem>>)
      %dma_wait3A = tpu.memref_slice %arg6[%mul3A_0] : memref<69632xi32, #tpu.memory_space<hbm>> -> memref<4352xi32, #tpu.memory_space<hbm>>
      %dma_wait3A_11 = tpu.memref_slice %arg6[%mul3A_0] : memref<69632xi32, #tpu.memory_space<hbm>> -> memref<4352xi32, #tpu.memory_space<hbm>>
      tpu.wait_dma2 semaphore(%run_scoped3A : memref<!tpu.dma_semaphore, #tpu.memory_space<semaphore_mem>>) src(%dma_wait3A_11 : memref<4352xi32, #tpu.memory_space<hbm>>) dst(%arg11 : memref<4352xi32, #tpu.memory_space<vmem>>)
      tpu.yield
    }) : () -> ()
    "tpu.region"() ({
      %run_scoped3A = tpu.sem_alloc : memref<!tpu.dma_semaphore, #tpu.memory_space<semaphore_mem>>
      %dma_start3A = tpu.memref_slice %arg7[%mul3A_0] : memref<69632xf32, #tpu.memory_space<hbm>> -> memref<4352xf32, #tpu.memory_space<hbm>>
      %dma_start3A_10 = tpu.memref_slice %arg7[%mul3A_0] : memref<69632xf32, #tpu.memory_space<hbm>> -> memref<4352xf32, #tpu.memory_space<hbm>>
      tpu.enqueue_dma source(%dma_start3A_10 : memref<4352xf32, #tpu.memory_space<hbm>>) target(%arg12 : memref<4352xf32, #tpu.memory_space<vmem>>) target_semaphore(%run_scoped3A : memref<!tpu.dma_semaphore, #tpu.memory_space<semaphore_mem>>)
      %dma_wait3A = tpu.memref_slice %arg7[%mul3A_0] : memref<69632xf32, #tpu.memory_space<hbm>> -> memref<4352xf32, #tpu.memory_space<hbm>>
      %dma_wait3A_11 = tpu.memref_slice %arg7[%mul3A_0] : memref<69632xf32, #tpu.memory_space<hbm>> -> memref<4352xf32, #tpu.memory_space<hbm>>
      tpu.wait_dma2 semaphore(%run_scoped3A : memref<!tpu.dma_semaphore, #tpu.memory_space<semaphore_mem>>) src(%dma_wait3A_11 : memref<4352xf32, #tpu.memory_space<hbm>>) dst(%arg12 : memref<4352xf32, #tpu.memory_space<vmem>>)
      tpu.yield
    }) : () -> ()
    %iota3A = tpu.iota {dimensions = array<i32: 0>} : vector<16xi32>
    %broadcast_in_dim3A = arith.constant 0.000000e+00 : f32
    %broadcast_in_dim3A_3 = vector.broadcast %broadcast_in_dim3A : f32 to vector<16xf32>
    %scan3A = arith.constant 0 : i32
    %scan3A_4 = arith.constant 0 : i32
    %scan3A_5 = arith.constant 3 : i32
    %scan3A_6 = arith.addi %scan3A_4, %scan3A_5 : i32
    %scan3A_7 = arith.constant 1 : i32
    %scan3A_8 = scf.for %scan3A_10 = %scan3A_4 to %scan3A_6 step %scan3A_7 iter_args(%scan3A_11 = %scan3A) -> (i32)  : i32 {
      %scan3A_12 = arith.constant 0 : i32
      %scan3A_13 = arith.constant 0 : i32
      %scan3A_14 = arith.constant 32 : i32
      %scan3A_15 = arith.addi %scan3A_13, %scan3A_14 : i32
      %scan3A_16 = arith.constant 1 : i32
      %scan3A_17 = scf.for %scan3A_100 = %scan3A_13 to %scan3A_15 step %scan3A_16 iter_args(%scan3A_101 = %scan3A_12) -> (i32)  : i32 {
        %swap3A_102 = arith.index_cast %scan3A_100 : i32 to index
        %swap3A_103 = arith.constant 0 : index
        %swap3A_104 = tpu.vector_load %arg25[%swap3A_102, %swap3A_103] {strides = array<i32>} : memref<32x128xf32, #tpu.memory_space<vmem>>, vector<16xf32>,
        tpu.vector_store %arg25[%swap3A_102, %swap3A_103], %broadcast_in_dim3A_3 {strides = array<i32>} : memref<32x128xf32, #tpu.memory_space<vmem>>, vector<16xf32>,
        %swap3A_105 = arith.index_cast %scan3A_100 : i32 to index
        %swap3A_106 = arith.constant 0 : index
        %swap3A_107 = tpu.vector_load %arg26[%swap3A_105, %swap3A_106] {strides = array<i32>} : memref<32x128xf32, #tpu.memory_space<vmem>>, vector<16xf32>,
        tpu.vector_store %arg26[%swap3A_105, %swap3A_106], %broadcast_in_dim3A_3 {strides = array<i32>} : memref<32x128xf32, #tpu.memory_space<vmem>>, vector<16xf32>,
        %swap3A_108 = arith.index_cast %scan3A_100 : i32 to index
        %swap3A_109 = arith.constant 16 : index
        %swap3A_110 = tpu.vector_load %arg25[%swap3A_108, %swap3A_109] {strides = array<i32>} : memref<32x128xf32, #tpu.memory_space<vmem>>, vector<16xf32>,
        tpu.vector_store %arg25[%swap3A_108, %swap3A_109], %broadcast_in_dim3A_3 {strides = array<i32>} : memref<32x128xf32, #tpu.memory_space<vmem>>, vector<16xf32>,
        %swap3A_111 = arith.index_cast %scan3A_100 : i32 to index
        %swap3A_112 = arith.constant 16 : index
        %swap3A_113 = tpu.vector_load %arg26[%swap3A_111, %swap3A_112] {strides = array<i32>} : memref<32x128xf32, #tpu.memory_space<vmem>>, vector<16xf32>,
        tpu.vector_store %arg26[%swap3A_111, %swap3A_112], %broadcast_in_dim3A_3 {strides = array<i32>} : memref<32x128xf32, #tpu.memory_space<vmem>>, vector<16xf32>,
        %swap3A_114 = arith.index_cast %scan3A_100 : i32 to index
        %swap3A_115 = arith.constant 32 : index
        %swap3A_116 = tpu.vector_load %arg25[%swap3A_114, %swap3A_115] {strides = array<i32>} : memref<32x128xf32, #tpu.memory_space<vmem>>, vector<16xf32>,
        tpu.vector_store %arg25[%swap3A_114, %swap3A_115], %broadcast_in_dim3A_3 {strides = array<i32>} : memref<32x128xf32, #tpu.memory_space<vmem>>, vector<16xf32>,
        %swap3A_117 = arith.index_cast %scan3A_100 : i32 to index
        %swap3A_118 = arith.constant 32 : index
        %swap3A_119 = tpu.vector_load %arg26[%swap3A_117, %swap3A_118] {strides = array<i32>} : memref<32x128xf32, #tpu.memory_space<vmem>>, vector<16xf32>,
        tpu.vector_store %arg26[%swap3A_117, %swap3A_118], %broadcast_in_dim3A_3 {strides = array<i32>} : memref<32x128xf32, #tpu.memory_space<vmem>>, vector<16xf32>,
        %swap3A_120 = arith.index_cast %scan3A_100 : i32 to index
        %swap3A_121 = arith.constant 48 : index
        %swap3A_122 = tpu.vector_load %arg25[%swap3A_120, %swap3A_121] {strides = array<i32>} : memref<32x128xf32, #tpu.memory_space<vmem>>, vector<16xf32>,
        tpu.vector_store %arg25[%swap3A_120, %swap3A_121], %broadcast_in_dim3A_3 {strides = array<i32>} : memref<32x128xf32, #tpu.memory_space<vmem>>, vector<16xf32>,
        %swap3A_123 = arith.index_cast %scan3A_100 : i32 to index
        %swap3A_124 = arith.constant 48 : index
        %swap3A_125 = tpu.vector_load %arg26[%swap3A_123, %swap3A_124] {strides = array<i32>} : memref<32x128xf32, #tpu.memory_space<vmem>>, vector<16xf32>,
        tpu.vector_store %arg26[%swap3A_123, %swap3A_124], %broadcast_in_dim3A_3 {strides = array<i32>} : memref<32x128xf32, #tpu.memory_space<vmem>>, vector<16xf32>,
        %swap3A_126 = arith.index_cast %scan3A_100 : i32 to index
        %swap3A_127 = arith.constant 64 : index
        %swap3A_128 = tpu.vector_load %arg25[%swap3A_126, %swap3A_127] {strides = array<i32>} : memref<32x128xf32, #tpu.memory_space<vmem>>, vector<16xf32>,
        tpu.vector_store %arg25[%swap3A_126, %swap3A_127], %broadcast_in_dim3A_3 {strides = array<i32>} : memref<32x128xf32, #tpu.memory_space<vmem>>, vector<16xf32>,
        %swap3A_129 = arith.index_cast %scan3A_100 : i32 to index
        %swap3A_130 = arith.constant 64 : index
        %swap3A_131 = tpu.vector_load %arg26[%swap3A_129, %swap3A_130] {strides = array<i32>} : memref<32x128xf32, #tpu.memory_space<vmem>>, vector<16xf32>,
        tpu.vector_store %arg26[%swap3A_129, %swap3A_130], %broadcast_in_dim3A_3 {strides = array<i32>} : memref<32x128xf32, #tpu.memory_space<vmem>>, vector<16xf32>,
        %swap3A_132 = arith.index_cast %scan3A_100 : i32 to index
        %swap3A_133 = arith.constant 80 : index
        %swap3A_134 = tpu.vector_load %arg25[%swap3A_132, %swap3A_133] {strides = array<i32>} : memref<32x128xf32, #tpu.memory_space<vmem>>, vector<16xf32>,
        tpu.vector_store %arg25[%swap3A_132, %swap3A_133], %broadcast_in_dim3A_3 {strides = array<i32>} : memref<32x128xf32, #tpu.memory_space<vmem>>, vector<16xf32>,
        %swap3A_135 = arith.index_cast %scan3A_100 : i32 to index
        %swap3A_136 = arith.constant 80 : index
        %swap3A_137 = tpu.vector_load %arg26[%swap3A_135, %swap3A_136] {strides = array<i32>} : memref<32x128xf32, #tpu.memory_space<vmem>>, vector<16xf32>,
        tpu.vector_store %arg26[%swap3A_135, %swap3A_136], %broadcast_in_dim3A_3 {strides = array<i32>} : memref<32x128xf32, #tpu.memory_space<vmem>>, vector<16xf32>,
        %swap3A_138 = arith.index_cast %scan3A_100 : i32 to index
        %swap3A_139 = arith.constant 96 : index
        %swap3A_140 = tpu.vector_load %arg25[%swap3A_138, %swap3A_139] {strides = array<i32>} : memref<32x128xf32, #tpu.memory_space<vmem>>, vector<16xf32>,
        tpu.vector_store %arg25[%swap3A_138, %swap3A_139], %broadcast_in_dim3A_3 {strides = array<i32>} : memref<32x128xf32, #tpu.memory_space<vmem>>, vector<16xf32>,
        %swap3A_141 = arith.index_cast %scan3A_100 : i32 to index
        %swap3A_142 = arith.constant 96 : index
        %swap3A_143 = tpu.vector_load %arg26[%swap3A_141, %swap3A_142] {strides = array<i32>} : memref<32x128xf32, #tpu.memory_space<vmem>>, vector<16xf32>,
        tpu.vector_store %arg26[%swap3A_141, %swap3A_142], %broadcast_in_dim3A_3 {strides = array<i32>} : memref<32x128xf32, #tpu.memory_space<vmem>>, vector<16xf32>,
        %swap3A_144 = arith.index_cast %scan3A_100 : i32 to index
        %swap3A_145 = arith.constant 112 : index
        %swap3A_146 = tpu.vector_load %arg25[%swap3A_144, %swap3A_145] {strides = array<i32>} : memref<32x128xf32, #tpu.memory_space<vmem>>, vector<16xf32>,
        tpu.vector_store %arg25[%swap3A_144, %swap3A_145], %broadcast_in_dim3A_3 {strides = array<i32>} : memref<32x128xf32, #tpu.memory_space<vmem>>, vector<16xf32>,
        %swap3A_147 = arith.index_cast %scan3A_100 : i32 to index
        %swap3A_148 = arith.constant 112 : index
        %swap3A_149 = tpu.vector_load %arg26[%swap3A_147, %swap3A_148] {strides = array<i32>} : memref<32x128xf32, #tpu.memory_space<vmem>>, vector<16xf32>,
        tpu.vector_store %arg26[%swap3A_147, %swap3A_148], %broadcast_in_dim3A_3 {strides = array<i32>} : memref<32x128xf32, #tpu.memory_space<vmem>>, vector<16xf32>,
        %scan3A_150 = arith.constant 0 : i32
        scf.yield %scan3A_150 : i32
      }
      %scan3A_18 = arith.constant 32 : i32
      %scan3A_19 = arith.constant 0 : i32
      %scan3A_20 = arith.constant 0 : i32
      %scan3A_21 = arith.constant 64 : i32
      %scan3A_22 = arith.addi %scan3A_20, %scan3A_21 : i32
      %scan3A_23 = arith.constant 1 : i32
      %scan3A_24 = scf.for %scan3A_100 = %scan3A_20 to %scan3A_22 step %scan3A_23 iter_args(%scan3A_101 = %scan3A_19) -> (i32)  : i32 {
        %mul3A_102 = arith.constant 16 : i32
        %mul3A_103 = arith.muli %scan3A_100, %mul3A_102 : i32
        %swap3A_104 = arith.index_cast %mul3A_103 : i32 to index
        %swap3A_105 = tpu.vector_load %arg29[%swap3A_104] {strides = array<i32>} : memref<1024xf32, #tpu.memory_space<vmem>>, vector<16xf32>,
        tpu.vector_store %arg29[%swap3A_104], %broadcast_in_dim3A_3 {strides = array<i32>} : memref<1024xf32, #tpu.memory_space<vmem>>, vector<16xf32>,
        %scan3A_106 = arith.constant 0 : i32
        scf.yield %scan3A_106 : i32
      }
      %scan3A_25 = arith.constant 64 : i32
      %mul3A_26 = arith.constant 4 : i32
      %mul3A_27 = arith.muli %mul3A_2, %mul3A_26 : i32
      "tpu.region"() ({
        %run_scoped3A_100 = tpu.sem_alloc : memref<!tpu.dma_semaphore, #tpu.memory_space<semaphore_mem>>
        %dma_start3A_101 = tpu.memref_slice %arg34[%mul3A_27] : memref<16384xf32, #tpu.memory_space<vmem_shared>> -> memref<1024xf32, #tpu.memory_space<vmem_shared>>
        %dma_start3A_102 = tpu.memref_slice %arg34[%mul3A_27] : memref<16384xf32, #tpu.memory_space<vmem_shared>> -> memref<1024xf32, #tpu.memory_space<vmem_shared>>
        tpu.enqueue_dma source(%arg29 : memref<1024xf32, #tpu.memory_space<vmem>>) target(%dma_start3A_102 : memref<1024xf32, #tpu.memory_space<vmem_shared>>) target_semaphore(%run_scoped3A_100 : memref<!tpu.dma_semaphore, #tpu.memory_space<semaphore_mem>>)
        %dma_wait3A = tpu.memref_slice %arg34[%mul3A_27] : memref<16384xf32, #tpu.memory_space<vmem_shared>> -> memref<1024xf32, #tpu.memory_space<vmem_shared>>
        %dma_wait3A_103 = tpu.memref_slice %arg34[%mul3A_27] : memref<16384xf32, #tpu.memory_space<vmem_shared>> -> memref<1024xf32, #tpu.memory_space<vmem_shared>>
        tpu.wait_dma2 semaphore(%run_scoped3A_100 : memref<!tpu.dma_semaphore, #tpu.memory_space<semaphore_mem>>) src(%arg29 : memref<1024xf32, #tpu.memory_space<vmem>>) dst(%dma_wait3A_103 : memref<1024xf32, #tpu.memory_space<vmem_shared>>)
        tpu.yield
      }) : () -> ()
      %scan3A_28 = arith.constant 0 : i32
      %scan3A_29 = arith.constant 0 : i32
      %scan3A_30 = arith.constant 8 : i32
      %scan3A_31 = arith.addi %scan3A_29, %scan3A_30 : i32
      %scan3A_32 = arith.constant 1 : i32
      %scan3A_33 = scf.for %scan3A_100 = %scan3A_29 to %scan3A_31 step %scan3A_32 iter_args(%scan3A_101 = %scan3A_28) -> (i32)  : i32 {
        %mul3A_102 = arith.constant 32 : i32
        %mul3A_103 = arith.muli %scan3A_100, %mul3A_102 : i32
        %add3A_104 = arith.addi %mul3A_2, %mul3A_103 : i32
        "tpu.region"() ({
          %run_scoped3A_109 = tpu.sem_alloc : memref<!tpu.dma_semaphore, #tpu.memory_space<semaphore_mem>>
          %dma_start3A_110 = arith.constant 0 : i32
          %dma_start3A_111 = tpu.memref_slice %arg35[%add3A_104, %dma_start3A_110] : memref<4096x128xf32, #tpu.memory_space<vmem_shared>> -> memref<32x128xf32, #tpu.memory_space<vmem_shared>>
          %dma_start3A_112 = arith.constant 0 : i32
          %dma_start3A_113 = tpu.memref_slice %arg35[%add3A_104, %dma_start3A_112] : memref<4096x128xf32, #tpu.memory_space<vmem_shared>> -> memref<32x128xf32, #tpu.memory_space<vmem_shared>>
          tpu.enqueue_dma source(%arg25 : memref<32x128xf32, #tpu.memory_space<vmem>>) target(%dma_start3A_113 : memref<32x128xf32, #tpu.memory_space<vmem_shared>>) target_semaphore(%run_scoped3A_109 : memref<!tpu.dma_semaphore, #tpu.memory_space<semaphore_mem>>)
          %dma_wait3A = arith.constant 0 : i32
          %dma_wait3A_114 = tpu.memref_slice %arg35[%add3A_104, %dma_wait3A] : memref<4096x128xf32, #tpu.memory_space<vmem_shared>> -> memref<32x128xf32, #tpu.memory_space<vmem_shared>>
          %dma_wait3A_115 = arith.constant 0 : i32
          %dma_wait3A_116 = tpu.memref_slice %arg35[%add3A_104, %dma_wait3A_115] : memref<4096x128xf32, #tpu.memory_space<vmem_shared>> -> memref<32x128xf32, #tpu.memory_space<vmem_shared>>
          tpu.wait_dma2 semaphore(%run_scoped3A_109 : memref<!tpu.dma_semaphore, #tpu.memory_space<semaphore_mem>>) src(%arg25 : memref<32x128xf32, #tpu.memory_space<vmem>>) dst(%dma_wait3A_116 : memref<32x128xf32, #tpu.memory_space<vmem_shared>>)
          tpu.yield
        }) : () -> ()
        %mul3A_105 = arith.constant 32 : i32
        %mul3A_106 = arith.muli %scan3A_100, %mul3A_105 : i32
        %add3A_107 = arith.addi %mul3A_2, %mul3A_106 : i32
        "tpu.region"() ({
          %run_scoped3A_109 = tpu.sem_alloc : memref<!tpu.dma_semaphore, #tpu.memory_space<semaphore_mem>>
          %dma_start3A_110 = arith.constant 0 : i32
          %dma_start3A_111 = tpu.memref_slice %arg36[%add3A_107, %dma_start3A_110] : memref<4096x128xf32, #tpu.memory_space<vmem_shared>> -> memref<32x128xf32, #tpu.memory_space<vmem_shared>>
          %dma_start3A_112 = arith.constant 0 : i32
          %dma_start3A_113 = tpu.memref_slice %arg36[%add3A_107, %dma_start3A_112] : memref<4096x128xf32, #tpu.memory_space<vmem_shared>> -> memref<32x128xf32, #tpu.memory_space<vmem_shared>>
          tpu.enqueue_dma source(%arg26 : memref<32x128xf32, #tpu.memory_space<vmem>>) target(%dma_start3A_113 : memref<32x128xf32, #tpu.memory_space<vmem_shared>>) target_semaphore(%run_scoped3A_109 : memref<!tpu.dma_semaphore, #tpu.memory_space<semaphore_mem>>)
          %dma_wait3A = arith.constant 0 : i32
          %dma_wait3A_114 = tpu.memref_slice %arg36[%add3A_107, %dma_wait3A] : memref<4096x128xf32, #tpu.memory_space<vmem_shared>> -> memref<32x128xf32, #tpu.memory_space<vmem_shared>>
          %dma_wait3A_115 = arith.constant 0 : i32
          %dma_wait3A_116 = tpu.memref_slice %arg36[%add3A_107, %dma_wait3A_115] : memref<4096x128xf32, #tpu.memory_space<vmem_shared>> -> memref<32x128xf32, #tpu.memory_space<vmem_shared>>
          tpu.wait_dma2 semaphore(%run_scoped3A_109 : memref<!tpu.dma_semaphore, #tpu.memory_space<semaphore_mem>>) src(%arg26 : memref<32x128xf32, #tpu.memory_space<vmem>>) dst(%dma_wait3A_116 : memref<32x128xf32, #tpu.memory_space<vmem_shared>>)
          tpu.yield
        }) : () -> ()
        %scan3A_108 = arith.constant 0 : i32
        scf.yield %scan3A_108 : i32
      }
      %scan3A_34 = arith.constant 8 : i32
      "tpu.region"() ({
        %run_scoped3A_100 = tpu.sem_alloc : memref<!tpu.dma_semaphore, #tpu.memory_space<semaphore_mem>>
        %dma_start3A_101 = arith.constant 0 : i32
        %dma_start3A_102 = tpu.memref_slice %arg3[%scan3A_10, %arg0, %dma_start3A_101] : memref<3x2x16384xf32, #tpu.memory_space<hbm>> -> memref<1x1x16384xf32, #tpu.memory_space<hbm>>
        %dma_start3A_103 = tpu.memref_squeeze %dma_start3A_102 : memref<1x1x16384xf32, #tpu.memory_space<hbm>> -> memref<16384xf32, #tpu.memory_space<hbm>>
        %dma_start3A_104 = arith.constant 0 : i32
        %dma_start3A_105 = tpu.memref_slice %arg3[%scan3A_10, %arg0, %dma_start3A_104] : memref<3x2x16384xf32, #tpu.memory_space<hbm>> -> memref<1x1x16384xf32, #tpu.memory_space<hbm>>
        %dma_start3A_106 = tpu.memref_squeeze %dma_start3A_105 : memref<1x1x16384xf32, #tpu.memory_space<hbm>> -> memref<16384xf32, #tpu.memory_space<hbm>>
        tpu.enqueue_dma source(%dma_start3A_106 : memref<16384xf32, #tpu.memory_space<hbm>>) target(%arg13 : memref<16384xf32, #tpu.memory_space<vmem>>) target_semaphore(%run_scoped3A_100 : memref<!tpu.dma_semaphore, #tpu.memory_space<semaphore_mem>>)
        %dma_wait3A = arith.constant 0 : i32
        %dma_wait3A_107 = tpu.memref_slice %arg3[%scan3A_10, %arg0, %dma_wait3A] : memref<3x2x16384xf32, #tpu.memory_space<hbm>> -> memref<1x1x16384xf32, #tpu.memory_space<hbm>>
        %dma_wait3A_108 = tpu.memref_squeeze %dma_wait3A_107 : memref<1x1x16384xf32, #tpu.memory_space<hbm>> -> memref<16384xf32, #tpu.memory_space<hbm>>
        %dma_wait3A_109 = arith.constant 0 : i32
        %dma_wait3A_110 = tpu.memref_slice %arg3[%scan3A_10, %arg0, %dma_wait3A_109] : memref<3x2x16384xf32, #tpu.memory_space<hbm>> -> memref<1x1x16384xf32, #tpu.memory_space<hbm>>
        %dma_wait3A_111 = tpu.memref_squeeze %dma_wait3A_110 : memref<1x1x16384xf32, #tpu.memory_space<hbm>> -> memref<16384xf32, #tpu.memory_space<hbm>>
        tpu.wait_dma2 semaphore(%run_scoped3A_100 : memref<!tpu.dma_semaphore, #tpu.memory_space<semaphore_mem>>) src(%dma_wait3A_111 : memref<16384xf32, #tpu.memory_space<hbm>>) dst(%arg13 : memref<16384xf32, #tpu.memory_space<vmem>>)
        tpu.yield
      }) : () -> ()
      "tpu.region"() ({
        %run_scoped3A_100 = tpu.sem_alloc : memref<!tpu.dma_semaphore, #tpu.memory_space<semaphore_mem>>
        %dma_start3A_101 = arith.constant 0 : i32
        %dma_start3A_102 = tpu.memref_slice %arg4[%scan3A_10, %arg0, %dma_start3A_101] : memref<3x2x8192xf32, #tpu.memory_space<hbm>> -> memref<1x1x8192xf32, #tpu.memory_space<hbm>>
        %dma_start3A_103 = tpu.memref_squeeze %dma_start3A_102 : memref<1x1x8192xf32, #tpu.memory_space<hbm>> -> memref<8192xf32, #tpu.memory_space<hbm>>
        %dma_start3A_104 = arith.constant 0 : i32
        %dma_start3A_105 = tpu.memref_slice %arg4[%scan3A_10, %arg0, %dma_start3A_104] : memref<3x2x8192xf32, #tpu.memory_space<hbm>> -> memref<1x1x8192xf32, #tpu.memory_space<hbm>>
        %dma_start3A_106 = tpu.memref_squeeze %dma_start3A_105 : memref<1x1x8192xf32, #tpu.memory_space<hbm>> -> memref<8192xf32, #tpu.memory_space<hbm>>
        tpu.enqueue_dma source(%dma_start3A_106 : memref<8192xf32, #tpu.memory_space<hbm>>) target(%arg14 : memref<8192xf32, #tpu.memory_space<vmem>>) target_semaphore(%run_scoped3A_100 : memref<!tpu.dma_semaphore, #tpu.memory_space<semaphore_mem>>)
        %dma_wait3A = arith.constant 0 : i32
        %dma_wait3A_107 = tpu.memref_slice %arg4[%scan3A_10, %arg0, %dma_wait3A] : memref<3x2x8192xf32, #tpu.memory_space<hbm>> -> memref<1x1x8192xf32, #tpu.memory_space<hbm>>
        %dma_wait3A_108 = tpu.memref_squeeze %dma_wait3A_107 : memref<1x1x8192xf32, #tpu.memory_space<hbm>> -> memref<8192xf32, #tpu.memory_space<hbm>>
        %dma_wait3A_109 = arith.constant 0 : i32
        %dma_wait3A_110 = tpu.memref_slice %arg4[%scan3A_10, %arg0, %dma_wait3A_109] : memref<3x2x8192xf32, #tpu.memory_space<hbm>> -> memref<1x1x8192xf32, #tpu.memory_space<hbm>>
        %dma_wait3A_111 = tpu.memref_squeeze %dma_wait3A_110 : memref<1x1x8192xf32, #tpu.memory_space<hbm>> -> memref<8192xf32, #tpu.memory_space<hbm>>
        tpu.wait_dma2 semaphore(%run_scoped3A_100 : memref<!tpu.dma_semaphore, #tpu.memory_space<semaphore_mem>>) src(%dma_wait3A_111 : memref<8192xf32, #tpu.memory_space<hbm>>) dst(%arg14 : memref<8192xf32, #tpu.memory_space<vmem>>)
        tpu.yield
      }) : () -> ()
      %barrier3A = arith.constant 0 : index
      tpu.barrier barrier_id(%barrier3A)
      %mul3A_35 = arith.constant 32768 : i32
      %mul3A_36 = arith.muli %scan3A_10, %mul3A_35 : i32
      %mul3A_37 = arith.constant 2 : i32
      %mul3A_38 = arith.muli %mul3A_37, %arg0 : i32
      %add3A = arith.addi %mul3A_36, %mul3A_38 : i32
      %get3A = arith.constant 0 : index
      %get3A_39 = tpu.vector_load %arg10[%get3A] {strides = array<i32>} : memref<4352xi32, #tpu.memory_space<vmem>>, vector<16xi32>,
      %mul3A_40 = arith.constant 4 : i32
      %mul3A_41 = vector.broadcast %mul3A_40 : i32 to vector<16xi32>
      %mul3A_42 = arith.muli %get3A_39, %mul3A_41 : vector<16xi32>
      %add3A_43 = vector.broadcast %add3A : i32 to vector<16xi32>
      %add3A_44 = arith.addi %mul3A_42, %add3A_43 : vector<16xi32>
      %swap3A = arith.constant 0 : index
      %swap3A_45 = tpu.vector_load %arg19[%swap3A] {strides = array<i32>} : memref<32xi32, #tpu.memory_space<vmem>>, vector<16xi32>,
      tpu.vector_store %arg19[%swap3A], %add3A_44 {strides = array<i32>} : memref<32xi32, #tpu.memory_space<vmem>>, vector<16xi32>,
      %mul3A_46 = arith.constant 4 : i32
      %mul3A_47 = vector.broadcast %mul3A_46 : i32 to vector<16xi32>
      %mul3A_48 = arith.muli %get3A_39, %mul3A_47 : vector<16xi32>
      %add3A_49 = arith.constant 1 : i32
      %add3A_50 = arith.addi %add3A, %add3A_49 : i32
      %add3A_51 = vector.broadcast %add3A_50 : i32 to vector<16xi32>
      %add3A_52 = arith.addi %mul3A_48, %add3A_51 : vector<16xi32>
      %swap3A_53 = arith.constant 0 : index
      %swap3A_54 = tpu.vector_load %arg20[%swap3A_53] {strides = array<i32>} : memref<32xi32, #tpu.memory_space<vmem>>, vector<16xi32>,
      tpu.vector_store %arg20[%swap3A_53], %add3A_52 {strides = array<i32>} : memref<32xi32, #tpu.memory_space<vmem>>, vector<16xi32>,
      %get3A_55 = arith.constant 0 : index
      %get3A_56 = tpu.vector_load %arg11[%get3A_55] {strides = array<i32>} : memref<4352xi32, #tpu.memory_space<vmem>>, vector<16xi32>,
      %swap3A_57 = arith.constant 0 : index
      %swap3A_58 = tpu.vector_load %arg23[%swap3A_57] {strides = array<i32>} : memref<32xi32, #tpu.memory_space<vmem>>, vector<16xi32>,
      tpu.vector_store %arg23[%swap3A_57], %get3A_56 {strides = array<i32>} : memref<32xi32, #tpu.memory_space<vmem>>, vector<16xi32>,
      %get3A_59 = arith.constant 16 : index
      %get3A_60 = tpu.vector_load %arg10[%get3A_59] {strides = array<i32>} : memref<4352xi32, #tpu.memory_space<vmem>>, vector<16xi32>,
      %mul3A_61 = arith.constant 4 : i32
      %mul3A_62 = vector.broadcast %mul3A_61 : i32 to vector<16xi32>
      %mul3A_63 = arith.muli %get3A_60, %mul3A_62 : vector<16xi32>
      %add3A_64 = vector.broadcast %add3A : i32 to vector<16xi32>
      %add3A_65 = arith.addi %mul3A_63, %add3A_64 : vector<16xi32>
      %swap3A_66 = arith.constant 16 : index
      %swap3A_67 = tpu.vector_load %arg19[%swap3A_66] {strides = array<i32>} : memref<32xi32, #tpu.memory_space<vmem>>, vector<16xi32>,
      tpu.vector_store %arg19[%swap3A_66], %add3A_65 {strides = array<i32>} : memref<32xi32, #tpu.memory_space<vmem>>, vector<16xi32>,
      %mul3A_68 = arith.constant 4 : i32
      %mul3A_69 = vector.broadcast %mul3A_68 : i32 to vector<16xi32>
      %mul3A_70 = arith.muli %get3A_60, %mul3A_69 : vector<16xi32>
      %add3A_71 = arith.constant 1 : i32
      %add3A_72 = arith.addi %add3A, %add3A_71 : i32
      %add3A_73 = vector.broadcast %add3A_72 : i32 to vector<16xi32>
      %add3A_74 = arith.addi %mul3A_70, %add3A_73 : vector<16xi32>
      %swap3A_75 = arith.constant 16 : index
      %swap3A_76 = tpu.vector_load %arg20[%swap3A_75] {strides = array<i32>} : memref<32xi32, #tpu.memory_space<vmem>>, vector<16xi32>,
      tpu.vector_store %arg20[%swap3A_75], %add3A_74 {strides = array<i32>} : memref<32xi32, #tpu.memory_space<vmem>>, vector<16xi32>,
      %get3A_77 = arith.constant 16 : index
      %get3A_78 = tpu.vector_load %arg11[%get3A_77] {strides = array<i32>} : memref<4352xi32, #tpu.memory_space<vmem>>, vector<16xi32>,
      %swap3A_79 = arith.constant 16 : index
      %swap3A_80 = tpu.vector_load %arg23[%swap3A_79] {strides = array<i32>} : memref<32xi32, #tpu.memory_space<vmem>>, vector<16xi32>,
      tpu.vector_store %arg23[%swap3A_79], %get3A_78 {strides = array<i32>} : memref<32xi32, #tpu.memory_space<vmem>>, vector<16xi32>,
      %dma_start3A = arith.constant 0 : i32
      %dma_start3A_81 = arith.constant 0 : i32
      %dma_start3A_82 = tpu.memref_slice %arg2[%dma_start3A, %dma_start3A_81] : memref<98304x128xf32, #tpu.memory_space<hbm>> -> memref<98304x128xf32, #tpu.memory_space<hbm>>
      tpu.enqueue_indirect_dma source(%dma_start3A_82 : memref<98304x128xf32, #tpu.memory_space<hbm>>) target(%arg25 : memref<32x128xf32, #tpu.memory_space<vmem>>) offsets(%arg19 : memref<32xi32, #tpu.memory_space<vmem>>) semaphore(%arg30 : memref<!tpu.dma_semaphore, #tpu.memory_space<semaphore_mem>>)
      %dma_start3A_83 = arith.constant 0 : i32
      %dma_start3A_84 = arith.constant 0 : i32
      %dma_start3A_85 = tpu.memref_slice %arg2[%dma_start3A_83, %dma_start3A_84] : memref<98304x128xf32, #tpu.memory_space<hbm>> -> memref<98304x128xf32, #tpu.memory_space<hbm>>
      tpu.enqueue_indirect_dma source(%dma_start3A_85 : memref<98304x128xf32, #tpu.memory_space<hbm>>) target(%arg26 : memref<32x128xf32, #tpu.memory_space<vmem>>) offsets(%arg20 : memref<32xi32, #tpu.memory_space<vmem>>) semaphore(%arg31 : memref<!tpu.dma_semaphore, #tpu.memory_space<semaphore_mem>>)
      %scan3A_86 = arith.constant 0 : i32
      %scan3A_87 = arith.constant 0 : i32
      %scan3A_88 = arith.constant 68 : i32
      %scan3A_89 = arith.addi %scan3A_87, %scan3A_88 : i32
      %scan3A_90 = arith.constant 1 : i32
      %scan3A_91 = scf.for %scan3A_100 = %scan3A_87 to %scan3A_89 step %scan3A_90 iter_args(%scan3A_101 = %scan3A_86) -> (i32)  : i32 {
        %mul3A_102 = arith.constant 2 : i32
        %mul3A_103 = arith.muli %scan3A_100, %mul3A_102 : i32
        %add3A_104 = arith.constant 1 : i32
        %add3A_105 = arith.addi %mul3A_103, %add3A_104 : i32
        %mul3A_106 = arith.constant 32 : i32
        %mul3A_107 = arith.muli %add3A_105, %mul3A_106 : i32
        %add3A_108 = arith.constant 0 : i32
        %add3A_109 = arith.addi %mul3A_107, %add3A_108 : i32
        %get3A_110 = arith.index_cast %add3A_109 : i32 to index
        %get3A_111 = tpu.vector_load %arg10[%get3A_110] {strides = array<i32>} : memref<4352xi32, #tpu.memory_space<vmem>>, vector<16xi32>,
        %mul3A_112 = arith.constant 4 : i32
        %mul3A_113 = vector.broadcast %mul3A_112 : i32 to vector<16xi32>
        %mul3A_114 = arith.muli %get3A_111, %mul3A_113 : vector<16xi32>
        %add3A_115 = vector.broadcast %add3A : i32 to vector<16xi32>
        %add3A_116 = arith.addi %mul3A_114, %add3A_115 : vector<16xi32>
        %swap3A_117 = arith.constant 0 : index
        %swap3A_118 = tpu.vector_load %arg21[%swap3A_117] {strides = array<i32>} : memref<32xi32, #tpu.memory_space<vmem>>, vector<16xi32>,
        tpu.vector_store %arg21[%swap3A_117], %add3A_116 {strides = array<i32>} : memref<32xi32, #tpu.memory_space<vmem>>, vector<16xi32>,
        %mul3A_119 = arith.constant 4 : i32
        %mul3A_120 = vector.broadcast %mul3A_119 : i32 to vector<16xi32>
        %mul3A_121 = arith.muli %get3A_111, %mul3A_120 : vector<16xi32>
        %add3A_122 = arith.constant 1 : i32
        %add3A_123 = arith.addi %add3A, %add3A_122 : i32
        %add3A_124 = vector.broadcast %add3A_123 : i32 to vector<16xi32>
        %add3A_125 = arith.addi %mul3A_121, %add3A_124 : vector<16xi32>
        %swap3A_126 = arith.constant 0 : index
        %swap3A_127 = tpu.vector_load %arg22[%swap3A_126] {strides = array<i32>} : memref<32xi32, #tpu.memory_space<vmem>>, vector<16xi32>,
        tpu.vector_store %arg22[%swap3A_126], %add3A_125 {strides = array<i32>} : memref<32xi32, #tpu.memory_space<vmem>>, vector<16xi32>,
        %add3A_128 = arith.constant 0 : i32
        %add3A_129 = arith.addi %mul3A_107, %add3A_128 : i32
        %get3A_130 = arith.index_cast %add3A_129 : i32 to index
        %get3A_131 = tpu.vector_load %arg11[%get3A_130] {strides = array<i32>} : memref<4352xi32, #tpu.memory_space<vmem>>, vector<16xi32>,
        %swap3A_132 = arith.constant 0 : index
        %swap3A_133 = tpu.vector_load %arg24[%swap3A_132] {strides = array<i32>} : memref<32xi32, #tpu.memory_space<vmem>>, vector<16xi32>,
        tpu.vector_store %arg24[%swap3A_132], %get3A_131 {strides = array<i32>} : memref<32xi32, #tpu.memory_space<vmem>>, vector<16xi32>,
        %add3A_134 = arith.constant 16 : i32
        %add3A_135 = arith.addi %mul3A_107, %add3A_134 : i32
        %get3A_136 = arith.index_cast %add3A_135 : i32 to index
        %get3A_137 = tpu.vector_load %arg10[%get3A_136] {strides = array<i32>} : memref<4352xi32, #tpu.memory_space<vmem>>, vector<16xi32>,
        %mul3A_138 = arith.constant 4 : i32
        %mul3A_139 = vector.broadcast %mul3A_138 : i32 to vector<16xi32>
        %mul3A_140 = arith.muli %get3A_137, %mul3A_139 : vector<16xi32>
        %add3A_141 = vector.broadcast %add3A : i32 to vector<16xi32>
        %add3A_142 = arith.addi %mul3A_140, %add3A_141 : vector<16xi32>
        %swap3A_143 = arith.constant 16 : index
        %swap3A_144 = tpu.vector_load %arg21[%swap3A_143] {strides = array<i32>} : memref<32xi32, #tpu.memory_space<vmem>>, vector<16xi32>,
        tpu.vector_store %arg21[%swap3A_143], %add3A_142 {strides = array<i32>} : memref<32xi32, #tpu.memory_space<vmem>>, vector<16xi32>,
        %mul3A_145 = arith.constant 4 : i32
        %mul3A_146 = vector.broadcast %mul3A_145 : i32 to vector<16xi32>
        %mul3A_147 = arith.muli %get3A_137, %mul3A_146 : vector<16xi32>
        %add3A_148 = arith.constant 1 : i32
        %add3A_149 = arith.addi %add3A, %add3A_148 : i32
        %add3A_150 = vector.broadcast %add3A_149 : i32 to vector<16xi32>
        %add3A_151 = arith.addi %mul3A_147, %add3A_150 : vector<16xi32>
        %swap3A_152 = arith.constant 16 : index
        %swap3A_153 = tpu.vector_load %arg22[%swap3A_152] {strides = array<i32>} : memref<32xi32, #tpu.memory_space<vmem>>, vector<16xi32>,
        tpu.vector_store %arg22[%swap3A_152], %add3A_151 {strides = array<i32>} : memref<32xi32, #tpu.memory_space<vmem>>, vector<16xi32>,
        %add3A_154 = arith.constant 16 : i32
        %add3A_155 = arith.addi %mul3A_107, %add3A_154 : i32
        %get3A_156 = arith.index_cast %add3A_155 : i32 to index
        %get3A_157 = tpu.vector_load %arg11[%get3A_156] {strides = array<i32>} : memref<4352xi32, #tpu.memory_space<vmem>>, vector<16xi32>,
        %swap3A_158 = arith.constant 16 : index
        %swap3A_159 = tpu.vector_load %arg24[%swap3A_158] {strides = array<i32>} : memref<32xi32, #tpu.memory_space<vmem>>, vector<16xi32>,
        tpu.vector_store %arg24[%swap3A_158], %get3A_157 {strides = array<i32>} : memref<32xi32, #tpu.memory_space<vmem>>, vector<16xi32>,
        %dma_start3A_160 = arith.constant 0 : i32
        %dma_start3A_161 = arith.constant 0 : i32
        %dma_start3A_162 = tpu.memref_slice %arg2[%dma_start3A_160, %dma_start3A_161] : memref<98304x128xf32, #tpu.memory_space<hbm>> -> memref<98304x128xf32, #tpu.memory_space<hbm>>
        tpu.enqueue_indirect_dma source(%dma_start3A_162 : memref<98304x128xf32, #tpu.memory_space<hbm>>) target(%arg27 : memref<32x128xf32, #tpu.memory_space<vmem>>) offsets(%arg21 : memref<32xi32, #tpu.memory_space<vmem>>) semaphore(%arg32 : memref<!tpu.dma_semaphore, #tpu.memory_space<semaphore_mem>>)
        %dma_start3A_163 = arith.constant 0 : i32
        %dma_start3A_164 = arith.constant 0 : i32
        %dma_start3A_165 = tpu.memref_slice %arg2[%dma_start3A_163, %dma_start3A_164] : memref<98304x128xf32, #tpu.memory_space<hbm>> -> memref<98304x128xf32, #tpu.memory_space<hbm>>
        tpu.enqueue_indirect_dma source(%dma_start3A_165 : memref<98304x128xf32, #tpu.memory_space<hbm>>) target(%arg28 : memref<32x128xf32, #tpu.memory_space<vmem>>) offsets(%arg22 : memref<32xi32, #tpu.memory_space<vmem>>) semaphore(%arg33 : memref<!tpu.dma_semaphore, #tpu.memory_space<semaphore_mem>>)
        %mul3A_166 = arith.constant 2 : i32
        %mul3A_167 = arith.muli %scan3A_100, %mul3A_166 : i32
        %mul3A_168 = arith.constant 32 : i32
        %mul3A_169 = arith.muli %mul3A_167, %mul3A_168 : i32
        %add3A_170 = arith.constant 0 : i32
        %add3A_171 = arith.addi %mul3A_169, %add3A_170 : i32
        %get3A_172 = arith.index_cast %add3A_171 : i32 to index
        %get3A_173 = tpu.vector_load %arg10[%get3A_172] {strides = array<i32>} : memref<4352xi32, #tpu.memory_space<vmem>>, vector<16xi32>,
        %add3A_174 = arith.constant 0 : i32
        %add3A_175 = arith.addi %mul3A_169, %add3A_174 : i32
        %get3A_176 = arith.index_cast %add3A_175 : i32 to index
        %get3A_177 = tpu.vector_load %arg11[%get3A_176] {strides = array<i32>} : memref<4352xi32, #tpu.memory_space<vmem>>, vector<16xi32>,
        %add3A_178 = arith.constant 0 : i32
        %add3A_179 = arith.addi %mul3A_169, %add3A_178 : i32
        %get3A_180 = arith.index_cast %add3A_179 : i32 to index
        %get3A_181 = tpu.vector_load %arg12[%get3A_180] {strides = array<i32>} : memref<4352xf32, #tpu.memory_space<vmem>>, vector<16xf32>,
        %add3A_182 = arith.constant 0 : i32
        %add3A_183 = vector.broadcast %add3A_182 : i32 to vector<16xi32>
        %add3A_184 = arith.addi %add3A_183, %get3A_173 : vector<16xi32>
        %gather3A = tpu.vector_load_idx %arg13[%add3A_184] : memref<16384xf32, #tpu.memory_space<vmem>>[vector<16xi32>], vector<16xf32>,
        %bitcast3A = vector.bitcast %gather3A : vector<16xf32> to vector<16xi32>
        %add3A_185 = arith.constant 0 : i32
        %add3A_186 = vector.broadcast %add3A_185 : i32 to vector<16xi32>
        %add3A_187 = arith.addi %add3A_186, %get3A_177 : vector<16xi32>
        %gather3A_188 = tpu.vector_load_idx %arg14[%add3A_187] : memref<8192xf32, #tpu.memory_space<vmem>>[vector<16xi32>], vector<16xf32>,
        %bitcast3A_189 = vector.bitcast %gather3A_188 : vector<16xf32> to vector<16xi32>
        %shift_left3A = arith.constant 16 : i32
        %shift_left3A_190 = vector.broadcast %shift_left3A : i32 to vector<16xi32>
        %shift_left3A_191 = arith.shli %bitcast3A, %shift_left3A_190 : vector<16xi32>
        %bitcast3A_192 = vector.bitcast %shift_left3A_191 : vector<16xi32> to vector<16xf32>
        %shift_left3A_193 = arith.constant 16 : i32
        %shift_left3A_194 = vector.broadcast %shift_left3A_193 : i32 to vector<16xi32>
        %shift_left3A_195 = arith.shli %bitcast3A_189, %shift_left3A_194 : vector<16xi32>
        %bitcast3A_196 = vector.bitcast %shift_left3A_195 : vector<16xi32> to vector<16xf32>
        %add3A_197 = arith.addf %bitcast3A_192, %bitcast3A_196 : vector<16xf32>
        %ge3A = arith.constant 0.000000e+00 : f32
        %ge3A_198 = vector.broadcast %ge3A : f32 to vector<16xf32>
        %ge3A_199 = arith.cmpf oge, %add3A_197, %ge3A_198 : vector<16xf32>
        %mul3A_200 = arith.constant 1.000000e-01 : f32
        %mul3A_201 = vector.broadcast %mul3A_200 : f32 to vector<16xf32>
        %mul3A_202 = arith.mulf %add3A_197, %mul3A_201 : vector<16xf32>
        %select_n3A = arith.select %ge3A_199, %add3A_197, %mul3A_202 : vector<16xi1>, vector<16xf32>
        %mul3A_203 = arith.mulf %select_n3A, %get3A_181 : vector<16xf32>
        %exp3A = math.exp %mul3A_203 : vector<16xf32>
        %add3A_204 = arith.constant 0 : i32
        %add3A_205 = vector.broadcast %add3A_204 : i32 to vector<16xi32>
        %add3A_206 = arith.addi %iota3A, %add3A_205 : vector<16xi32>
        %mul3A_207 = arith.constant 4 : i32
        %mul3A_208 = vector.broadcast %mul3A_207 : i32 to vector<16xi32>
        %mul3A_209 = arith.muli %add3A_206, %mul3A_208 : vector<16xi32>
        %add3A_210 = arith.constant 0 : i32
        %add3A_211 = vector.broadcast %add3A_210 : i32 to vector<16xi32>
        %add3A_212 = arith.addi %mul3A_209, %add3A_211 : vector<16xi32>
        tpu.vector_store_idx %arg15[%add3A_212], %exp3A : memref<128xf32, #tpu.memory_space<vmem>>[vector<16xi32>], vector<16xf32>,
        %mul3A_213 = arith.constant 4 : i32
        %mul3A_214 = vector.broadcast %mul3A_213 : i32 to vector<16xi32>
        %mul3A_215 = arith.muli %get3A_177, %mul3A_214 : vector<16xi32>
        %add3A_216 = arith.constant 0 : i32
        %add3A_217 = vector.broadcast %add3A_216 : i32 to vector<16xi32>
        %add3A_218 = arith.addi %mul3A_215, %add3A_217 : vector<16xi32>
        tpu.vector_store_idx %arg17[%add3A_212], %add3A_218 : memref<128xi32, #tpu.memory_space<vmem>>[vector<16xi32>], vector<16xi32>,
        %broadcast_in_dim3A_219 = arith.constant -65536 : i32
        %broadcast_in_dim3A_220 = vector.broadcast %broadcast_in_dim3A_219 : i32 to vector<16xi32>
        %and3A = arith.andi %bitcast3A, %broadcast_in_dim3A_220 : vector<16xi32>
        %bitcast3A_221 = vector.bitcast %and3A : vector<16xi32> to vector<16xf32>
        %and3A_222 = arith.andi %bitcast3A_189, %broadcast_in_dim3A_220 : vector<16xi32>
        %bitcast3A_223 = vector.bitcast %and3A_222 : vector<16xi32> to vector<16xf32>
        %add3A_224 = arith.addf %bitcast3A_221, %bitcast3A_223 : vector<16xf32>
        %ge3A_225 = arith.constant 0.000000e+00 : f32
        %ge3A_226 = vector.broadcast %ge3A_225 : f32 to vector<16xf32>
        %ge3A_227 = arith.cmpf oge, %add3A_224, %ge3A_226 : vector<16xf32>
        %mul3A_228 = arith.constant 1.000000e-01 : f32
        %mul3A_229 = vector.broadcast %mul3A_228 : f32 to vector<16xf32>
        %mul3A_230 = arith.mulf %add3A_224, %mul3A_229 : vector<16xf32>
        %select_n3A_231 = arith.select %ge3A_227, %add3A_224, %mul3A_230 : vector<16xi1>, vector<16xf32>
        %mul3A_232 = arith.mulf %select_n3A_231, %get3A_181 : vector<16xf32>
        %exp3A_233 = math.exp %mul3A_232 : vector<16xf32>
        %add3A_234 = arith.constant 0 : i32
        %add3A_235 = vector.broadcast %add3A_234 : i32 to vector<16xi32>
        %add3A_236 = arith.addi %iota3A, %add3A_235 : vector<16xi32>
        %mul3A_237 = arith.constant 4 : i32
        %mul3A_238 = vector.broadcast %mul3A_237 : i32 to vector<16xi32>
        %mul3A_239 = arith.muli %add3A_236, %mul3A_238 : vector<16xi32>
        %add3A_240 = arith.constant 1 : i32
        %add3A_241 = vector.broadcast %add3A_240 : i32 to vector<16xi32>
        %add3A_242 = arith.addi %mul3A_239, %add3A_241 : vector<16xi32>
        tpu.vector_store_idx %arg15[%add3A_242], %exp3A_233 : memref<128xf32, #tpu.memory_space<vmem>>[vector<16xi32>], vector<16xf32>,
        %mul3A_243 = arith.constant 4 : i32
        %mul3A_244 = vector.broadcast %mul3A_243 : i32 to vector<16xi32>
        %mul3A_245 = arith.muli %get3A_177, %mul3A_244 : vector<16xi32>
        %add3A_246 = arith.constant 1 : i32
        %add3A_247 = vector.broadcast %add3A_246 : i32 to vector<16xi32>
        %add3A_248 = arith.addi %mul3A_245, %add3A_247 : vector<16xi32>
        tpu.vector_store_idx %arg17[%add3A_242], %add3A_248 : memref<128xi32, #tpu.memory_space<vmem>>[vector<16xi32>], vector<16xi32>,
        %add3A_249 = arith.constant 8192 : i32
        %add3A_250 = vector.broadcast %add3A_249 : i32 to vector<16xi32>
        %add3A_251 = arith.addi %add3A_250, %get3A_173 : vector<16xi32>
        %gather3A_252 = tpu.vector_load_idx %arg13[%add3A_251] : memref<16384xf32, #tpu.memory_space<vmem>>[vector<16xi32>], vector<16xf32>,
        %bitcast3A_253 = vector.bitcast %gather3A_252 : vector<16xf32> to vector<16xi32>
        %add3A_254 = arith.constant 4096 : i32
        %add3A_255 = vector.broadcast %add3A_254 : i32 to vector<16xi32>
        %add3A_256 = arith.addi %add3A_255, %get3A_177 : vector<16xi32>
        %gather3A_257 = tpu.vector_load_idx %arg14[%add3A_256] : memref<8192xf32, #tpu.memory_space<vmem>>[vector<16xi32>], vector<16xf32>,
        %bitcast3A_258 = vector.bitcast %gather3A_257 : vector<16xf32> to vector<16xi32>
        %shift_left3A_259 = arith.constant 16 : i32
        %shift_left3A_260 = vector.broadcast %shift_left3A_259 : i32 to vector<16xi32>
        %shift_left3A_261 = arith.shli %bitcast3A_253, %shift_left3A_260 : vector<16xi32>
        %bitcast3A_262 = vector.bitcast %shift_left3A_261 : vector<16xi32> to vector<16xf32>
        %shift_left3A_263 = arith.constant 16 : i32
        %shift_left3A_264 = vector.broadcast %shift_left3A_263 : i32 to vector<16xi32>
        %shift_left3A_265 = arith.shli %bitcast3A_258, %shift_left3A_264 : vector<16xi32>
        %bitcast3A_266 = vector.bitcast %shift_left3A_265 : vector<16xi32> to vector<16xf32>
        %add3A_267 = arith.addf %bitcast3A_262, %bitcast3A_266 : vector<16xf32>
        %ge3A_268 = arith.constant 0.000000e+00 : f32
        %ge3A_269 = vector.broadcast %ge3A_268 : f32 to vector<16xf32>
        %ge3A_270 = arith.cmpf oge, %add3A_267, %ge3A_269 : vector<16xf32>
        %mul3A_271 = arith.constant 1.000000e-01 : f32
        %mul3A_272 = vector.broadcast %mul3A_271 : f32 to vector<16xf32>
        %mul3A_273 = arith.mulf %add3A_267, %mul3A_272 : vector<16xf32>
        %select_n3A_274 = arith.select %ge3A_270, %add3A_267, %mul3A_273 : vector<16xi1>, vector<16xf32>
        %mul3A_275 = arith.mulf %select_n3A_274, %get3A_181 : vector<16xf32>
        %exp3A_276 = math.exp %mul3A_275 : vector<16xf32>
        %add3A_277 = arith.constant 0 : i32
        %add3A_278 = vector.broadcast %add3A_277 : i32 to vector<16xi32>
        %add3A_279 = arith.addi %iota3A, %add3A_278 : vector<16xi32>
        %mul3A_280 = arith.constant 4 : i32
        %mul3A_281 = vector.broadcast %mul3A_280 : i32 to vector<16xi32>
        %mul3A_282 = arith.muli %add3A_279, %mul3A_281 : vector<16xi32>
        %add3A_283 = arith.constant 2 : i32
        %add3A_284 = vector.broadcast %add3A_283 : i32 to vector<16xi32>
        %add3A_285 = arith.addi %mul3A_282, %add3A_284 : vector<16xi32>
        tpu.vector_store_idx %arg15[%add3A_285], %exp3A_276 : memref<128xf32, #tpu.memory_space<vmem>>[vector<16xi32>], vector<16xf32>,
        %mul3A_286 = arith.constant 4 : i32
        %mul3A_287 = vector.broadcast %mul3A_286 : i32 to vector<16xi32>
        %mul3A_288 = arith.muli %get3A_177, %mul3A_287 : vector<16xi32>
        %add3A_289 = arith.constant 2 : i32
        %add3A_290 = vector.broadcast %add3A_289 : i32 to vector<16xi32>
        %add3A_291 = arith.addi %mul3A_288, %add3A_290 : vector<16xi32>
        tpu.vector_store_idx %arg17[%add3A_285], %add3A_291 : memref<128xi32, #tpu.memory_space<vmem>>[vector<16xi32>], vector<16xi32>,
        %broadcast_in_dim3A_292 = arith.constant -65536 : i32
        %broadcast_in_dim3A_293 = vector.broadcast %broadcast_in_dim3A_292 : i32 to vector<16xi32>
        %and3A_294 = arith.andi %bitcast3A_253, %broadcast_in_dim3A_293 : vector<16xi32>
        %bitcast3A_295 = vector.bitcast %and3A_294 : vector<16xi32> to vector<16xf32>
        %and3A_296 = arith.andi %bitcast3A_258, %broadcast_in_dim3A_293 : vector<16xi32>
        %bitcast3A_297 = vector.bitcast %and3A_296 : vector<16xi32> to vector<16xf32>
        %add3A_298 = arith.addf %bitcast3A_295, %bitcast3A_297 : vector<16xf32>
        %ge3A_299 = arith.constant 0.000000e+00 : f32
        %ge3A_300 = vector.broadcast %ge3A_299 : f32 to vector<16xf32>
        %ge3A_301 = arith.cmpf oge, %add3A_298, %ge3A_300 : vector<16xf32>
        %mul3A_302 = arith.constant 1.000000e-01 : f32
        %mul3A_303 = vector.broadcast %mul3A_302 : f32 to vector<16xf32>
        %mul3A_304 = arith.mulf %add3A_298, %mul3A_303 : vector<16xf32>
        %select_n3A_305 = arith.select %ge3A_301, %add3A_298, %mul3A_304 : vector<16xi1>, vector<16xf32>
        %mul3A_306 = arith.mulf %select_n3A_305, %get3A_181 : vector<16xf32>
        %exp3A_307 = math.exp %mul3A_306 : vector<16xf32>
        %add3A_308 = arith.constant 0 : i32
        %add3A_309 = vector.broadcast %add3A_308 : i32 to vector<16xi32>
        %add3A_310 = arith.addi %iota3A, %add3A_309 : vector<16xi32>
        %mul3A_311 = arith.constant 4 : i32
        %mul3A_312 = vector.broadcast %mul3A_311 : i32 to vector<16xi32>
        %mul3A_313 = arith.muli %add3A_310, %mul3A_312 : vector<16xi32>
        %add3A_314 = arith.constant 3 : i32
        %add3A_315 = vector.broadcast %add3A_314 : i32 to vector<16xi32>
        %add3A_316 = arith.addi %mul3A_313, %add3A_315 : vector<16xi32>
        tpu.vector_store_idx %arg15[%add3A_316], %exp3A_307 : memref<128xf32, #tpu.memory_space<vmem>>[vector<16xi32>], vector<16xf32>,
        %mul3A_317 = arith.constant 4 : i32
        %mul3A_318 = vector.broadcast %mul3A_317 : i32 to vector<16xi32>
        %mul3A_319 = arith.muli %get3A_177, %mul3A_318 : vector<16xi32>
        %add3A_320 = arith.constant 3 : i32
        %add3A_321 = vector.broadcast %add3A_320 : i32 to vector<16xi32>
        %add3A_322 = arith.addi %mul3A_319, %add3A_321 : vector<16xi32>
        tpu.vector_store_idx %arg17[%add3A_316], %add3A_322 : memref<128xi32, #tpu.memory_space<vmem>>[vector<16xi32>], vector<16xi32>,
        %add3A_323 = arith.constant 16 : i32
        %add3A_324 = arith.addi %mul3A_169, %add3A_323 : i32
        %get3A_325 = arith.index_cast %add3A_324 : i32 to index
        %get3A_326 = tpu.vector_load %arg10[%get3A_325] {strides = array<i32>} : memref<4352xi32, #tpu.memory_space<vmem>>, vector<16xi32>,
        %add3A_327 = arith.constant 16 : i32
        %add3A_328 = arith.addi %mul3A_169, %add3A_327 : i32
        %get3A_329 = arith.index_cast %add3A_328 : i32 to index
        %get3A_330 = tpu.vector_load %arg11[%get3A_329] {strides = array<i32>} : memref<4352xi32, #tpu.memory_space<vmem>>, vector<16xi32>,
        %add3A_331 = arith.constant 16 : i32
        %add3A_332 = arith.addi %mul3A_169, %add3A_331 : i32
        %get3A_333 = arith.index_cast %add3A_332 : i32 to index
        %get3A_334 = tpu.vector_load %arg12[%get3A_333] {strides = array<i32>} : memref<4352xf32, #tpu.memory_space<vmem>>, vector<16xf32>,
        %add3A_335 = arith.constant 0 : i32
        %add3A_336 = vector.broadcast %add3A_335 : i32 to vector<16xi32>
        %add3A_337 = arith.addi %add3A_336, %get3A_326 : vector<16xi32>
        %gather3A_338 = tpu.vector_load_idx %arg13[%add3A_337] : memref<16384xf32, #tpu.memory_space<vmem>>[vector<16xi32>], vector<16xf32>,
        %bitcast3A_339 = vector.bitcast %gather3A_338 : vector<16xf32> to vector<16xi32>
        %add3A_340 = arith.constant 0 : i32
        %add3A_341 = vector.broadcast %add3A_340 : i32 to vector<16xi32>
        %add3A_342 = arith.addi %add3A_341, %get3A_330 : vector<16xi32>
        %gather3A_343 = tpu.vector_load_idx %arg14[%add3A_342] : memref<8192xf32, #tpu.memory_space<vmem>>[vector<16xi32>], vector<16xf32>,
        %bitcast3A_344 = vector.bitcast %gather3A_343 : vector<16xf32> to vector<16xi32>
        %shift_left3A_345 = arith.constant 16 : i32
        %shift_left3A_346 = vector.broadcast %shift_left3A_345 : i32 to vector<16xi32>
        %shift_left3A_347 = arith.shli %bitcast3A_339, %shift_left3A_346 : vector<16xi32>
        %bitcast3A_348 = vector.bitcast %shift_left3A_347 : vector<16xi32> to vector<16xf32>
        %shift_left3A_349 = arith.constant 16 : i32
        %shift_left3A_350 = vector.broadcast %shift_left3A_349 : i32 to vector<16xi32>
        %shift_left3A_351 = arith.shli %bitcast3A_344, %shift_left3A_350 : vector<16xi32>
        %bitcast3A_352 = vector.bitcast %shift_left3A_351 : vector<16xi32> to vector<16xf32>
        %add3A_353 = arith.addf %bitcast3A_348, %bitcast3A_352 : vector<16xf32>
        %ge3A_354 = arith.constant 0.000000e+00 : f32
        %ge3A_355 = vector.broadcast %ge3A_354 : f32 to vector<16xf32>
        %ge3A_356 = arith.cmpf oge, %add3A_353, %ge3A_355 : vector<16xf32>
        %mul3A_357 = arith.constant 1.000000e-01 : f32
        %mul3A_358 = vector.broadcast %mul3A_357 : f32 to vector<16xf32>
        %mul3A_359 = arith.mulf %add3A_353, %mul3A_358 : vector<16xf32>
        %select_n3A_360 = arith.select %ge3A_356, %add3A_353, %mul3A_359 : vector<16xi1>, vector<16xf32>
        %mul3A_361 = arith.mulf %select_n3A_360, %get3A_334 : vector<16xf32>
        %exp3A_362 = math.exp %mul3A_361 : vector<16xf32>
        %add3A_363 = arith.constant 16 : i32
        %add3A_364 = vector.broadcast %add3A_363 : i32 to vector<16xi32>
        %add3A_365 = arith.addi %iota3A, %add3A_364 : vector<16xi32>
        %mul3A_366 = arith.constant 4 : i32
        %mul3A_367 = vector.broadcast %mul3A_366 : i32 to vector<16xi32>
        %mul3A_368 = arith.muli %add3A_365, %mul3A_367 : vector<16xi32>
        %add3A_369 = arith.constant 0 : i32
        %add3A_370 = vector.broadcast %add3A_369 : i32 to vector<16xi32>
        %add3A_371 = arith.addi %mul3A_368, %add3A_370 : vector<16xi32>
        tpu.vector_store_idx %arg15[%add3A_371], %exp3A_362 : memref<128xf32, #tpu.memory_space<vmem>>[vector<16xi32>], vector<16xf32>,
        %mul3A_372 = arith.constant 4 : i32
        %mul3A_373 = vector.broadcast %mul3A_372 : i32 to vector<16xi32>
        %mul3A_374 = arith.muli %get3A_330, %mul3A_373 : vector<16xi32>
        %add3A_375 = arith.constant 0 : i32
        %add3A_376 = vector.broadcast %add3A_375 : i32 to vector<16xi32>
        %add3A_377 = arith.addi %mul3A_374, %add3A_376 : vector<16xi32>
        tpu.vector_store_idx %arg17[%add3A_371], %add3A_377 : memref<128xi32, #tpu.memory_space<vmem>>[vector<16xi32>], vector<16xi32>,
        %broadcast_in_dim3A_378 = arith.constant -65536 : i32
        %broadcast_in_dim3A_379 = vector.broadcast %broadcast_in_dim3A_378 : i32 to vector<16xi32>
        %and3A_380 = arith.andi %bitcast3A_339, %broadcast_in_dim3A_379 : vector<16xi32>
        %bitcast3A_381 = vector.bitcast %and3A_380 : vector<16xi32> to vector<16xf32>
        %and3A_382 = arith.andi %bitcast3A_344, %broadcast_in_dim3A_379 : vector<16xi32>
        %bitcast3A_383 = vector.bitcast %and3A_382 : vector<16xi32> to vector<16xf32>
        %add3A_384 = arith.addf %bitcast3A_381, %bitcast3A_383 : vector<16xf32>
        %ge3A_385 = arith.constant 0.000000e+00 : f32
        %ge3A_386 = vector.broadcast %ge3A_385 : f32 to vector<16xf32>
        %ge3A_387 = arith.cmpf oge, %add3A_384, %ge3A_386 : vector<16xf32>
        %mul3A_388 = arith.constant 1.000000e-01 : f32
        %mul3A_389 = vector.broadcast %mul3A_388 : f32 to vector<16xf32>
        %mul3A_390 = arith.mulf %add3A_384, %mul3A_389 : vector<16xf32>
        %select_n3A_391 = arith.select %ge3A_387, %add3A_384, %mul3A_390 : vector<16xi1>, vector<16xf32>
        %mul3A_392 = arith.mulf %select_n3A_391, %get3A_334 : vector<16xf32>
        %exp3A_393 = math.exp %mul3A_392 : vector<16xf32>
        %add3A_394 = arith.constant 16 : i32
        %add3A_395 = vector.broadcast %add3A_394 : i32 to vector<16xi32>
        %add3A_396 = arith.addi %iota3A, %add3A_395 : vector<16xi32>
        %mul3A_397 = arith.constant 4 : i32
        %mul3A_398 = vector.broadcast %mul3A_397 : i32 to vector<16xi32>
        %mul3A_399 = arith.muli %add3A_396, %mul3A_398 : vector<16xi32>
        %add3A_400 = arith.constant 1 : i32
        %add3A_401 = vector.broadcast %add3A_400 : i32 to vector<16xi32>
        %add3A_402 = arith.addi %mul3A_399, %add3A_401 : vector<16xi32>
        tpu.vector_store_idx %arg15[%add3A_402], %exp3A_393 : memref<128xf32, #tpu.memory_space<vmem>>[vector<16xi32>], vector<16xf32>,
        %mul3A_403 = arith.constant 4 : i32
        %mul3A_404 = vector.broadcast %mul3A_403 : i32 to vector<16xi32>
        %mul3A_405 = arith.muli %get3A_330, %mul3A_404 : vector<16xi32>
        %add3A_406 = arith.constant 1 : i32
        %add3A_407 = vector.broadcast %add3A_406 : i32 to vector<16xi32>
        %add3A_408 = arith.addi %mul3A_405, %add3A_407 : vector<16xi32>
        tpu.vector_store_idx %arg17[%add3A_402], %add3A_408 : memref<128xi32, #tpu.memory_space<vmem>>[vector<16xi32>], vector<16xi32>,
        %add3A_409 = arith.constant 8192 : i32
        %add3A_410 = vector.broadcast %add3A_409 : i32 to vector<16xi32>
        %add3A_411 = arith.addi %add3A_410, %get3A_326 : vector<16xi32>
        %gather3A_412 = tpu.vector_load_idx %arg13[%add3A_411] : memref<16384xf32, #tpu.memory_space<vmem>>[vector<16xi32>], vector<16xf32>,
        %bitcast3A_413 = vector.bitcast %gather3A_412 : vector<16xf32> to vector<16xi32>
        %add3A_414 = arith.constant 4096 : i32
        %add3A_415 = vector.broadcast %add3A_414 : i32 to vector<16xi32>
        %add3A_416 = arith.addi %add3A_415, %get3A_330 : vector<16xi32>
        %gather3A_417 = tpu.vector_load_idx %arg14[%add3A_416] : memref<8192xf32, #tpu.memory_space<vmem>>[vector<16xi32>], vector<16xf32>,
        %bitcast3A_418 = vector.bitcast %gather3A_417 : vector<16xf32> to vector<16xi32>
        %shift_left3A_419 = arith.constant 16 : i32
        %shift_left3A_420 = vector.broadcast %shift_left3A_419 : i32 to vector<16xi32>
        %shift_left3A_421 = arith.shli %bitcast3A_413, %shift_left3A_420 : vector<16xi32>
        %bitcast3A_422 = vector.bitcast %shift_left3A_421 : vector<16xi32> to vector<16xf32>
        %shift_left3A_423 = arith.constant 16 : i32
        %shift_left3A_424 = vector.broadcast %shift_left3A_423 : i32 to vector<16xi32>
        %shift_left3A_425 = arith.shli %bitcast3A_418, %shift_left3A_424 : vector<16xi32>
        %bitcast3A_426 = vector.bitcast %shift_left3A_425 : vector<16xi32> to vector<16xf32>
        %add3A_427 = arith.addf %bitcast3A_422, %bitcast3A_426 : vector<16xf32>
        %ge3A_428 = arith.constant 0.000000e+00 : f32
        %ge3A_429 = vector.broadcast %ge3A_428 : f32 to vector<16xf32>
        %ge3A_430 = arith.cmpf oge, %add3A_427, %ge3A_429 : vector<16xf32>
        %mul3A_431 = arith.constant 1.000000e-01 : f32
        %mul3A_432 = vector.broadcast %mul3A_431 : f32 to vector<16xf32>
        %mul3A_433 = arith.mulf %add3A_427, %mul3A_432 : vector<16xf32>
        %select_n3A_434 = arith.select %ge3A_430, %add3A_427, %mul3A_433 : vector<16xi1>, vector<16xf32>
        %mul3A_435 = arith.mulf %select_n3A_434, %get3A_334 : vector<16xf32>
        %exp3A_436 = math.exp %mul3A_435 : vector<16xf32>
        %add3A_437 = arith.constant 16 : i32
        %add3A_438 = vector.broadcast %add3A_437 : i32 to vector<16xi32>
        %add3A_439 = arith.addi %iota3A, %add3A_438 : vector<16xi32>
        %mul3A_440 = arith.constant 4 : i32
        %mul3A_441 = vector.broadcast %mul3A_440 : i32 to vector<16xi32>
        %mul3A_442 = arith.muli %add3A_439, %mul3A_441 : vector<16xi32>
        %add3A_443 = arith.constant 2 : i32
        %add3A_444 = vector.broadcast %add3A_443 : i32 to vector<16xi32>
        %add3A_445 = arith.addi %mul3A_442, %add3A_444 : vector<16xi32>
        tpu.vector_store_idx %arg15[%add3A_445], %exp3A_436 : memref<128xf32, #tpu.memory_space<vmem>>[vector<16xi32>], vector<16xf32>,
        %mul3A_446 = arith.constant 4 : i32
        %mul3A_447 = vector.broadcast %mul3A_446 : i32 to vector<16xi32>
        %mul3A_448 = arith.muli %get3A_330, %mul3A_447 : vector<16xi32>
        %add3A_449 = arith.constant 2 : i32
        %add3A_450 = vector.broadcast %add3A_449 : i32 to vector<16xi32>
        %add3A_451 = arith.addi %mul3A_448, %add3A_450 : vector<16xi32>
        tpu.vector_store_idx %arg17[%add3A_445], %add3A_451 : memref<128xi32, #tpu.memory_space<vmem>>[vector<16xi32>], vector<16xi32>,
        %broadcast_in_dim3A_452 = arith.constant -65536 : i32
        %broadcast_in_dim3A_453 = vector.broadcast %broadcast_in_dim3A_452 : i32 to vector<16xi32>
        %and3A_454 = arith.andi %bitcast3A_413, %broadcast_in_dim3A_453 : vector<16xi32>
        %bitcast3A_455 = vector.bitcast %and3A_454 : vector<16xi32> to vector<16xf32>
        %and3A_456 = arith.andi %bitcast3A_418, %broadcast_in_dim3A_453 : vector<16xi32>
        %bitcast3A_457 = vector.bitcast %and3A_456 : vector<16xi32> to vector<16xf32>
        %add3A_458 = arith.addf %bitcast3A_455, %bitcast3A_457 : vector<16xf32>
        %ge3A_459 = arith.constant 0.000000e+00 : f32
        %ge3A_460 = vector.broadcast %ge3A_459 : f32 to vector<16xf32>
        %ge3A_461 = arith.cmpf oge, %add3A_458, %ge3A_460 : vector<16xf32>
        %mul3A_462 = arith.constant 1.000000e-01 : f32
        %mul3A_463 = vector.broadcast %mul3A_462 : f32 to vector<16xf32>
        %mul3A_464 = arith.mulf %add3A_458, %mul3A_463 : vector<16xf32>
        %select_n3A_465 = arith.select %ge3A_461, %add3A_458, %mul3A_464 : vector<16xi1>, vector<16xf32>
        %mul3A_466 = arith.mulf %select_n3A_465, %get3A_334 : vector<16xf32>
        %exp3A_467 = math.exp %mul3A_466 : vector<16xf32>
        %add3A_468 = arith.constant 16 : i32
        %add3A_469 = vector.broadcast %add3A_468 : i32 to vector<16xi32>
        %add3A_470 = arith.addi %iota3A, %add3A_469 : vector<16xi32>
        %mul3A_471 = arith.constant 4 : i32
        %mul3A_472 = vector.broadcast %mul3A_471 : i32 to vector<16xi32>
        %mul3A_473 = arith.muli %add3A_470, %mul3A_472 : vector<16xi32>
        %add3A_474 = arith.constant 3 : i32
        %add3A_475 = vector.broadcast %add3A_474 : i32 to vector<16xi32>
        %add3A_476 = arith.addi %mul3A_473, %add3A_475 : vector<16xi32>
        tpu.vector_store_idx %arg15[%add3A_476], %exp3A_467 : memref<128xf32, #tpu.memory_space<vmem>>[vector<16xi32>], vector<16xf32>,
        %mul3A_477 = arith.constant 4 : i32
        %mul3A_478 = vector.broadcast %mul3A_477 : i32 to vector<16xi32>
        %mul3A_479 = arith.muli %get3A_330, %mul3A_478 : vector<16xi32>
        %add3A_480 = arith.constant 3 : i32
        %add3A_481 = vector.broadcast %add3A_480 : i32 to vector<16xi32>
        %add3A_482 = arith.addi %mul3A_479, %add3A_481 : vector<16xi32>
        tpu.vector_store_idx %arg17[%add3A_476], %add3A_482 : memref<128xi32, #tpu.memory_space<vmem>>[vector<16xi32>], vector<16xi32>,
        "tpu.region"() ({
          %run_scoped3A_839 = tpu.sem_alloc : memref<!tpu.dma_semaphore, #tpu.memory_space<semaphore_mem>>
          %dma_start3A_840 = arith.constant 0 : i32
          %dma_start3A_841 = tpu.memref_slice %arg34[%dma_start3A_840] : memref<16384xf32, #tpu.memory_space<vmem_shared>> -> memref<16384xf32, #tpu.memory_space<vmem_shared>>
          tpu.enqueue_indirect_dma source(%arg15 : memref<128xf32, #tpu.memory_space<vmem>>) target(%dma_start3A_841 : memref<16384xf32, #tpu.memory_space<vmem_shared>>) offsets(%arg17 : memref<128xi32, #tpu.memory_space<vmem>>) semaphore(%run_scoped3A_839 : memref<!tpu.dma_semaphore, #tpu.memory_space<semaphore_mem>>) {add = true}
          %dma_wait3A_842 = arith.constant 0 : i32
          %dma_wait3A_843 = tpu.memref_slice %arg34[%dma_wait3A_842] : memref<16384xf32, #tpu.memory_space<vmem_shared>> -> memref<16384xf32, #tpu.memory_space<vmem_shared>>
          tpu.wait_indirect_dma semaphore(%run_scoped3A_839 : memref<!tpu.dma_semaphore, #tpu.memory_space<semaphore_mem>>) src(%arg15 : memref<128xf32, #tpu.memory_space<vmem>>) dst(%dma_wait3A_843 : memref<16384xf32, #tpu.memory_space<vmem_shared>>)
          tpu.yield
        }) : () -> ()
        %dma_wait3A = arith.constant 0 : i32
        %dma_wait3A_483 = arith.constant 0 : i32
        %dma_wait3A_484 = tpu.memref_slice %arg2[%dma_wait3A, %dma_wait3A_483] : memref<98304x128xf32, #tpu.memory_space<hbm>> -> memref<98304x128xf32, #tpu.memory_space<hbm>>
        tpu.wait_indirect_dma semaphore(%arg30 : memref<!tpu.dma_semaphore, #tpu.memory_space<semaphore_mem>>) src(%dma_wait3A_484 : memref<98304x128xf32, #tpu.memory_space<hbm>>) dst(%arg25 : memref<32x128xf32, #tpu.memory_space<vmem>>)
        %dma_wait3A_485 = arith.constant 0 : i32
        %dma_wait3A_486 = arith.constant 0 : i32
        %dma_wait3A_487 = tpu.memref_slice %arg2[%dma_wait3A_485, %dma_wait3A_486] : memref<98304x128xf32, #tpu.memory_space<hbm>> -> memref<98304x128xf32, #tpu.memory_space<hbm>>
        tpu.wait_indirect_dma semaphore(%arg31 : memref<!tpu.dma_semaphore, #tpu.memory_space<semaphore_mem>>) src(%dma_wait3A_487 : memref<98304x128xf32, #tpu.memory_space<hbm>>) dst(%arg26 : memref<32x128xf32, #tpu.memory_space<vmem>>)
        %scan3A_488 = arith.constant 0 : i32
        %scan3A_489 = arith.constant 0 : i32
        %scan3A_490 = arith.constant 8 : i32
        %scan3A_491 = arith.addi %scan3A_489, %scan3A_490 : i32
        %scan3A_492 = arith.constant 1 : i32
        %scan3A_493 = scf.for %scan3A_839 = %scan3A_489 to %scan3A_491 step %scan3A_492 iter_args(%scan3A_840 = %scan3A_488) -> (i32)  : i32 {
          %mul3A_841 = arith.constant 16 : i32
          %mul3A_842 = arith.muli %scan3A_839, %mul3A_841 : i32
          %get3A_843 = arith.index_cast %mul3A_842 : i32 to index
          %get3A_844 = tpu.vector_load %arg15[%get3A_843] {strides = array<i32>} : memref<128xf32, #tpu.memory_space<vmem>>, vector<16xf32>,
          %mul3A_845 = arith.constant 4 : i32
          %mul3A_846 = arith.muli %scan3A_839, %mul3A_845 : i32
          %add3A_847 = arith.constant 0 : i32
          %add3A_848 = arith.addi %mul3A_846, %add3A_847 : i32
          %broadcast_in_dim3A_849 = arith.constant 0 : i32
          %broadcast_in_dim3A_850 = vector.broadcast %broadcast_in_dim3A_849 : i32 to vector<16x1xi32>
          %gather3A_851 = vector.shape_cast %broadcast_in_dim3A_850 : vector<16x1xi32> to vector<16xi32>
          %gather3A_852 = tpu.dynamic_gather %get3A_844[%gather3A_851] in [0] : vector<16xf32>, vector<16xi32> -> vector<16xf32>
          %broadcast_in_dim3A_853 = arith.constant 1 : i32
          %broadcast_in_dim3A_854 = vector.broadcast %broadcast_in_dim3A_853 : i32 to vector<16x1xi32>
          %gather3A_855 = vector.shape_cast %broadcast_in_dim3A_854 : vector<16x1xi32> to vector<16xi32>
          %gather3A_856 = tpu.dynamic_gather %get3A_844[%gather3A_855] in [0] : vector<16xf32>, vector<16xi32> -> vector<16xf32>
          %get3A_857 = arith.index_cast %add3A_848 : i32 to index
          %get3A_858 = arith.constant 0 : index
          %get3A_859 = tpu.vector_load %arg25[%get3A_857, %get3A_858] {strides = array<i32>} : memref<32x128xf32, #tpu.memory_space<vmem>>, vector<16xf32>,
          %mul3A_860 = arith.mulf %get3A_859, %gather3A_852 : vector<16xf32>
          %swap3A_861 = arith.index_cast %add3A_848 : i32 to index
          %swap3A_862 = arith.constant 0 : index
          %swap3A_863 = tpu.vector_load %arg25[%swap3A_861, %swap3A_862] {strides = array<i32>} : memref<32x128xf32, #tpu.memory_space<vmem>>, vector<16xf32>,
          tpu.vector_store %arg25[%swap3A_861, %swap3A_862], %mul3A_860 {strides = array<i32>} : memref<32x128xf32, #tpu.memory_space<vmem>>, vector<16xf32>,
          %get3A_864 = arith.index_cast %add3A_848 : i32 to index
          %get3A_865 = arith.constant 16 : index
          %get3A_866 = tpu.vector_load %arg25[%get3A_864, %get3A_865] {strides = array<i32>} : memref<32x128xf32, #tpu.memory_space<vmem>>, vector<16xf32>,
          %mul3A_867 = arith.mulf %get3A_866, %gather3A_852 : vector<16xf32>
          %swap3A_868 = arith.index_cast %add3A_848 : i32 to index
          %swap3A_869 = arith.constant 16 : index
          %swap3A_870 = tpu.vector_load %arg25[%swap3A_868, %swap3A_869] {strides = array<i32>} : memref<32x128xf32, #tpu.memory_space<vmem>>, vector<16xf32>,
          tpu.vector_store %arg25[%swap3A_868, %swap3A_869], %mul3A_867 {strides = array<i32>} : memref<32x128xf32, #tpu.memory_space<vmem>>, vector<16xf32>,
          %get3A_871 = arith.index_cast %add3A_848 : i32 to index
          %get3A_872 = arith.constant 32 : index
          %get3A_873 = tpu.vector_load %arg25[%get3A_871, %get3A_872] {strides = array<i32>} : memref<32x128xf32, #tpu.memory_space<vmem>>, vector<16xf32>,
          %mul3A_874 = arith.mulf %get3A_873, %gather3A_852 : vector<16xf32>
          %swap3A_875 = arith.index_cast %add3A_848 : i32 to index
          %swap3A_876 = arith.constant 32 : index
          %swap3A_877 = tpu.vector_load %arg25[%swap3A_875, %swap3A_876] {strides = array<i32>} : memref<32x128xf32, #tpu.memory_space<vmem>>, vector<16xf32>,
          tpu.vector_store %arg25[%swap3A_875, %swap3A_876], %mul3A_874 {strides = array<i32>} : memref<32x128xf32, #tpu.memory_space<vmem>>, vector<16xf32>,
          %get3A_878 = arith.index_cast %add3A_848 : i32 to index
          %get3A_879 = arith.constant 48 : index
          %get3A_880 = tpu.vector_load %arg25[%get3A_878, %get3A_879] {strides = array<i32>} : memref<32x128xf32, #tpu.memory_space<vmem>>, vector<16xf32>,
          %mul3A_881 = arith.mulf %get3A_880, %gather3A_852 : vector<16xf32>
          %swap3A_882 = arith.index_cast %add3A_848 : i32 to index
          %swap3A_883 = arith.constant 48 : index
          %swap3A_884 = tpu.vector_load %arg25[%swap3A_882, %swap3A_883] {strides = array<i32>} : memref<32x128xf32, #tpu.memory_space<vmem>>, vector<16xf32>,
          tpu.vector_store %arg25[%swap3A_882, %swap3A_883], %mul3A_881 {strides = array<i32>} : memref<32x128xf32, #tpu.memory_space<vmem>>, vector<16xf32>,
          %get3A_885 = arith.index_cast %add3A_848 : i32 to index
          %get3A_886 = arith.constant 64 : index
          %get3A_887 = tpu.vector_load %arg25[%get3A_885, %get3A_886] {strides = array<i32>} : memref<32x128xf32, #tpu.memory_space<vmem>>, vector<16xf32>,
          %mul3A_888 = arith.mulf %get3A_887, %gather3A_856 : vector<16xf32>
          %swap3A_889 = arith.index_cast %add3A_848 : i32 to index
          %swap3A_890 = arith.constant 64 : index
          %swap3A_891 = tpu.vector_load %arg25[%swap3A_889, %swap3A_890] {strides = array<i32>} : memref<32x128xf32, #tpu.memory_space<vmem>>, vector<16xf32>,
          tpu.vector_store %arg25[%swap3A_889, %swap3A_890], %mul3A_888 {strides = array<i32>} : memref<32x128xf32, #tpu.memory_space<vmem>>, vector<16xf32>,
          %get3A_892 = arith.index_cast %add3A_848 : i32 to index
          %get3A_893 = arith.constant 80 : index
          %get3A_894 = tpu.vector_load %arg25[%get3A_892, %get3A_893] {strides = array<i32>} : memref<32x128xf32, #tpu.memory_space<vmem>>, vector<16xf32>,
          %mul3A_895 = arith.mulf %get3A_894, %gather3A_856 : vector<16xf32>
          %swap3A_896 = arith.index_cast %add3A_848 : i32 to index
          %swap3A_897 = arith.constant 80 : index
          %swap3A_898 = tpu.vector_load %arg25[%swap3A_896, %swap3A_897] {strides = array<i32>} : memref<32x128xf32, #tpu.memory_space<vmem>>, vector<16xf32>,
          tpu.vector_store %arg25[%swap3A_896, %swap3A_897], %mul3A_895 {strides = array<i32>} : memref<32x128xf32, #tpu.memory_space<vmem>>, vector<16xf32>,
          %get3A_899 = arith.index_cast %add3A_848 : i32 to index
          %get3A_900 = arith.constant 96 : index
          %get3A_901 = tpu.vector_load %arg25[%get3A_899, %get3A_900] {strides = array<i32>} : memref<32x128xf32, #tpu.memory_space<vmem>>, vector<16xf32>,
          %mul3A_902 = arith.mulf %get3A_901, %gather3A_856 : vector<16xf32>
          %swap3A_903 = arith.index_cast %add3A_848 : i32 to index
          %swap3A_904 = arith.constant 96 : index
          %swap3A_905 = tpu.vector_load %arg25[%swap3A_903, %swap3A_904] {strides = array<i32>} : memref<32x128xf32, #tpu.memory_space<vmem>>, vector<16xf32>,
          tpu.vector_store %arg25[%swap3A_903, %swap3A_904], %mul3A_902 {strides = array<i32>} : memref<32x128xf32, #tpu.memory_space<vmem>>, vector<16xf32>,
          %get3A_906 = arith.index_cast %add3A_848 : i32 to index
          %get3A_907 = arith.constant 112 : index
          %get3A_908 = tpu.vector_load %arg25[%get3A_906, %get3A_907] {strides = array<i32>} : memref<32x128xf32, #tpu.memory_space<vmem>>, vector<16xf32>,
          %mul3A_909 = arith.mulf %get3A_908, %gather3A_856 : vector<16xf32>
          %swap3A_910 = arith.index_cast %add3A_848 : i32 to index
          %swap3A_911 = arith.constant 112 : index
          %swap3A_912 = tpu.vector_load %arg25[%swap3A_910, %swap3A_911] {strides = array<i32>} : memref<32x128xf32, #tpu.memory_space<vmem>>, vector<16xf32>,
          tpu.vector_store %arg25[%swap3A_910, %swap3A_911], %mul3A_909 {strides = array<i32>} : memref<32x128xf32, #tpu.memory_space<vmem>>, vector<16xf32>,
          %mul3A_913 = arith.constant 4 : i32
          %mul3A_914 = arith.muli %scan3A_839, %mul3A_913 : i32
          %add3A_915 = arith.constant 1 : i32
          %add3A_916 = arith.addi %mul3A_914, %add3A_915 : i32
          %broadcast_in_dim3A_917 = arith.constant 4 : i32
          %broadcast_in_dim3A_918 = vector.broadcast %broadcast_in_dim3A_917 : i32 to vector<16x1xi32>
          %gather3A_919 = vector.shape_cast %broadcast_in_dim3A_918 : vector<16x1xi32> to vector<16xi32>
          %gather3A_920 = tpu.dynamic_gather %get3A_844[%gather3A_919] in [0] : vector<16xf32>, vector<16xi32> -> vector<16xf32>
          %broadcast_in_dim3A_921 = arith.constant 5 : i32
          %broadcast_in_dim3A_922 = vector.broadcast %broadcast_in_dim3A_921 : i32 to vector<16x1xi32>
          %gather3A_923 = vector.shape_cast %broadcast_in_dim3A_922 : vector<16x1xi32> to vector<16xi32>
          %gather3A_924 = tpu.dynamic_gather %get3A_844[%gather3A_923] in [0] : vector<16xf32>, vector<16xi32> -> vector<16xf32>
          %get3A_925 = arith.index_cast %add3A_916 : i32 to index
          %get3A_926 = arith.constant 0 : index
          %get3A_927 = tpu.vector_load %arg25[%get3A_925, %get3A_926] {strides = array<i32>} : memref<32x128xf32, #tpu.memory_space<vmem>>, vector<16xf32>,
          %mul3A_928 = arith.mulf %get3A_927, %gather3A_920 : vector<16xf32>
          %swap3A_929 = arith.index_cast %add3A_916 : i32 to index
          %swap3A_930 = arith.constant 0 : index
          %swap3A_931 = tpu.vector_load %arg25[%swap3A_929, %swap3A_930] {strides = array<i32>} : memref<32x128xf32, #tpu.memory_space<vmem>>, vector<16xf32>,
          tpu.vector_store %arg25[%swap3A_929, %swap3A_930], %mul3A_928 {strides = array<i32>} : memref<32x128xf32, #tpu.memory_space<vmem>>, vector<16xf32>,
          %get3A_932 = arith.index_cast %add3A_916 : i32 to index
          %get3A_933 = arith.constant 16 : index
          %get3A_934 = tpu.vector_load %arg25[%get3A_932, %get3A_933] {strides = array<i32>} : memref<32x128xf32, #tpu.memory_space<vmem>>, vector<16xf32>,
          %mul3A_935 = arith.mulf %get3A_934, %gather3A_920 : vector<16xf32>
          %swap3A_936 = arith.index_cast %add3A_916 : i32 to index
          %swap3A_937 = arith.constant 16 : index
          %swap3A_938 = tpu.vector_load %arg25[%swap3A_936, %swap3A_937] {strides = array<i32>} : memref<32x128xf32, #tpu.memory_space<vmem>>, vector<16xf32>,
          tpu.vector_store %arg25[%swap3A_936, %swap3A_937], %mul3A_935 {strides = array<i32>} : memref<32x128xf32, #tpu.memory_space<vmem>>, vector<16xf32>,
          %get3A_939 = arith.index_cast %add3A_916 : i32 to index
          %get3A_940 = arith.constant 32 : index
          %get3A_941 = tpu.vector_load %arg25[%get3A_939, %get3A_940] {strides = array<i32>} : memref<32x128xf32, #tpu.memory_space<vmem>>, vector<16xf32>,
          %mul3A_942 = arith.mulf %get3A_941, %gather3A_920 : vector<16xf32>
          %swap3A_943 = arith.index_cast %add3A_916 : i32 to index
          %swap3A_944 = arith.constant 32 : index
          %swap3A_945 = tpu.vector_load %arg25[%swap3A_943, %swap3A_944] {strides = array<i32>} : memref<32x128xf32, #tpu.memory_space<vmem>>, vector<16xf32>,
          tpu.vector_store %arg25[%swap3A_943, %swap3A_944], %mul3A_942 {strides = array<i32>} : memref<32x128xf32, #tpu.memory_space<vmem>>, vector<16xf32>,
          %get3A_946 = arith.index_cast %add3A_916 : i32 to index
          %get3A_947 = arith.constant 48 : index
          %get3A_948 = tpu.vector_load %arg25[%get3A_946, %get3A_947] {strides = array<i32>} : memref<32x128xf32, #tpu.memory_space<vmem>>, vector<16xf32>,
          %mul3A_949 = arith.mulf %get3A_948, %gather3A_920 : vector<16xf32>
          %swap3A_950 = arith.index_cast %add3A_916 : i32 to index
          %swap3A_951 = arith.constant 48 : index
          %swap3A_952 = tpu.vector_load %arg25[%swap3A_950, %swap3A_951] {strides = array<i32>} : memref<32x128xf32, #tpu.memory_space<vmem>>, vector<16xf32>,
          tpu.vector_store %arg25[%swap3A_950, %swap3A_951], %mul3A_949 {strides = array<i32>} : memref<32x128xf32, #tpu.memory_space<vmem>>, vector<16xf32>,
          %get3A_953 = arith.index_cast %add3A_916 : i32 to index
          %get3A_954 = arith.constant 64 : index
          %get3A_955 = tpu.vector_load %arg25[%get3A_953, %get3A_954] {strides = array<i32>} : memref<32x128xf32, #tpu.memory_space<vmem>>, vector<16xf32>,
          %mul3A_956 = arith.mulf %get3A_955, %gather3A_924 : vector<16xf32>
          %swap3A_957 = arith.index_cast %add3A_916 : i32 to index
          %swap3A_958 = arith.constant 64 : index
          %swap3A_959 = tpu.vector_load %arg25[%swap3A_957, %swap3A_958] {strides = array<i32>} : memref<32x128xf32, #tpu.memory_space<vmem>>, vector<16xf32>,
          tpu.vector_store %arg25[%swap3A_957, %swap3A_958], %mul3A_956 {strides = array<i32>} : memref<32x128xf32, #tpu.memory_space<vmem>>, vector<16xf32>,
          %get3A_960 = arith.index_cast %add3A_916 : i32 to index
          %get3A_961 = arith.constant 80 : index
          %get3A_962 = tpu.vector_load %arg25[%get3A_960, %get3A_961] {strides = array<i32>} : memref<32x128xf32, #tpu.memory_space<vmem>>, vector<16xf32>,
          %mul3A_963 = arith.mulf %get3A_962, %gather3A_924 : vector<16xf32>
          %swap3A_964 = arith.index_cast %add3A_916 : i32 to index
          %swap3A_965 = arith.constant 80 : index
          %swap3A_966 = tpu.vector_load %arg25[%swap3A_964, %swap3A_965] {strides = array<i32>} : memref<32x128xf32, #tpu.memory_space<vmem>>, vector<16xf32>,
          tpu.vector_store %arg25[%swap3A_964, %swap3A_965], %mul3A_963 {strides = array<i32>} : memref<32x128xf32, #tpu.memory_space<vmem>>, vector<16xf32>,
          %get3A_967 = arith.index_cast %add3A_916 : i32 to index
          %get3A_968 = arith.constant 96 : index
          %get3A_969 = tpu.vector_load %arg25[%get3A_967, %get3A_968] {strides = array<i32>} : memref<32x128xf32, #tpu.memory_space<vmem>>, vector<16xf32>,
          %mul3A_970 = arith.mulf %get3A_969, %gather3A_924 : vector<16xf32>
          %swap3A_971 = arith.index_cast %add3A_916 : i32 to index
          %swap3A_972 = arith.constant 96 : index
          %swap3A_973 = tpu.vector_load %arg25[%swap3A_971, %swap3A_972] {strides = array<i32>} : memref<32x128xf32, #tpu.memory_space<vmem>>, vector<16xf32>,
          tpu.vector_store %arg25[%swap3A_971, %swap3A_972], %mul3A_970 {strides = array<i32>} : memref<32x128xf32, #tpu.memory_space<vmem>>, vector<16xf32>,
          %get3A_974 = arith.index_cast %add3A_916 : i32 to index
          %get3A_975 = arith.constant 112 : index
          %get3A_976 = tpu.vector_load %arg25[%get3A_974, %get3A_975] {strides = array<i32>} : memref<32x128xf32, #tpu.memory_space<vmem>>, vector<16xf32>,
          %mul3A_977 = arith.mulf %get3A_976, %gather3A_924 : vector<16xf32>
          %swap3A_978 = arith.index_cast %add3A_916 : i32 to index
          %swap3A_979 = arith.constant 112 : index
          %swap3A_980 = tpu.vector_load %arg25[%swap3A_978, %swap3A_979] {strides = array<i32>} : memref<32x128xf32, #tpu.memory_space<vmem>>, vector<16xf32>,
          tpu.vector_store %arg25[%swap3A_978, %swap3A_979], %mul3A_977 {strides = array<i32>} : memref<32x128xf32, #tpu.memory_space<vmem>>, vector<16xf32>,
          %mul3A_981 = arith.constant 4 : i32
          %mul3A_982 = arith.muli %scan3A_839, %mul3A_981 : i32
          %add3A_983 = arith.constant 2 : i32
          %add3A_984 = arith.addi %mul3A_982, %add3A_983 : i32
          %broadcast_in_dim3A_985 = arith.constant 8 : i32
          %broadcast_in_dim3A_986 = vector.broadcast %broadcast_in_dim3A_985 : i32 to vector<16x1xi32>
          %gather3A_987 = vector.shape_cast %broadcast_in_dim3A_986 : vector<16x1xi32> to vector<16xi32>
          %gather3A_988 = tpu.dynamic_gather %get3A_844[%gather3A_987] in [0] : vector<16xf32>, vector<16xi32> -> vector<16xf32>
          %broadcast_in_dim3A_989 = arith.constant 9 : i32
          %broadcast_in_dim3A_990 = vector.broadcast %broadcast_in_dim3A_989 : i32 to vector<16x1xi32>
          %gather3A_991 = vector.shape_cast %broadcast_in_dim3A_990 : vector<16x1xi32> to vector<16xi32>
          %gather3A_992 = tpu.dynamic_gather %get3A_844[%gather3A_991] in [0] : vector<16xf32>, vector<16xi32> -> vector<16xf32>
          %get3A_993 = arith.index_cast %add3A_984 : i32 to index
          %get3A_994 = arith.constant 0 : index
          %get3A_995 = tpu.vector_load %arg25[%get3A_993, %get3A_994] {strides = array<i32>} : memref<32x128xf32, #tpu.memory_space<vmem>>, vector<16xf32>,
          %mul3A_996 = arith.mulf %get3A_995, %gather3A_988 : vector<16xf32>
          %swap3A_997 = arith.index_cast %add3A_984 : i32 to index
          %swap3A_998 = arith.constant 0 : index
          %swap3A_999 = tpu.vector_load %arg25[%swap3A_997, %swap3A_998] {strides = array<i32>} : memref<32x128xf32, #tpu.memory_space<vmem>>, vector<16xf32>,
          tpu.vector_store %arg25[%swap3A_997, %swap3A_998], %mul3A_996 {strides = array<i32>} : memref<32x128xf32, #tpu.memory_space<vmem>>, vector<16xf32>,
          %get3A_1000 = arith.index_cast %add3A_984 : i32 to index
          %get3A_1001 = arith.constant 16 : index
          %get3A_1002 = tpu.vector_load %arg25[%get3A_1000, %get3A_1001] {strides = array<i32>} : memref<32x128xf32, #tpu.memory_space<vmem>>, vector<16xf32>,
          %mul3A_1003 = arith.mulf %get3A_1002, %gather3A_988 : vector<16xf32>
          %swap3A_1004 = arith.index_cast %add3A_984 : i32 to index
          %swap3A_1005 = arith.constant 16 : index
          %swap3A_1006 = tpu.vector_load %arg25[%swap3A_1004, %swap3A_1005] {strides = array<i32>} : memref<32x128xf32, #tpu.memory_space<vmem>>, vector<16xf32>,
          tpu.vector_store %arg25[%swap3A_1004, %swap3A_1005], %mul3A_1003 {strides = array<i32>} : memref<32x128xf32, #tpu.memory_space<vmem>>, vector<16xf32>,
          %get3A_1007 = arith.index_cast %add3A_984 : i32 to index
          %get3A_1008 = arith.constant 32 : index
          %get3A_1009 = tpu.vector_load %arg25[%get3A_1007, %get3A_1008] {strides = array<i32>} : memref<32x128xf32, #tpu.memory_space<vmem>>, vector<16xf32>,
          %mul3A_1010 = arith.mulf %get3A_1009, %gather3A_988 : vector<16xf32>
          %swap3A_1011 = arith.index_cast %add3A_984 : i32 to index
          %swap3A_1012 = arith.constant 32 : index
          %swap3A_1013 = tpu.vector_load %arg25[%swap3A_1011, %swap3A_1012] {strides = array<i32>} : memref<32x128xf32, #tpu.memory_space<vmem>>, vector<16xf32>,
          tpu.vector_store %arg25[%swap3A_1011, %swap3A_1012], %mul3A_1010 {strides = array<i32>} : memref<32x128xf32, #tpu.memory_space<vmem>>, vector<16xf32>,
          %get3A_1014 = arith.index_cast %add3A_984 : i32 to index
          %get3A_1015 = arith.constant 48 : index
          %get3A_1016 = tpu.vector_load %arg25[%get3A_1014, %get3A_1015] {strides = array<i32>} : memref<32x128xf32, #tpu.memory_space<vmem>>, vector<16xf32>,
          %mul3A_1017 = arith.mulf %get3A_1016, %gather3A_988 : vector<16xf32>
          %swap3A_1018 = arith.index_cast %add3A_984 : i32 to index
          %swap3A_1019 = arith.constant 48 : index
          %swap3A_1020 = tpu.vector_load %arg25[%swap3A_1018, %swap3A_1019] {strides = array<i32>} : memref<32x128xf32, #tpu.memory_space<vmem>>, vector<16xf32>,
          tpu.vector_store %arg25[%swap3A_1018, %swap3A_1019], %mul3A_1017 {strides = array<i32>} : memref<32x128xf32, #tpu.memory_space<vmem>>, vector<16xf32>,
          %get3A_1021 = arith.index_cast %add3A_984 : i32 to index
          %get3A_1022 = arith.constant 64 : index
          %get3A_1023 = tpu.vector_load %arg25[%get3A_1021, %get3A_1022] {strides = array<i32>} : memref<32x128xf32, #tpu.memory_space<vmem>>, vector<16xf32>,
          %mul3A_1024 = arith.mulf %get3A_1023, %gather3A_992 : vector<16xf32>
          %swap3A_1025 = arith.index_cast %add3A_984 : i32 to index
          %swap3A_1026 = arith.constant 64 : index
          %swap3A_1027 = tpu.vector_load %arg25[%swap3A_1025, %swap3A_1026] {strides = array<i32>} : memref<32x128xf32, #tpu.memory_space<vmem>>, vector<16xf32>,
          tpu.vector_store %arg25[%swap3A_1025, %swap3A_1026], %mul3A_1024 {strides = array<i32>} : memref<32x128xf32, #tpu.memory_space<vmem>>, vector<16xf32>,
          %get3A_1028 = arith.index_cast %add3A_984 : i32 to index
          %get3A_1029 = arith.constant 80 : index
          %get3A_1030 = tpu.vector_load %arg25[%get3A_1028, %get3A_1029] {strides = array<i32>} : memref<32x128xf32, #tpu.memory_space<vmem>>, vector<16xf32>,
          %mul3A_1031 = arith.mulf %get3A_1030, %gather3A_992 : vector<16xf32>
          %swap3A_1032 = arith.index_cast %add3A_984 : i32 to index
          %swap3A_1033 = arith.constant 80 : index
          %swap3A_1034 = tpu.vector_load %arg25[%swap3A_1032, %swap3A_1033] {strides = array<i32>} : memref<32x128xf32, #tpu.memory_space<vmem>>, vector<16xf32>,
          tpu.vector_store %arg25[%swap3A_1032, %swap3A_1033], %mul3A_1031 {strides = array<i32>} : memref<32x128xf32, #tpu.memory_space<vmem>>, vector<16xf32>,
          %get3A_1035 = arith.index_cast %add3A_984 : i32 to index
          %get3A_1036 = arith.constant 96 : index
          %get3A_1037 = tpu.vector_load %arg25[%get3A_1035, %get3A_1036] {strides = array<i32>} : memref<32x128xf32, #tpu.memory_space<vmem>>, vector<16xf32>,
          %mul3A_1038 = arith.mulf %get3A_1037, %gather3A_992 : vector<16xf32>
          %swap3A_1039 = arith.index_cast %add3A_984 : i32 to index
          %swap3A_1040 = arith.constant 96 : index
          %swap3A_1041 = tpu.vector_load %arg25[%swap3A_1039, %swap3A_1040] {strides = array<i32>} : memref<32x128xf32, #tpu.memory_space<vmem>>, vector<16xf32>,
          tpu.vector_store %arg25[%swap3A_1039, %swap3A_1040], %mul3A_1038 {strides = array<i32>} : memref<32x128xf32, #tpu.memory_space<vmem>>, vector<16xf32>,
          %get3A_1042 = arith.index_cast %add3A_984 : i32 to index
          %get3A_1043 = arith.constant 112 : index
          %get3A_1044 = tpu.vector_load %arg25[%get3A_1042, %get3A_1043] {strides = array<i32>} : memref<32x128xf32, #tpu.memory_space<vmem>>, vector<16xf32>,
          %mul3A_1045 = arith.mulf %get3A_1044, %gather3A_992 : vector<16xf32>
          %swap3A_1046 = arith.index_cast %add3A_984 : i32 to index
          %swap3A_1047 = arith.constant 112 : index
          %swap3A_1048 = tpu.vector_load %arg25[%swap3A_1046, %swap3A_1047] {strides = array<i32>} : memref<32x128xf32, #tpu.memory_space<vmem>>, vector<16xf32>,
          tpu.vector_store %arg25[%swap3A_1046, %swap3A_1047], %mul3A_1045 {strides = array<i32>} : memref<32x128xf32, #tpu.memory_space<vmem>>, vector<16xf32>,
          %mul3A_1049 = arith.constant 4 : i32
          %mul3A_1050 = arith.muli %scan3A_839, %mul3A_1049 : i32
          %add3A_1051 = arith.constant 3 : i32
          %add3A_1052 = arith.addi %mul3A_1050, %add3A_1051 : i32
          %broadcast_in_dim3A_1053 = arith.constant 12 : i32
          %broadcast_in_dim3A_1054 = vector.broadcast %broadcast_in_dim3A_1053 : i32 to vector<16x1xi32>
          %gather3A_1055 = vector.shape_cast %broadcast_in_dim3A_1054 : vector<16x1xi32> to vector<16xi32>
          %gather3A_1056 = tpu.dynamic_gather %get3A_844[%gather3A_1055] in [0] : vector<16xf32>, vector<16xi32> -> vector<16xf32>
          %broadcast_in_dim3A_1057 = arith.constant 13 : i32
          %broadcast_in_dim3A_1058 = vector.broadcast %broadcast_in_dim3A_1057 : i32 to vector<16x1xi32>
          %gather3A_1059 = vector.shape_cast %broadcast_in_dim3A_1058 : vector<16x1xi32> to vector<16xi32>
          %gather3A_1060 = tpu.dynamic_gather %get3A_844[%gather3A_1059] in [0] : vector<16xf32>, vector<16xi32> -> vector<16xf32>
          %get3A_1061 = arith.index_cast %add3A_1052 : i32 to index
          %get3A_1062 = arith.constant 0 : index
          %get3A_1063 = tpu.vector_load %arg25[%get3A_1061, %get3A_1062] {strides = array<i32>} : memref<32x128xf32, #tpu.memory_space<vmem>>, vector<16xf32>,
          %mul3A_1064 = arith.mulf %get3A_1063, %gather3A_1056 : vector<16xf32>
          %swap3A_1065 = arith.index_cast %add3A_1052 : i32 to index
          %swap3A_1066 = arith.constant 0 : index
          %swap3A_1067 = tpu.vector_load %arg25[%swap3A_1065, %swap3A_1066] {strides = array<i32>} : memref<32x128xf32, #tpu.memory_space<vmem>>, vector<16xf32>,
          tpu.vector_store %arg25[%swap3A_1065, %swap3A_1066], %mul3A_1064 {strides = array<i32>} : memref<32x128xf32, #tpu.memory_space<vmem>>, vector<16xf32>,
          %get3A_1068 = arith.index_cast %add3A_1052 : i32 to index
          %get3A_1069 = arith.constant 16 : index
          %get3A_1070 = tpu.vector_load %arg25[%get3A_1068, %get3A_1069] {strides = array<i32>} : memref<32x128xf32, #tpu.memory_space<vmem>>, vector<16xf32>,
          %mul3A_1071 = arith.mulf %get3A_1070, %gather3A_1056 : vector<16xf32>
          %swap3A_1072 = arith.index_cast %add3A_1052 : i32 to index
          %swap3A_1073 = arith.constant 16 : index
          %swap3A_1074 = tpu.vector_load %arg25[%swap3A_1072, %swap3A_1073] {strides = array<i32>} : memref<32x128xf32, #tpu.memory_space<vmem>>, vector<16xf32>,
          tpu.vector_store %arg25[%swap3A_1072, %swap3A_1073], %mul3A_1071 {strides = array<i32>} : memref<32x128xf32, #tpu.memory_space<vmem>>, vector<16xf32>,
          %get3A_1075 = arith.index_cast %add3A_1052 : i32 to index
          %get3A_1076 = arith.constant 32 : index
          %get3A_1077 = tpu.vector_load %arg25[%get3A_1075, %get3A_1076] {strides = array<i32>} : memref<32x128xf32, #tpu.memory_space<vmem>>, vector<16xf32>,
          %mul3A_1078 = arith.mulf %get3A_1077, %gather3A_1056 : vector<16xf32>
          %swap3A_1079 = arith.index_cast %add3A_1052 : i32 to index
          %swap3A_1080 = arith.constant 32 : index
          %swap3A_1081 = tpu.vector_load %arg25[%swap3A_1079, %swap3A_1080] {strides = array<i32>} : memref<32x128xf32, #tpu.memory_space<vmem>>, vector<16xf32>,
          tpu.vector_store %arg25[%swap3A_1079, %swap3A_1080], %mul3A_1078 {strides = array<i32>} : memref<32x128xf32, #tpu.memory_space<vmem>>, vector<16xf32>,
          %get3A_1082 = arith.index_cast %add3A_1052 : i32 to index
          %get3A_1083 = arith.constant 48 : index
          %get3A_1084 = tpu.vector_load %arg25[%get3A_1082, %get3A_1083] {strides = array<i32>} : memref<32x128xf32, #tpu.memory_space<vmem>>, vector<16xf32>,
          %mul3A_1085 = arith.mulf %get3A_1084, %gather3A_1056 : vector<16xf32>
          %swap3A_1086 = arith.index_cast %add3A_1052 : i32 to index
          %swap3A_1087 = arith.constant 48 : index
          %swap3A_1088 = tpu.vector_load %arg25[%swap3A_1086, %swap3A_1087] {strides = array<i32>} : memref<32x128xf32, #tpu.memory_space<vmem>>, vector<16xf32>,
          tpu.vector_store %arg25[%swap3A_1086, %swap3A_1087], %mul3A_1085 {strides = array<i32>} : memref<32x128xf32, #tpu.memory_space<vmem>>, vector<16xf32>,
          %get3A_1089 = arith.index_cast %add3A_1052 : i32 to index
          %get3A_1090 = arith.constant 64 : index
          %get3A_1091 = tpu.vector_load %arg25[%get3A_1089, %get3A_1090] {strides = array<i32>} : memref<32x128xf32, #tpu.memory_space<vmem>>, vector<16xf32>,
          %mul3A_1092 = arith.mulf %get3A_1091, %gather3A_1060 : vector<16xf32>
          %swap3A_1093 = arith.index_cast %add3A_1052 : i32 to index
          %swap3A_1094 = arith.constant 64 : index
          %swap3A_1095 = tpu.vector_load %arg25[%swap3A_1093, %swap3A_1094] {strides = array<i32>} : memref<32x128xf32, #tpu.memory_space<vmem>>, vector<16xf32>,
          tpu.vector_store %arg25[%swap3A_1093, %swap3A_1094], %mul3A_1092 {strides = array<i32>} : memref<32x128xf32, #tpu.memory_space<vmem>>, vector<16xf32>,
          %get3A_1096 = arith.index_cast %add3A_1052 : i32 to index
          %get3A_1097 = arith.constant 80 : index
          %get3A_1098 = tpu.vector_load %arg25[%get3A_1096, %get3A_1097] {strides = array<i32>} : memref<32x128xf32, #tpu.memory_space<vmem>>, vector<16xf32>,
          %mul3A_1099 = arith.mulf %get3A_1098, %gather3A_1060 : vector<16xf32>
          %swap3A_1100 = arith.index_cast %add3A_1052 : i32 to index
          %swap3A_1101 = arith.constant 80 : index
          %swap3A_1102 = tpu.vector_load %arg25[%swap3A_1100, %swap3A_1101] {strides = array<i32>} : memref<32x128xf32, #tpu.memory_space<vmem>>, vector<16xf32>,
          tpu.vector_store %arg25[%swap3A_1100, %swap3A_1101], %mul3A_1099 {strides = array<i32>} : memref<32x128xf32, #tpu.memory_space<vmem>>, vector<16xf32>,
          %get3A_1103 = arith.index_cast %add3A_1052 : i32 to index
          %get3A_1104 = arith.constant 96 : index
          %get3A_1105 = tpu.vector_load %arg25[%get3A_1103, %get3A_1104] {strides = array<i32>} : memref<32x128xf32, #tpu.memory_space<vmem>>, vector<16xf32>,
          %mul3A_1106 = arith.mulf %get3A_1105, %gather3A_1060 : vector<16xf32>
          %swap3A_1107 = arith.index_cast %add3A_1052 : i32 to index
          %swap3A_1108 = arith.constant 96 : index
          %swap3A_1109 = tpu.vector_load %arg25[%swap3A_1107, %swap3A_1108] {strides = array<i32>} : memref<32x128xf32, #tpu.memory_space<vmem>>, vector<16xf32>,
          tpu.vector_store %arg25[%swap3A_1107, %swap3A_1108], %mul3A_1106 {strides = array<i32>} : memref<32x128xf32, #tpu.memory_space<vmem>>, vector<16xf32>,
          %get3A_1110 = arith.index_cast %add3A_1052 : i32 to index
          %get3A_1111 = arith.constant 112 : index
          %get3A_1112 = tpu.vector_load %arg25[%get3A_1110, %get3A_1111] {strides = array<i32>} : memref<32x128xf32, #tpu.memory_space<vmem>>, vector<16xf32>,
          %mul3A_1113 = arith.mulf %get3A_1112, %gather3A_1060 : vector<16xf32>
          %swap3A_1114 = arith.index_cast %add3A_1052 : i32 to index
          %swap3A_1115 = arith.constant 112 : index
          %swap3A_1116 = tpu.vector_load %arg25[%swap3A_1114, %swap3A_1115] {strides = array<i32>} : memref<32x128xf32, #tpu.memory_space<vmem>>, vector<16xf32>,
          tpu.vector_store %arg25[%swap3A_1114, %swap3A_1115], %mul3A_1113 {strides = array<i32>} : memref<32x128xf32, #tpu.memory_space<vmem>>, vector<16xf32>,
          %mul3A_1117 = arith.constant 4 : i32
          %mul3A_1118 = arith.muli %scan3A_839, %mul3A_1117 : i32
          %add3A_1119 = arith.constant 0 : i32
          %add3A_1120 = arith.addi %mul3A_1118, %add3A_1119 : i32
          %broadcast_in_dim3A_1121 = arith.constant 2 : i32
          %broadcast_in_dim3A_1122 = vector.broadcast %broadcast_in_dim3A_1121 : i32 to vector<16x1xi32>
          %gather3A_1123 = vector.shape_cast %broadcast_in_dim3A_1122 : vector<16x1xi32> to vector<16xi32>
          %gather3A_1124 = tpu.dynamic_gather %get3A_844[%gather3A_1123] in [0] : vector<16xf32>, vector<16xi32> -> vector<16xf32>
          %broadcast_in_dim3A_1125 = arith.constant 3 : i32
          %broadcast_in_dim3A_1126 = vector.broadcast %broadcast_in_dim3A_1125 : i32 to vector<16x1xi32>
          %gather3A_1127 = vector.shape_cast %broadcast_in_dim3A_1126 : vector<16x1xi32> to vector<16xi32>
          %gather3A_1128 = tpu.dynamic_gather %get3A_844[%gather3A_1127] in [0] : vector<16xf32>, vector<16xi32> -> vector<16xf32>
          %get3A_1129 = arith.index_cast %add3A_1120 : i32 to index
          %get3A_1130 = arith.constant 0 : index
          %get3A_1131 = tpu.vector_load %arg26[%get3A_1129, %get3A_1130] {strides = array<i32>} : memref<32x128xf32, #tpu.memory_space<vmem>>, vector<16xf32>,
          %mul3A_1132 = arith.mulf %get3A_1131, %gather3A_1124 : vector<16xf32>
          %swap3A_1133 = arith.index_cast %add3A_1120 : i32 to index
          %swap3A_1134 = arith.constant 0 : index
          %swap3A_1135 = tpu.vector_load %arg26[%swap3A_1133, %swap3A_1134] {strides = array<i32>} : memref<32x128xf32, #tpu.memory_space<vmem>>, vector<16xf32>,
          tpu.vector_store %arg26[%swap3A_1133, %swap3A_1134], %mul3A_1132 {strides = array<i32>} : memref<32x128xf32, #tpu.memory_space<vmem>>, vector<16xf32>,
          %get3A_1136 = arith.index_cast %add3A_1120 : i32 to index
          %get3A_1137 = arith.constant 16 : index
          %get3A_1138 = tpu.vector_load %arg26[%get3A_1136, %get3A_1137] {strides = array<i32>} : memref<32x128xf32, #tpu.memory_space<vmem>>, vector<16xf32>,
          %mul3A_1139 = arith.mulf %get3A_1138, %gather3A_1124 : vector<16xf32>
          %swap3A_1140 = arith.index_cast %add3A_1120 : i32 to index
          %swap3A_1141 = arith.constant 16 : index
          %swap3A_1142 = tpu.vector_load %arg26[%swap3A_1140, %swap3A_1141] {strides = array<i32>} : memref<32x128xf32, #tpu.memory_space<vmem>>, vector<16xf32>,
          tpu.vector_store %arg26[%swap3A_1140, %swap3A_1141], %mul3A_1139 {strides = array<i32>} : memref<32x128xf32, #tpu.memory_space<vmem>>, vector<16xf32>,
          %get3A_1143 = arith.index_cast %add3A_1120 : i32 to index
          %get3A_1144 = arith.constant 32 : index
          %get3A_1145 = tpu.vector_load %arg26[%get3A_1143, %get3A_1144] {strides = array<i32>} : memref<32x128xf32, #tpu.memory_space<vmem>>, vector<16xf32>,
          %mul3A_1146 = arith.mulf %get3A_1145, %gather3A_1124 : vector<16xf32>
          %swap3A_1147 = arith.index_cast %add3A_1120 : i32 to index
          %swap3A_1148 = arith.constant 32 : index
          %swap3A_1149 = tpu.vector_load %arg26[%swap3A_1147, %swap3A_1148] {strides = array<i32>} : memref<32x128xf32, #tpu.memory_space<vmem>>, vector<16xf32>,
          tpu.vector_store %arg26[%swap3A_1147, %swap3A_1148], %mul3A_1146 {strides = array<i32>} : memref<32x128xf32, #tpu.memory_space<vmem>>, vector<16xf32>,
          %get3A_1150 = arith.index_cast %add3A_1120 : i32 to index
          %get3A_1151 = arith.constant 48 : index
          %get3A_1152 = tpu.vector_load %arg26[%get3A_1150, %get3A_1151] {strides = array<i32>} : memref<32x128xf32, #tpu.memory_space<vmem>>, vector<16xf32>,
          %mul3A_1153 = arith.mulf %get3A_1152, %gather3A_1124 : vector<16xf32>
          %swap3A_1154 = arith.index_cast %add3A_1120 : i32 to index
          %swap3A_1155 = arith.constant 48 : index
          %swap3A_1156 = tpu.vector_load %arg26[%swap3A_1154, %swap3A_1155] {strides = array<i32>} : memref<32x128xf32, #tpu.memory_space<vmem>>, vector<16xf32>,
          tpu.vector_store %arg26[%swap3A_1154, %swap3A_1155], %mul3A_1153 {strides = array<i32>} : memref<32x128xf32, #tpu.memory_space<vmem>>, vector<16xf32>,
          %get3A_1157 = arith.index_cast %add3A_1120 : i32 to index
          %get3A_1158 = arith.constant 64 : index
          %get3A_1159 = tpu.vector_load %arg26[%get3A_1157, %get3A_1158] {strides = array<i32>} : memref<32x128xf32, #tpu.memory_space<vmem>>, vector<16xf32>,
          %mul3A_1160 = arith.mulf %get3A_1159, %gather3A_1128 : vector<16xf32>
          %swap3A_1161 = arith.index_cast %add3A_1120 : i32 to index
          %swap3A_1162 = arith.constant 64 : index
          %swap3A_1163 = tpu.vector_load %arg26[%swap3A_1161, %swap3A_1162] {strides = array<i32>} : memref<32x128xf32, #tpu.memory_space<vmem>>, vector<16xf32>,
          tpu.vector_store %arg26[%swap3A_1161, %swap3A_1162], %mul3A_1160 {strides = array<i32>} : memref<32x128xf32, #tpu.memory_space<vmem>>, vector<16xf32>,
          %get3A_1164 = arith.index_cast %add3A_1120 : i32 to index
          %get3A_1165 = arith.constant 80 : index
          %get3A_1166 = tpu.vector_load %arg26[%get3A_1164, %get3A_1165] {strides = array<i32>} : memref<32x128xf32, #tpu.memory_space<vmem>>, vector<16xf32>,
          %mul3A_1167 = arith.mulf %get3A_1166, %gather3A_1128 : vector<16xf32>
          %swap3A_1168 = arith.index_cast %add3A_1120 : i32 to index
          %swap3A_1169 = arith.constant 80 : index
          %swap3A_1170 = tpu.vector_load %arg26[%swap3A_1168, %swap3A_1169] {strides = array<i32>} : memref<32x128xf32, #tpu.memory_space<vmem>>, vector<16xf32>,
          tpu.vector_store %arg26[%swap3A_1168, %swap3A_1169], %mul3A_1167 {strides = array<i32>} : memref<32x128xf32, #tpu.memory_space<vmem>>, vector<16xf32>,
          %get3A_1171 = arith.index_cast %add3A_1120 : i32 to index
          %get3A_1172 = arith.constant 96 : index
          %get3A_1173 = tpu.vector_load %arg26[%get3A_1171, %get3A_1172] {strides = array<i32>} : memref<32x128xf32, #tpu.memory_space<vmem>>, vector<16xf32>,
          %mul3A_1174 = arith.mulf %get3A_1173, %gather3A_1128 : vector<16xf32>
          %swap3A_1175 = arith.index_cast %add3A_1120 : i32 to index
          %swap3A_1176 = arith.constant 96 : index
          %swap3A_1177 = tpu.vector_load %arg26[%swap3A_1175, %swap3A_1176] {strides = array<i32>} : memref<32x128xf32, #tpu.memory_space<vmem>>, vector<16xf32>,
          tpu.vector_store %arg26[%swap3A_1175, %swap3A_1176], %mul3A_1174 {strides = array<i32>} : memref<32x128xf32, #tpu.memory_space<vmem>>, vector<16xf32>,
          %get3A_1178 = arith.index_cast %add3A_1120 : i32 to index
          %get3A_1179 = arith.constant 112 : index
          %get3A_1180 = tpu.vector_load %arg26[%get3A_1178, %get3A_1179] {strides = array<i32>} : memref<32x128xf32, #tpu.memory_space<vmem>>, vector<16xf32>,
          %mul3A_1181 = arith.mulf %get3A_1180, %gather3A_1128 : vector<16xf32>
          %swap3A_1182 = arith.index_cast %add3A_1120 : i32 to index
          %swap3A_1183 = arith.constant 112 : index
          %swap3A_1184 = tpu.vector_load %arg26[%swap3A_1182, %swap3A_1183] {strides = array<i32>} : memref<32x128xf32, #tpu.memory_space<vmem>>, vector<16xf32>,
          tpu.vector_store %arg26[%swap3A_1182, %swap3A_1183], %mul3A_1181 {strides = array<i32>} : memref<32x128xf32, #tpu.memory_space<vmem>>, vector<16xf32>,
          %mul3A_1185 = arith.constant 4 : i32
          %mul3A_1186 = arith.muli %scan3A_839, %mul3A_1185 : i32
          %add3A_1187 = arith.constant 1 : i32
          %add3A_1188 = arith.addi %mul3A_1186, %add3A_1187 : i32
          %broadcast_in_dim3A_1189 = arith.constant 6 : i32
          %broadcast_in_dim3A_1190 = vector.broadcast %broadcast_in_dim3A_1189 : i32 to vector<16x1xi32>
          %gather3A_1191 = vector.shape_cast %broadcast_in_dim3A_1190 : vector<16x1xi32> to vector<16xi32>
          %gather3A_1192 = tpu.dynamic_gather %get3A_844[%gather3A_1191] in [0] : vector<16xf32>, vector<16xi32> -> vector<16xf32>
          %broadcast_in_dim3A_1193 = arith.constant 7 : i32
          %broadcast_in_dim3A_1194 = vector.broadcast %broadcast_in_dim3A_1193 : i32 to vector<16x1xi32>
          %gather3A_1195 = vector.shape_cast %broadcast_in_dim3A_1194 : vector<16x1xi32> to vector<16xi32>
          %gather3A_1196 = tpu.dynamic_gather %get3A_844[%gather3A_1195] in [0] : vector<16xf32>, vector<16xi32> -> vector<16xf32>
          %get3A_1197 = arith.index_cast %add3A_1188 : i32 to index
          %get3A_1198 = arith.constant 0 : index
          %get3A_1199 = tpu.vector_load %arg26[%get3A_1197, %get3A_1198] {strides = array<i32>} : memref<32x128xf32, #tpu.memory_space<vmem>>, vector<16xf32>,
          %mul3A_1200 = arith.mulf %get3A_1199, %gather3A_1192 : vector<16xf32>
          %swap3A_1201 = arith.index_cast %add3A_1188 : i32 to index
          %swap3A_1202 = arith.constant 0 : index
          %swap3A_1203 = tpu.vector_load %arg26[%swap3A_1201, %swap3A_1202] {strides = array<i32>} : memref<32x128xf32, #tpu.memory_space<vmem>>, vector<16xf32>,
          tpu.vector_store %arg26[%swap3A_1201, %swap3A_1202], %mul3A_1200 {strides = array<i32>} : memref<32x128xf32, #tpu.memory_space<vmem>>, vector<16xf32>,
          %get3A_1204 = arith.index_cast %add3A_1188 : i32 to index
          %get3A_1205 = arith.constant 16 : index
          %get3A_1206 = tpu.vector_load %arg26[%get3A_1204, %get3A_1205] {strides = array<i32>} : memref<32x128xf32, #tpu.memory_space<vmem>>, vector<16xf32>,
          %mul3A_1207 = arith.mulf %get3A_1206, %gather3A_1192 : vector<16xf32>
          %swap3A_1208 = arith.index_cast %add3A_1188 : i32 to index
          %swap3A_1209 = arith.constant 16 : index
          %swap3A_1210 = tpu.vector_load %arg26[%swap3A_1208, %swap3A_1209] {strides = array<i32>} : memref<32x128xf32, #tpu.memory_space<vmem>>, vector<16xf32>,
          tpu.vector_store %arg26[%swap3A_1208, %swap3A_1209], %mul3A_1207 {strides = array<i32>} : memref<32x128xf32, #tpu.memory_space<vmem>>, vector<16xf32>,
          %get3A_1211 = arith.index_cast %add3A_1188 : i32 to index
          %get3A_1212 = arith.constant 32 : index
          %get3A_1213 = tpu.vector_load %arg26[%get3A_1211, %get3A_1212] {strides = array<i32>} : memref<32x128xf32, #tpu.memory_space<vmem>>, vector<16xf32>,
          %mul3A_1214 = arith.mulf %get3A_1213, %gather3A_1192 : vector<16xf32>
          %swap3A_1215 = arith.index_cast %add3A_1188 : i32 to index
          %swap3A_1216 = arith.constant 32 : index
          %swap3A_1217 = tpu.vector_load %arg26[%swap3A_1215, %swap3A_1216] {strides = array<i32>} : memref<32x128xf32, #tpu.memory_space<vmem>>, vector<16xf32>,
          tpu.vector_store %arg26[%swap3A_1215, %swap3A_1216], %mul3A_1214 {strides = array<i32>} : memref<32x128xf32, #tpu.memory_space<vmem>>, vector<16xf32>,
          %get3A_1218 = arith.index_cast %add3A_1188 : i32 to index
          %get3A_1219 = arith.constant 48 : index
          %get3A_1220 = tpu.vector_load %arg26[%get3A_1218, %get3A_1219] {strides = array<i32>} : memref<32x128xf32, #tpu.memory_space<vmem>>, vector<16xf32>,
          %mul3A_1221 = arith.mulf %get3A_1220, %gather3A_1192 : vector<16xf32>
          %swap3A_1222 = arith.index_cast %add3A_1188 : i32 to index
          %swap3A_1223 = arith.constant 48 : index
          %swap3A_1224 = tpu.vector_load %arg26[%swap3A_1222, %swap3A_1223] {strides = array<i32>} : memref<32x128xf32, #tpu.memory_space<vmem>>, vector<16xf32>,
          tpu.vector_store %arg26[%swap3A_1222, %swap3A_1223], %mul3A_1221 {strides = array<i32>} : memref<32x128xf32, #tpu.memory_space<vmem>>, vector<16xf32>,
          %get3A_1225 = arith.index_cast %add3A_1188 : i32 to index
          %get3A_1226 = arith.constant 64 : index
          %get3A_1227 = tpu.vector_load %arg26[%get3A_1225, %get3A_1226] {strides = array<i32>} : memref<32x128xf32, #tpu.memory_space<vmem>>, vector<16xf32>,
          %mul3A_1228 = arith.mulf %get3A_1227, %gather3A_1196 : vector<16xf32>
          %swap3A_1229 = arith.index_cast %add3A_1188 : i32 to index
          %swap3A_1230 = arith.constant 64 : index
          %swap3A_1231 = tpu.vector_load %arg26[%swap3A_1229, %swap3A_1230] {strides = array<i32>} : memref<32x128xf32, #tpu.memory_space<vmem>>, vector<16xf32>,
          tpu.vector_store %arg26[%swap3A_1229, %swap3A_1230], %mul3A_1228 {strides = array<i32>} : memref<32x128xf32, #tpu.memory_space<vmem>>, vector<16xf32>,
          %get3A_1232 = arith.index_cast %add3A_1188 : i32 to index
          %get3A_1233 = arith.constant 80 : index
          %get3A_1234 = tpu.vector_load %arg26[%get3A_1232, %get3A_1233] {strides = array<i32>} : memref<32x128xf32, #tpu.memory_space<vmem>>, vector<16xf32>,
          %mul3A_1235 = arith.mulf %get3A_1234, %gather3A_1196 : vector<16xf32>
          %swap3A_1236 = arith.index_cast %add3A_1188 : i32 to index
          %swap3A_1237 = arith.constant 80 : index
          %swap3A_1238 = tpu.vector_load %arg26[%swap3A_1236, %swap3A_1237] {strides = array<i32>} : memref<32x128xf32, #tpu.memory_space<vmem>>, vector<16xf32>,
          tpu.vector_store %arg26[%swap3A_1236, %swap3A_1237], %mul3A_1235 {strides = array<i32>} : memref<32x128xf32, #tpu.memory_space<vmem>>, vector<16xf32>,
          %get3A_1239 = arith.index_cast %add3A_1188 : i32 to index
          %get3A_1240 = arith.constant 96 : index
          %get3A_1241 = tpu.vector_load %arg26[%get3A_1239, %get3A_1240] {strides = array<i32>} : memref<32x128xf32, #tpu.memory_space<vmem>>, vector<16xf32>,
          %mul3A_1242 = arith.mulf %get3A_1241, %gather3A_1196 : vector<16xf32>
          %swap3A_1243 = arith.index_cast %add3A_1188 : i32 to index
          %swap3A_1244 = arith.constant 96 : index
          %swap3A_1245 = tpu.vector_load %arg26[%swap3A_1243, %swap3A_1244] {strides = array<i32>} : memref<32x128xf32, #tpu.memory_space<vmem>>, vector<16xf32>,
          tpu.vector_store %arg26[%swap3A_1243, %swap3A_1244], %mul3A_1242 {strides = array<i32>} : memref<32x128xf32, #tpu.memory_space<vmem>>, vector<16xf32>,
          %get3A_1246 = arith.index_cast %add3A_1188 : i32 to index
          %get3A_1247 = arith.constant 112 : index
          %get3A_1248 = tpu.vector_load %arg26[%get3A_1246, %get3A_1247] {strides = array<i32>} : memref<32x128xf32, #tpu.memory_space<vmem>>, vector<16xf32>,
          %mul3A_1249 = arith.mulf %get3A_1248, %gather3A_1196 : vector<16xf32>
          %swap3A_1250 = arith.index_cast %add3A_1188 : i32 to index
          %swap3A_1251 = arith.constant 112 : index
          %swap3A_1252 = tpu.vector_load %arg26[%swap3A_1250, %swap3A_1251] {strides = array<i32>} : memref<32x128xf32, #tpu.memory_space<vmem>>, vector<16xf32>,
          tpu.vector_store %arg26[%swap3A_1250, %swap3A_1251], %mul3A_1249 {strides = array<i32>} : memref<32x128xf32, #tpu.memory_space<vmem>>, vector<16xf32>,
          %mul3A_1253 = arith.constant 4 : i32
          %mul3A_1254 = arith.muli %scan3A_839, %mul3A_1253 : i32
          %add3A_1255 = arith.constant 2 : i32
          %add3A_1256 = arith.addi %mul3A_1254, %add3A_1255 : i32
          %broadcast_in_dim3A_1257 = arith.constant 10 : i32
          %broadcast_in_dim3A_1258 = vector.broadcast %broadcast_in_dim3A_1257 : i32 to vector<16x1xi32>
          %gather3A_1259 = vector.shape_cast %broadcast_in_dim3A_1258 : vector<16x1xi32> to vector<16xi32>
          %gather3A_1260 = tpu.dynamic_gather %get3A_844[%gather3A_1259] in [0] : vector<16xf32>, vector<16xi32> -> vector<16xf32>
          %broadcast_in_dim3A_1261 = arith.constant 11 : i32
          %broadcast_in_dim3A_1262 = vector.broadcast %broadcast_in_dim3A_1261 : i32 to vector<16x1xi32>
          %gather3A_1263 = vector.shape_cast %broadcast_in_dim3A_1262 : vector<16x1xi32> to vector<16xi32>
          %gather3A_1264 = tpu.dynamic_gather %get3A_844[%gather3A_1263] in [0] : vector<16xf32>, vector<16xi32> -> vector<16xf32>
          %get3A_1265 = arith.index_cast %add3A_1256 : i32 to index
          %get3A_1266 = arith.constant 0 : index
          %get3A_1267 = tpu.vector_load %arg26[%get3A_1265, %get3A_1266] {strides = array<i32>} : memref<32x128xf32, #tpu.memory_space<vmem>>, vector<16xf32>,
          %mul3A_1268 = arith.mulf %get3A_1267, %gather3A_1260 : vector<16xf32>
          %swap3A_1269 = arith.index_cast %add3A_1256 : i32 to index
          %swap3A_1270 = arith.constant 0 : index
          %swap3A_1271 = tpu.vector_load %arg26[%swap3A_1269, %swap3A_1270] {strides = array<i32>} : memref<32x128xf32, #tpu.memory_space<vmem>>, vector<16xf32>,
          tpu.vector_store %arg26[%swap3A_1269, %swap3A_1270], %mul3A_1268 {strides = array<i32>} : memref<32x128xf32, #tpu.memory_space<vmem>>, vector<16xf32>,
          %get3A_1272 = arith.index_cast %add3A_1256 : i32 to index
          %get3A_1273 = arith.constant 16 : index
          %get3A_1274 = tpu.vector_load %arg26[%get3A_1272, %get3A_1273] {strides = array<i32>} : memref<32x128xf32, #tpu.memory_space<vmem>>, vector<16xf32>,
          %mul3A_1275 = arith.mulf %get3A_1274, %gather3A_1260 : vector<16xf32>
          %swap3A_1276 = arith.index_cast %add3A_1256 : i32 to index
          %swap3A_1277 = arith.constant 16 : index
          %swap3A_1278 = tpu.vector_load %arg26[%swap3A_1276, %swap3A_1277] {strides = array<i32>} : memref<32x128xf32, #tpu.memory_space<vmem>>, vector<16xf32>,
          tpu.vector_store %arg26[%swap3A_1276, %swap3A_1277], %mul3A_1275 {strides = array<i32>} : memref<32x128xf32, #tpu.memory_space<vmem>>, vector<16xf32>,
          %get3A_1279 = arith.index_cast %add3A_1256 : i32 to index
          %get3A_1280 = arith.constant 32 : index
          %get3A_1281 = tpu.vector_load %arg26[%get3A_1279, %get3A_1280] {strides = array<i32>} : memref<32x128xf32, #tpu.memory_space<vmem>>, vector<16xf32>,
          %mul3A_1282 = arith.mulf %get3A_1281, %gather3A_1260 : vector<16xf32>
          %swap3A_1283 = arith.index_cast %add3A_1256 : i32 to index
          %swap3A_1284 = arith.constant 32 : index
          %swap3A_1285 = tpu.vector_load %arg26[%swap3A_1283, %swap3A_1284] {strides = array<i32>} : memref<32x128xf32, #tpu.memory_space<vmem>>, vector<16xf32>,
          tpu.vector_store %arg26[%swap3A_1283, %swap3A_1284], %mul3A_1282 {strides = array<i32>} : memref<32x128xf32, #tpu.memory_space<vmem>>, vector<16xf32>,
          %get3A_1286 = arith.index_cast %add3A_1256 : i32 to index
          %get3A_1287 = arith.constant 48 : index
          %get3A_1288 = tpu.vector_load %arg26[%get3A_1286, %get3A_1287] {strides = array<i32>} : memref<32x128xf32, #tpu.memory_space<vmem>>, vector<16xf32>,
          %mul3A_1289 = arith.mulf %get3A_1288, %gather3A_1260 : vector<16xf32>
          %swap3A_1290 = arith.index_cast %add3A_1256 : i32 to index
          %swap3A_1291 = arith.constant 48 : index
          %swap3A_1292 = tpu.vector_load %arg26[%swap3A_1290, %swap3A_1291] {strides = array<i32>} : memref<32x128xf32, #tpu.memory_space<vmem>>, vector<16xf32>,
          tpu.vector_store %arg26[%swap3A_1290, %swap3A_1291], %mul3A_1289 {strides = array<i32>} : memref<32x128xf32, #tpu.memory_space<vmem>>, vector<16xf32>,
          %get3A_1293 = arith.index_cast %add3A_1256 : i32 to index
          %get3A_1294 = arith.constant 64 : index
          %get3A_1295 = tpu.vector_load %arg26[%get3A_1293, %get3A_1294] {strides = array<i32>} : memref<32x128xf32, #tpu.memory_space<vmem>>, vector<16xf32>,
          %mul3A_1296 = arith.mulf %get3A_1295, %gather3A_1264 : vector<16xf32>
          %swap3A_1297 = arith.index_cast %add3A_1256 : i32 to index
          %swap3A_1298 = arith.constant 64 : index
          %swap3A_1299 = tpu.vector_load %arg26[%swap3A_1297, %swap3A_1298] {strides = array<i32>} : memref<32x128xf32, #tpu.memory_space<vmem>>, vector<16xf32>,
          tpu.vector_store %arg26[%swap3A_1297, %swap3A_1298], %mul3A_1296 {strides = array<i32>} : memref<32x128xf32, #tpu.memory_space<vmem>>, vector<16xf32>,
          %get3A_1300 = arith.index_cast %add3A_1256 : i32 to index
          %get3A_1301 = arith.constant 80 : index
          %get3A_1302 = tpu.vector_load %arg26[%get3A_1300, %get3A_1301] {strides = array<i32>} : memref<32x128xf32, #tpu.memory_space<vmem>>, vector<16xf32>,
          %mul3A_1303 = arith.mulf %get3A_1302, %gather3A_1264 : vector<16xf32>
          %swap3A_1304 = arith.index_cast %add3A_1256 : i32 to index
          %swap3A_1305 = arith.constant 80 : index
          %swap3A_1306 = tpu.vector_load %arg26[%swap3A_1304, %swap3A_1305] {strides = array<i32>} : memref<32x128xf32, #tpu.memory_space<vmem>>, vector<16xf32>,
          tpu.vector_store %arg26[%swap3A_1304, %swap3A_1305], %mul3A_1303 {strides = array<i32>} : memref<32x128xf32, #tpu.memory_space<vmem>>, vector<16xf32>,
          %get3A_1307 = arith.index_cast %add3A_1256 : i32 to index
          %get3A_1308 = arith.constant 96 : index
          %get3A_1309 = tpu.vector_load %arg26[%get3A_1307, %get3A_1308] {strides = array<i32>} : memref<32x128xf32, #tpu.memory_space<vmem>>, vector<16xf32>,
          %mul3A_1310 = arith.mulf %get3A_1309, %gather3A_1264 : vector<16xf32>
          %swap3A_1311 = arith.index_cast %add3A_1256 : i32 to index
          %swap3A_1312 = arith.constant 96 : index
          %swap3A_1313 = tpu.vector_load %arg26[%swap3A_1311, %swap3A_1312] {strides = array<i32>} : memref<32x128xf32, #tpu.memory_space<vmem>>, vector<16xf32>,
          tpu.vector_store %arg26[%swap3A_1311, %swap3A_1312], %mul3A_1310 {strides = array<i32>} : memref<32x128xf32, #tpu.memory_space<vmem>>, vector<16xf32>,
          %get3A_1314 = arith.index_cast %add3A_1256 : i32 to index
          %get3A_1315 = arith.constant 112 : index
          %get3A_1316 = tpu.vector_load %arg26[%get3A_1314, %get3A_1315] {strides = array<i32>} : memref<32x128xf32, #tpu.memory_space<vmem>>, vector<16xf32>,
          %mul3A_1317 = arith.mulf %get3A_1316, %gather3A_1264 : vector<16xf32>
          %swap3A_1318 = arith.index_cast %add3A_1256 : i32 to index
          %swap3A_1319 = arith.constant 112 : index
          %swap3A_1320 = tpu.vector_load %arg26[%swap3A_1318, %swap3A_1319] {strides = array<i32>} : memref<32x128xf32, #tpu.memory_space<vmem>>, vector<16xf32>,
          tpu.vector_store %arg26[%swap3A_1318, %swap3A_1319], %mul3A_1317 {strides = array<i32>} : memref<32x128xf32, #tpu.memory_space<vmem>>, vector<16xf32>,
          %mul3A_1321 = arith.constant 4 : i32
          %mul3A_1322 = arith.muli %scan3A_839, %mul3A_1321 : i32
          %add3A_1323 = arith.constant 3 : i32
          %add3A_1324 = arith.addi %mul3A_1322, %add3A_1323 : i32
          %broadcast_in_dim3A_1325 = arith.constant 14 : i32
          %broadcast_in_dim3A_1326 = vector.broadcast %broadcast_in_dim3A_1325 : i32 to vector<16x1xi32>
          %gather3A_1327 = vector.shape_cast %broadcast_in_dim3A_1326 : vector<16x1xi32> to vector<16xi32>
          %gather3A_1328 = tpu.dynamic_gather %get3A_844[%gather3A_1327] in [0] : vector<16xf32>, vector<16xi32> -> vector<16xf32>
          %broadcast_in_dim3A_1329 = arith.constant 15 : i32
          %broadcast_in_dim3A_1330 = vector.broadcast %broadcast_in_dim3A_1329 : i32 to vector<16x1xi32>
          %gather3A_1331 = vector.shape_cast %broadcast_in_dim3A_1330 : vector<16x1xi32> to vector<16xi32>
          %gather3A_1332 = tpu.dynamic_gather %get3A_844[%gather3A_1331] in [0] : vector<16xf32>, vector<16xi32> -> vector<16xf32>
          %get3A_1333 = arith.index_cast %add3A_1324 : i32 to index
          %get3A_1334 = arith.constant 0 : index
          %get3A_1335 = tpu.vector_load %arg26[%get3A_1333, %get3A_1334] {strides = array<i32>} : memref<32x128xf32, #tpu.memory_space<vmem>>, vector<16xf32>,
          %mul3A_1336 = arith.mulf %get3A_1335, %gather3A_1328 : vector<16xf32>
          %swap3A_1337 = arith.index_cast %add3A_1324 : i32 to index
          %swap3A_1338 = arith.constant 0 : index
          %swap3A_1339 = tpu.vector_load %arg26[%swap3A_1337, %swap3A_1338] {strides = array<i32>} : memref<32x128xf32, #tpu.memory_space<vmem>>, vector<16xf32>,
          tpu.vector_store %arg26[%swap3A_1337, %swap3A_1338], %mul3A_1336 {strides = array<i32>} : memref<32x128xf32, #tpu.memory_space<vmem>>, vector<16xf32>,
          %get3A_1340 = arith.index_cast %add3A_1324 : i32 to index
          %get3A_1341 = arith.constant 16 : index
          %get3A_1342 = tpu.vector_load %arg26[%get3A_1340, %get3A_1341] {strides = array<i32>} : memref<32x128xf32, #tpu.memory_space<vmem>>, vector<16xf32>,
          %mul3A_1343 = arith.mulf %get3A_1342, %gather3A_1328 : vector<16xf32>
          %swap3A_1344 = arith.index_cast %add3A_1324 : i32 to index
          %swap3A_1345 = arith.constant 16 : index
          %swap3A_1346 = tpu.vector_load %arg26[%swap3A_1344, %swap3A_1345] {strides = array<i32>} : memref<32x128xf32, #tpu.memory_space<vmem>>, vector<16xf32>,
          tpu.vector_store %arg26[%swap3A_1344, %swap3A_1345], %mul3A_1343 {strides = array<i32>} : memref<32x128xf32, #tpu.memory_space<vmem>>, vector<16xf32>,
          %get3A_1347 = arith.index_cast %add3A_1324 : i32 to index
          %get3A_1348 = arith.constant 32 : index
          %get3A_1349 = tpu.vector_load %arg26[%get3A_1347, %get3A_1348] {strides = array<i32>} : memref<32x128xf32, #tpu.memory_space<vmem>>, vector<16xf32>,
          %mul3A_1350 = arith.mulf %get3A_1349, %gather3A_1328 : vector<16xf32>
          %swap3A_1351 = arith.index_cast %add3A_1324 : i32 to index
          %swap3A_1352 = arith.constant 32 : index
          %swap3A_1353 = tpu.vector_load %arg26[%swap3A_1351, %swap3A_1352] {strides = array<i32>} : memref<32x128xf32, #tpu.memory_space<vmem>>, vector<16xf32>,
          tpu.vector_store %arg26[%swap3A_1351, %swap3A_1352], %mul3A_1350 {strides = array<i32>} : memref<32x128xf32, #tpu.memory_space<vmem>>, vector<16xf32>,
          %get3A_1354 = arith.index_cast %add3A_1324 : i32 to index
          %get3A_1355 = arith.constant 48 : index
          %get3A_1356 = tpu.vector_load %arg26[%get3A_1354, %get3A_1355] {strides = array<i32>} : memref<32x128xf32, #tpu.memory_space<vmem>>, vector<16xf32>,
          %mul3A_1357 = arith.mulf %get3A_1356, %gather3A_1328 : vector<16xf32>
          %swap3A_1358 = arith.index_cast %add3A_1324 : i32 to index
          %swap3A_1359 = arith.constant 48 : index
          %swap3A_1360 = tpu.vector_load %arg26[%swap3A_1358, %swap3A_1359] {strides = array<i32>} : memref<32x128xf32, #tpu.memory_space<vmem>>, vector<16xf32>,
          tpu.vector_store %arg26[%swap3A_1358, %swap3A_1359], %mul3A_1357 {strides = array<i32>} : memref<32x128xf32, #tpu.memory_space<vmem>>, vector<16xf32>,
          %get3A_1361 = arith.index_cast %add3A_1324 : i32 to index
          %get3A_1362 = arith.constant 64 : index
          %get3A_1363 = tpu.vector_load %arg26[%get3A_1361, %get3A_1362] {strides = array<i32>} : memref<32x128xf32, #tpu.memory_space<vmem>>, vector<16xf32>,
          %mul3A_1364 = arith.mulf %get3A_1363, %gather3A_1332 : vector<16xf32>
          %swap3A_1365 = arith.index_cast %add3A_1324 : i32 to index
          %swap3A_1366 = arith.constant 64 : index
          %swap3A_1367 = tpu.vector_load %arg26[%swap3A_1365, %swap3A_1366] {strides = array<i32>} : memref<32x128xf32, #tpu.memory_space<vmem>>, vector<16xf32>,
          tpu.vector_store %arg26[%swap3A_1365, %swap3A_1366], %mul3A_1364 {strides = array<i32>} : memref<32x128xf32, #tpu.memory_space<vmem>>, vector<16xf32>,
          %get3A_1368 = arith.index_cast %add3A_1324 : i32 to index
          %get3A_1369 = arith.constant 80 : index
          %get3A_1370 = tpu.vector_load %arg26[%get3A_1368, %get3A_1369] {strides = array<i32>} : memref<32x128xf32, #tpu.memory_space<vmem>>, vector<16xf32>,
          %mul3A_1371 = arith.mulf %get3A_1370, %gather3A_1332 : vector<16xf32>
          %swap3A_1372 = arith.index_cast %add3A_1324 : i32 to index
          %swap3A_1373 = arith.constant 80 : index
          %swap3A_1374 = tpu.vector_load %arg26[%swap3A_1372, %swap3A_1373] {strides = array<i32>} : memref<32x128xf32, #tpu.memory_space<vmem>>, vector<16xf32>,
          tpu.vector_store %arg26[%swap3A_1372, %swap3A_1373], %mul3A_1371 {strides = array<i32>} : memref<32x128xf32, #tpu.memory_space<vmem>>, vector<16xf32>,
          %get3A_1375 = arith.index_cast %add3A_1324 : i32 to index
          %get3A_1376 = arith.constant 96 : index
          %get3A_1377 = tpu.vector_load %arg26[%get3A_1375, %get3A_1376] {strides = array<i32>} : memref<32x128xf32, #tpu.memory_space<vmem>>, vector<16xf32>,
          %mul3A_1378 = arith.mulf %get3A_1377, %gather3A_1332 : vector<16xf32>
          %swap3A_1379 = arith.index_cast %add3A_1324 : i32 to index
          %swap3A_1380 = arith.constant 96 : index
          %swap3A_1381 = tpu.vector_load %arg26[%swap3A_1379, %swap3A_1380] {strides = array<i32>} : memref<32x128xf32, #tpu.memory_space<vmem>>, vector<16xf32>,
          tpu.vector_store %arg26[%swap3A_1379, %swap3A_1380], %mul3A_1378 {strides = array<i32>} : memref<32x128xf32, #tpu.memory_space<vmem>>, vector<16xf32>,
          %get3A_1382 = arith.index_cast %add3A_1324 : i32 to index
          %get3A_1383 = arith.constant 112 : index
          %get3A_1384 = tpu.vector_load %arg26[%get3A_1382, %get3A_1383] {strides = array<i32>} : memref<32x128xf32, #tpu.memory_space<vmem>>, vector<16xf32>,
          %mul3A_1385 = arith.mulf %get3A_1384, %gather3A_1332 : vector<16xf32>
          %swap3A_1386 = arith.index_cast %add3A_1324 : i32 to index
          %swap3A_1387 = arith.constant 112 : index
          %swap3A_1388 = tpu.vector_load %arg26[%swap3A_1386, %swap3A_1387] {strides = array<i32>} : memref<32x128xf32, #tpu.memory_space<vmem>>, vector<16xf32>,
          tpu.vector_store %arg26[%swap3A_1386, %swap3A_1387], %mul3A_1385 {strides = array<i32>} : memref<32x128xf32, #tpu.memory_space<vmem>>, vector<16xf32>,
          %scan3A_1389 = arith.constant 0 : i32
          scf.yield %scan3A_1389 : i32
        }
        %scan3A_494 = arith.constant 8 : i32
        "tpu.region"() ({
          %run_scoped3A_839 = tpu.sem_alloc : memref<!tpu.dma_semaphore, #tpu.memory_space<semaphore_mem>>
          %dma_start3A_840 = arith.constant 0 : i32
          %dma_start3A_841 = arith.constant 0 : i32
          %dma_start3A_842 = tpu.memref_slice %arg35[%dma_start3A_840, %dma_start3A_841] : memref<4096x128xf32, #tpu.memory_space<vmem_shared>> -> memref<4096x128xf32, #tpu.memory_space<vmem_shared>>
          tpu.enqueue_indirect_dma source(%arg25 : memref<32x128xf32, #tpu.memory_space<vmem>>) target(%dma_start3A_842 : memref<4096x128xf32, #tpu.memory_space<vmem_shared>>) offsets(%arg23 : memref<32xi32, #tpu.memory_space<vmem>>) semaphore(%run_scoped3A_839 : memref<!tpu.dma_semaphore, #tpu.memory_space<semaphore_mem>>) {add = true}
          %dma_wait3A_843 = arith.constant 0 : i32
          %dma_wait3A_844 = arith.constant 0 : i32
          %dma_wait3A_845 = tpu.memref_slice %arg35[%dma_wait3A_843, %dma_wait3A_844] : memref<4096x128xf32, #tpu.memory_space<vmem_shared>> -> memref<4096x128xf32, #tpu.memory_space<vmem_shared>>
          tpu.wait_indirect_dma semaphore(%run_scoped3A_839 : memref<!tpu.dma_semaphore, #tpu.memory_space<semaphore_mem>>) src(%arg25 : memref<32x128xf32, #tpu.memory_space<vmem>>) dst(%dma_wait3A_845 : memref<4096x128xf32, #tpu.memory_space<vmem_shared>>)
          tpu.yield
        }) : () -> ()
        "tpu.region"() ({
          %run_scoped3A_839 = tpu.sem_alloc : memref<!tpu.dma_semaphore, #tpu.memory_space<semaphore_mem>>
          %dma_start3A_840 = arith.constant 0 : i32
          %dma_start3A_841 = arith.constant 0 : i32
          %dma_start3A_842 = tpu.memref_slice %arg36[%dma_start3A_840, %dma_start3A_841] : memref<4096x128xf32, #tpu.memory_space<vmem_shared>> -> memref<4096x128xf32, #tpu.memory_space<vmem_shared>>
          tpu.enqueue_indirect_dma source(%arg26 : memref<32x128xf32, #tpu.memory_space<vmem>>) target(%dma_start3A_842 : memref<4096x128xf32, #tpu.memory_space<vmem_shared>>) offsets(%arg23 : memref<32xi32, #tpu.memory_space<vmem>>) semaphore(%run_scoped3A_839 : memref<!tpu.dma_semaphore, #tpu.memory_space<semaphore_mem>>) {add = true}
          %dma_wait3A_843 = arith.constant 0 : i32
          %dma_wait3A_844 = arith.constant 0 : i32
          %dma_wait3A_845 = tpu.memref_slice %arg36[%dma_wait3A_843, %dma_wait3A_844] : memref<4096x128xf32, #tpu.memory_space<vmem_shared>> -> memref<4096x128xf32, #tpu.memory_space<vmem_shared>>
          tpu.wait_indirect_dma semaphore(%run_scoped3A_839 : memref<!tpu.dma_semaphore, #tpu.memory_space<semaphore_mem>>) src(%arg26 : memref<32x128xf32, #tpu.memory_space<vmem>>) dst(%dma_wait3A_845 : memref<4096x128xf32, #tpu.memory_space<vmem_shared>>)
          tpu.yield
        }) : () -> ()
        %add3A_495 = arith.constant 1 : i32
        %add3A_496 = arith.addi %scan3A_100, %add3A_495 : i32
        %lt3A = arith.constant 68 : i32
        %lt3A_497 = arith.cmpi slt, %add3A_496, %lt3A : i32
        %convert_element_type3A = arith.extui %lt3A_497 : i1 to i32
        %cond3A = arith.constant 0 : i32
        %cond3A_498 = arith.cmpi ne, %convert_element_type3A, %cond3A : i32
        scf.if %cond3A_498 {
          %mul3A_839 = arith.constant 2 : i32
          %mul3A_840 = arith.muli %scan3A_100, %mul3A_839 : i32
          %add3A_841 = arith.constant 2 : i32
          %add3A_842 = arith.addi %mul3A_840, %add3A_841 : i32
          %mul3A_843 = arith.constant 32 : i32
          %mul3A_844 = arith.muli %add3A_842, %mul3A_843 : i32
          %add3A_845 = arith.constant 0 : i32
          %add3A_846 = arith.addi %mul3A_844, %add3A_845 : i32
          %get3A_847 = arith.index_cast %add3A_846 : i32 to index
          %get3A_848 = tpu.vector_load %arg10[%get3A_847] {strides = array<i32>} : memref<4352xi32, #tpu.memory_space<vmem>>, vector<16xi32>,
          %mul3A_849 = arith.constant 4 : i32
          %mul3A_850 = vector.broadcast %mul3A_849 : i32 to vector<16xi32>
          %mul3A_851 = arith.muli %get3A_848, %mul3A_850 : vector<16xi32>
          %add3A_852 = vector.broadcast %add3A : i32 to vector<16xi32>
          %add3A_853 = arith.addi %mul3A_851, %add3A_852 : vector<16xi32>
          %swap3A_854 = arith.constant 0 : index
          %swap3A_855 = tpu.vector_load %arg19[%swap3A_854] {strides = array<i32>} : memref<32xi32, #tpu.memory_space<vmem>>, vector<16xi32>,
          tpu.vector_store %arg19[%swap3A_854], %add3A_853 {strides = array<i32>} : memref<32xi32, #tpu.memory_space<vmem>>, vector<16xi32>,
          %mul3A_856 = arith.constant 4 : i32
          %mul3A_857 = vector.broadcast %mul3A_856 : i32 to vector<16xi32>
          %mul3A_858 = arith.muli %get3A_848, %mul3A_857 : vector<16xi32>
          %add3A_859 = arith.constant 1 : i32
          %add3A_860 = arith.addi %add3A, %add3A_859 : i32
          %add3A_861 = vector.broadcast %add3A_860 : i32 to vector<16xi32>
          %add3A_862 = arith.addi %mul3A_858, %add3A_861 : vector<16xi32>
          %swap3A_863 = arith.constant 0 : index
          %swap3A_864 = tpu.vector_load %arg20[%swap3A_863] {strides = array<i32>} : memref<32xi32, #tpu.memory_space<vmem>>, vector<16xi32>,
          tpu.vector_store %arg20[%swap3A_863], %add3A_862 {strides = array<i32>} : memref<32xi32, #tpu.memory_space<vmem>>, vector<16xi32>,
          %add3A_865 = arith.constant 0 : i32
          %add3A_866 = arith.addi %mul3A_844, %add3A_865 : i32
          %get3A_867 = arith.index_cast %add3A_866 : i32 to index
          %get3A_868 = tpu.vector_load %arg11[%get3A_867] {strides = array<i32>} : memref<4352xi32, #tpu.memory_space<vmem>>, vector<16xi32>,
          %swap3A_869 = arith.constant 0 : index
          %swap3A_870 = tpu.vector_load %arg23[%swap3A_869] {strides = array<i32>} : memref<32xi32, #tpu.memory_space<vmem>>, vector<16xi32>,
          tpu.vector_store %arg23[%swap3A_869], %get3A_868 {strides = array<i32>} : memref<32xi32, #tpu.memory_space<vmem>>, vector<16xi32>,
          %add3A_871 = arith.constant 16 : i32
          %add3A_872 = arith.addi %mul3A_844, %add3A_871 : i32
          %get3A_873 = arith.index_cast %add3A_872 : i32 to index
          %get3A_874 = tpu.vector_load %arg10[%get3A_873] {strides = array<i32>} : memref<4352xi32, #tpu.memory_space<vmem>>, vector<16xi32>,
          %mul3A_875 = arith.constant 4 : i32
          %mul3A_876 = vector.broadcast %mul3A_875 : i32 to vector<16xi32>
          %mul3A_877 = arith.muli %get3A_874, %mul3A_876 : vector<16xi32>
          %add3A_878 = vector.broadcast %add3A : i32 to vector<16xi32>
          %add3A_879 = arith.addi %mul3A_877, %add3A_878 : vector<16xi32>
          %swap3A_880 = arith.constant 16 : index
          %swap3A_881 = tpu.vector_load %arg19[%swap3A_880] {strides = array<i32>} : memref<32xi32, #tpu.memory_space<vmem>>, vector<16xi32>,
          tpu.vector_store %arg19[%swap3A_880], %add3A_879 {strides = array<i32>} : memref<32xi32, #tpu.memory_space<vmem>>, vector<16xi32>,
          %mul3A_882 = arith.constant 4 : i32
          %mul3A_883 = vector.broadcast %mul3A_882 : i32 to vector<16xi32>
          %mul3A_884 = arith.muli %get3A_874, %mul3A_883 : vector<16xi32>
          %add3A_885 = arith.constant 1 : i32
          %add3A_886 = arith.addi %add3A, %add3A_885 : i32
          %add3A_887 = vector.broadcast %add3A_886 : i32 to vector<16xi32>
          %add3A_888 = arith.addi %mul3A_884, %add3A_887 : vector<16xi32>
          %swap3A_889 = arith.constant 16 : index
          %swap3A_890 = tpu.vector_load %arg20[%swap3A_889] {strides = array<i32>} : memref<32xi32, #tpu.memory_space<vmem>>, vector<16xi32>,
          tpu.vector_store %arg20[%swap3A_889], %add3A_888 {strides = array<i32>} : memref<32xi32, #tpu.memory_space<vmem>>, vector<16xi32>,
          %add3A_891 = arith.constant 16 : i32
          %add3A_892 = arith.addi %mul3A_844, %add3A_891 : i32
          %get3A_893 = arith.index_cast %add3A_892 : i32 to index
          %get3A_894 = tpu.vector_load %arg11[%get3A_893] {strides = array<i32>} : memref<4352xi32, #tpu.memory_space<vmem>>, vector<16xi32>,
          %swap3A_895 = arith.constant 16 : index
          %swap3A_896 = tpu.vector_load %arg23[%swap3A_895] {strides = array<i32>} : memref<32xi32, #tpu.memory_space<vmem>>, vector<16xi32>,
          tpu.vector_store %arg23[%swap3A_895], %get3A_894 {strides = array<i32>} : memref<32xi32, #tpu.memory_space<vmem>>, vector<16xi32>,
          %dma_start3A_897 = arith.constant 0 : i32
          %dma_start3A_898 = arith.constant 0 : i32
          %dma_start3A_899 = tpu.memref_slice %arg2[%dma_start3A_897, %dma_start3A_898] : memref<98304x128xf32, #tpu.memory_space<hbm>> -> memref<98304x128xf32, #tpu.memory_space<hbm>>
          tpu.enqueue_indirect_dma source(%dma_start3A_899 : memref<98304x128xf32, #tpu.memory_space<hbm>>) target(%arg25 : memref<32x128xf32, #tpu.memory_space<vmem>>) offsets(%arg19 : memref<32xi32, #tpu.memory_space<vmem>>) semaphore(%arg30 : memref<!tpu.dma_semaphore, #tpu.memory_space<semaphore_mem>>)
          %dma_start3A_900 = arith.constant 0 : i32
          %dma_start3A_901 = arith.constant 0 : i32
          %dma_start3A_902 = tpu.memref_slice %arg2[%dma_start3A_900, %dma_start3A_901] : memref<98304x128xf32, #tpu.memory_space<hbm>> -> memref<98304x128xf32, #tpu.memory_space<hbm>>
          tpu.enqueue_indirect_dma source(%dma_start3A_902 : memref<98304x128xf32, #tpu.memory_space<hbm>>) target(%arg26 : memref<32x128xf32, #tpu.memory_space<vmem>>) offsets(%arg20 : memref<32xi32, #tpu.memory_space<vmem>>) semaphore(%arg31 : memref<!tpu.dma_semaphore, #tpu.memory_space<semaphore_mem>>)
        } else {
        }
        %mul3A_499 = arith.constant 2 : i32
        %mul3A_500 = arith.muli %scan3A_100, %mul3A_499 : i32
        %add3A_501 = arith.constant 1 : i32
        %add3A_502 = arith.addi %mul3A_500, %add3A_501 : i32
        %mul3A_503 = arith.constant 32 : i32
        %mul3A_504 = arith.muli %add3A_502, %mul3A_503 : i32
        %add3A_505 = arith.constant 0 : i32
        %add3A_506 = arith.addi %mul3A_504, %add3A_505 : i32
        %get3A_507 = arith.index_cast %add3A_506 : i32 to index
        %get3A_508 = tpu.vector_load %arg10[%get3A_507] {strides = array<i32>} : memref<4352xi32, #tpu.memory_space<vmem>>, vector<16xi32>,
        %add3A_509 = arith.constant 0 : i32
        %add3A_510 = arith.addi %mul3A_504, %add3A_509 : i32
        %get3A_511 = arith.index_cast %add3A_510 : i32 to index
        %get3A_512 = tpu.vector_load %arg11[%get3A_511] {strides = array<i32>} : memref<4352xi32, #tpu.memory_space<vmem>>, vector<16xi32>,
        %add3A_513 = arith.constant 0 : i32
        %add3A_514 = arith.addi %mul3A_504, %add3A_513 : i32
        %get3A_515 = arith.index_cast %add3A_514 : i32 to index
        %get3A_516 = tpu.vector_load %arg12[%get3A_515] {strides = array<i32>} : memref<4352xf32, #tpu.memory_space<vmem>>, vector<16xf32>,
        %add3A_517 = arith.constant 0 : i32
        %add3A_518 = vector.broadcast %add3A_517 : i32 to vector<16xi32>
        %add3A_519 = arith.addi %add3A_518, %get3A_508 : vector<16xi32>
        %gather3A_520 = tpu.vector_load_idx %arg13[%add3A_519] : memref<16384xf32, #tpu.memory_space<vmem>>[vector<16xi32>], vector<16xf32>,
        %bitcast3A_521 = vector.bitcast %gather3A_520 : vector<16xf32> to vector<16xi32>
        %add3A_522 = arith.constant 0 : i32
        %add3A_523 = vector.broadcast %add3A_522 : i32 to vector<16xi32>
        %add3A_524 = arith.addi %add3A_523, %get3A_512 : vector<16xi32>
        %gather3A_525 = tpu.vector_load_idx %arg14[%add3A_524] : memref<8192xf32, #tpu.memory_space<vmem>>[vector<16xi32>], vector<16xf32>,
        %bitcast3A_526 = vector.bitcast %gather3A_525 : vector<16xf32> to vector<16xi32>
        %shift_left3A_527 = arith.constant 16 : i32
        %shift_left3A_528 = vector.broadcast %shift_left3A_527 : i32 to vector<16xi32>
        %shift_left3A_529 = arith.shli %bitcast3A_521, %shift_left3A_528 : vector<16xi32>
        %bitcast3A_530 = vector.bitcast %shift_left3A_529 : vector<16xi32> to vector<16xf32>
        %shift_left3A_531 = arith.constant 16 : i32
        %shift_left3A_532 = vector.broadcast %shift_left3A_531 : i32 to vector<16xi32>
        %shift_left3A_533 = arith.shli %bitcast3A_526, %shift_left3A_532 : vector<16xi32>
        %bitcast3A_534 = vector.bitcast %shift_left3A_533 : vector<16xi32> to vector<16xf32>
        %add3A_535 = arith.addf %bitcast3A_530, %bitcast3A_534 : vector<16xf32>
        %ge3A_536 = arith.constant 0.000000e+00 : f32
        %ge3A_537 = vector.broadcast %ge3A_536 : f32 to vector<16xf32>
        %ge3A_538 = arith.cmpf oge, %add3A_535, %ge3A_537 : vector<16xf32>
        %mul3A_539 = arith.constant 1.000000e-01 : f32
        %mul3A_540 = vector.broadcast %mul3A_539 : f32 to vector<16xf32>
        %mul3A_541 = arith.mulf %add3A_535, %mul3A_540 : vector<16xf32>
        %select_n3A_542 = arith.select %ge3A_538, %add3A_535, %mul3A_541 : vector<16xi1>, vector<16xf32>
        %mul3A_543 = arith.mulf %select_n3A_542, %get3A_516 : vector<16xf32>
        %exp3A_544 = math.exp %mul3A_543 : vector<16xf32>
        %add3A_545 = arith.constant 0 : i32
        %add3A_546 = vector.broadcast %add3A_545 : i32 to vector<16xi32>
        %add3A_547 = arith.addi %iota3A, %add3A_546 : vector<16xi32>
        %mul3A_548 = arith.constant 4 : i32
        %mul3A_549 = vector.broadcast %mul3A_548 : i32 to vector<16xi32>
        %mul3A_550 = arith.muli %add3A_547, %mul3A_549 : vector<16xi32>
        %add3A_551 = arith.constant 0 : i32
        %add3A_552 = vector.broadcast %add3A_551 : i32 to vector<16xi32>
        %add3A_553 = arith.addi %mul3A_550, %add3A_552 : vector<16xi32>
        tpu.vector_store_idx %arg16[%add3A_553], %exp3A_544 : memref<128xf32, #tpu.memory_space<vmem>>[vector<16xi32>], vector<16xf32>,
        %mul3A_554 = arith.constant 4 : i32
        %mul3A_555 = vector.broadcast %mul3A_554 : i32 to vector<16xi32>
        %mul3A_556 = arith.muli %get3A_512, %mul3A_555 : vector<16xi32>
        %add3A_557 = arith.constant 0 : i32
        %add3A_558 = vector.broadcast %add3A_557 : i32 to vector<16xi32>
        %add3A_559 = arith.addi %mul3A_556, %add3A_558 : vector<16xi32>
        tpu.vector_store_idx %arg18[%add3A_553], %add3A_559 : memref<128xi32, #tpu.memory_space<vmem>>[vector<16xi32>], vector<16xi32>,
        %broadcast_in_dim3A_560 = arith.constant -65536 : i32
        %broadcast_in_dim3A_561 = vector.broadcast %broadcast_in_dim3A_560 : i32 to vector<16xi32>
        %and3A_562 = arith.andi %bitcast3A_521, %broadcast_in_dim3A_561 : vector<16xi32>
        %bitcast3A_563 = vector.bitcast %and3A_562 : vector<16xi32> to vector<16xf32>
        %and3A_564 = arith.andi %bitcast3A_526, %broadcast_in_dim3A_561 : vector<16xi32>
        %bitcast3A_565 = vector.bitcast %and3A_564 : vector<16xi32> to vector<16xf32>
        %add3A_566 = arith.addf %bitcast3A_563, %bitcast3A_565 : vector<16xf32>
        %ge3A_567 = arith.constant 0.000000e+00 : f32
        %ge3A_568 = vector.broadcast %ge3A_567 : f32 to vector<16xf32>
        %ge3A_569 = arith.cmpf oge, %add3A_566, %ge3A_568 : vector<16xf32>
        %mul3A_570 = arith.constant 1.000000e-01 : f32
        %mul3A_571 = vector.broadcast %mul3A_570 : f32 to vector<16xf32>
        %mul3A_572 = arith.mulf %add3A_566, %mul3A_571 : vector<16xf32>
        %select_n3A_573 = arith.select %ge3A_569, %add3A_566, %mul3A_572 : vector<16xi1>, vector<16xf32>
        %mul3A_574 = arith.mulf %select_n3A_573, %get3A_516 : vector<16xf32>
        %exp3A_575 = math.exp %mul3A_574 : vector<16xf32>
        %add3A_576 = arith.constant 0 : i32
        %add3A_577 = vector.broadcast %add3A_576 : i32 to vector<16xi32>
        %add3A_578 = arith.addi %iota3A, %add3A_577 : vector<16xi32>
        %mul3A_579 = arith.constant 4 : i32
        %mul3A_580 = vector.broadcast %mul3A_579 : i32 to vector<16xi32>
        %mul3A_581 = arith.muli %add3A_578, %mul3A_580 : vector<16xi32>
        %add3A_582 = arith.constant 1 : i32
        %add3A_583 = vector.broadcast %add3A_582 : i32 to vector<16xi32>
        %add3A_584 = arith.addi %mul3A_581, %add3A_583 : vector<16xi32>
        tpu.vector_store_idx %arg16[%add3A_584], %exp3A_575 : memref<128xf32, #tpu.memory_space<vmem>>[vector<16xi32>], vector<16xf32>,
        %mul3A_585 = arith.constant 4 : i32
        %mul3A_586 = vector.broadcast %mul3A_585 : i32 to vector<16xi32>
        %mul3A_587 = arith.muli %get3A_512, %mul3A_586 : vector<16xi32>
        %add3A_588 = arith.constant 1 : i32
        %add3A_589 = vector.broadcast %add3A_588 : i32 to vector<16xi32>
        %add3A_590 = arith.addi %mul3A_587, %add3A_589 : vector<16xi32>
        tpu.vector_store_idx %arg18[%add3A_584], %add3A_590 : memref<128xi32, #tpu.memory_space<vmem>>[vector<16xi32>], vector<16xi32>,
        %add3A_591 = arith.constant 8192 : i32
        %add3A_592 = vector.broadcast %add3A_591 : i32 to vector<16xi32>
        %add3A_593 = arith.addi %add3A_592, %get3A_508 : vector<16xi32>
        %gather3A_594 = tpu.vector_load_idx %arg13[%add3A_593] : memref<16384xf32, #tpu.memory_space<vmem>>[vector<16xi32>], vector<16xf32>,
        %bitcast3A_595 = vector.bitcast %gather3A_594 : vector<16xf32> to vector<16xi32>
        %add3A_596 = arith.constant 4096 : i32
        %add3A_597 = vector.broadcast %add3A_596 : i32 to vector<16xi32>
        %add3A_598 = arith.addi %add3A_597, %get3A_512 : vector<16xi32>
        %gather3A_599 = tpu.vector_load_idx %arg14[%add3A_598] : memref<8192xf32, #tpu.memory_space<vmem>>[vector<16xi32>], vector<16xf32>,
        %bitcast3A_600 = vector.bitcast %gather3A_599 : vector<16xf32> to vector<16xi32>
        %shift_left3A_601 = arith.constant 16 : i32
        %shift_left3A_602 = vector.broadcast %shift_left3A_601 : i32 to vector<16xi32>
        %shift_left3A_603 = arith.shli %bitcast3A_595, %shift_left3A_602 : vector<16xi32>
        %bitcast3A_604 = vector.bitcast %shift_left3A_603 : vector<16xi32> to vector<16xf32>
        %shift_left3A_605 = arith.constant 16 : i32
        %shift_left3A_606 = vector.broadcast %shift_left3A_605 : i32 to vector<16xi32>
        %shift_left3A_607 = arith.shli %bitcast3A_600, %shift_left3A_606 : vector<16xi32>
        %bitcast3A_608 = vector.bitcast %shift_left3A_607 : vector<16xi32> to vector<16xf32>
        %add3A_609 = arith.addf %bitcast3A_604, %bitcast3A_608 : vector<16xf32>
        %ge3A_610 = arith.constant 0.000000e+00 : f32
        %ge3A_611 = vector.broadcast %ge3A_610 : f32 to vector<16xf32>
        %ge3A_612 = arith.cmpf oge, %add3A_609, %ge3A_611 : vector<16xf32>
        %mul3A_613 = arith.constant 1.000000e-01 : f32
        %mul3A_614 = vector.broadcast %mul3A_613 : f32 to vector<16xf32>
        %mul3A_615 = arith.mulf %add3A_609, %mul3A_614 : vector<16xf32>
        %select_n3A_616 = arith.select %ge3A_612, %add3A_609, %mul3A_615 : vector<16xi1>, vector<16xf32>
        %mul3A_617 = arith.mulf %select_n3A_616, %get3A_516 : vector<16xf32>
        %exp3A_618 = math.exp %mul3A_617 : vector<16xf32>
        %add3A_619 = arith.constant 0 : i32
        %add3A_620 = vector.broadcast %add3A_619 : i32 to vector<16xi32>
        %add3A_621 = arith.addi %iota3A, %add3A_620 : vector<16xi32>
        %mul3A_622 = arith.constant 4 : i32
        %mul3A_623 = vector.broadcast %mul3A_622 : i32 to vector<16xi32>
        %mul3A_624 = arith.muli %add3A_621, %mul3A_623 : vector<16xi32>
        %add3A_625 = arith.constant 2 : i32
        %add3A_626 = vector.broadcast %add3A_625 : i32 to vector<16xi32>
        %add3A_627 = arith.addi %mul3A_624, %add3A_626 : vector<16xi32>
        tpu.vector_store_idx %arg16[%add3A_627], %exp3A_618 : memref<128xf32, #tpu.memory_space<vmem>>[vector<16xi32>], vector<16xf32>,
        %mul3A_628 = arith.constant 4 : i32
        %mul3A_629 = vector.broadcast %mul3A_628 : i32 to vector<16xi32>
        %mul3A_630 = arith.muli %get3A_512, %mul3A_629 : vector<16xi32>
        %add3A_631 = arith.constant 2 : i32
        %add3A_632 = vector.broadcast %add3A_631 : i32 to vector<16xi32>
        %add3A_633 = arith.addi %mul3A_630, %add3A_632 : vector<16xi32>
        tpu.vector_store_idx %arg18[%add3A_627], %add3A_633 : memref<128xi32, #tpu.memory_space<vmem>>[vector<16xi32>], vector<16xi32>,
        %broadcast_in_dim3A_634 = arith.constant -65536 : i32
        %broadcast_in_dim3A_635 = vector.broadcast %broadcast_in_dim3A_634 : i32 to vector<16xi32>
        %and3A_636 = arith.andi %bitcast3A_595, %broadcast_in_dim3A_635 : vector<16xi32>
        %bitcast3A_637 = vector.bitcast %and3A_636 : vector<16xi32> to vector<16xf32>
        %and3A_638 = arith.andi %bitcast3A_600, %broadcast_in_dim3A_635 : vector<16xi32>
        %bitcast3A_639 = vector.bitcast %and3A_638 : vector<16xi32> to vector<16xf32>
        %add3A_640 = arith.addf %bitcast3A_637, %bitcast3A_639 : vector<16xf32>
        %ge3A_641 = arith.constant 0.000000e+00 : f32
        %ge3A_642 = vector.broadcast %ge3A_641 : f32 to vector<16xf32>
        %ge3A_643 = arith.cmpf oge, %add3A_640, %ge3A_642 : vector<16xf32>
        %mul3A_644 = arith.constant 1.000000e-01 : f32
        %mul3A_645 = vector.broadcast %mul3A_644 : f32 to vector<16xf32>
        %mul3A_646 = arith.mulf %add3A_640, %mul3A_645 : vector<16xf32>
        %select_n3A_647 = arith.select %ge3A_643, %add3A_640, %mul3A_646 : vector<16xi1>, vector<16xf32>
        %mul3A_648 = arith.mulf %select_n3A_647, %get3A_516 : vector<16xf32>
        %exp3A_649 = math.exp %mul3A_648 : vector<16xf32>
        %add3A_650 = arith.constant 0 : i32
        %add3A_651 = vector.broadcast %add3A_650 : i32 to vector<16xi32>
        %add3A_652 = arith.addi %iota3A, %add3A_651 : vector<16xi32>
        %mul3A_653 = arith.constant 4 : i32
        %mul3A_654 = vector.broadcast %mul3A_653 : i32 to vector<16xi32>
        %mul3A_655 = arith.muli %add3A_652, %mul3A_654 : vector<16xi32>
        %add3A_656 = arith.constant 3 : i32
        %add3A_657 = vector.broadcast %add3A_656 : i32 to vector<16xi32>
        %add3A_658 = arith.addi %mul3A_655, %add3A_657 : vector<16xi32>
        tpu.vector_store_idx %arg16[%add3A_658], %exp3A_649 : memref<128xf32, #tpu.memory_space<vmem>>[vector<16xi32>], vector<16xf32>,
        %mul3A_659 = arith.constant 4 : i32
        %mul3A_660 = vector.broadcast %mul3A_659 : i32 to vector<16xi32>
        %mul3A_661 = arith.muli %get3A_512, %mul3A_660 : vector<16xi32>
        %add3A_662 = arith.constant 3 : i32
        %add3A_663 = vector.broadcast %add3A_662 : i32 to vector<16xi32>
        %add3A_664 = arith.addi %mul3A_661, %add3A_663 : vector<16xi32>
        tpu.vector_store_idx %arg18[%add3A_658], %add3A_664 : memref<128xi32, #tpu.memory_space<vmem>>[vector<16xi32>], vector<16xi32>,
        %add3A_665 = arith.constant 16 : i32
        %add3A_666 = arith.addi %mul3A_504, %add3A_665 : i32
        %get3A_667 = arith.index_cast %add3A_666 : i32 to index
        %get3A_668 = tpu.vector_load %arg10[%get3A_667] {strides = array<i32>} : memref<4352xi32, #tpu.memory_space<vmem>>, vector<16xi32>,
        %add3A_669 = arith.constant 16 : i32
        %add3A_670 = arith.addi %mul3A_504, %add3A_669 : i32
        %get3A_671 = arith.index_cast %add3A_670 : i32 to index
        %get3A_672 = tpu.vector_load %arg11[%get3A_671] {strides = array<i32>} : memref<4352xi32, #tpu.memory_space<vmem>>, vector<16xi32>,
        %add3A_673 = arith.constant 16 : i32
        %add3A_674 = arith.addi %mul3A_504, %add3A_673 : i32
        %get3A_675 = arith.index_cast %add3A_674 : i32 to index
        %get3A_676 = tpu.vector_load %arg12[%get3A_675] {strides = array<i32>} : memref<4352xf32, #tpu.memory_space<vmem>>, vector<16xf32>,
        %add3A_677 = arith.constant 0 : i32
        %add3A_678 = vector.broadcast %add3A_677 : i32 to vector<16xi32>
        %add3A_679 = arith.addi %add3A_678, %get3A_668 : vector<16xi32>
        %gather3A_680 = tpu.vector_load_idx %arg13[%add3A_679] : memref<16384xf32, #tpu.memory_space<vmem>>[vector<16xi32>], vector<16xf32>,
        %bitcast3A_681 = vector.bitcast %gather3A_680 : vector<16xf32> to vector<16xi32>
        %add3A_682 = arith.constant 0 : i32
        %add3A_683 = vector.broadcast %add3A_682 : i32 to vector<16xi32>
        %add3A_684 = arith.addi %add3A_683, %get3A_672 : vector<16xi32>
        %gather3A_685 = tpu.vector_load_idx %arg14[%add3A_684] : memref<8192xf32, #tpu.memory_space<vmem>>[vector<16xi32>], vector<16xf32>,
        %bitcast3A_686 = vector.bitcast %gather3A_685 : vector<16xf32> to vector<16xi32>
        %shift_left3A_687 = arith.constant 16 : i32
        %shift_left3A_688 = vector.broadcast %shift_left3A_687 : i32 to vector<16xi32>
        %shift_left3A_689 = arith.shli %bitcast3A_681, %shift_left3A_688 : vector<16xi32>
        %bitcast3A_690 = vector.bitcast %shift_left3A_689 : vector<16xi32> to vector<16xf32>
        %shift_left3A_691 = arith.constant 16 : i32
        %shift_left3A_692 = vector.broadcast %shift_left3A_691 : i32 to vector<16xi32>
        %shift_left3A_693 = arith.shli %bitcast3A_686, %shift_left3A_692 : vector<16xi32>
        %bitcast3A_694 = vector.bitcast %shift_left3A_693 : vector<16xi32> to vector<16xf32>
        %add3A_695 = arith.addf %bitcast3A_690, %bitcast3A_694 : vector<16xf32>
        %ge3A_696 = arith.constant 0.000000e+00 : f32
        %ge3A_697 = vector.broadcast %ge3A_696 : f32 to vector<16xf32>
        %ge3A_698 = arith.cmpf oge, %add3A_695, %ge3A_697 : vector<16xf32>
        %mul3A_699 = arith.constant 1.000000e-01 : f32
        %mul3A_700 = vector.broadcast %mul3A_699 : f32 to vector<16xf32>
        %mul3A_701 = arith.mulf %add3A_695, %mul3A_700 : vector<16xf32>
        %select_n3A_702 = arith.select %ge3A_698, %add3A_695, %mul3A_701 : vector<16xi1>, vector<16xf32>
        %mul3A_703 = arith.mulf %select_n3A_702, %get3A_676 : vector<16xf32>
        %exp3A_704 = math.exp %mul3A_703 : vector<16xf32>
        %add3A_705 = arith.constant 16 : i32
        %add3A_706 = vector.broadcast %add3A_705 : i32 to vector<16xi32>
        %add3A_707 = arith.addi %iota3A, %add3A_706 : vector<16xi32>
        %mul3A_708 = arith.constant 4 : i32
        %mul3A_709 = vector.broadcast %mul3A_708 : i32 to vector<16xi32>
        %mul3A_710 = arith.muli %add3A_707, %mul3A_709 : vector<16xi32>
        %add3A_711 = arith.constant 0 : i32
        %add3A_712 = vector.broadcast %add3A_711 : i32 to vector<16xi32>
        %add3A_713 = arith.addi %mul3A_710, %add3A_712 : vector<16xi32>
        tpu.vector_store_idx %arg16[%add3A_713], %exp3A_704 : memref<128xf32, #tpu.memory_space<vmem>>[vector<16xi32>], vector<16xf32>,
        %mul3A_714 = arith.constant 4 : i32
        %mul3A_715 = vector.broadcast %mul3A_714 : i32 to vector<16xi32>
        %mul3A_716 = arith.muli %get3A_672, %mul3A_715 : vector<16xi32>
        %add3A_717 = arith.constant 0 : i32
        %add3A_718 = vector.broadcast %add3A_717 : i32 to vector<16xi32>
        %add3A_719 = arith.addi %mul3A_716, %add3A_718 : vector<16xi32>
        tpu.vector_store_idx %arg18[%add3A_713], %add3A_719 : memref<128xi32, #tpu.memory_space<vmem>>[vector<16xi32>], vector<16xi32>,
        %broadcast_in_dim3A_720 = arith.constant -65536 : i32
        %broadcast_in_dim3A_721 = vector.broadcast %broadcast_in_dim3A_720 : i32 to vector<16xi32>
        %and3A_722 = arith.andi %bitcast3A_681, %broadcast_in_dim3A_721 : vector<16xi32>
        %bitcast3A_723 = vector.bitcast %and3A_722 : vector<16xi32> to vector<16xf32>
        %and3A_724 = arith.andi %bitcast3A_686, %broadcast_in_dim3A_721 : vector<16xi32>
        %bitcast3A_725 = vector.bitcast %and3A_724 : vector<16xi32> to vector<16xf32>
        %add3A_726 = arith.addf %bitcast3A_723, %bitcast3A_725 : vector<16xf32>
        %ge3A_727 = arith.constant 0.000000e+00 : f32
        %ge3A_728 = vector.broadcast %ge3A_727 : f32 to vector<16xf32>
        %ge3A_729 = arith.cmpf oge, %add3A_726, %ge3A_728 : vector<16xf32>
        %mul3A_730 = arith.constant 1.000000e-01 : f32
        %mul3A_731 = vector.broadcast %mul3A_730 : f32 to vector<16xf32>
        %mul3A_732 = arith.mulf %add3A_726, %mul3A_731 : vector<16xf32>
        %select_n3A_733 = arith.select %ge3A_729, %add3A_726, %mul3A_732 : vector<16xi1>, vector<16xf32>
        %mul3A_734 = arith.mulf %select_n3A_733, %get3A_676 : vector<16xf32>
        %exp3A_735 = math.exp %mul3A_734 : vector<16xf32>
        %add3A_736 = arith.constant 16 : i32
        %add3A_737 = vector.broadcast %add3A_736 : i32 to vector<16xi32>
        %add3A_738 = arith.addi %iota3A, %add3A_737 : vector<16xi32>
        %mul3A_739 = arith.constant 4 : i32
        %mul3A_740 = vector.broadcast %mul3A_739 : i32 to vector<16xi32>
        %mul3A_741 = arith.muli %add3A_738, %mul3A_740 : vector<16xi32>
        %add3A_742 = arith.constant 1 : i32
        %add3A_743 = vector.broadcast %add3A_742 : i32 to vector<16xi32>
        %add3A_744 = arith.addi %mul3A_741, %add3A_743 : vector<16xi32>
        tpu.vector_store_idx %arg16[%add3A_744], %exp3A_735 : memref<128xf32, #tpu.memory_space<vmem>>[vector<16xi32>], vector<16xf32>,
        %mul3A_745 = arith.constant 4 : i32
        %mul3A_746 = vector.broadcast %mul3A_745 : i32 to vector<16xi32>
        %mul3A_747 = arith.muli %get3A_672, %mul3A_746 : vector<16xi32>
        %add3A_748 = arith.constant 1 : i32
        %add3A_749 = vector.broadcast %add3A_748 : i32 to vector<16xi32>
        %add3A_750 = arith.addi %mul3A_747, %add3A_749 : vector<16xi32>
        tpu.vector_store_idx %arg18[%add3A_744], %add3A_750 : memref<128xi32, #tpu.memory_space<vmem>>[vector<16xi32>], vector<16xi32>,
        %add3A_751 = arith.constant 8192 : i32
        %add3A_752 = vector.broadcast %add3A_751 : i32 to vector<16xi32>
        %add3A_753 = arith.addi %add3A_752, %get3A_668 : vector<16xi32>
        %gather3A_754 = tpu.vector_load_idx %arg13[%add3A_753] : memref<16384xf32, #tpu.memory_space<vmem>>[vector<16xi32>], vector<16xf32>,
        %bitcast3A_755 = vector.bitcast %gather3A_754 : vector<16xf32> to vector<16xi32>
        %add3A_756 = arith.constant 4096 : i32
        %add3A_757 = vector.broadcast %add3A_756 : i32 to vector<16xi32>
        %add3A_758 = arith.addi %add3A_757, %get3A_672 : vector<16xi32>
        %gather3A_759 = tpu.vector_load_idx %arg14[%add3A_758] : memref<8192xf32, #tpu.memory_space<vmem>>[vector<16xi32>], vector<16xf32>,
        %bitcast3A_760 = vector.bitcast %gather3A_759 : vector<16xf32> to vector<16xi32>
        %shift_left3A_761 = arith.constant 16 : i32
        %shift_left3A_762 = vector.broadcast %shift_left3A_761 : i32 to vector<16xi32>
        %shift_left3A_763 = arith.shli %bitcast3A_755, %shift_left3A_762 : vector<16xi32>
        %bitcast3A_764 = vector.bitcast %shift_left3A_763 : vector<16xi32> to vector<16xf32>
        %shift_left3A_765 = arith.constant 16 : i32
        %shift_left3A_766 = vector.broadcast %shift_left3A_765 : i32 to vector<16xi32>
        %shift_left3A_767 = arith.shli %bitcast3A_760, %shift_left3A_766 : vector<16xi32>
        %bitcast3A_768 = vector.bitcast %shift_left3A_767 : vector<16xi32> to vector<16xf32>
        %add3A_769 = arith.addf %bitcast3A_764, %bitcast3A_768 : vector<16xf32>
        %ge3A_770 = arith.constant 0.000000e+00 : f32
        %ge3A_771 = vector.broadcast %ge3A_770 : f32 to vector<16xf32>
        %ge3A_772 = arith.cmpf oge, %add3A_769, %ge3A_771 : vector<16xf32>
        %mul3A_773 = arith.constant 1.000000e-01 : f32
        %mul3A_774 = vector.broadcast %mul3A_773 : f32 to vector<16xf32>
        %mul3A_775 = arith.mulf %add3A_769, %mul3A_774 : vector<16xf32>
        %select_n3A_776 = arith.select %ge3A_772, %add3A_769, %mul3A_775 : vector<16xi1>, vector<16xf32>
        %mul3A_777 = arith.mulf %select_n3A_776, %get3A_676 : vector<16xf32>
        %exp3A_778 = math.exp %mul3A_777 : vector<16xf32>
        %add3A_779 = arith.constant 16 : i32
        %add3A_780 = vector.broadcast %add3A_779 : i32 to vector<16xi32>
        %add3A_781 = arith.addi %iota3A, %add3A_780 : vector<16xi32>
        %mul3A_782 = arith.constant 4 : i32
        %mul3A_783 = vector.broadcast %mul3A_782 : i32 to vector<16xi32>
        %mul3A_784 = arith.muli %add3A_781, %mul3A_783 : vector<16xi32>
        %add3A_785 = arith.constant 2 : i32
        %add3A_786 = vector.broadcast %add3A_785 : i32 to vector<16xi32>
        %add3A_787 = arith.addi %mul3A_784, %add3A_786 : vector<16xi32>
        tpu.vector_store_idx %arg16[%add3A_787], %exp3A_778 : memref<128xf32, #tpu.memory_space<vmem>>[vector<16xi32>], vector<16xf32>,
        %mul3A_788 = arith.constant 4 : i32
        %mul3A_789 = vector.broadcast %mul3A_788 : i32 to vector<16xi32>
        %mul3A_790 = arith.muli %get3A_672, %mul3A_789 : vector<16xi32>
        %add3A_791 = arith.constant 2 : i32
        %add3A_792 = vector.broadcast %add3A_791 : i32 to vector<16xi32>
        %add3A_793 = arith.addi %mul3A_790, %add3A_792 : vector<16xi32>
        tpu.vector_store_idx %arg18[%add3A_787], %add3A_793 : memref<128xi32, #tpu.memory_space<vmem>>[vector<16xi32>], vector<16xi32>,
        %broadcast_in_dim3A_794 = arith.constant -65536 : i32
        %broadcast_in_dim3A_795 = vector.broadcast %broadcast_in_dim3A_794 : i32 to vector<16xi32>
        %and3A_796 = arith.andi %bitcast3A_755, %broadcast_in_dim3A_795 : vector<16xi32>
        %bitcast3A_797 = vector.bitcast %and3A_796 : vector<16xi32> to vector<16xf32>
        %and3A_798 = arith.andi %bitcast3A_760, %broadcast_in_dim3A_795 : vector<16xi32>
        %bitcast3A_799 = vector.bitcast %and3A_798 : vector<16xi32> to vector<16xf32>
        %add3A_800 = arith.addf %bitcast3A_797, %bitcast3A_799 : vector<16xf32>
        %ge3A_801 = arith.constant 0.000000e+00 : f32
        %ge3A_802 = vector.broadcast %ge3A_801 : f32 to vector<16xf32>
        %ge3A_803 = arith.cmpf oge, %add3A_800, %ge3A_802 : vector<16xf32>
        %mul3A_804 = arith.constant 1.000000e-01 : f32
        %mul3A_805 = vector.broadcast %mul3A_804 : f32 to vector<16xf32>
        %mul3A_806 = arith.mulf %add3A_800, %mul3A_805 : vector<16xf32>
        %select_n3A_807 = arith.select %ge3A_803, %add3A_800, %mul3A_806 : vector<16xi1>, vector<16xf32>
        %mul3A_808 = arith.mulf %select_n3A_807, %get3A_676 : vector<16xf32>
        %exp3A_809 = math.exp %mul3A_808 : vector<16xf32>
        %add3A_810 = arith.constant 16 : i32
        %add3A_811 = vector.broadcast %add3A_810 : i32 to vector<16xi32>
        %add3A_812 = arith.addi %iota3A, %add3A_811 : vector<16xi32>
        %mul3A_813 = arith.constant 4 : i32
        %mul3A_814 = vector.broadcast %mul3A_813 : i32 to vector<16xi32>
        %mul3A_815 = arith.muli %add3A_812, %mul3A_814 : vector<16xi32>
        %add3A_816 = arith.constant 3 : i32
        %add3A_817 = vector.broadcast %add3A_816 : i32 to vector<16xi32>
        %add3A_818 = arith.addi %mul3A_815, %add3A_817 : vector<16xi32>
        tpu.vector_store_idx %arg16[%add3A_818], %exp3A_809 : memref<128xf32, #tpu.memory_space<vmem>>[vector<16xi32>], vector<16xf32>,
        %mul3A_819 = arith.constant 4 : i32
        %mul3A_820 = vector.broadcast %mul3A_819 : i32 to vector<16xi32>
        %mul3A_821 = arith.muli %get3A_672, %mul3A_820 : vector<16xi32>
        %add3A_822 = arith.constant 3 : i32
        %add3A_823 = vector.broadcast %add3A_822 : i32 to vector<16xi32>
        %add3A_824 = arith.addi %mul3A_821, %add3A_823 : vector<16xi32>
        tpu.vector_store_idx %arg18[%add3A_818], %add3A_824 : memref<128xi32, #tpu.memory_space<vmem>>[vector<16xi32>], vector<16xi32>,
        "tpu.region"() ({
          %run_scoped3A_839 = tpu.sem_alloc : memref<!tpu.dma_semaphore, #tpu.memory_space<semaphore_mem>>
          %dma_start3A_840 = arith.constant 0 : i32
          %dma_start3A_841 = tpu.memref_slice %arg34[%dma_start3A_840] : memref<16384xf32, #tpu.memory_space<vmem_shared>> -> memref<16384xf32, #tpu.memory_space<vmem_shared>>
          tpu.enqueue_indirect_dma source(%arg16 : memref<128xf32, #tpu.memory_space<vmem>>) target(%dma_start3A_841 : memref<16384xf32, #tpu.memory_space<vmem_shared>>) offsets(%arg18 : memref<128xi32, #tpu.memory_space<vmem>>) semaphore(%run_scoped3A_839 : memref<!tpu.dma_semaphore, #tpu.memory_space<semaphore_mem>>) {add = true}
          %dma_wait3A_842 = arith.constant 0 : i32
          %dma_wait3A_843 = tpu.memref_slice %arg34[%dma_wait3A_842] : memref<16384xf32, #tpu.memory_space<vmem_shared>> -> memref<16384xf32, #tpu.memory_space<vmem_shared>>
          tpu.wait_indirect_dma semaphore(%run_scoped3A_839 : memref<!tpu.dma_semaphore, #tpu.memory_space<semaphore_mem>>) src(%arg16 : memref<128xf32, #tpu.memory_space<vmem>>) dst(%dma_wait3A_843 : memref<16384xf32, #tpu.memory_space<vmem_shared>>)
          tpu.yield
        }) : () -> ()
        %dma_wait3A_825 = arith.constant 0 : i32
        %dma_wait3A_826 = arith.constant 0 : i32
        %dma_wait3A_827 = tpu.memref_slice %arg2[%dma_wait3A_825, %dma_wait3A_826] : memref<98304x128xf32, #tpu.memory_space<hbm>> -> memref<98304x128xf32, #tpu.memory_space<hbm>>
        tpu.wait_indirect_dma semaphore(%arg32 : memref<!tpu.dma_semaphore, #tpu.memory_space<semaphore_mem>>) src(%dma_wait3A_827 : memref<98304x128xf32, #tpu.memory_space<hbm>>) dst(%arg27 : memref<32x128xf32, #tpu.memory_space<vmem>>)
        %dma_wait3A_828 = arith.constant 0 : i32
        %dma_wait3A_829 = arith.constant 0 : i32
        %dma_wait3A_830 = tpu.memref_slice %arg2[%dma_wait3A_828, %dma_wait3A_829] : memref<98304x128xf32, #tpu.memory_space<hbm>> -> memref<98304x128xf32, #tpu.memory_space<hbm>>
        tpu.wait_indirect_dma semaphore(%arg33 : memref<!tpu.dma_semaphore, #tpu.memory_space<semaphore_mem>>) src(%dma_wait3A_830 : memref<98304x128xf32, #tpu.memory_space<hbm>>) dst(%arg28 : memref<32x128xf32, #tpu.memory_space<vmem>>)
        %scan3A_831 = arith.constant 0 : i32
        %scan3A_832 = arith.constant 0 : i32
        %scan3A_833 = arith.constant 8 : i32
        %scan3A_834 = arith.addi %scan3A_832, %scan3A_833 : i32
        %scan3A_835 = arith.constant 1 : i32
        %scan3A_836 = scf.for %scan3A_839 = %scan3A_832 to %scan3A_834 step %scan3A_835 iter_args(%scan3A_840 = %scan3A_831) -> (i32)  : i32 {
          %mul3A_841 = arith.constant 16 : i32
          %mul3A_842 = arith.muli %scan3A_839, %mul3A_841 : i32
          %get3A_843 = arith.index_cast %mul3A_842 : i32 to index
          %get3A_844 = tpu.vector_load %arg16[%get3A_843] {strides = array<i32>} : memref<128xf32, #tpu.memory_space<vmem>>, vector<16xf32>,
          %mul3A_845 = arith.constant 4 : i32
          %mul3A_846 = arith.muli %scan3A_839, %mul3A_845 : i32
          %add3A_847 = arith.constant 0 : i32
          %add3A_848 = arith.addi %mul3A_846, %add3A_847 : i32
          %broadcast_in_dim3A_849 = arith.constant 0 : i32
          %broadcast_in_dim3A_850 = vector.broadcast %broadcast_in_dim3A_849 : i32 to vector<16x1xi32>
          %gather3A_851 = vector.shape_cast %broadcast_in_dim3A_850 : vector<16x1xi32> to vector<16xi32>
          %gather3A_852 = tpu.dynamic_gather %get3A_844[%gather3A_851] in [0] : vector<16xf32>, vector<16xi32> -> vector<16xf32>
          %broadcast_in_dim3A_853 = arith.constant 1 : i32
          %broadcast_in_dim3A_854 = vector.broadcast %broadcast_in_dim3A_853 : i32 to vector<16x1xi32>
          %gather3A_855 = vector.shape_cast %broadcast_in_dim3A_854 : vector<16x1xi32> to vector<16xi32>
          %gather3A_856 = tpu.dynamic_gather %get3A_844[%gather3A_855] in [0] : vector<16xf32>, vector<16xi32> -> vector<16xf32>
          %get3A_857 = arith.index_cast %add3A_848 : i32 to index
          %get3A_858 = arith.constant 0 : index
          %get3A_859 = tpu.vector_load %arg27[%get3A_857, %get3A_858] {strides = array<i32>} : memref<32x128xf32, #tpu.memory_space<vmem>>, vector<16xf32>,
          %mul3A_860 = arith.mulf %get3A_859, %gather3A_852 : vector<16xf32>
          %swap3A_861 = arith.index_cast %add3A_848 : i32 to index
          %swap3A_862 = arith.constant 0 : index
          %swap3A_863 = tpu.vector_load %arg27[%swap3A_861, %swap3A_862] {strides = array<i32>} : memref<32x128xf32, #tpu.memory_space<vmem>>, vector<16xf32>,
          tpu.vector_store %arg27[%swap3A_861, %swap3A_862], %mul3A_860 {strides = array<i32>} : memref<32x128xf32, #tpu.memory_space<vmem>>, vector<16xf32>,
          %get3A_864 = arith.index_cast %add3A_848 : i32 to index
          %get3A_865 = arith.constant 16 : index
          %get3A_866 = tpu.vector_load %arg27[%get3A_864, %get3A_865] {strides = array<i32>} : memref<32x128xf32, #tpu.memory_space<vmem>>, vector<16xf32>,
          %mul3A_867 = arith.mulf %get3A_866, %gather3A_852 : vector<16xf32>
          %swap3A_868 = arith.index_cast %add3A_848 : i32 to index
          %swap3A_869 = arith.constant 16 : index
          %swap3A_870 = tpu.vector_load %arg27[%swap3A_868, %swap3A_869] {strides = array<i32>} : memref<32x128xf32, #tpu.memory_space<vmem>>, vector<16xf32>,
          tpu.vector_store %arg27[%swap3A_868, %swap3A_869], %mul3A_867 {strides = array<i32>} : memref<32x128xf32, #tpu.memory_space<vmem>>, vector<16xf32>,
          %get3A_871 = arith.index_cast %add3A_848 : i32 to index
          %get3A_872 = arith.constant 32 : index
          %get3A_873 = tpu.vector_load %arg27[%get3A_871, %get3A_872] {strides = array<i32>} : memref<32x128xf32, #tpu.memory_space<vmem>>, vector<16xf32>,
          %mul3A_874 = arith.mulf %get3A_873, %gather3A_852 : vector<16xf32>
          %swap3A_875 = arith.index_cast %add3A_848 : i32 to index
          %swap3A_876 = arith.constant 32 : index
          %swap3A_877 = tpu.vector_load %arg27[%swap3A_875, %swap3A_876] {strides = array<i32>} : memref<32x128xf32, #tpu.memory_space<vmem>>, vector<16xf32>,
          tpu.vector_store %arg27[%swap3A_875, %swap3A_876], %mul3A_874 {strides = array<i32>} : memref<32x128xf32, #tpu.memory_space<vmem>>, vector<16xf32>,
          %get3A_878 = arith.index_cast %add3A_848 : i32 to index
          %get3A_879 = arith.constant 48 : index
          %get3A_880 = tpu.vector_load %arg27[%get3A_878, %get3A_879] {strides = array<i32>} : memref<32x128xf32, #tpu.memory_space<vmem>>, vector<16xf32>,
          %mul3A_881 = arith.mulf %get3A_880, %gather3A_852 : vector<16xf32>
          %swap3A_882 = arith.index_cast %add3A_848 : i32 to index
          %swap3A_883 = arith.constant 48 : index
          %swap3A_884 = tpu.vector_load %arg27[%swap3A_882, %swap3A_883] {strides = array<i32>} : memref<32x128xf32, #tpu.memory_space<vmem>>, vector<16xf32>,
          tpu.vector_store %arg27[%swap3A_882, %swap3A_883], %mul3A_881 {strides = array<i32>} : memref<32x128xf32, #tpu.memory_space<vmem>>, vector<16xf32>,
          %get3A_885 = arith.index_cast %add3A_848 : i32 to index
          %get3A_886 = arith.constant 64 : index
          %get3A_887 = tpu.vector_load %arg27[%get3A_885, %get3A_886] {strides = array<i32>} : memref<32x128xf32, #tpu.memory_space<vmem>>, vector<16xf32>,
          %mul3A_888 = arith.mulf %get3A_887, %gather3A_856 : vector<16xf32>
          %swap3A_889 = arith.index_cast %add3A_848 : i32 to index
          %swap3A_890 = arith.constant 64 : index
          %swap3A_891 = tpu.vector_load %arg27[%swap3A_889, %swap3A_890] {strides = array<i32>} : memref<32x128xf32, #tpu.memory_space<vmem>>, vector<16xf32>,
          tpu.vector_store %arg27[%swap3A_889, %swap3A_890], %mul3A_888 {strides = array<i32>} : memref<32x128xf32, #tpu.memory_space<vmem>>, vector<16xf32>,
          %get3A_892 = arith.index_cast %add3A_848 : i32 to index
          %get3A_893 = arith.constant 80 : index
          %get3A_894 = tpu.vector_load %arg27[%get3A_892, %get3A_893] {strides = array<i32>} : memref<32x128xf32, #tpu.memory_space<vmem>>, vector<16xf32>,
          %mul3A_895 = arith.mulf %get3A_894, %gather3A_856 : vector<16xf32>
          %swap3A_896 = arith.index_cast %add3A_848 : i32 to index
          %swap3A_897 = arith.constant 80 : index
          %swap3A_898 = tpu.vector_load %arg27[%swap3A_896, %swap3A_897] {strides = array<i32>} : memref<32x128xf32, #tpu.memory_space<vmem>>, vector<16xf32>,
          tpu.vector_store %arg27[%swap3A_896, %swap3A_897], %mul3A_895 {strides = array<i32>} : memref<32x128xf32, #tpu.memory_space<vmem>>, vector<16xf32>,
          %get3A_899 = arith.index_cast %add3A_848 : i32 to index
          %get3A_900 = arith.constant 96 : index
          %get3A_901 = tpu.vector_load %arg27[%get3A_899, %get3A_900] {strides = array<i32>} : memref<32x128xf32, #tpu.memory_space<vmem>>, vector<16xf32>,
          %mul3A_902 = arith.mulf %get3A_901, %gather3A_856 : vector<16xf32>
          %swap3A_903 = arith.index_cast %add3A_848 : i32 to index
          %swap3A_904 = arith.constant 96 : index
          %swap3A_905 = tpu.vector_load %arg27[%swap3A_903, %swap3A_904] {strides = array<i32>} : memref<32x128xf32, #tpu.memory_space<vmem>>, vector<16xf32>,
          tpu.vector_store %arg27[%swap3A_903, %swap3A_904], %mul3A_902 {strides = array<i32>} : memref<32x128xf32, #tpu.memory_space<vmem>>, vector<16xf32>,
          %get3A_906 = arith.index_cast %add3A_848 : i32 to index
          %get3A_907 = arith.constant 112 : index
          %get3A_908 = tpu.vector_load %arg27[%get3A_906, %get3A_907] {strides = array<i32>} : memref<32x128xf32, #tpu.memory_space<vmem>>, vector<16xf32>,
          %mul3A_909 = arith.mulf %get3A_908, %gather3A_856 : vector<16xf32>
          %swap3A_910 = arith.index_cast %add3A_848 : i32 to index
          %swap3A_911 = arith.constant 112 : index
          %swap3A_912 = tpu.vector_load %arg27[%swap3A_910, %swap3A_911] {strides = array<i32>} : memref<32x128xf32, #tpu.memory_space<vmem>>, vector<16xf32>,
          tpu.vector_store %arg27[%swap3A_910, %swap3A_911], %mul3A_909 {strides = array<i32>} : memref<32x128xf32, #tpu.memory_space<vmem>>, vector<16xf32>,
          %mul3A_913 = arith.constant 4 : i32
          %mul3A_914 = arith.muli %scan3A_839, %mul3A_913 : i32
          %add3A_915 = arith.constant 1 : i32
          %add3A_916 = arith.addi %mul3A_914, %add3A_915 : i32
          %broadcast_in_dim3A_917 = arith.constant 4 : i32
          %broadcast_in_dim3A_918 = vector.broadcast %broadcast_in_dim3A_917 : i32 to vector<16x1xi32>
          %gather3A_919 = vector.shape_cast %broadcast_in_dim3A_918 : vector<16x1xi32> to vector<16xi32>
          %gather3A_920 = tpu.dynamic_gather %get3A_844[%gather3A_919] in [0] : vector<16xf32>, vector<16xi32> -> vector<16xf32>
          %broadcast_in_dim3A_921 = arith.constant 5 : i32
          %broadcast_in_dim3A_922 = vector.broadcast %broadcast_in_dim3A_921 : i32 to vector<16x1xi32>
          %gather3A_923 = vector.shape_cast %broadcast_in_dim3A_922 : vector<16x1xi32> to vector<16xi32>
          %gather3A_924 = tpu.dynamic_gather %get3A_844[%gather3A_923] in [0] : vector<16xf32>, vector<16xi32> -> vector<16xf32>
          %get3A_925 = arith.index_cast %add3A_916 : i32 to index
          %get3A_926 = arith.constant 0 : index
          %get3A_927 = tpu.vector_load %arg27[%get3A_925, %get3A_926] {strides = array<i32>} : memref<32x128xf32, #tpu.memory_space<vmem>>, vector<16xf32>,
          %mul3A_928 = arith.mulf %get3A_927, %gather3A_920 : vector<16xf32>
          %swap3A_929 = arith.index_cast %add3A_916 : i32 to index
          %swap3A_930 = arith.constant 0 : index
          %swap3A_931 = tpu.vector_load %arg27[%swap3A_929, %swap3A_930] {strides = array<i32>} : memref<32x128xf32, #tpu.memory_space<vmem>>, vector<16xf32>,
          tpu.vector_store %arg27[%swap3A_929, %swap3A_930], %mul3A_928 {strides = array<i32>} : memref<32x128xf32, #tpu.memory_space<vmem>>, vector<16xf32>,
          %get3A_932 = arith.index_cast %add3A_916 : i32 to index
          %get3A_933 = arith.constant 16 : index
          %get3A_934 = tpu.vector_load %arg27[%get3A_932, %get3A_933] {strides = array<i32>} : memref<32x128xf32, #tpu.memory_space<vmem>>, vector<16xf32>,
          %mul3A_935 = arith.mulf %get3A_934, %gather3A_920 : vector<16xf32>
          %swap3A_936 = arith.index_cast %add3A_916 : i32 to index
          %swap3A_937 = arith.constant 16 : index
          %swap3A_938 = tpu.vector_load %arg27[%swap3A_936, %swap3A_937] {strides = array<i32>} : memref<32x128xf32, #tpu.memory_space<vmem>>, vector<16xf32>,
          tpu.vector_store %arg27[%swap3A_936, %swap3A_937], %mul3A_935 {strides = array<i32>} : memref<32x128xf32, #tpu.memory_space<vmem>>, vector<16xf32>,
          %get3A_939 = arith.index_cast %add3A_916 : i32 to index
          %get3A_940 = arith.constant 32 : index
          %get3A_941 = tpu.vector_load %arg27[%get3A_939, %get3A_940] {strides = array<i32>} : memref<32x128xf32, #tpu.memory_space<vmem>>, vector<16xf32>,
          %mul3A_942 = arith.mulf %get3A_941, %gather3A_920 : vector<16xf32>
          %swap3A_943 = arith.index_cast %add3A_916 : i32 to index
          %swap3A_944 = arith.constant 32 : index
          %swap3A_945 = tpu.vector_load %arg27[%swap3A_943, %swap3A_944] {strides = array<i32>} : memref<32x128xf32, #tpu.memory_space<vmem>>, vector<16xf32>,
          tpu.vector_store %arg27[%swap3A_943, %swap3A_944], %mul3A_942 {strides = array<i32>} : memref<32x128xf32, #tpu.memory_space<vmem>>, vector<16xf32>,
          %get3A_946 = arith.index_cast %add3A_916 : i32 to index
          %get3A_947 = arith.constant 48 : index
          %get3A_948 = tpu.vector_load %arg27[%get3A_946, %get3A_947] {strides = array<i32>} : memref<32x128xf32, #tpu.memory_space<vmem>>, vector<16xf32>,
          %mul3A_949 = arith.mulf %get3A_948, %gather3A_920 : vector<16xf32>
          %swap3A_950 = arith.index_cast %add3A_916 : i32 to index
          %swap3A_951 = arith.constant 48 : index
          %swap3A_952 = tpu.vector_load %arg27[%swap3A_950, %swap3A_951] {strides = array<i32>} : memref<32x128xf32, #tpu.memory_space<vmem>>, vector<16xf32>,
          tpu.vector_store %arg27[%swap3A_950, %swap3A_951], %mul3A_949 {strides = array<i32>} : memref<32x128xf32, #tpu.memory_space<vmem>>, vector<16xf32>,
          %get3A_953 = arith.index_cast %add3A_916 : i32 to index
          %get3A_954 = arith.constant 64 : index
          %get3A_955 = tpu.vector_load %arg27[%get3A_953, %get3A_954] {strides = array<i32>} : memref<32x128xf32, #tpu.memory_space<vmem>>, vector<16xf32>,
          %mul3A_956 = arith.mulf %get3A_955, %gather3A_924 : vector<16xf32>
          %swap3A_957 = arith.index_cast %add3A_916 : i32 to index
          %swap3A_958 = arith.constant 64 : index
          %swap3A_959 = tpu.vector_load %arg27[%swap3A_957, %swap3A_958] {strides = array<i32>} : memref<32x128xf32, #tpu.memory_space<vmem>>, vector<16xf32>,
          tpu.vector_store %arg27[%swap3A_957, %swap3A_958], %mul3A_956 {strides = array<i32>} : memref<32x128xf32, #tpu.memory_space<vmem>>, vector<16xf32>,
          %get3A_960 = arith.index_cast %add3A_916 : i32 to index
          %get3A_961 = arith.constant 80 : index
          %get3A_962 = tpu.vector_load %arg27[%get3A_960, %get3A_961] {strides = array<i32>} : memref<32x128xf32, #tpu.memory_space<vmem>>, vector<16xf32>,
          %mul3A_963 = arith.mulf %get3A_962, %gather3A_924 : vector<16xf32>
          %swap3A_964 = arith.index_cast %add3A_916 : i32 to index
          %swap3A_965 = arith.constant 80 : index
          %swap3A_966 = tpu.vector_load %arg27[%swap3A_964, %swap3A_965] {strides = array<i32>} : memref<32x128xf32, #tpu.memory_space<vmem>>, vector<16xf32>,
          tpu.vector_store %arg27[%swap3A_964, %swap3A_965], %mul3A_963 {strides = array<i32>} : memref<32x128xf32, #tpu.memory_space<vmem>>, vector<16xf32>,
          %get3A_967 = arith.index_cast %add3A_916 : i32 to index
          %get3A_968 = arith.constant 96 : index
          %get3A_969 = tpu.vector_load %arg27[%get3A_967, %get3A_968] {strides = array<i32>} : memref<32x128xf32, #tpu.memory_space<vmem>>, vector<16xf32>,
          %mul3A_970 = arith.mulf %get3A_969, %gather3A_924 : vector<16xf32>
          %swap3A_971 = arith.index_cast %add3A_916 : i32 to index
          %swap3A_972 = arith.constant 96 : index
          %swap3A_973 = tpu.vector_load %arg27[%swap3A_971, %swap3A_972] {strides = array<i32>} : memref<32x128xf32, #tpu.memory_space<vmem>>, vector<16xf32>,
          tpu.vector_store %arg27[%swap3A_971, %swap3A_972], %mul3A_970 {strides = array<i32>} : memref<32x128xf32, #tpu.memory_space<vmem>>, vector<16xf32>,
          %get3A_974 = arith.index_cast %add3A_916 : i32 to index
          %get3A_975 = arith.constant 112 : index
          %get3A_976 = tpu.vector_load %arg27[%get3A_974, %get3A_975] {strides = array<i32>} : memref<32x128xf32, #tpu.memory_space<vmem>>, vector<16xf32>,
          %mul3A_977 = arith.mulf %get3A_976, %gather3A_924 : vector<16xf32>
          %swap3A_978 = arith.index_cast %add3A_916 : i32 to index
          %swap3A_979 = arith.constant 112 : index
          %swap3A_980 = tpu.vector_load %arg27[%swap3A_978, %swap3A_979] {strides = array<i32>} : memref<32x128xf32, #tpu.memory_space<vmem>>, vector<16xf32>,
          tpu.vector_store %arg27[%swap3A_978, %swap3A_979], %mul3A_977 {strides = array<i32>} : memref<32x128xf32, #tpu.memory_space<vmem>>, vector<16xf32>,
          %mul3A_981 = arith.constant 4 : i32
          %mul3A_982 = arith.muli %scan3A_839, %mul3A_981 : i32
          %add3A_983 = arith.constant 2 : i32
          %add3A_984 = arith.addi %mul3A_982, %add3A_983 : i32
          %broadcast_in_dim3A_985 = arith.constant 8 : i32
          %broadcast_in_dim3A_986 = vector.broadcast %broadcast_in_dim3A_985 : i32 to vector<16x1xi32>
          %gather3A_987 = vector.shape_cast %broadcast_in_dim3A_986 : vector<16x1xi32> to vector<16xi32>
          %gather3A_988 = tpu.dynamic_gather %get3A_844[%gather3A_987] in [0] : vector<16xf32>, vector<16xi32> -> vector<16xf32>
          %broadcast_in_dim3A_989 = arith.constant 9 : i32
          %broadcast_in_dim3A_990 = vector.broadcast %broadcast_in_dim3A_989 : i32 to vector<16x1xi32>
          %gather3A_991 = vector.shape_cast %broadcast_in_dim3A_990 : vector<16x1xi32> to vector<16xi32>
          %gather3A_992 = tpu.dynamic_gather %get3A_844[%gather3A_991] in [0] : vector<16xf32>, vector<16xi32> -> vector<16xf32>
          %get3A_993 = arith.index_cast %add3A_984 : i32 to index
          %get3A_994 = arith.constant 0 : index
          %get3A_995 = tpu.vector_load %arg27[%get3A_993, %get3A_994] {strides = array<i32>} : memref<32x128xf32, #tpu.memory_space<vmem>>, vector<16xf32>,
          %mul3A_996 = arith.mulf %get3A_995, %gather3A_988 : vector<16xf32>
          %swap3A_997 = arith.index_cast %add3A_984 : i32 to index
          %swap3A_998 = arith.constant 0 : index
          %swap3A_999 = tpu.vector_load %arg27[%swap3A_997, %swap3A_998] {strides = array<i32>} : memref<32x128xf32, #tpu.memory_space<vmem>>, vector<16xf32>,
          tpu.vector_store %arg27[%swap3A_997, %swap3A_998], %mul3A_996 {strides = array<i32>} : memref<32x128xf32, #tpu.memory_space<vmem>>, vector<16xf32>,
          %get3A_1000 = arith.index_cast %add3A_984 : i32 to index
          %get3A_1001 = arith.constant 16 : index
          %get3A_1002 = tpu.vector_load %arg27[%get3A_1000, %get3A_1001] {strides = array<i32>} : memref<32x128xf32, #tpu.memory_space<vmem>>, vector<16xf32>,
          %mul3A_1003 = arith.mulf %get3A_1002, %gather3A_988 : vector<16xf32>
          %swap3A_1004 = arith.index_cast %add3A_984 : i32 to index
          %swap3A_1005 = arith.constant 16 : index
          %swap3A_1006 = tpu.vector_load %arg27[%swap3A_1004, %swap3A_1005] {strides = array<i32>} : memref<32x128xf32, #tpu.memory_space<vmem>>, vector<16xf32>,
          tpu.vector_store %arg27[%swap3A_1004, %swap3A_1005], %mul3A_1003 {strides = array<i32>} : memref<32x128xf32, #tpu.memory_space<vmem>>, vector<16xf32>,
          %get3A_1007 = arith.index_cast %add3A_984 : i32 to index
          %get3A_1008 = arith.constant 32 : index
          %get3A_1009 = tpu.vector_load %arg27[%get3A_1007, %get3A_1008] {strides = array<i32>} : memref<32x128xf32, #tpu.memory_space<vmem>>, vector<16xf32>,
          %mul3A_1010 = arith.mulf %get3A_1009, %gather3A_988 : vector<16xf32>
          %swap3A_1011 = arith.index_cast %add3A_984 : i32 to index
          %swap3A_1012 = arith.constant 32 : index
          %swap3A_1013 = tpu.vector_load %arg27[%swap3A_1011, %swap3A_1012] {strides = array<i32>} : memref<32x128xf32, #tpu.memory_space<vmem>>, vector<16xf32>,
          tpu.vector_store %arg27[%swap3A_1011, %swap3A_1012], %mul3A_1010 {strides = array<i32>} : memref<32x128xf32, #tpu.memory_space<vmem>>, vector<16xf32>,
          %get3A_1014 = arith.index_cast %add3A_984 : i32 to index
          %get3A_1015 = arith.constant 48 : index
          %get3A_1016 = tpu.vector_load %arg27[%get3A_1014, %get3A_1015] {strides = array<i32>} : memref<32x128xf32, #tpu.memory_space<vmem>>, vector<16xf32>,
          %mul3A_1017 = arith.mulf %get3A_1016, %gather3A_988 : vector<16xf32>
          %swap3A_1018 = arith.index_cast %add3A_984 : i32 to index
          %swap3A_1019 = arith.constant 48 : index
          %swap3A_1020 = tpu.vector_load %arg27[%swap3A_1018, %swap3A_1019] {strides = array<i32>} : memref<32x128xf32, #tpu.memory_space<vmem>>, vector<16xf32>,
          tpu.vector_store %arg27[%swap3A_1018, %swap3A_1019], %mul3A_1017 {strides = array<i32>} : memref<32x128xf32, #tpu.memory_space<vmem>>, vector<16xf32>,
          %get3A_1021 = arith.index_cast %add3A_984 : i32 to index
          %get3A_1022 = arith.constant 64 : index
          %get3A_1023 = tpu.vector_load %arg27[%get3A_1021, %get3A_1022] {strides = array<i32>} : memref<32x128xf32, #tpu.memory_space<vmem>>, vector<16xf32>,
          %mul3A_1024 = arith.mulf %get3A_1023, %gather3A_992 : vector<16xf32>
          %swap3A_1025 = arith.index_cast %add3A_984 : i32 to index
          %swap3A_1026 = arith.constant 64 : index
          %swap3A_1027 = tpu.vector_load %arg27[%swap3A_1025, %swap3A_1026] {strides = array<i32>} : memref<32x128xf32, #tpu.memory_space<vmem>>, vector<16xf32>,
          tpu.vector_store %arg27[%swap3A_1025, %swap3A_1026], %mul3A_1024 {strides = array<i32>} : memref<32x128xf32, #tpu.memory_space<vmem>>, vector<16xf32>,
          %get3A_1028 = arith.index_cast %add3A_984 : i32 to index
          %get3A_1029 = arith.constant 80 : index
          %get3A_1030 = tpu.vector_load %arg27[%get3A_1028, %get3A_1029] {strides = array<i32>} : memref<32x128xf32, #tpu.memory_space<vmem>>, vector<16xf32>,
          %mul3A_1031 = arith.mulf %get3A_1030, %gather3A_992 : vector<16xf32>
          %swap3A_1032 = arith.index_cast %add3A_984 : i32 to index
          %swap3A_1033 = arith.constant 80 : index
          %swap3A_1034 = tpu.vector_load %arg27[%swap3A_1032, %swap3A_1033] {strides = array<i32>} : memref<32x128xf32, #tpu.memory_space<vmem>>, vector<16xf32>,
          tpu.vector_store %arg27[%swap3A_1032, %swap3A_1033], %mul3A_1031 {strides = array<i32>} : memref<32x128xf32, #tpu.memory_space<vmem>>, vector<16xf32>,
          %get3A_1035 = arith.index_cast %add3A_984 : i32 to index
          %get3A_1036 = arith.constant 96 : index
          %get3A_1037 = tpu.vector_load %arg27[%get3A_1035, %get3A_1036] {strides = array<i32>} : memref<32x128xf32, #tpu.memory_space<vmem>>, vector<16xf32>,
          %mul3A_1038 = arith.mulf %get3A_1037, %gather3A_992 : vector<16xf32>
          %swap3A_1039 = arith.index_cast %add3A_984 : i32 to index
          %swap3A_1040 = arith.constant 96 : index
          %swap3A_1041 = tpu.vector_load %arg27[%swap3A_1039, %swap3A_1040] {strides = array<i32>} : memref<32x128xf32, #tpu.memory_space<vmem>>, vector<16xf32>,
          tpu.vector_store %arg27[%swap3A_1039, %swap3A_1040], %mul3A_1038 {strides = array<i32>} : memref<32x128xf32, #tpu.memory_space<vmem>>, vector<16xf32>,
          %get3A_1042 = arith.index_cast %add3A_984 : i32 to index
          %get3A_1043 = arith.constant 112 : index
          %get3A_1044 = tpu.vector_load %arg27[%get3A_1042, %get3A_1043] {strides = array<i32>} : memref<32x128xf32, #tpu.memory_space<vmem>>, vector<16xf32>,
          %mul3A_1045 = arith.mulf %get3A_1044, %gather3A_992 : vector<16xf32>
          %swap3A_1046 = arith.index_cast %add3A_984 : i32 to index
          %swap3A_1047 = arith.constant 112 : index
          %swap3A_1048 = tpu.vector_load %arg27[%swap3A_1046, %swap3A_1047] {strides = array<i32>} : memref<32x128xf32, #tpu.memory_space<vmem>>, vector<16xf32>,
          tpu.vector_store %arg27[%swap3A_1046, %swap3A_1047], %mul3A_1045 {strides = array<i32>} : memref<32x128xf32, #tpu.memory_space<vmem>>, vector<16xf32>,
          %mul3A_1049 = arith.constant 4 : i32
          %mul3A_1050 = arith.muli %scan3A_839, %mul3A_1049 : i32
          %add3A_1051 = arith.constant 3 : i32
          %add3A_1052 = arith.addi %mul3A_1050, %add3A_1051 : i32
          %broadcast_in_dim3A_1053 = arith.constant 12 : i32
          %broadcast_in_dim3A_1054 = vector.broadcast %broadcast_in_dim3A_1053 : i32 to vector<16x1xi32>
          %gather3A_1055 = vector.shape_cast %broadcast_in_dim3A_1054 : vector<16x1xi32> to vector<16xi32>
          %gather3A_1056 = tpu.dynamic_gather %get3A_844[%gather3A_1055] in [0] : vector<16xf32>, vector<16xi32> -> vector<16xf32>
          %broadcast_in_dim3A_1057 = arith.constant 13 : i32
          %broadcast_in_dim3A_1058 = vector.broadcast %broadcast_in_dim3A_1057 : i32 to vector<16x1xi32>
          %gather3A_1059 = vector.shape_cast %broadcast_in_dim3A_1058 : vector<16x1xi32> to vector<16xi32>
          %gather3A_1060 = tpu.dynamic_gather %get3A_844[%gather3A_1059] in [0] : vector<16xf32>, vector<16xi32> -> vector<16xf32>
          %get3A_1061 = arith.index_cast %add3A_1052 : i32 to index
          %get3A_1062 = arith.constant 0 : index
          %get3A_1063 = tpu.vector_load %arg27[%get3A_1061, %get3A_1062] {strides = array<i32>} : memref<32x128xf32, #tpu.memory_space<vmem>>, vector<16xf32>,
          %mul3A_1064 = arith.mulf %get3A_1063, %gather3A_1056 : vector<16xf32>
          %swap3A_1065 = arith.index_cast %add3A_1052 : i32 to index
          %swap3A_1066 = arith.constant 0 : index
          %swap3A_1067 = tpu.vector_load %arg27[%swap3A_1065, %swap3A_1066] {strides = array<i32>} : memref<32x128xf32, #tpu.memory_space<vmem>>, vector<16xf32>,
          tpu.vector_store %arg27[%swap3A_1065, %swap3A_1066], %mul3A_1064 {strides = array<i32>} : memref<32x128xf32, #tpu.memory_space<vmem>>, vector<16xf32>,
          %get3A_1068 = arith.index_cast %add3A_1052 : i32 to index
          %get3A_1069 = arith.constant 16 : index
          %get3A_1070 = tpu.vector_load %arg27[%get3A_1068, %get3A_1069] {strides = array<i32>} : memref<32x128xf32, #tpu.memory_space<vmem>>, vector<16xf32>,
          %mul3A_1071 = arith.mulf %get3A_1070, %gather3A_1056 : vector<16xf32>
          %swap3A_1072 = arith.index_cast %add3A_1052 : i32 to index
          %swap3A_1073 = arith.constant 16 : index
          %swap3A_1074 = tpu.vector_load %arg27[%swap3A_1072, %swap3A_1073] {strides = array<i32>} : memref<32x128xf32, #tpu.memory_space<vmem>>, vector<16xf32>,
          tpu.vector_store %arg27[%swap3A_1072, %swap3A_1073], %mul3A_1071 {strides = array<i32>} : memref<32x128xf32, #tpu.memory_space<vmem>>, vector<16xf32>,
          %get3A_1075 = arith.index_cast %add3A_1052 : i32 to index
          %get3A_1076 = arith.constant 32 : index
          %get3A_1077 = tpu.vector_load %arg27[%get3A_1075, %get3A_1076] {strides = array<i32>} : memref<32x128xf32, #tpu.memory_space<vmem>>, vector<16xf32>,
          %mul3A_1078 = arith.mulf %get3A_1077, %gather3A_1056 : vector<16xf32>
          %swap3A_1079 = arith.index_cast %add3A_1052 : i32 to index
          %swap3A_1080 = arith.constant 32 : index
          %swap3A_1081 = tpu.vector_load %arg27[%swap3A_1079, %swap3A_1080] {strides = array<i32>} : memref<32x128xf32, #tpu.memory_space<vmem>>, vector<16xf32>,
          tpu.vector_store %arg27[%swap3A_1079, %swap3A_1080], %mul3A_1078 {strides = array<i32>} : memref<32x128xf32, #tpu.memory_space<vmem>>, vector<16xf32>,
          %get3A_1082 = arith.index_cast %add3A_1052 : i32 to index
          %get3A_1083 = arith.constant 48 : index
          %get3A_1084 = tpu.vector_load %arg27[%get3A_1082, %get3A_1083] {strides = array<i32>} : memref<32x128xf32, #tpu.memory_space<vmem>>, vector<16xf32>,
          %mul3A_1085 = arith.mulf %get3A_1084, %gather3A_1056 : vector<16xf32>
          %swap3A_1086 = arith.index_cast %add3A_1052 : i32 to index
          %swap3A_1087 = arith.constant 48 : index
          %swap3A_1088 = tpu.vector_load %arg27[%swap3A_1086, %swap3A_1087] {strides = array<i32>} : memref<32x128xf32, #tpu.memory_space<vmem>>, vector<16xf32>,
          tpu.vector_store %arg27[%swap3A_1086, %swap3A_1087], %mul3A_1085 {strides = array<i32>} : memref<32x128xf32, #tpu.memory_space<vmem>>, vector<16xf32>,
          %get3A_1089 = arith.index_cast %add3A_1052 : i32 to index
          %get3A_1090 = arith.constant 64 : index
          %get3A_1091 = tpu.vector_load %arg27[%get3A_1089, %get3A_1090] {strides = array<i32>} : memref<32x128xf32, #tpu.memory_space<vmem>>, vector<16xf32>,
          %mul3A_1092 = arith.mulf %get3A_1091, %gather3A_1060 : vector<16xf32>
          %swap3A_1093 = arith.index_cast %add3A_1052 : i32 to index
          %swap3A_1094 = arith.constant 64 : index
          %swap3A_1095 = tpu.vector_load %arg27[%swap3A_1093, %swap3A_1094] {strides = array<i32>} : memref<32x128xf32, #tpu.memory_space<vmem>>, vector<16xf32>,
          tpu.vector_store %arg27[%swap3A_1093, %swap3A_1094], %mul3A_1092 {strides = array<i32>} : memref<32x128xf32, #tpu.memory_space<vmem>>, vector<16xf32>,
          %get3A_1096 = arith.index_cast %add3A_1052 : i32 to index
          %get3A_1097 = arith.constant 80 : index
          %get3A_1098 = tpu.vector_load %arg27[%get3A_1096, %get3A_1097] {strides = array<i32>} : memref<32x128xf32, #tpu.memory_space<vmem>>, vector<16xf32>,
          %mul3A_1099 = arith.mulf %get3A_1098, %gather3A_1060 : vector<16xf32>
          %swap3A_1100 = arith.index_cast %add3A_1052 : i32 to index
          %swap3A_1101 = arith.constant 80 : index
          %swap3A_1102 = tpu.vector_load %arg27[%swap3A_1100, %swap3A_1101] {strides = array<i32>} : memref<32x128xf32, #tpu.memory_space<vmem>>, vector<16xf32>,
          tpu.vector_store %arg27[%swap3A_1100, %swap3A_1101], %mul3A_1099 {strides = array<i32>} : memref<32x128xf32, #tpu.memory_space<vmem>>, vector<16xf32>,
          %get3A_1103 = arith.index_cast %add3A_1052 : i32 to index
          %get3A_1104 = arith.constant 96 : index
          %get3A_1105 = tpu.vector_load %arg27[%get3A_1103, %get3A_1104] {strides = array<i32>} : memref<32x128xf32, #tpu.memory_space<vmem>>, vector<16xf32>,
          %mul3A_1106 = arith.mulf %get3A_1105, %gather3A_1060 : vector<16xf32>
          %swap3A_1107 = arith.index_cast %add3A_1052 : i32 to index
          %swap3A_1108 = arith.constant 96 : index
          %swap3A_1109 = tpu.vector_load %arg27[%swap3A_1107, %swap3A_1108] {strides = array<i32>} : memref<32x128xf32, #tpu.memory_space<vmem>>, vector<16xf32>,
          tpu.vector_store %arg27[%swap3A_1107, %swap3A_1108], %mul3A_1106 {strides = array<i32>} : memref<32x128xf32, #tpu.memory_space<vmem>>, vector<16xf32>,
          %get3A_1110 = arith.index_cast %add3A_1052 : i32 to index
          %get3A_1111 = arith.constant 112 : index
          %get3A_1112 = tpu.vector_load %arg27[%get3A_1110, %get3A_1111] {strides = array<i32>} : memref<32x128xf32, #tpu.memory_space<vmem>>, vector<16xf32>,
          %mul3A_1113 = arith.mulf %get3A_1112, %gather3A_1060 : vector<16xf32>
          %swap3A_1114 = arith.index_cast %add3A_1052 : i32 to index
          %swap3A_1115 = arith.constant 112 : index
          %swap3A_1116 = tpu.vector_load %arg27[%swap3A_1114, %swap3A_1115] {strides = array<i32>} : memref<32x128xf32, #tpu.memory_space<vmem>>, vector<16xf32>,
          tpu.vector_store %arg27[%swap3A_1114, %swap3A_1115], %mul3A_1113 {strides = array<i32>} : memref<32x128xf32, #tpu.memory_space<vmem>>, vector<16xf32>,
          %mul3A_1117 = arith.constant 4 : i32
          %mul3A_1118 = arith.muli %scan3A_839, %mul3A_1117 : i32
          %add3A_1119 = arith.constant 0 : i32
          %add3A_1120 = arith.addi %mul3A_1118, %add3A_1119 : i32
          %broadcast_in_dim3A_1121 = arith.constant 2 : i32
          %broadcast_in_dim3A_1122 = vector.broadcast %broadcast_in_dim3A_1121 : i32 to vector<16x1xi32>
          %gather3A_1123 = vector.shape_cast %broadcast_in_dim3A_1122 : vector<16x1xi32> to vector<16xi32>
          %gather3A_1124 = tpu.dynamic_gather %get3A_844[%gather3A_1123] in [0] : vector<16xf32>, vector<16xi32> -> vector<16xf32>
          %broadcast_in_dim3A_1125 = arith.constant 3 : i32
          %broadcast_in_dim3A_1126 = vector.broadcast %broadcast_in_dim3A_1125 : i32 to vector<16x1xi32>
          %gather3A_1127 = vector.shape_cast %broadcast_in_dim3A_1126 : vector<16x1xi32> to vector<16xi32>
          %gather3A_1128 = tpu.dynamic_gather %get3A_844[%gather3A_1127] in [0] : vector<16xf32>, vector<16xi32> -> vector<16xf32>
          %get3A_1129 = arith.index_cast %add3A_1120 : i32 to index
          %get3A_1130 = arith.constant 0 : index
          %get3A_1131 = tpu.vector_load %arg28[%get3A_1129, %get3A_1130] {strides = array<i32>} : memref<32x128xf32, #tpu.memory_space<vmem>>, vector<16xf32>,
          %mul3A_1132 = arith.mulf %get3A_1131, %gather3A_1124 : vector<16xf32>
          %swap3A_1133 = arith.index_cast %add3A_1120 : i32 to index
          %swap3A_1134 = arith.constant 0 : index
          %swap3A_1135 = tpu.vector_load %arg28[%swap3A_1133, %swap3A_1134] {strides = array<i32>} : memref<32x128xf32, #tpu.memory_space<vmem>>, vector<16xf32>,
          tpu.vector_store %arg28[%swap3A_1133, %swap3A_1134], %mul3A_1132 {strides = array<i32>} : memref<32x128xf32, #tpu.memory_space<vmem>>, vector<16xf32>,
          %get3A_1136 = arith.index_cast %add3A_1120 : i32 to index
          %get3A_1137 = arith.constant 16 : index
          %get3A_1138 = tpu.vector_load %arg28[%get3A_1136, %get3A_1137] {strides = array<i32>} : memref<32x128xf32, #tpu.memory_space<vmem>>, vector<16xf32>,
          %mul3A_1139 = arith.mulf %get3A_1138, %gather3A_1124 : vector<16xf32>
          %swap3A_1140 = arith.index_cast %add3A_1120 : i32 to index
          %swap3A_1141 = arith.constant 16 : index
          %swap3A_1142 = tpu.vector_load %arg28[%swap3A_1140, %swap3A_1141] {strides = array<i32>} : memref<32x128xf32, #tpu.memory_space<vmem>>, vector<16xf32>,
          tpu.vector_store %arg28[%swap3A_1140, %swap3A_1141], %mul3A_1139 {strides = array<i32>} : memref<32x128xf32, #tpu.memory_space<vmem>>, vector<16xf32>,
          %get3A_1143 = arith.index_cast %add3A_1120 : i32 to index
          %get3A_1144 = arith.constant 32 : index
          %get3A_1145 = tpu.vector_load %arg28[%get3A_1143, %get3A_1144] {strides = array<i32>} : memref<32x128xf32, #tpu.memory_space<vmem>>, vector<16xf32>,
          %mul3A_1146 = arith.mulf %get3A_1145, %gather3A_1124 : vector<16xf32>
          %swap3A_1147 = arith.index_cast %add3A_1120 : i32 to index
          %swap3A_1148 = arith.constant 32 : index
          %swap3A_1149 = tpu.vector_load %arg28[%swap3A_1147, %swap3A_1148] {strides = array<i32>} : memref<32x128xf32, #tpu.memory_space<vmem>>, vector<16xf32>,
          tpu.vector_store %arg28[%swap3A_1147, %swap3A_1148], %mul3A_1146 {strides = array<i32>} : memref<32x128xf32, #tpu.memory_space<vmem>>, vector<16xf32>,
          %get3A_1150 = arith.index_cast %add3A_1120 : i32 to index
          %get3A_1151 = arith.constant 48 : index
          %get3A_1152 = tpu.vector_load %arg28[%get3A_1150, %get3A_1151] {strides = array<i32>} : memref<32x128xf32, #tpu.memory_space<vmem>>, vector<16xf32>,
          %mul3A_1153 = arith.mulf %get3A_1152, %gather3A_1124 : vector<16xf32>
          %swap3A_1154 = arith.index_cast %add3A_1120 : i32 to index
          %swap3A_1155 = arith.constant 48 : index
          %swap3A_1156 = tpu.vector_load %arg28[%swap3A_1154, %swap3A_1155] {strides = array<i32>} : memref<32x128xf32, #tpu.memory_space<vmem>>, vector<16xf32>,
          tpu.vector_store %arg28[%swap3A_1154, %swap3A_1155], %mul3A_1153 {strides = array<i32>} : memref<32x128xf32, #tpu.memory_space<vmem>>, vector<16xf32>,
          %get3A_1157 = arith.index_cast %add3A_1120 : i32 to index
          %get3A_1158 = arith.constant 64 : index
          %get3A_1159 = tpu.vector_load %arg28[%get3A_1157, %get3A_1158] {strides = array<i32>} : memref<32x128xf32, #tpu.memory_space<vmem>>, vector<16xf32>,
          %mul3A_1160 = arith.mulf %get3A_1159, %gather3A_1128 : vector<16xf32>
          %swap3A_1161 = arith.index_cast %add3A_1120 : i32 to index
          %swap3A_1162 = arith.constant 64 : index
          %swap3A_1163 = tpu.vector_load %arg28[%swap3A_1161, %swap3A_1162] {strides = array<i32>} : memref<32x128xf32, #tpu.memory_space<vmem>>, vector<16xf32>,
          tpu.vector_store %arg28[%swap3A_1161, %swap3A_1162], %mul3A_1160 {strides = array<i32>} : memref<32x128xf32, #tpu.memory_space<vmem>>, vector<16xf32>,
          %get3A_1164 = arith.index_cast %add3A_1120 : i32 to index
          %get3A_1165 = arith.constant 80 : index
          %get3A_1166 = tpu.vector_load %arg28[%get3A_1164, %get3A_1165] {strides = array<i32>} : memref<32x128xf32, #tpu.memory_space<vmem>>, vector<16xf32>,
          %mul3A_1167 = arith.mulf %get3A_1166, %gather3A_1128 : vector<16xf32>
          %swap3A_1168 = arith.index_cast %add3A_1120 : i32 to index
          %swap3A_1169 = arith.constant 80 : index
          %swap3A_1170 = tpu.vector_load %arg28[%swap3A_1168, %swap3A_1169] {strides = array<i32>} : memref<32x128xf32, #tpu.memory_space<vmem>>, vector<16xf32>,
          tpu.vector_store %arg28[%swap3A_1168, %swap3A_1169], %mul3A_1167 {strides = array<i32>} : memref<32x128xf32, #tpu.memory_space<vmem>>, vector<16xf32>,
          %get3A_1171 = arith.index_cast %add3A_1120 : i32 to index
          %get3A_1172 = arith.constant 96 : index
          %get3A_1173 = tpu.vector_load %arg28[%get3A_1171, %get3A_1172] {strides = array<i32>} : memref<32x128xf32, #tpu.memory_space<vmem>>, vector<16xf32>,
          %mul3A_1174 = arith.mulf %get3A_1173, %gather3A_1128 : vector<16xf32>
          %swap3A_1175 = arith.index_cast %add3A_1120 : i32 to index
          %swap3A_1176 = arith.constant 96 : index
          %swap3A_1177 = tpu.vector_load %arg28[%swap3A_1175, %swap3A_1176] {strides = array<i32>} : memref<32x128xf32, #tpu.memory_space<vmem>>, vector<16xf32>,
          tpu.vector_store %arg28[%swap3A_1175, %swap3A_1176], %mul3A_1174 {strides = array<i32>} : memref<32x128xf32, #tpu.memory_space<vmem>>, vector<16xf32>,
          %get3A_1178 = arith.index_cast %add3A_1120 : i32 to index
          %get3A_1179 = arith.constant 112 : index
          %get3A_1180 = tpu.vector_load %arg28[%get3A_1178, %get3A_1179] {strides = array<i32>} : memref<32x128xf32, #tpu.memory_space<vmem>>, vector<16xf32>,
          %mul3A_1181 = arith.mulf %get3A_1180, %gather3A_1128 : vector<16xf32>
          %swap3A_1182 = arith.index_cast %add3A_1120 : i32 to index
          %swap3A_1183 = arith.constant 112 : index
          %swap3A_1184 = tpu.vector_load %arg28[%swap3A_1182, %swap3A_1183] {strides = array<i32>} : memref<32x128xf32, #tpu.memory_space<vmem>>, vector<16xf32>,
          tpu.vector_store %arg28[%swap3A_1182, %swap3A_1183], %mul3A_1181 {strides = array<i32>} : memref<32x128xf32, #tpu.memory_space<vmem>>, vector<16xf32>,
          %mul3A_1185 = arith.constant 4 : i32
          %mul3A_1186 = arith.muli %scan3A_839, %mul3A_1185 : i32
          %add3A_1187 = arith.constant 1 : i32
          %add3A_1188 = arith.addi %mul3A_1186, %add3A_1187 : i32
          %broadcast_in_dim3A_1189 = arith.constant 6 : i32
          %broadcast_in_dim3A_1190 = vector.broadcast %broadcast_in_dim3A_1189 : i32 to vector<16x1xi32>
          %gather3A_1191 = vector.shape_cast %broadcast_in_dim3A_1190 : vector<16x1xi32> to vector<16xi32>
          %gather3A_1192 = tpu.dynamic_gather %get3A_844[%gather3A_1191] in [0] : vector<16xf32>, vector<16xi32> -> vector<16xf32>
          %broadcast_in_dim3A_1193 = arith.constant 7 : i32
          %broadcast_in_dim3A_1194 = vector.broadcast %broadcast_in_dim3A_1193 : i32 to vector<16x1xi32>
          %gather3A_1195 = vector.shape_cast %broadcast_in_dim3A_1194 : vector<16x1xi32> to vector<16xi32>
          %gather3A_1196 = tpu.dynamic_gather %get3A_844[%gather3A_1195] in [0] : vector<16xf32>, vector<16xi32> -> vector<16xf32>
          %get3A_1197 = arith.index_cast %add3A_1188 : i32 to index
          %get3A_1198 = arith.constant 0 : index
          %get3A_1199 = tpu.vector_load %arg28[%get3A_1197, %get3A_1198] {strides = array<i32>} : memref<32x128xf32, #tpu.memory_space<vmem>>, vector<16xf32>,
          %mul3A_1200 = arith.mulf %get3A_1199, %gather3A_1192 : vector<16xf32>
          %swap3A_1201 = arith.index_cast %add3A_1188 : i32 to index
          %swap3A_1202 = arith.constant 0 : index
          %swap3A_1203 = tpu.vector_load %arg28[%swap3A_1201, %swap3A_1202] {strides = array<i32>} : memref<32x128xf32, #tpu.memory_space<vmem>>, vector<16xf32>,
          tpu.vector_store %arg28[%swap3A_1201, %swap3A_1202], %mul3A_1200 {strides = array<i32>} : memref<32x128xf32, #tpu.memory_space<vmem>>, vector<16xf32>,
          %get3A_1204 = arith.index_cast %add3A_1188 : i32 to index
          %get3A_1205 = arith.constant 16 : index
          %get3A_1206 = tpu.vector_load %arg28[%get3A_1204, %get3A_1205] {strides = array<i32>} : memref<32x128xf32, #tpu.memory_space<vmem>>, vector<16xf32>,
          %mul3A_1207 = arith.mulf %get3A_1206, %gather3A_1192 : vector<16xf32>
          %swap3A_1208 = arith.index_cast %add3A_1188 : i32 to index
          %swap3A_1209 = arith.constant 16 : index
          %swap3A_1210 = tpu.vector_load %arg28[%swap3A_1208, %swap3A_1209] {strides = array<i32>} : memref<32x128xf32, #tpu.memory_space<vmem>>, vector<16xf32>,
          tpu.vector_store %arg28[%swap3A_1208, %swap3A_1209], %mul3A_1207 {strides = array<i32>} : memref<32x128xf32, #tpu.memory_space<vmem>>, vector<16xf32>,
          %get3A_1211 = arith.index_cast %add3A_1188 : i32 to index
          %get3A_1212 = arith.constant 32 : index
          %get3A_1213 = tpu.vector_load %arg28[%get3A_1211, %get3A_1212] {strides = array<i32>} : memref<32x128xf32, #tpu.memory_space<vmem>>, vector<16xf32>,
          %mul3A_1214 = arith.mulf %get3A_1213, %gather3A_1192 : vector<16xf32>
          %swap3A_1215 = arith.index_cast %add3A_1188 : i32 to index
          %swap3A_1216 = arith.constant 32 : index
          %swap3A_1217 = tpu.vector_load %arg28[%swap3A_1215, %swap3A_1216] {strides = array<i32>} : memref<32x128xf32, #tpu.memory_space<vmem>>, vector<16xf32>,
          tpu.vector_store %arg28[%swap3A_1215, %swap3A_1216], %mul3A_1214 {strides = array<i32>} : memref<32x128xf32, #tpu.memory_space<vmem>>, vector<16xf32>,
          %get3A_1218 = arith.index_cast %add3A_1188 : i32 to index
          %get3A_1219 = arith.constant 48 : index
          %get3A_1220 = tpu.vector_load %arg28[%get3A_1218, %get3A_1219] {strides = array<i32>} : memref<32x128xf32, #tpu.memory_space<vmem>>, vector<16xf32>,
          %mul3A_1221 = arith.mulf %get3A_1220, %gather3A_1192 : vector<16xf32>
          %swap3A_1222 = arith.index_cast %add3A_1188 : i32 to index
          %swap3A_1223 = arith.constant 48 : index
          %swap3A_1224 = tpu.vector_load %arg28[%swap3A_1222, %swap3A_1223] {strides = array<i32>} : memref<32x128xf32, #tpu.memory_space<vmem>>, vector<16xf32>,
          tpu.vector_store %arg28[%swap3A_1222, %swap3A_1223], %mul3A_1221 {strides = array<i32>} : memref<32x128xf32, #tpu.memory_space<vmem>>, vector<16xf32>,
          %get3A_1225 = arith.index_cast %add3A_1188 : i32 to index
          %get3A_1226 = arith.constant 64 : index
          %get3A_1227 = tpu.vector_load %arg28[%get3A_1225, %get3A_1226] {strides = array<i32>} : memref<32x128xf32, #tpu.memory_space<vmem>>, vector<16xf32>,
          %mul3A_1228 = arith.mulf %get3A_1227, %gather3A_1196 : vector<16xf32>
          %swap3A_1229 = arith.index_cast %add3A_1188 : i32 to index
          %swap3A_1230 = arith.constant 64 : index
          %swap3A_1231 = tpu.vector_load %arg28[%swap3A_1229, %swap3A_1230] {strides = array<i32>} : memref<32x128xf32, #tpu.memory_space<vmem>>, vector<16xf32>,
          tpu.vector_store %arg28[%swap3A_1229, %swap3A_1230], %mul3A_1228 {strides = array<i32>} : memref<32x128xf32, #tpu.memory_space<vmem>>, vector<16xf32>,
          %get3A_1232 = arith.index_cast %add3A_1188 : i32 to index
          %get3A_1233 = arith.constant 80 : index
          %get3A_1234 = tpu.vector_load %arg28[%get3A_1232, %get3A_1233] {strides = array<i32>} : memref<32x128xf32, #tpu.memory_space<vmem>>, vector<16xf32>,
          %mul3A_1235 = arith.mulf %get3A_1234, %gather3A_1196 : vector<16xf32>
          %swap3A_1236 = arith.index_cast %add3A_1188 : i32 to index
          %swap3A_1237 = arith.constant 80 : index
          %swap3A_1238 = tpu.vector_load %arg28[%swap3A_1236, %swap3A_1237] {strides = array<i32>} : memref<32x128xf32, #tpu.memory_space<vmem>>, vector<16xf32>,
          tpu.vector_store %arg28[%swap3A_1236, %swap3A_1237], %mul3A_1235 {strides = array<i32>} : memref<32x128xf32, #tpu.memory_space<vmem>>, vector<16xf32>,
          %get3A_1239 = arith.index_cast %add3A_1188 : i32 to index
          %get3A_1240 = arith.constant 96 : index
          %get3A_1241 = tpu.vector_load %arg28[%get3A_1239, %get3A_1240] {strides = array<i32>} : memref<32x128xf32, #tpu.memory_space<vmem>>, vector<16xf32>,
          %mul3A_1242 = arith.mulf %get3A_1241, %gather3A_1196 : vector<16xf32>
          %swap3A_1243 = arith.index_cast %add3A_1188 : i32 to index
          %swap3A_1244 = arith.constant 96 : index
          %swap3A_1245 = tpu.vector_load %arg28[%swap3A_1243, %swap3A_1244] {strides = array<i32>} : memref<32x128xf32, #tpu.memory_space<vmem>>, vector<16xf32>,
          tpu.vector_store %arg28[%swap3A_1243, %swap3A_1244], %mul3A_1242 {strides = array<i32>} : memref<32x128xf32, #tpu.memory_space<vmem>>, vector<16xf32>,
          %get3A_1246 = arith.index_cast %add3A_1188 : i32 to index
          %get3A_1247 = arith.constant 112 : index
          %get3A_1248 = tpu.vector_load %arg28[%get3A_1246, %get3A_1247] {strides = array<i32>} : memref<32x128xf32, #tpu.memory_space<vmem>>, vector<16xf32>,
          %mul3A_1249 = arith.mulf %get3A_1248, %gather3A_1196 : vector<16xf32>
          %swap3A_1250 = arith.index_cast %add3A_1188 : i32 to index
          %swap3A_1251 = arith.constant 112 : index
          %swap3A_1252 = tpu.vector_load %arg28[%swap3A_1250, %swap3A_1251] {strides = array<i32>} : memref<32x128xf32, #tpu.memory_space<vmem>>, vector<16xf32>,
          tpu.vector_store %arg28[%swap3A_1250, %swap3A_1251], %mul3A_1249 {strides = array<i32>} : memref<32x128xf32, #tpu.memory_space<vmem>>, vector<16xf32>,
          %mul3A_1253 = arith.constant 4 : i32
          %mul3A_1254 = arith.muli %scan3A_839, %mul3A_1253 : i32
          %add3A_1255 = arith.constant 2 : i32
          %add3A_1256 = arith.addi %mul3A_1254, %add3A_1255 : i32
          %broadcast_in_dim3A_1257 = arith.constant 10 : i32
          %broadcast_in_dim3A_1258 = vector.broadcast %broadcast_in_dim3A_1257 : i32 to vector<16x1xi32>
          %gather3A_1259 = vector.shape_cast %broadcast_in_dim3A_1258 : vector<16x1xi32> to vector<16xi32>
          %gather3A_1260 = tpu.dynamic_gather %get3A_844[%gather3A_1259] in [0] : vector<16xf32>, vector<16xi32> -> vector<16xf32>
          %broadcast_in_dim3A_1261 = arith.constant 11 : i32
          %broadcast_in_dim3A_1262 = vector.broadcast %broadcast_in_dim3A_1261 : i32 to vector<16x1xi32>
          %gather3A_1263 = vector.shape_cast %broadcast_in_dim3A_1262 : vector<16x1xi32> to vector<16xi32>
          %gather3A_1264 = tpu.dynamic_gather %get3A_844[%gather3A_1263] in [0] : vector<16xf32>, vector<16xi32> -> vector<16xf32>
          %get3A_1265 = arith.index_cast %add3A_1256 : i32 to index
          %get3A_1266 = arith.constant 0 : index
          %get3A_1267 = tpu.vector_load %arg28[%get3A_1265, %get3A_1266] {strides = array<i32>} : memref<32x128xf32, #tpu.memory_space<vmem>>, vector<16xf32>,
          %mul3A_1268 = arith.mulf %get3A_1267, %gather3A_1260 : vector<16xf32>
          %swap3A_1269 = arith.index_cast %add3A_1256 : i32 to index
          %swap3A_1270 = arith.constant 0 : index
          %swap3A_1271 = tpu.vector_load %arg28[%swap3A_1269, %swap3A_1270] {strides = array<i32>} : memref<32x128xf32, #tpu.memory_space<vmem>>, vector<16xf32>,
          tpu.vector_store %arg28[%swap3A_1269, %swap3A_1270], %mul3A_1268 {strides = array<i32>} : memref<32x128xf32, #tpu.memory_space<vmem>>, vector<16xf32>,
          %get3A_1272 = arith.index_cast %add3A_1256 : i32 to index
          %get3A_1273 = arith.constant 16 : index
          %get3A_1274 = tpu.vector_load %arg28[%get3A_1272, %get3A_1273] {strides = array<i32>} : memref<32x128xf32, #tpu.memory_space<vmem>>, vector<16xf32>,
          %mul3A_1275 = arith.mulf %get3A_1274, %gather3A_1260 : vector<16xf32>
          %swap3A_1276 = arith.index_cast %add3A_1256 : i32 to index
          %swap3A_1277 = arith.constant 16 : index
          %swap3A_1278 = tpu.vector_load %arg28[%swap3A_1276, %swap3A_1277] {strides = array<i32>} : memref<32x128xf32, #tpu.memory_space<vmem>>, vector<16xf32>,
          tpu.vector_store %arg28[%swap3A_1276, %swap3A_1277], %mul3A_1275 {strides = array<i32>} : memref<32x128xf32, #tpu.memory_space<vmem>>, vector<16xf32>,
          %get3A_1279 = arith.index_cast %add3A_1256 : i32 to index
          %get3A_1280 = arith.constant 32 : index
          %get3A_1281 = tpu.vector_load %arg28[%get3A_1279, %get3A_1280] {strides = array<i32>} : memref<32x128xf32, #tpu.memory_space<vmem>>, vector<16xf32>,
          %mul3A_1282 = arith.mulf %get3A_1281, %gather3A_1260 : vector<16xf32>
          %swap3A_1283 = arith.index_cast %add3A_1256 : i32 to index
          %swap3A_1284 = arith.constant 32 : index
          %swap3A_1285 = tpu.vector_load %arg28[%swap3A_1283, %swap3A_1284] {strides = array<i32>} : memref<32x128xf32, #tpu.memory_space<vmem>>, vector<16xf32>,
          tpu.vector_store %arg28[%swap3A_1283, %swap3A_1284], %mul3A_1282 {strides = array<i32>} : memref<32x128xf32, #tpu.memory_space<vmem>>, vector<16xf32>,
          %get3A_1286 = arith.index_cast %add3A_1256 : i32 to index
          %get3A_1287 = arith.constant 48 : index
          %get3A_1288 = tpu.vector_load %arg28[%get3A_1286, %get3A_1287] {strides = array<i32>} : memref<32x128xf32, #tpu.memory_space<vmem>>, vector<16xf32>,
          %mul3A_1289 = arith.mulf %get3A_1288, %gather3A_1260 : vector<16xf32>
          %swap3A_1290 = arith.index_cast %add3A_1256 : i32 to index
          %swap3A_1291 = arith.constant 48 : index
          %swap3A_1292 = tpu.vector_load %arg28[%swap3A_1290, %swap3A_1291] {strides = array<i32>} : memref<32x128xf32, #tpu.memory_space<vmem>>, vector<16xf32>,
          tpu.vector_store %arg28[%swap3A_1290, %swap3A_1291], %mul3A_1289 {strides = array<i32>} : memref<32x128xf32, #tpu.memory_space<vmem>>, vector<16xf32>,
          %get3A_1293 = arith.index_cast %add3A_1256 : i32 to index
          %get3A_1294 = arith.constant 64 : index
          %get3A_1295 = tpu.vector_load %arg28[%get3A_1293, %get3A_1294] {strides = array<i32>} : memref<32x128xf32, #tpu.memory_space<vmem>>, vector<16xf32>,
          %mul3A_1296 = arith.mulf %get3A_1295, %gather3A_1264 : vector<16xf32>
          %swap3A_1297 = arith.index_cast %add3A_1256 : i32 to index
          %swap3A_1298 = arith.constant 64 : index
          %swap3A_1299 = tpu.vector_load %arg28[%swap3A_1297, %swap3A_1298] {strides = array<i32>} : memref<32x128xf32, #tpu.memory_space<vmem>>, vector<16xf32>,
          tpu.vector_store %arg28[%swap3A_1297, %swap3A_1298], %mul3A_1296 {strides = array<i32>} : memref<32x128xf32, #tpu.memory_space<vmem>>, vector<16xf32>,
          %get3A_1300 = arith.index_cast %add3A_1256 : i32 to index
          %get3A_1301 = arith.constant 80 : index
          %get3A_1302 = tpu.vector_load %arg28[%get3A_1300, %get3A_1301] {strides = array<i32>} : memref<32x128xf32, #tpu.memory_space<vmem>>, vector<16xf32>,
          %mul3A_1303 = arith.mulf %get3A_1302, %gather3A_1264 : vector<16xf32>
          %swap3A_1304 = arith.index_cast %add3A_1256 : i32 to index
          %swap3A_1305 = arith.constant 80 : index
          %swap3A_1306 = tpu.vector_load %arg28[%swap3A_1304, %swap3A_1305] {strides = array<i32>} : memref<32x128xf32, #tpu.memory_space<vmem>>, vector<16xf32>,
          tpu.vector_store %arg28[%swap3A_1304, %swap3A_1305], %mul3A_1303 {strides = array<i32>} : memref<32x128xf32, #tpu.memory_space<vmem>>, vector<16xf32>,
          %get3A_1307 = arith.index_cast %add3A_1256 : i32 to index
          %get3A_1308 = arith.constant 96 : index
          %get3A_1309 = tpu.vector_load %arg28[%get3A_1307, %get3A_1308] {strides = array<i32>} : memref<32x128xf32, #tpu.memory_space<vmem>>, vector<16xf32>,
          %mul3A_1310 = arith.mulf %get3A_1309, %gather3A_1264 : vector<16xf32>
          %swap3A_1311 = arith.index_cast %add3A_1256 : i32 to index
          %swap3A_1312 = arith.constant 96 : index
          %swap3A_1313 = tpu.vector_load %arg28[%swap3A_1311, %swap3A_1312] {strides = array<i32>} : memref<32x128xf32, #tpu.memory_space<vmem>>, vector<16xf32>,
          tpu.vector_store %arg28[%swap3A_1311, %swap3A_1312], %mul3A_1310 {strides = array<i32>} : memref<32x128xf32, #tpu.memory_space<vmem>>, vector<16xf32>,
          %get3A_1314 = arith.index_cast %add3A_1256 : i32 to index
          %get3A_1315 = arith.constant 112 : index
          %get3A_1316 = tpu.vector_load %arg28[%get3A_1314, %get3A_1315] {strides = array<i32>} : memref<32x128xf32, #tpu.memory_space<vmem>>, vector<16xf32>,
          %mul3A_1317 = arith.mulf %get3A_1316, %gather3A_1264 : vector<16xf32>
          %swap3A_1318 = arith.index_cast %add3A_1256 : i32 to index
          %swap3A_1319 = arith.constant 112 : index
          %swap3A_1320 = tpu.vector_load %arg28[%swap3A_1318, %swap3A_1319] {strides = array<i32>} : memref<32x128xf32, #tpu.memory_space<vmem>>, vector<16xf32>,
          tpu.vector_store %arg28[%swap3A_1318, %swap3A_1319], %mul3A_1317 {strides = array<i32>} : memref<32x128xf32, #tpu.memory_space<vmem>>, vector<16xf32>,
          %mul3A_1321 = arith.constant 4 : i32
          %mul3A_1322 = arith.muli %scan3A_839, %mul3A_1321 : i32
          %add3A_1323 = arith.constant 3 : i32
          %add3A_1324 = arith.addi %mul3A_1322, %add3A_1323 : i32
          %broadcast_in_dim3A_1325 = arith.constant 14 : i32
          %broadcast_in_dim3A_1326 = vector.broadcast %broadcast_in_dim3A_1325 : i32 to vector<16x1xi32>
          %gather3A_1327 = vector.shape_cast %broadcast_in_dim3A_1326 : vector<16x1xi32> to vector<16xi32>
          %gather3A_1328 = tpu.dynamic_gather %get3A_844[%gather3A_1327] in [0] : vector<16xf32>, vector<16xi32> -> vector<16xf32>
          %broadcast_in_dim3A_1329 = arith.constant 15 : i32
          %broadcast_in_dim3A_1330 = vector.broadcast %broadcast_in_dim3A_1329 : i32 to vector<16x1xi32>
          %gather3A_1331 = vector.shape_cast %broadcast_in_dim3A_1330 : vector<16x1xi32> to vector<16xi32>
          %gather3A_1332 = tpu.dynamic_gather %get3A_844[%gather3A_1331] in [0] : vector<16xf32>, vector<16xi32> -> vector<16xf32>
          %get3A_1333 = arith.index_cast %add3A_1324 : i32 to index
          %get3A_1334 = arith.constant 0 : index
          %get3A_1335 = tpu.vector_load %arg28[%get3A_1333, %get3A_1334] {strides = array<i32>} : memref<32x128xf32, #tpu.memory_space<vmem>>, vector<16xf32>,
          %mul3A_1336 = arith.mulf %get3A_1335, %gather3A_1328 : vector<16xf32>
          %swap3A_1337 = arith.index_cast %add3A_1324 : i32 to index
          %swap3A_1338 = arith.constant 0 : index
          %swap3A_1339 = tpu.vector_load %arg28[%swap3A_1337, %swap3A_1338] {strides = array<i32>} : memref<32x128xf32, #tpu.memory_space<vmem>>, vector<16xf32>,
          tpu.vector_store %arg28[%swap3A_1337, %swap3A_1338], %mul3A_1336 {strides = array<i32>} : memref<32x128xf32, #tpu.memory_space<vmem>>, vector<16xf32>,
          %get3A_1340 = arith.index_cast %add3A_1324 : i32 to index
          %get3A_1341 = arith.constant 16 : index
          %get3A_1342 = tpu.vector_load %arg28[%get3A_1340, %get3A_1341] {strides = array<i32>} : memref<32x128xf32, #tpu.memory_space<vmem>>, vector<16xf32>,
          %mul3A_1343 = arith.mulf %get3A_1342, %gather3A_1328 : vector<16xf32>
          %swap3A_1344 = arith.index_cast %add3A_1324 : i32 to index
          %swap3A_1345 = arith.constant 16 : index
          %swap3A_1346 = tpu.vector_load %arg28[%swap3A_1344, %swap3A_1345] {strides = array<i32>} : memref<32x128xf32, #tpu.memory_space<vmem>>, vector<16xf32>,
          tpu.vector_store %arg28[%swap3A_1344, %swap3A_1345], %mul3A_1343 {strides = array<i32>} : memref<32x128xf32, #tpu.memory_space<vmem>>, vector<16xf32>,
          %get3A_1347 = arith.index_cast %add3A_1324 : i32 to index
          %get3A_1348 = arith.constant 32 : index
          %get3A_1349 = tpu.vector_load %arg28[%get3A_1347, %get3A_1348] {strides = array<i32>} : memref<32x128xf32, #tpu.memory_space<vmem>>, vector<16xf32>,
          %mul3A_1350 = arith.mulf %get3A_1349, %gather3A_1328 : vector<16xf32>
          %swap3A_1351 = arith.index_cast %add3A_1324 : i32 to index
          %swap3A_1352 = arith.constant 32 : index
          %swap3A_1353 = tpu.vector_load %arg28[%swap3A_1351, %swap3A_1352] {strides = array<i32>} : memref<32x128xf32, #tpu.memory_space<vmem>>, vector<16xf32>,
          tpu.vector_store %arg28[%swap3A_1351, %swap3A_1352], %mul3A_1350 {strides = array<i32>} : memref<32x128xf32, #tpu.memory_space<vmem>>, vector<16xf32>,
          %get3A_1354 = arith.index_cast %add3A_1324 : i32 to index
          %get3A_1355 = arith.constant 48 : index
          %get3A_1356 = tpu.vector_load %arg28[%get3A_1354, %get3A_1355] {strides = array<i32>} : memref<32x128xf32, #tpu.memory_space<vmem>>, vector<16xf32>,
          %mul3A_1357 = arith.mulf %get3A_1356, %gather3A_1328 : vector<16xf32>
          %swap3A_1358 = arith.index_cast %add3A_1324 : i32 to index
          %swap3A_1359 = arith.constant 48 : index
          %swap3A_1360 = tpu.vector_load %arg28[%swap3A_1358, %swap3A_1359] {strides = array<i32>} : memref<32x128xf32, #tpu.memory_space<vmem>>, vector<16xf32>,
          tpu.vector_store %arg28[%swap3A_1358, %swap3A_1359], %mul3A_1357 {strides = array<i32>} : memref<32x128xf32, #tpu.memory_space<vmem>>, vector<16xf32>,
          %get3A_1361 = arith.index_cast %add3A_1324 : i32 to index
          %get3A_1362 = arith.constant 64 : index
          %get3A_1363 = tpu.vector_load %arg28[%get3A_1361, %get3A_1362] {strides = array<i32>} : memref<32x128xf32, #tpu.memory_space<vmem>>, vector<16xf32>,
          %mul3A_1364 = arith.mulf %get3A_1363, %gather3A_1332 : vector<16xf32>
          %swap3A_1365 = arith.index_cast %add3A_1324 : i32 to index
          %swap3A_1366 = arith.constant 64 : index
          %swap3A_1367 = tpu.vector_load %arg28[%swap3A_1365, %swap3A_1366] {strides = array<i32>} : memref<32x128xf32, #tpu.memory_space<vmem>>, vector<16xf32>,
          tpu.vector_store %arg28[%swap3A_1365, %swap3A_1366], %mul3A_1364 {strides = array<i32>} : memref<32x128xf32, #tpu.memory_space<vmem>>, vector<16xf32>,
          %get3A_1368 = arith.index_cast %add3A_1324 : i32 to index
          %get3A_1369 = arith.constant 80 : index
          %get3A_1370 = tpu.vector_load %arg28[%get3A_1368, %get3A_1369] {strides = array<i32>} : memref<32x128xf32, #tpu.memory_space<vmem>>, vector<16xf32>,
          %mul3A_1371 = arith.mulf %get3A_1370, %gather3A_1332 : vector<16xf32>
          %swap3A_1372 = arith.index_cast %add3A_1324 : i32 to index
          %swap3A_1373 = arith.constant 80 : index
          %swap3A_1374 = tpu.vector_load %arg28[%swap3A_1372, %swap3A_1373] {strides = array<i32>} : memref<32x128xf32, #tpu.memory_space<vmem>>, vector<16xf32>,
          tpu.vector_store %arg28[%swap3A_1372, %swap3A_1373], %mul3A_1371 {strides = array<i32>} : memref<32x128xf32, #tpu.memory_space<vmem>>, vector<16xf32>,
          %get3A_1375 = arith.index_cast %add3A_1324 : i32 to index
          %get3A_1376 = arith.constant 96 : index
          %get3A_1377 = tpu.vector_load %arg28[%get3A_1375, %get3A_1376] {strides = array<i32>} : memref<32x128xf32, #tpu.memory_space<vmem>>, vector<16xf32>,
          %mul3A_1378 = arith.mulf %get3A_1377, %gather3A_1332 : vector<16xf32>
          %swap3A_1379 = arith.index_cast %add3A_1324 : i32 to index
          %swap3A_1380 = arith.constant 96 : index
          %swap3A_1381 = tpu.vector_load %arg28[%swap3A_1379, %swap3A_1380] {strides = array<i32>} : memref<32x128xf32, #tpu.memory_space<vmem>>, vector<16xf32>,
          tpu.vector_store %arg28[%swap3A_1379, %swap3A_1380], %mul3A_1378 {strides = array<i32>} : memref<32x128xf32, #tpu.memory_space<vmem>>, vector<16xf32>,
          %get3A_1382 = arith.index_cast %add3A_1324 : i32 to index
          %get3A_1383 = arith.constant 112 : index
          %get3A_1384 = tpu.vector_load %arg28[%get3A_1382, %get3A_1383] {strides = array<i32>} : memref<32x128xf32, #tpu.memory_space<vmem>>, vector<16xf32>,
          %mul3A_1385 = arith.mulf %get3A_1384, %gather3A_1332 : vector<16xf32>
          %swap3A_1386 = arith.index_cast %add3A_1324 : i32 to index
          %swap3A_1387 = arith.constant 112 : index
          %swap3A_1388 = tpu.vector_load %arg28[%swap3A_1386, %swap3A_1387] {strides = array<i32>} : memref<32x128xf32, #tpu.memory_space<vmem>>, vector<16xf32>,
          tpu.vector_store %arg28[%swap3A_1386, %swap3A_1387], %mul3A_1385 {strides = array<i32>} : memref<32x128xf32, #tpu.memory_space<vmem>>, vector<16xf32>,
          %scan3A_1389 = arith.constant 0 : i32
          scf.yield %scan3A_1389 : i32
        }
        %scan3A_837 = arith.constant 8 : i32
        "tpu.region"() ({
          %run_scoped3A_839 = tpu.sem_alloc : memref<!tpu.dma_semaphore, #tpu.memory_space<semaphore_mem>>
          %dma_start3A_840 = arith.constant 0 : i32
          %dma_start3A_841 = arith.constant 0 : i32
          %dma_start3A_842 = tpu.memref_slice %arg35[%dma_start3A_840, %dma_start3A_841] : memref<4096x128xf32, #tpu.memory_space<vmem_shared>> -> memref<4096x128xf32, #tpu.memory_space<vmem_shared>>
          tpu.enqueue_indirect_dma source(%arg27 : memref<32x128xf32, #tpu.memory_space<vmem>>) target(%dma_start3A_842 : memref<4096x128xf32, #tpu.memory_space<vmem_shared>>) offsets(%arg24 : memref<32xi32, #tpu.memory_space<vmem>>) semaphore(%run_scoped3A_839 : memref<!tpu.dma_semaphore, #tpu.memory_space<semaphore_mem>>) {add = true}
          %dma_wait3A_843 = arith.constant 0 : i32
          %dma_wait3A_844 = arith.constant 0 : i32
          %dma_wait3A_845 = tpu.memref_slice %arg35[%dma_wait3A_843, %dma_wait3A_844] : memref<4096x128xf32, #tpu.memory_space<vmem_shared>> -> memref<4096x128xf32, #tpu.memory_space<vmem_shared>>
          tpu.wait_indirect_dma semaphore(%run_scoped3A_839 : memref<!tpu.dma_semaphore, #tpu.memory_space<semaphore_mem>>) src(%arg27 : memref<32x128xf32, #tpu.memory_space<vmem>>) dst(%dma_wait3A_845 : memref<4096x128xf32, #tpu.memory_space<vmem_shared>>)
          tpu.yield
        }) : () -> ()
        "tpu.region"() ({
          %run_scoped3A_839 = tpu.sem_alloc : memref<!tpu.dma_semaphore, #tpu.memory_space<semaphore_mem>>
          %dma_start3A_840 = arith.constant 0 : i32
          %dma_start3A_841 = arith.constant 0 : i32
          %dma_start3A_842 = tpu.memref_slice %arg36[%dma_start3A_840, %dma_start3A_841] : memref<4096x128xf32, #tpu.memory_space<vmem_shared>> -> memref<4096x128xf32, #tpu.memory_space<vmem_shared>>
          tpu.enqueue_indirect_dma source(%arg28 : memref<32x128xf32, #tpu.memory_space<vmem>>) target(%dma_start3A_842 : memref<4096x128xf32, #tpu.memory_space<vmem_shared>>) offsets(%arg24 : memref<32xi32, #tpu.memory_space<vmem>>) semaphore(%run_scoped3A_839 : memref<!tpu.dma_semaphore, #tpu.memory_space<semaphore_mem>>) {add = true}
          %dma_wait3A_843 = arith.constant 0 : i32
          %dma_wait3A_844 = arith.constant 0 : i32
          %dma_wait3A_845 = tpu.memref_slice %arg36[%dma_wait3A_843, %dma_wait3A_844] : memref<4096x128xf32, #tpu.memory_space<vmem_shared>> -> memref<4096x128xf32, #tpu.memory_space<vmem_shared>>
          tpu.wait_indirect_dma semaphore(%run_scoped3A_839 : memref<!tpu.dma_semaphore, #tpu.memory_space<semaphore_mem>>) src(%arg28 : memref<32x128xf32, #tpu.memory_space<vmem>>) dst(%dma_wait3A_845 : memref<4096x128xf32, #tpu.memory_space<vmem_shared>>)
          tpu.yield
        }) : () -> ()
        %scan3A_838 = arith.constant 0 : i32
        scf.yield %scan3A_838 : i32
      }
      %scan3A_92 = arith.constant 68 : i32
      %barrier3A_93 = arith.constant 0 : index
      tpu.barrier barrier_id(%barrier3A_93)
      %run_scoped3A = arith.constant 0 : i32
      "tpu.region"() ({
        %run_scoped3A_100 = tpu.sem_alloc : memref<!tpu.dma_semaphore, #tpu.memory_space<semaphore_mem>>
        %dma_start3A_101 = arith.constant 0 : i32
        %dma_start3A_102 = tpu.memref_slice %arg8[%scan3A_10, %arg0, %run_scoped3A, %mul3A_2, %dma_start3A_101] : memref<3x2x2x4096x128xf32, #tpu.memory_space<hbm>> -> memref<1x1x1x256x128xf32, #tpu.memory_space<hbm>>
        %dma_start3A_103 = tpu.memref_squeeze %dma_start3A_102 : memref<1x1x1x256x128xf32, #tpu.memory_space<hbm>> -> memref<256x128xf32, #tpu.memory_space<hbm>>
        %dma_start3A_104 = arith.constant 0 : i32
        %dma_start3A_105 = tpu.memref_slice %arg35[%mul3A_2, %dma_start3A_104] : memref<4096x128xf32, #tpu.memory_space<vmem_shared>> -> memref<256x128xf32, #tpu.memory_space<vmem_shared>>
        tpu.enqueue_dma source(%dma_start3A_105 : memref<256x128xf32, #tpu.memory_space<vmem_shared>>) target(%dma_start3A_103 : memref<256x128xf32, #tpu.memory_space<hbm>>) target_semaphore(%run_scoped3A_100 : memref<!tpu.dma_semaphore, #tpu.memory_space<semaphore_mem>>)
        %dma_wait3A = arith.constant 0 : i32
        %dma_wait3A_106 = tpu.memref_slice %arg8[%scan3A_10, %arg0, %run_scoped3A, %mul3A_2, %dma_wait3A] : memref<3x2x2x4096x128xf32, #tpu.memory_space<hbm>> -> memref<1x1x1x256x128xf32, #tpu.memory_space<hbm>>
        %dma_wait3A_107 = tpu.memref_squeeze %dma_wait3A_106 : memref<1x1x1x256x128xf32, #tpu.memory_space<hbm>> -> memref<256x128xf32, #tpu.memory_space<hbm>>
        %dma_wait3A_108 = arith.constant 0 : i32
        %dma_wait3A_109 = tpu.memref_slice %arg35[%mul3A_2, %dma_wait3A_108] : memref<4096x128xf32, #tpu.memory_space<vmem_shared>> -> memref<256x128xf32, #tpu.memory_space<vmem_shared>>
        tpu.wait_dma2 semaphore(%run_scoped3A_100 : memref<!tpu.dma_semaphore, #tpu.memory_space<semaphore_mem>>) src(%dma_wait3A_109 : memref<256x128xf32, #tpu.memory_space<vmem_shared>>) dst(%dma_wait3A_107 : memref<256x128xf32, #tpu.memory_space<hbm>>)
        tpu.yield
      }) : () -> ()
      %run_scoped3A_94 = arith.constant 1 : i32
      "tpu.region"() ({
        %run_scoped3A_100 = tpu.sem_alloc : memref<!tpu.dma_semaphore, #tpu.memory_space<semaphore_mem>>
        %dma_start3A_101 = arith.constant 0 : i32
        %dma_start3A_102 = tpu.memref_slice %arg8[%scan3A_10, %arg0, %run_scoped3A_94, %mul3A_2, %dma_start3A_101] : memref<3x2x2x4096x128xf32, #tpu.memory_space<hbm>> -> memref<1x1x1x256x128xf32, #tpu.memory_space<hbm>>
        %dma_start3A_103 = tpu.memref_squeeze %dma_start3A_102 : memref<1x1x1x256x128xf32, #tpu.memory_space<hbm>> -> memref<256x128xf32, #tpu.memory_space<hbm>>
        %dma_start3A_104 = arith.constant 0 : i32
        %dma_start3A_105 = tpu.memref_slice %arg36[%mul3A_2, %dma_start3A_104] : memref<4096x128xf32, #tpu.memory_space<vmem_shared>> -> memref<256x128xf32, #tpu.memory_space<vmem_shared>>
        tpu.enqueue_dma source(%dma_start3A_105 : memref<256x128xf32, #tpu.memory_space<vmem_shared>>) target(%dma_start3A_103 : memref<256x128xf32, #tpu.memory_space<hbm>>) target_semaphore(%run_scoped3A_100 : memref<!tpu.dma_semaphore, #tpu.memory_space<semaphore_mem>>)
        %dma_wait3A = arith.constant 0 : i32
        %dma_wait3A_106 = tpu.memref_slice %arg8[%scan3A_10, %arg0, %run_scoped3A_94, %mul3A_2, %dma_wait3A] : memref<3x2x2x4096x128xf32, #tpu.memory_space<hbm>> -> memref<1x1x1x256x128xf32, #tpu.memory_space<hbm>>
        %dma_wait3A_107 = tpu.memref_squeeze %dma_wait3A_106 : memref<1x1x1x256x128xf32, #tpu.memory_space<hbm>> -> memref<256x128xf32, #tpu.memory_space<hbm>>
        %dma_wait3A_108 = arith.constant 0 : i32
        %dma_wait3A_109 = tpu.memref_slice %arg36[%mul3A_2, %dma_wait3A_108] : memref<4096x128xf32, #tpu.memory_space<vmem_shared>> -> memref<256x128xf32, #tpu.memory_space<vmem_shared>>
        tpu.wait_dma2 semaphore(%run_scoped3A_100 : memref<!tpu.dma_semaphore, #tpu.memory_space<semaphore_mem>>) src(%dma_wait3A_109 : memref<256x128xf32, #tpu.memory_space<vmem_shared>>) dst(%dma_wait3A_107 : memref<256x128xf32, #tpu.memory_space<hbm>>)
        tpu.yield
      }) : () -> ()
      %mul3A_95 = arith.constant 4 : i32
      %mul3A_96 = arith.muli %mul3A_2, %mul3A_95 : i32
      %mul3A_97 = arith.constant 4 : i32
      %mul3A_98 = arith.muli %mul3A_2, %mul3A_97 : i32
      "tpu.region"() ({
        %run_scoped3A_100 = tpu.sem_alloc : memref<!tpu.dma_semaphore, #tpu.memory_space<semaphore_mem>>
        %dma_start3A_101 = tpu.memref_slice %arg9[%scan3A_10, %arg0, %mul3A_98] : memref<3x2x16384xf32, #tpu.memory_space<hbm>> -> memref<1x1x1024xf32, #tpu.memory_space<hbm>>
        %dma_start3A_102 = tpu.memref_squeeze %dma_start3A_101 : memref<1x1x1024xf32, #tpu.memory_space<hbm>> -> memref<1024xf32, #tpu.memory_space<hbm>>
        %dma_start3A_103 = tpu.memref_slice %arg34[%mul3A_96] : memref<16384xf32, #tpu.memory_space<vmem_shared>> -> memref<1024xf32, #tpu.memory_space<vmem_shared>>
        tpu.enqueue_dma source(%dma_start3A_103 : memref<1024xf32, #tpu.memory_space<vmem_shared>>) target(%dma_start3A_102 : memref<1024xf32, #tpu.memory_space<hbm>>) target_semaphore(%run_scoped3A_100 : memref<!tpu.dma_semaphore, #tpu.memory_space<semaphore_mem>>)
        %dma_wait3A = tpu.memref_slice %arg9[%scan3A_10, %arg0, %mul3A_98] : memref<3x2x16384xf32, #tpu.memory_space<hbm>> -> memref<1x1x1024xf32, #tpu.memory_space<hbm>>
        %dma_wait3A_104 = tpu.memref_squeeze %dma_wait3A : memref<1x1x1024xf32, #tpu.memory_space<hbm>> -> memref<1024xf32, #tpu.memory_space<hbm>>
        %dma_wait3A_105 = tpu.memref_slice %arg34[%mul3A_96] : memref<16384xf32, #tpu.memory_space<vmem_shared>> -> memref<1024xf32, #tpu.memory_space<vmem_shared>>
        tpu.wait_dma2 semaphore(%run_scoped3A_100 : memref<!tpu.dma_semaphore, #tpu.memory_space<semaphore_mem>>) src(%dma_wait3A_105 : memref<1024xf32, #tpu.memory_space<vmem_shared>>) dst(%dma_wait3A_104 : memref<1024xf32, #tpu.memory_space<hbm>>)
        tpu.yield
      }) : () -> ()
      %scan3A_99 = arith.constant 0 : i32
      scf.yield %scan3A_99 : i32
    }
    %scan3A_9 = arith.constant 3 : i32
    return
  }
}

#map = affine_map<(d0, d1) -> (0, 0)>
#map1 = affine_map<(d0, d1) -> (0)>
module attributes {stable_mosaic.version = 14 : i64} {
  func.func @k(%arg0: i32, %arg1: i32, %arg2: memref<30000x512xf32, #tpu.memory_space<hbm>>, %arg3: memref<8192xi32, #tpu.memory_space<hbm>>, %arg4: memref<24576x512xf32, #tpu.memory_space<hbm>>, %arg5: memref<256xi32, #tpu.memory_space<vmem>>, %arg6: memref<128xi32, #tpu.memory_space<vmem>>, %arg7: memref<128x512xf32, #tpu.memory_space<vmem>>, %arg8: memref<!tpu.dma_semaphore, #tpu.memory_space<semaphore_mem>>) attributes {dimension_semantics = [#tpu.dimension_semantics<core_parallel>, #tpu.dimension_semantics<subcore_parallel>], iteration_bounds = array<i64: 2, 16>, scalar_prefetch = 0 : i64, scratch_operands = 4 : i64, tpu.core_type = #tpu.core_type<sc_vector_subcore>, window_params = [{transform_indices = #map}, {transform_indices = #map1}, {transform_indices = #map}]} {
    %mul3A = arith.constant 2 : i32
    %mul3A_0 = arith.muli %arg1, %mul3A : i32
    %add3A = arith.addi %mul3A_0, %arg0 : i32
    %mul3A_1 = arith.constant 256 : i32
    %mul3A_2 = arith.muli %add3A, %mul3A_1 : i32
    "tpu.region"() ({
      %run_scoped3A = tpu.sem_alloc : memref<!tpu.dma_semaphore, #tpu.memory_space<semaphore_mem>>
      %dma_start3A_102 = tpu.memref_slice %arg3[%mul3A_2] : memref<8192xi32, #tpu.memory_space<hbm>> -> memref<256xi32, #tpu.memory_space<hbm>>
      %dma_start3A_103 = tpu.memref_slice %arg3[%mul3A_2] : memref<8192xi32, #tpu.memory_space<hbm>> -> memref<256xi32, #tpu.memory_space<hbm>>
      tpu.enqueue_dma source(%dma_start3A_103 : memref<256xi32, #tpu.memory_space<hbm>>) target(%arg5 : memref<256xi32, #tpu.memory_space<vmem>>) target_semaphore(%run_scoped3A : memref<!tpu.dma_semaphore, #tpu.memory_space<semaphore_mem>>)
      %dma_wait3A_104 = tpu.memref_slice %arg3[%mul3A_2] : memref<8192xi32, #tpu.memory_space<hbm>> -> memref<256xi32, #tpu.memory_space<hbm>>
      %dma_wait3A_105 = tpu.memref_slice %arg3[%mul3A_2] : memref<8192xi32, #tpu.memory_space<hbm>> -> memref<256xi32, #tpu.memory_space<hbm>>
      tpu.wait_dma2 semaphore(%run_scoped3A : memref<!tpu.dma_semaphore, #tpu.memory_space<semaphore_mem>>) src(%dma_wait3A_105 : memref<256xi32, #tpu.memory_space<hbm>>) dst(%arg5 : memref<256xi32, #tpu.memory_space<vmem>>)
      tpu.yield
    }) : () -> ()
    %scan3A = arith.constant 0 : i32
    %scan3A_3 = arith.constant 0 : i32
    %scan3A_4 = arith.constant 8 : i32
    %scan3A_5 = arith.addi %scan3A_3, %scan3A_4 : i32
    %scan3A_6 = arith.constant 1 : i32
    %scan3A_7 = scf.for %scan3A_102 = %scan3A_3 to %scan3A_5 step %scan3A_6 iter_args(%scan3A_103 = %scan3A) -> (i32)  : i32 {
      %mul3A_104 = arith.constant 16 : i32
      %mul3A_105 = arith.muli %scan3A_102, %mul3A_104 : i32
      %add3A_106 = arith.constant 0 : i32
      %add3A_107 = arith.addi %add3A_106, %mul3A_105 : i32
      %get3A = arith.index_cast %add3A_107 : i32 to index
      %get3A_108 = tpu.vector_load %arg5[%get3A] {strides = array<i32>} : memref<256xi32, #tpu.memory_space<vmem>>, vector<16xi32>,
      %add3A_109 = arith.constant 0 : i32
      %add3A_110 = vector.broadcast %add3A_109 : i32 to vector<16xi32>
      %add3A_111 = arith.addi %get3A_108, %add3A_110 : vector<16xi32>
      %mul3A_112 = arith.constant 16 : i32
      %mul3A_113 = arith.muli %scan3A_102, %mul3A_112 : i32
      %swap3A = arith.index_cast %mul3A_113 : i32 to index
      %swap3A_114 = tpu.vector_load %arg6[%swap3A] {strides = array<i32>} : memref<128xi32, #tpu.memory_space<vmem>>, vector<16xi32>,
      tpu.vector_store %arg6[%swap3A], %add3A_111 {strides = array<i32>} : memref<128xi32, #tpu.memory_space<vmem>>, vector<16xi32>,
      %scan3A_115 = arith.constant 0 : i32
      scf.yield %scan3A_115 : i32
    }
    %scan3A_8 = arith.constant 8 : i32
    %dma_start3A = arith.constant 0 : i32
    %dma_start3A_9 = arith.constant 0 : i32
    %dma_start3A_10 = tpu.memref_slice %arg2[%dma_start3A, %dma_start3A_9] : memref<30000x512xf32, #tpu.memory_space<hbm>> -> memref<30000x512xf32, #tpu.memory_space<hbm>>
    tpu.enqueue_indirect_dma source(%dma_start3A_10 : memref<30000x512xf32, #tpu.memory_space<hbm>>) target(%arg7 : memref<128x512xf32, #tpu.memory_space<vmem>>) offsets(%arg6 : memref<128xi32, #tpu.memory_space<vmem>>) semaphore(%arg8 : memref<!tpu.dma_semaphore, #tpu.memory_space<semaphore_mem>>)
    %dma_wait3A = arith.constant 0 : i32
    %dma_wait3A_11 = arith.constant 0 : i32
    %dma_wait3A_12 = tpu.memref_slice %arg2[%dma_wait3A, %dma_wait3A_11] : memref<30000x512xf32, #tpu.memory_space<hbm>> -> memref<30000x512xf32, #tpu.memory_space<hbm>>
    tpu.wait_indirect_dma semaphore(%arg8 : memref<!tpu.dma_semaphore, #tpu.memory_space<semaphore_mem>>) src(%dma_wait3A_12 : memref<30000x512xf32, #tpu.memory_space<hbm>>) dst(%arg7 : memref<128x512xf32, #tpu.memory_space<vmem>>)
    %add3A_13 = arith.constant 0 : i32
    %add3A_14 = arith.addi %add3A_13, %mul3A_2 : i32
    %add3A_15 = arith.constant 0 : i32
    %add3A_16 = arith.addi %add3A_14, %add3A_15 : i32
    "tpu.region"() ({
      %run_scoped3A = tpu.sem_alloc : memref<!tpu.dma_semaphore, #tpu.memory_space<semaphore_mem>>
      %dma_start3A_102 = arith.constant 0 : i32
      %dma_start3A_103 = tpu.memref_slice %arg4[%add3A_16, %dma_start3A_102] : memref<24576x512xf32, #tpu.memory_space<hbm>> -> memref<128x512xf32, #tpu.memory_space<hbm>>
      %dma_start3A_104 = arith.constant 0 : i32
      %dma_start3A_105 = tpu.memref_slice %arg4[%add3A_16, %dma_start3A_104] : memref<24576x512xf32, #tpu.memory_space<hbm>> -> memref<128x512xf32, #tpu.memory_space<hbm>>
      tpu.enqueue_dma source(%arg7 : memref<128x512xf32, #tpu.memory_space<vmem>>) target(%dma_start3A_105 : memref<128x512xf32, #tpu.memory_space<hbm>>) target_semaphore(%run_scoped3A : memref<!tpu.dma_semaphore, #tpu.memory_space<semaphore_mem>>)
      %dma_wait3A_106 = arith.constant 0 : i32
      %dma_wait3A_107 = tpu.memref_slice %arg4[%add3A_16, %dma_wait3A_106] : memref<24576x512xf32, #tpu.memory_space<hbm>> -> memref<128x512xf32, #tpu.memory_space<hbm>>
      %dma_wait3A_108 = arith.constant 0 : i32
      %dma_wait3A_109 = tpu.memref_slice %arg4[%add3A_16, %dma_wait3A_108] : memref<24576x512xf32, #tpu.memory_space<hbm>> -> memref<128x512xf32, #tpu.memory_space<hbm>>
      tpu.wait_dma2 semaphore(%run_scoped3A : memref<!tpu.dma_semaphore, #tpu.memory_space<semaphore_mem>>) src(%arg7 : memref<128x512xf32, #tpu.memory_space<vmem>>) dst(%dma_wait3A_109 : memref<128x512xf32, #tpu.memory_space<hbm>>)
      tpu.yield
    }) : () -> ()
    %scan3A_17 = arith.constant 0 : i32
    %scan3A_18 = arith.constant 0 : i32
    %scan3A_19 = arith.constant 8 : i32
    %scan3A_20 = arith.addi %scan3A_18, %scan3A_19 : i32
    %scan3A_21 = arith.constant 1 : i32
    %scan3A_22 = scf.for %scan3A_102 = %scan3A_18 to %scan3A_20 step %scan3A_21 iter_args(%scan3A_103 = %scan3A_17) -> (i32)  : i32 {
      %mul3A_104 = arith.constant 16 : i32
      %mul3A_105 = arith.muli %scan3A_102, %mul3A_104 : i32
      %add3A_106 = arith.constant 128 : i32
      %add3A_107 = arith.addi %add3A_106, %mul3A_105 : i32
      %get3A = arith.index_cast %add3A_107 : i32 to index
      %get3A_108 = tpu.vector_load %arg5[%get3A] {strides = array<i32>} : memref<256xi32, #tpu.memory_space<vmem>>, vector<16xi32>,
      %add3A_109 = arith.constant 0 : i32
      %add3A_110 = vector.broadcast %add3A_109 : i32 to vector<16xi32>
      %add3A_111 = arith.addi %get3A_108, %add3A_110 : vector<16xi32>
      %mul3A_112 = arith.constant 16 : i32
      %mul3A_113 = arith.muli %scan3A_102, %mul3A_112 : i32
      %swap3A = arith.index_cast %mul3A_113 : i32 to index
      %swap3A_114 = tpu.vector_load %arg6[%swap3A] {strides = array<i32>} : memref<128xi32, #tpu.memory_space<vmem>>, vector<16xi32>,
      tpu.vector_store %arg6[%swap3A], %add3A_111 {strides = array<i32>} : memref<128xi32, #tpu.memory_space<vmem>>, vector<16xi32>,
      %scan3A_115 = arith.constant 0 : i32
      scf.yield %scan3A_115 : i32
    }
    %scan3A_23 = arith.constant 8 : i32
    %dma_start3A_24 = arith.constant 0 : i32
    %dma_start3A_25 = arith.constant 0 : i32
    %dma_start3A_26 = tpu.memref_slice %arg2[%dma_start3A_24, %dma_start3A_25] : memref<30000x512xf32, #tpu.memory_space<hbm>> -> memref<30000x512xf32, #tpu.memory_space<hbm>>
    tpu.enqueue_indirect_dma source(%dma_start3A_26 : memref<30000x512xf32, #tpu.memory_space<hbm>>) target(%arg7 : memref<128x512xf32, #tpu.memory_space<vmem>>) offsets(%arg6 : memref<128xi32, #tpu.memory_space<vmem>>) semaphore(%arg8 : memref<!tpu.dma_semaphore, #tpu.memory_space<semaphore_mem>>)
    %dma_wait3A_27 = arith.constant 0 : i32
    %dma_wait3A_28 = arith.constant 0 : i32
    %dma_wait3A_29 = tpu.memref_slice %arg2[%dma_wait3A_27, %dma_wait3A_28] : memref<30000x512xf32, #tpu.memory_space<hbm>> -> memref<30000x512xf32, #tpu.memory_space<hbm>>
    tpu.wait_indirect_dma semaphore(%arg8 : memref<!tpu.dma_semaphore, #tpu.memory_space<semaphore_mem>>) src(%dma_wait3A_29 : memref<30000x512xf32, #tpu.memory_space<hbm>>) dst(%arg7 : memref<128x512xf32, #tpu.memory_space<vmem>>)
    %add3A_30 = arith.constant 0 : i32
    %add3A_31 = arith.addi %add3A_30, %mul3A_2 : i32
    %add3A_32 = arith.constant 128 : i32
    %add3A_33 = arith.addi %add3A_31, %add3A_32 : i32
    "tpu.region"() ({
      %run_scoped3A = tpu.sem_alloc : memref<!tpu.dma_semaphore, #tpu.memory_space<semaphore_mem>>
      %dma_start3A_102 = arith.constant 0 : i32
      %dma_start3A_103 = tpu.memref_slice %arg4[%add3A_33, %dma_start3A_102] : memref<24576x512xf32, #tpu.memory_space<hbm>> -> memref<128x512xf32, #tpu.memory_space<hbm>>
      %dma_start3A_104 = arith.constant 0 : i32
      %dma_start3A_105 = tpu.memref_slice %arg4[%add3A_33, %dma_start3A_104] : memref<24576x512xf32, #tpu.memory_space<hbm>> -> memref<128x512xf32, #tpu.memory_space<hbm>>
      tpu.enqueue_dma source(%arg7 : memref<128x512xf32, #tpu.memory_space<vmem>>) target(%dma_start3A_105 : memref<128x512xf32, #tpu.memory_space<hbm>>) target_semaphore(%run_scoped3A : memref<!tpu.dma_semaphore, #tpu.memory_space<semaphore_mem>>)
      %dma_wait3A_106 = arith.constant 0 : i32
      %dma_wait3A_107 = tpu.memref_slice %arg4[%add3A_33, %dma_wait3A_106] : memref<24576x512xf32, #tpu.memory_space<hbm>> -> memref<128x512xf32, #tpu.memory_space<hbm>>
      %dma_wait3A_108 = arith.constant 0 : i32
      %dma_wait3A_109 = tpu.memref_slice %arg4[%add3A_33, %dma_wait3A_108] : memref<24576x512xf32, #tpu.memory_space<hbm>> -> memref<128x512xf32, #tpu.memory_space<hbm>>
      tpu.wait_dma2 semaphore(%run_scoped3A : memref<!tpu.dma_semaphore, #tpu.memory_space<semaphore_mem>>) src(%arg7 : memref<128x512xf32, #tpu.memory_space<vmem>>) dst(%dma_wait3A_109 : memref<128x512xf32, #tpu.memory_space<hbm>>)
      tpu.yield
    }) : () -> ()
    %scan3A_34 = arith.constant 0 : i32
    %scan3A_35 = arith.constant 0 : i32
    %scan3A_36 = arith.constant 8 : i32
    %scan3A_37 = arith.addi %scan3A_35, %scan3A_36 : i32
    %scan3A_38 = arith.constant 1 : i32
    %scan3A_39 = scf.for %scan3A_102 = %scan3A_35 to %scan3A_37 step %scan3A_38 iter_args(%scan3A_103 = %scan3A_34) -> (i32)  : i32 {
      %mul3A_104 = arith.constant 16 : i32
      %mul3A_105 = arith.muli %scan3A_102, %mul3A_104 : i32
      %add3A_106 = arith.constant 0 : i32
      %add3A_107 = arith.addi %add3A_106, %mul3A_105 : i32
      %get3A = arith.index_cast %add3A_107 : i32 to index
      %get3A_108 = tpu.vector_load %arg5[%get3A] {strides = array<i32>} : memref<256xi32, #tpu.memory_space<vmem>>, vector<16xi32>,
      %add3A_109 = arith.constant 10000 : i32
      %add3A_110 = vector.broadcast %add3A_109 : i32 to vector<16xi32>
      %add3A_111 = arith.addi %get3A_108, %add3A_110 : vector<16xi32>
      %mul3A_112 = arith.constant 16 : i32
      %mul3A_113 = arith.muli %scan3A_102, %mul3A_112 : i32
      %swap3A = arith.index_cast %mul3A_113 : i32 to index
      %swap3A_114 = tpu.vector_load %arg6[%swap3A] {strides = array<i32>} : memref<128xi32, #tpu.memory_space<vmem>>, vector<16xi32>,
      tpu.vector_store %arg6[%swap3A], %add3A_111 {strides = array<i32>} : memref<128xi32, #tpu.memory_space<vmem>>, vector<16xi32>,
      %scan3A_115 = arith.constant 0 : i32
      scf.yield %scan3A_115 : i32
    }
    %scan3A_40 = arith.constant 8 : i32
    %dma_start3A_41 = arith.constant 0 : i32
    %dma_start3A_42 = arith.constant 0 : i32
    %dma_start3A_43 = tpu.memref_slice %arg2[%dma_start3A_41, %dma_start3A_42] : memref<30000x512xf32, #tpu.memory_space<hbm>> -> memref<30000x512xf32, #tpu.memory_space<hbm>>
    tpu.enqueue_indirect_dma source(%dma_start3A_43 : memref<30000x512xf32, #tpu.memory_space<hbm>>) target(%arg7 : memref<128x512xf32, #tpu.memory_space<vmem>>) offsets(%arg6 : memref<128xi32, #tpu.memory_space<vmem>>) semaphore(%arg8 : memref<!tpu.dma_semaphore, #tpu.memory_space<semaphore_mem>>)
    %dma_wait3A_44 = arith.constant 0 : i32
    %dma_wait3A_45 = arith.constant 0 : i32
    %dma_wait3A_46 = tpu.memref_slice %arg2[%dma_wait3A_44, %dma_wait3A_45] : memref<30000x512xf32, #tpu.memory_space<hbm>> -> memref<30000x512xf32, #tpu.memory_space<hbm>>
    tpu.wait_indirect_dma semaphore(%arg8 : memref<!tpu.dma_semaphore, #tpu.memory_space<semaphore_mem>>) src(%dma_wait3A_46 : memref<30000x512xf32, #tpu.memory_space<hbm>>) dst(%arg7 : memref<128x512xf32, #tpu.memory_space<vmem>>)
    %add3A_47 = arith.constant 8192 : i32
    %add3A_48 = arith.addi %add3A_47, %mul3A_2 : i32
    %add3A_49 = arith.constant 0 : i32
    %add3A_50 = arith.addi %add3A_48, %add3A_49 : i32
    "tpu.region"() ({
      %run_scoped3A = tpu.sem_alloc : memref<!tpu.dma_semaphore, #tpu.memory_space<semaphore_mem>>
      %dma_start3A_102 = arith.constant 0 : i32
      %dma_start3A_103 = tpu.memref_slice %arg4[%add3A_50, %dma_start3A_102] : memref<24576x512xf32, #tpu.memory_space<hbm>> -> memref<128x512xf32, #tpu.memory_space<hbm>>
      %dma_start3A_104 = arith.constant 0 : i32
      %dma_start3A_105 = tpu.memref_slice %arg4[%add3A_50, %dma_start3A_104] : memref<24576x512xf32, #tpu.memory_space<hbm>> -> memref<128x512xf32, #tpu.memory_space<hbm>>
      tpu.enqueue_dma source(%arg7 : memref<128x512xf32, #tpu.memory_space<vmem>>) target(%dma_start3A_105 : memref<128x512xf32, #tpu.memory_space<hbm>>) target_semaphore(%run_scoped3A : memref<!tpu.dma_semaphore, #tpu.memory_space<semaphore_mem>>)
      %dma_wait3A_106 = arith.constant 0 : i32
      %dma_wait3A_107 = tpu.memref_slice %arg4[%add3A_50, %dma_wait3A_106] : memref<24576x512xf32, #tpu.memory_space<hbm>> -> memref<128x512xf32, #tpu.memory_space<hbm>>
      %dma_wait3A_108 = arith.constant 0 : i32
      %dma_wait3A_109 = tpu.memref_slice %arg4[%add3A_50, %dma_wait3A_108] : memref<24576x512xf32, #tpu.memory_space<hbm>> -> memref<128x512xf32, #tpu.memory_space<hbm>>
      tpu.wait_dma2 semaphore(%run_scoped3A : memref<!tpu.dma_semaphore, #tpu.memory_space<semaphore_mem>>) src(%arg7 : memref<128x512xf32, #tpu.memory_space<vmem>>) dst(%dma_wait3A_109 : memref<128x512xf32, #tpu.memory_space<hbm>>)
      tpu.yield
    }) : () -> ()
    %scan3A_51 = arith.constant 0 : i32
    %scan3A_52 = arith.constant 0 : i32
    %scan3A_53 = arith.constant 8 : i32
    %scan3A_54 = arith.addi %scan3A_52, %scan3A_53 : i32
    %scan3A_55 = arith.constant 1 : i32
    %scan3A_56 = scf.for %scan3A_102 = %scan3A_52 to %scan3A_54 step %scan3A_55 iter_args(%scan3A_103 = %scan3A_51) -> (i32)  : i32 {
      %mul3A_104 = arith.constant 16 : i32
      %mul3A_105 = arith.muli %scan3A_102, %mul3A_104 : i32
      %add3A_106 = arith.constant 128 : i32
      %add3A_107 = arith.addi %add3A_106, %mul3A_105 : i32
      %get3A = arith.index_cast %add3A_107 : i32 to index
      %get3A_108 = tpu.vector_load %arg5[%get3A] {strides = array<i32>} : memref<256xi32, #tpu.memory_space<vmem>>, vector<16xi32>,
      %add3A_109 = arith.constant 10000 : i32
      %add3A_110 = vector.broadcast %add3A_109 : i32 to vector<16xi32>
      %add3A_111 = arith.addi %get3A_108, %add3A_110 : vector<16xi32>
      %mul3A_112 = arith.constant 16 : i32
      %mul3A_113 = arith.muli %scan3A_102, %mul3A_112 : i32
      %swap3A = arith.index_cast %mul3A_113 : i32 to index
      %swap3A_114 = tpu.vector_load %arg6[%swap3A] {strides = array<i32>} : memref<128xi32, #tpu.memory_space<vmem>>, vector<16xi32>,
      tpu.vector_store %arg6[%swap3A], %add3A_111 {strides = array<i32>} : memref<128xi32, #tpu.memory_space<vmem>>, vector<16xi32>,
      %scan3A_115 = arith.constant 0 : i32
      scf.yield %scan3A_115 : i32
    }
    %scan3A_57 = arith.constant 8 : i32
    %dma_start3A_58 = arith.constant 0 : i32
    %dma_start3A_59 = arith.constant 0 : i32
    %dma_start3A_60 = tpu.memref_slice %arg2[%dma_start3A_58, %dma_start3A_59] : memref<30000x512xf32, #tpu.memory_space<hbm>> -> memref<30000x512xf32, #tpu.memory_space<hbm>>
    tpu.enqueue_indirect_dma source(%dma_start3A_60 : memref<30000x512xf32, #tpu.memory_space<hbm>>) target(%arg7 : memref<128x512xf32, #tpu.memory_space<vmem>>) offsets(%arg6 : memref<128xi32, #tpu.memory_space<vmem>>) semaphore(%arg8 : memref<!tpu.dma_semaphore, #tpu.memory_space<semaphore_mem>>)
    %dma_wait3A_61 = arith.constant 0 : i32
    %dma_wait3A_62 = arith.constant 0 : i32
    %dma_wait3A_63 = tpu.memref_slice %arg2[%dma_wait3A_61, %dma_wait3A_62] : memref<30000x512xf32, #tpu.memory_space<hbm>> -> memref<30000x512xf32, #tpu.memory_space<hbm>>
    tpu.wait_indirect_dma semaphore(%arg8 : memref<!tpu.dma_semaphore, #tpu.memory_space<semaphore_mem>>) src(%dma_wait3A_63 : memref<30000x512xf32, #tpu.memory_space<hbm>>) dst(%arg7 : memref<128x512xf32, #tpu.memory_space<vmem>>)
    %add3A_64 = arith.constant 8192 : i32
    %add3A_65 = arith.addi %add3A_64, %mul3A_2 : i32
    %add3A_66 = arith.constant 128 : i32
    %add3A_67 = arith.addi %add3A_65, %add3A_66 : i32
    "tpu.region"() ({
      %run_scoped3A = tpu.sem_alloc : memref<!tpu.dma_semaphore, #tpu.memory_space<semaphore_mem>>
      %dma_start3A_102 = arith.constant 0 : i32
      %dma_start3A_103 = tpu.memref_slice %arg4[%add3A_67, %dma_start3A_102] : memref<24576x512xf32, #tpu.memory_space<hbm>> -> memref<128x512xf32, #tpu.memory_space<hbm>>
      %dma_start3A_104 = arith.constant 0 : i32
      %dma_start3A_105 = tpu.memref_slice %arg4[%add3A_67, %dma_start3A_104] : memref<24576x512xf32, #tpu.memory_space<hbm>> -> memref<128x512xf32, #tpu.memory_space<hbm>>
      tpu.enqueue_dma source(%arg7 : memref<128x512xf32, #tpu.memory_space<vmem>>) target(%dma_start3A_105 : memref<128x512xf32, #tpu.memory_space<hbm>>) target_semaphore(%run_scoped3A : memref<!tpu.dma_semaphore, #tpu.memory_space<semaphore_mem>>)
      %dma_wait3A_106 = arith.constant 0 : i32
      %dma_wait3A_107 = tpu.memref_slice %arg4[%add3A_67, %dma_wait3A_106] : memref<24576x512xf32, #tpu.memory_space<hbm>> -> memref<128x512xf32, #tpu.memory_space<hbm>>
      %dma_wait3A_108 = arith.constant 0 : i32
      %dma_wait3A_109 = tpu.memref_slice %arg4[%add3A_67, %dma_wait3A_108] : memref<24576x512xf32, #tpu.memory_space<hbm>> -> memref<128x512xf32, #tpu.memory_space<hbm>>
      tpu.wait_dma2 semaphore(%run_scoped3A : memref<!tpu.dma_semaphore, #tpu.memory_space<semaphore_mem>>) src(%arg7 : memref<128x512xf32, #tpu.memory_space<vmem>>) dst(%dma_wait3A_109 : memref<128x512xf32, #tpu.memory_space<hbm>>)
      tpu.yield
    }) : () -> ()
    %scan3A_68 = arith.constant 0 : i32
    %scan3A_69 = arith.constant 0 : i32
    %scan3A_70 = arith.constant 8 : i32
    %scan3A_71 = arith.addi %scan3A_69, %scan3A_70 : i32
    %scan3A_72 = arith.constant 1 : i32
    %scan3A_73 = scf.for %scan3A_102 = %scan3A_69 to %scan3A_71 step %scan3A_72 iter_args(%scan3A_103 = %scan3A_68) -> (i32)  : i32 {
      %mul3A_104 = arith.constant 16 : i32
      %mul3A_105 = arith.muli %scan3A_102, %mul3A_104 : i32
      %add3A_106 = arith.constant 0 : i32
      %add3A_107 = arith.addi %add3A_106, %mul3A_105 : i32
      %get3A = arith.index_cast %add3A_107 : i32 to index
      %get3A_108 = tpu.vector_load %arg5[%get3A] {strides = array<i32>} : memref<256xi32, #tpu.memory_space<vmem>>, vector<16xi32>,
      %add3A_109 = arith.constant 20000 : i32
      %add3A_110 = vector.broadcast %add3A_109 : i32 to vector<16xi32>
      %add3A_111 = arith.addi %get3A_108, %add3A_110 : vector<16xi32>
      %mul3A_112 = arith.constant 16 : i32
      %mul3A_113 = arith.muli %scan3A_102, %mul3A_112 : i32
      %swap3A = arith.index_cast %mul3A_113 : i32 to index
      %swap3A_114 = tpu.vector_load %arg6[%swap3A] {strides = array<i32>} : memref<128xi32, #tpu.memory_space<vmem>>, vector<16xi32>,
      tpu.vector_store %arg6[%swap3A], %add3A_111 {strides = array<i32>} : memref<128xi32, #tpu.memory_space<vmem>>, vector<16xi32>,
      %scan3A_115 = arith.constant 0 : i32
      scf.yield %scan3A_115 : i32
    }
    %scan3A_74 = arith.constant 8 : i32
    %dma_start3A_75 = arith.constant 0 : i32
    %dma_start3A_76 = arith.constant 0 : i32
    %dma_start3A_77 = tpu.memref_slice %arg2[%dma_start3A_75, %dma_start3A_76] : memref<30000x512xf32, #tpu.memory_space<hbm>> -> memref<30000x512xf32, #tpu.memory_space<hbm>>
    tpu.enqueue_indirect_dma source(%dma_start3A_77 : memref<30000x512xf32, #tpu.memory_space<hbm>>) target(%arg7 : memref<128x512xf32, #tpu.memory_space<vmem>>) offsets(%arg6 : memref<128xi32, #tpu.memory_space<vmem>>) semaphore(%arg8 : memref<!tpu.dma_semaphore, #tpu.memory_space<semaphore_mem>>)
    %dma_wait3A_78 = arith.constant 0 : i32
    %dma_wait3A_79 = arith.constant 0 : i32
    %dma_wait3A_80 = tpu.memref_slice %arg2[%dma_wait3A_78, %dma_wait3A_79] : memref<30000x512xf32, #tpu.memory_space<hbm>> -> memref<30000x512xf32, #tpu.memory_space<hbm>>
    tpu.wait_indirect_dma semaphore(%arg8 : memref<!tpu.dma_semaphore, #tpu.memory_space<semaphore_mem>>) src(%dma_wait3A_80 : memref<30000x512xf32, #tpu.memory_space<hbm>>) dst(%arg7 : memref<128x512xf32, #tpu.memory_space<vmem>>)
    %add3A_81 = arith.constant 16384 : i32
    %add3A_82 = arith.addi %add3A_81, %mul3A_2 : i32
    %add3A_83 = arith.constant 0 : i32
    %add3A_84 = arith.addi %add3A_82, %add3A_83 : i32
    "tpu.region"() ({
      %run_scoped3A = tpu.sem_alloc : memref<!tpu.dma_semaphore, #tpu.memory_space<semaphore_mem>>
      %dma_start3A_102 = arith.constant 0 : i32
      %dma_start3A_103 = tpu.memref_slice %arg4[%add3A_84, %dma_start3A_102] : memref<24576x512xf32, #tpu.memory_space<hbm>> -> memref<128x512xf32, #tpu.memory_space<hbm>>
      %dma_start3A_104 = arith.constant 0 : i32
      %dma_start3A_105 = tpu.memref_slice %arg4[%add3A_84, %dma_start3A_104] : memref<24576x512xf32, #tpu.memory_space<hbm>> -> memref<128x512xf32, #tpu.memory_space<hbm>>
      tpu.enqueue_dma source(%arg7 : memref<128x512xf32, #tpu.memory_space<vmem>>) target(%dma_start3A_105 : memref<128x512xf32, #tpu.memory_space<hbm>>) target_semaphore(%run_scoped3A : memref<!tpu.dma_semaphore, #tpu.memory_space<semaphore_mem>>)
      %dma_wait3A_106 = arith.constant 0 : i32
      %dma_wait3A_107 = tpu.memref_slice %arg4[%add3A_84, %dma_wait3A_106] : memref<24576x512xf32, #tpu.memory_space<hbm>> -> memref<128x512xf32, #tpu.memory_space<hbm>>
      %dma_wait3A_108 = arith.constant 0 : i32
      %dma_wait3A_109 = tpu.memref_slice %arg4[%add3A_84, %dma_wait3A_108] : memref<24576x512xf32, #tpu.memory_space<hbm>> -> memref<128x512xf32, #tpu.memory_space<hbm>>
      tpu.wait_dma2 semaphore(%run_scoped3A : memref<!tpu.dma_semaphore, #tpu.memory_space<semaphore_mem>>) src(%arg7 : memref<128x512xf32, #tpu.memory_space<vmem>>) dst(%dma_wait3A_109 : memref<128x512xf32, #tpu.memory_space<hbm>>)
      tpu.yield
    }) : () -> ()
    %scan3A_85 = arith.constant 0 : i32
    %scan3A_86 = arith.constant 0 : i32
    %scan3A_87 = arith.constant 8 : i32
    %scan3A_88 = arith.addi %scan3A_86, %scan3A_87 : i32
    %scan3A_89 = arith.constant 1 : i32
    %scan3A_90 = scf.for %scan3A_102 = %scan3A_86 to %scan3A_88 step %scan3A_89 iter_args(%scan3A_103 = %scan3A_85) -> (i32)  : i32 {
      %mul3A_104 = arith.constant 16 : i32
      %mul3A_105 = arith.muli %scan3A_102, %mul3A_104 : i32
      %add3A_106 = arith.constant 128 : i32
      %add3A_107 = arith.addi %add3A_106, %mul3A_105 : i32
      %get3A = arith.index_cast %add3A_107 : i32 to index
      %get3A_108 = tpu.vector_load %arg5[%get3A] {strides = array<i32>} : memref<256xi32, #tpu.memory_space<vmem>>, vector<16xi32>,
      %add3A_109 = arith.constant 20000 : i32
      %add3A_110 = vector.broadcast %add3A_109 : i32 to vector<16xi32>
      %add3A_111 = arith.addi %get3A_108, %add3A_110 : vector<16xi32>
      %mul3A_112 = arith.constant 16 : i32
      %mul3A_113 = arith.muli %scan3A_102, %mul3A_112 : i32
      %swap3A = arith.index_cast %mul3A_113 : i32 to index
      %swap3A_114 = tpu.vector_load %arg6[%swap3A] {strides = array<i32>} : memref<128xi32, #tpu.memory_space<vmem>>, vector<16xi32>,
      tpu.vector_store %arg6[%swap3A], %add3A_111 {strides = array<i32>} : memref<128xi32, #tpu.memory_space<vmem>>, vector<16xi32>,
      %scan3A_115 = arith.constant 0 : i32
      scf.yield %scan3A_115 : i32
    }
    %scan3A_91 = arith.constant 8 : i32
    %dma_start3A_92 = arith.constant 0 : i32
    %dma_start3A_93 = arith.constant 0 : i32
    %dma_start3A_94 = tpu.memref_slice %arg2[%dma_start3A_92, %dma_start3A_93] : memref<30000x512xf32, #tpu.memory_space<hbm>> -> memref<30000x512xf32, #tpu.memory_space<hbm>>
    tpu.enqueue_indirect_dma source(%dma_start3A_94 : memref<30000x512xf32, #tpu.memory_space<hbm>>) target(%arg7 : memref<128x512xf32, #tpu.memory_space<vmem>>) offsets(%arg6 : memref<128xi32, #tpu.memory_space<vmem>>) semaphore(%arg8 : memref<!tpu.dma_semaphore, #tpu.memory_space<semaphore_mem>>)
    %dma_wait3A_95 = arith.constant 0 : i32
    %dma_wait3A_96 = arith.constant 0 : i32
    %dma_wait3A_97 = tpu.memref_slice %arg2[%dma_wait3A_95, %dma_wait3A_96] : memref<30000x512xf32, #tpu.memory_space<hbm>> -> memref<30000x512xf32, #tpu.memory_space<hbm>>
    tpu.wait_indirect_dma semaphore(%arg8 : memref<!tpu.dma_semaphore, #tpu.memory_space<semaphore_mem>>) src(%dma_wait3A_97 : memref<30000x512xf32, #tpu.memory_space<hbm>>) dst(%arg7 : memref<128x512xf32, #tpu.memory_space<vmem>>)
    %add3A_98 = arith.constant 16384 : i32
    %add3A_99 = arith.addi %add3A_98, %mul3A_2 : i32
    %add3A_100 = arith.constant 128 : i32
    %add3A_101 = arith.addi %add3A_99, %add3A_100 : i32
    "tpu.region"() ({
      %run_scoped3A = tpu.sem_alloc : memref<!tpu.dma_semaphore, #tpu.memory_space<semaphore_mem>>
      %dma_start3A_102 = arith.constant 0 : i32
      %dma_start3A_103 = tpu.memref_slice %arg4[%add3A_101, %dma_start3A_102] : memref<24576x512xf32, #tpu.memory_space<hbm>> -> memref<128x512xf32, #tpu.memory_space<hbm>>
      %dma_start3A_104 = arith.constant 0 : i32
      %dma_start3A_105 = tpu.memref_slice %arg4[%add3A_101, %dma_start3A_104] : memref<24576x512xf32, #tpu.memory_space<hbm>> -> memref<128x512xf32, #tpu.memory_space<hbm>>
      tpu.enqueue_dma source(%arg7 : memref<128x512xf32, #tpu.memory_space<vmem>>) target(%dma_start3A_105 : memref<128x512xf32, #tpu.memory_space<hbm>>) target_semaphore(%run_scoped3A : memref<!tpu.dma_semaphore, #tpu.memory_space<semaphore_mem>>)
      %dma_wait3A_106 = arith.constant 0 : i32
      %dma_wait3A_107 = tpu.memref_slice %arg4[%add3A_101, %dma_wait3A_106] : memref<24576x512xf32, #tpu.memory_space<hbm>> -> memref<128x512xf32, #tpu.memory_space<hbm>>
      %dma_wait3A_108 = arith.constant 0 : i32
      %dma_wait3A_109 = tpu.memref_slice %arg4[%add3A_101, %dma_wait3A_108] : memref<24576x512xf32, #tpu.memory_space<hbm>> -> memref<128x512xf32, #tpu.memory_space<hbm>>
      tpu.wait_dma2 semaphore(%run_scoped3A : memref<!tpu.dma_semaphore, #tpu.memory_space<semaphore_mem>>) src(%arg7 : memref<128x512xf32, #tpu.memory_space<vmem>>) dst(%dma_wait3A_109 : memref<128x512xf32, #tpu.memory_space<hbm>>)
      tpu.yield
    }) : () -> ()
    return
  }
}

module attributes {stable_mosaic.version = 14 : i64} {
  func.func @_h_body(%arg0: i32, %arg1: i32, %arg2: memref<1x512x512xf32, #tpu.memory_space<vmem>>, %arg3: memref<1x512x512xf32, #tpu.memory_space<vmem>>, %arg4: memref<1x1x512xf32, #tpu.memory_space<vmem>>, %arg5: memref<1x1x512xf32, #tpu.memory_space<vmem>>, %arg6: memref<1x512x512xf32, #tpu.memory_space<vmem>>, %arg7: memref<1x8x512xf32, #tpu.memory_space<vmem>>) attributes {dimension_semantics = [#tpu.dimension_semantics<arbitrary>, #tpu.dimension_semantics<arbitrary>], iteration_bounds = array<i64: 3, 16>, scalar_prefetch = 0 : i64, scratch_operands = 0 : i64, tpu.core_type = #tpu.core_type<tc>, window_params = [{transform_indices = @transform_0, window_bounds = array<i64: 1, 512, 512>}, {transform_indices = @transform_1, window_bounds = array<i64: 1, 512, 512>}, {transform_indices = @transform_2, window_bounds = array<i64: 1, 1, 512>}, {transform_indices = @transform_3, window_bounds = array<i64: 1, 1, 512>}, {transform_indices = @transform_4, window_bounds = array<i64: 1, 512, 512>}, {transform_indices = @transform_5, window_bounds = array<i64: 1, 8, 512>}]} {
    %get3A = arith.constant 0 : index
    %get3A_0 = arith.constant 0 : index
    %get3A_1 = arith.constant 0 : index
    %get3A_2 = vector.load %arg2[%get3A, %get3A_0, %get3A_1] : memref<1x512x512xf32, #tpu.memory_space<vmem>>, vector<1x512x512xf32>
    %get3A_3 = vector.shape_cast %get3A_2 : vector<1x512x512xf32> to vector<512x512xf32>
    %get3A_4 = arith.constant 0 : index
    %get3A_5 = arith.constant 0 : index
    %get3A_6 = arith.constant 0 : index
    %get3A_7 = vector.load %arg5[%get3A_4, %get3A_5, %get3A_6] : memref<1x1x512xf32, #tpu.memory_space<vmem>>, vector<1x1x512xf32>
    %get3A_8 = vector.shape_cast %get3A_7 : vector<1x1x512xf32> to vector<1x512xf32>
    %add3A = vector.broadcast %get3A_8 : vector<1x512xf32> to vector<512x512xf32>
    %add3A_9 = arith.addf %get3A_3, %add3A : vector<512x512xf32>
    %convert_element_type3A = arith.truncf %add3A_9 : vector<512x512xf32> to vector<512x512xbf16>
    %get3A_10 = arith.constant 0 : index
    %get3A_11 = arith.constant 0 : index
    %get3A_12 = arith.constant 0 : index
    %get3A_13 = vector.load %arg3[%get3A_10, %get3A_11, %get3A_12] : memref<1x512x512xf32, #tpu.memory_space<vmem>>, vector<1x512x512xf32>
    %get3A_14 = vector.shape_cast %get3A_13 : vector<1x512x512xf32> to vector<512x512xf32>
    %convert_element_type3A_15 = arith.truncf %get3A_14 : vector<512x512xf32> to vector<512x512xbf16>
    %dot_general3A = arith.constant dense<0.000000e+00> : vector<512x512xf32>
    %dot_general3A_16 = tpu.matmul %convert_element_type3A, %convert_element_type3A_15, %dot_general3A {dimension_numbers = #tpu.dot_dimension_numbers<[1], [0], [0], [1], [0, 0, 1, 1], [], []>, transpose_lhs_hint = false} : vector<512x512xbf16>, vector<512x512xbf16>, vector<512x512xf32> -> vector<512x512xf32>
    %swap3A = arith.constant 0 : index
    %swap3A_17 = arith.constant 0 : index
    %swap3A_18 = arith.constant 0 : index
    %swap3A_19 = vector.load %arg6[%swap3A, %swap3A_17, %swap3A_18] : memref<1x512x512xf32, #tpu.memory_space<vmem>>, vector<1x512x512xf32>
    %swap3A_20 = vector.shape_cast %swap3A_19 : vector<1x512x512xf32> to vector<512x512xf32>
    %swap3A_21 = vector.shape_cast %dot_general3A_16 : vector<512x512xf32> to vector<1x512x512xf32>
    tpu.vector_store %arg6[%swap3A, %swap3A_17, %swap3A_18], %swap3A_21 {strides = array<i32>} : memref<1x512x512xf32, #tpu.memory_space<vmem>>, vector<1x512x512xf32>,
    %get3A_22 = arith.constant 0 : index
    %get3A_23 = arith.constant 0 : index
    %get3A_24 = arith.constant 0 : index
    %get3A_25 = vector.load %arg3[%get3A_22, %get3A_23, %get3A_24] : memref<1x512x512xf32, #tpu.memory_space<vmem>>, vector<1x512x512xf32>
    %get3A_26 = vector.shape_cast %get3A_25 : vector<1x512x512xf32> to vector<512x512xf32>
    %get3A_27 = arith.constant 0 : index
    %get3A_28 = arith.constant 0 : index
    %get3A_29 = arith.constant 0 : index
    %get3A_30 = vector.load %arg4[%get3A_27, %get3A_28, %get3A_29] : memref<1x1x512xf32, #tpu.memory_space<vmem>>, vector<1x1x512xf32>
    %get3A_31 = vector.shape_cast %get3A_30 : vector<1x1x512xf32> to vector<1x512xf32>
    %iota3A = tpu.iota {dimensions = array<i32: 0>} : vector<512x8xi32>
    %jit3A = arith.constant 64 : i32
    %div3A = vector.broadcast %jit3A : i32 to vector<512x8xi32>
    %div3A_32 = arith.divsi %iota3A, %div3A : vector<512x8xi32>
    %sign3A = arith.constant 0 : i32
    %sign3A_33 = vector.broadcast %sign3A : i32 to vector<512x8xi32>
    %sign3A_34 = arith.cmpi sgt, %iota3A, %sign3A_33 : vector<512x8xi32>
    %sign3A_35 = arith.extui %sign3A_34 : vector<512x8xi1> to vector<512x8xi32>
    %sign3A_36 = arith.constant 0 : i32
    %sign3A_37 = vector.broadcast %sign3A_36 : i32 to vector<512x8xi32>
    %sign3A_38 = arith.cmpi slt, %iota3A, %sign3A_37 : vector<512x8xi32>
    %sign3A_39 = arith.extui %sign3A_38 : vector<512x8xi1> to vector<512x8xi32>
    %sign3A_40 = arith.subi %sign3A_35, %sign3A_39 : vector<512x8xi32>
    %sign3A_41 = arith.constant 0 : i32
    %sign3A_42 = arith.cmpi sgt, %jit3A, %sign3A_41 : i32
    %sign3A_43 = arith.extui %sign3A_42 : i1 to i32
    %sign3A_44 = arith.constant 0 : i32
    %sign3A_45 = arith.cmpi slt, %jit3A, %sign3A_44 : i32
    %sign3A_46 = arith.extui %sign3A_45 : i1 to i32
    %sign3A_47 = arith.subi %sign3A_43, %sign3A_46 : i32
    %ne3A = vector.broadcast %sign3A_47 : i32 to vector<512x8xi32>
    %ne3A_48 = arith.cmpi ne, %sign3A_40, %ne3A : vector<512x8xi32>
    %rem3A = vector.broadcast %jit3A : i32 to vector<512x8xi32>
    %rem3A_49 = arith.remsi %iota3A, %rem3A : vector<512x8xi32>
    %ne3A_50 = arith.constant 0 : i32
    %ne3A_51 = vector.broadcast %ne3A_50 : i32 to vector<512x8xi32>
    %ne3A_52 = arith.cmpi ne, %rem3A_49, %ne3A_51 : vector<512x8xi32>
    %and3A = arith.andi %ne3A_48, %ne3A_52 : vector<512x8xi1>
    %sub3A = arith.constant 1 : i32
    %sub3A_53 = vector.broadcast %sub3A : i32 to vector<512x8xi32>
    %sub3A_54 = arith.subi %div3A_32, %sub3A_53 : vector<512x8xi32>
    %select_n3A = arith.select %and3A, %sub3A_54, %div3A_32 : vector<512x8xi1>, vector<512x8xi32>
    %iota3A_55 = tpu.iota {dimensions = array<i32: 1>} : vector<512x8xi32>
    %eq3A = arith.cmpi eq, %select_n3A, %iota3A_55 : vector<512x8xi32>
    %convert_element_type3A_56 = arith.extui %eq3A : vector<512x8xi1> to vector<512x8xi32>
    %convert_element_type3A_57 = arith.sitofp %convert_element_type3A_56 : vector<512x8xi32> to vector<512x8xf32>
    %mul3A = vector.broadcast %get3A_31 : vector<1x512xf32> to vector<512x512xf32>
    %mul3A_58 = arith.mulf %get3A_26, %mul3A : vector<512x512xf32>
    %convert_element_type3A_59 = arith.truncf %mul3A_58 : vector<512x512xf32> to vector<512x512xbf16>
    %convert_element_type3A_60 = arith.truncf %convert_element_type3A_57 : vector<512x8xf32> to vector<512x8xbf16>
    %dot_general3A_61 = arith.constant dense<0.000000e+00> : vector<512x8xf32>
    %dot_general3A_62 = tpu.matmul %convert_element_type3A_59, %convert_element_type3A_60, %dot_general3A_61 {dimension_numbers = #tpu.dot_dimension_numbers<[1], [0], [0], [1], [0, 0, 1, 1], [], []>, transpose_lhs_hint = false} : vector<512x512xbf16>, vector<512x8xbf16>, vector<512x8xf32> -> vector<512x8xf32>
    %convert_element_type3A_63 = arith.truncf %dot_general3A_62 : vector<512x8xf32> to vector<512x8xbf16>
    %convert_element_type3A_64 = arith.truncf %add3A_9 : vector<512x512xf32> to vector<512x512xbf16>
    %dot_general3A_65 = arith.constant dense<0.000000e+00> : vector<8x512xf32>
    %dot_general3A_66 = tpu.matmul %convert_element_type3A_63, %convert_element_type3A_64, %dot_general3A_65 {dimension_numbers = #tpu.dot_dimension_numbers<[0], [1], [1], [0], [0, 1, 1, 0], [], []>, transpose_lhs_hint = false} : vector<512x8xbf16>, vector<512x512xbf16>, vector<8x512xf32> -> vector<8x512xf32>
    %swap3A_67 = arith.constant 0 : index
    %swap3A_68 = arith.constant 0 : index
    %swap3A_69 = arith.constant 0 : index
    %swap3A_70 = vector.load %arg7[%swap3A_67, %swap3A_68, %swap3A_69] : memref<1x8x512xf32, #tpu.memory_space<vmem>>, vector<1x8x512xf32>
    %swap3A_71 = vector.shape_cast %swap3A_70 : vector<1x8x512xf32> to vector<8x512xf32>
    %swap3A_72 = vector.shape_cast %dot_general3A_66 : vector<8x512xf32> to vector<1x8x512xf32>
    tpu.vector_store %arg7[%swap3A_67, %swap3A_68, %swap3A_69], %swap3A_72 {strides = array<i32>} : memref<1x8x512xf32, #tpu.memory_space<vmem>>, vector<1x8x512xf32>,
    return
  }
  func.func @transform_0(%arg0: i32, %arg1: i32) -> (i32, i32, i32) {
    %c0_i32 = arith.constant 0 : i32
    %c0_i32_0 = arith.constant 0 : i32
    return %arg0, %arg1, %c0_i32 : i32, i32, i32
  }
  func.func @transform_1(%arg0: i32, %arg1: i32) -> (i32, i32, i32) {
    %c0_i32 = arith.constant 0 : i32
    %c0_i32_0 = arith.constant 0 : i32
    %c0_i32_1 = arith.constant 0 : i32
    return %arg0, %c0_i32, %c0_i32_0 : i32, i32, i32
  }
  func.func @transform_2(%arg0: i32, %arg1: i32) -> (i32, i32, i32) {
    %c0_i32 = arith.constant 0 : i32
    %c0_i32_0 = arith.constant 0 : i32
    %c0_i32_1 = arith.constant 0 : i32
    return %arg0, %c0_i32, %c0_i32_0 : i32, i32, i32
  }
  func.func @transform_3(%arg0: i32, %arg1: i32) -> (i32, i32, i32) {
    %c0_i32 = arith.constant 0 : i32
    %c0_i32_0 = arith.constant 0 : i32
    %c0_i32_1 = arith.constant 0 : i32
    return %arg0, %c0_i32, %c0_i32_0 : i32, i32, i32
  }
  func.func @transform_4(%arg0: i32, %arg1: i32) -> (i32, i32, i32) {
    %c0_i32 = arith.constant 0 : i32
    %c0_i32_0 = arith.constant 0 : i32
    return %arg0, %arg1, %c0_i32 : i32, i32, i32
  }
  func.func @transform_5(%arg0: i32, %arg1: i32) -> (i32, i32, i32) {
    %c0_i32 = arith.constant 0 : i32
    %c0_i32_0 = arith.constant 0 : i32
    return %arg0, %c0_i32, %arg1 : i32, i32, i32
  }
}

module attributes {stable_mosaic.version = 14 : i64} {
  func.func @_adst_body(%arg0: i32, %arg1: i32, %arg2: memref<1x512x512xf32, #tpu.memory_space<vmem>>, %arg3: memref<1x512x512xf32, #tpu.memory_space<vmem>>, %arg4: memref<1x1x512xf32, #tpu.memory_space<vmem>>, %arg5: memref<1x1x512xf32, #tpu.memory_space<vmem>>, %arg6: memref<1x8x512xf32, #tpu.memory_space<vmem>>) attributes {dimension_semantics = [#tpu.dimension_semantics<arbitrary>, #tpu.dimension_semantics<arbitrary>], iteration_bounds = array<i64: 3, 8>, scalar_prefetch = 0 : i64, scratch_operands = 0 : i64, tpu.core_type = #tpu.core_type<tc>, window_params = [{transform_indices = @transform_0, window_bounds = array<i64: 1, 512, 512>}, {transform_indices = @transform_1, window_bounds = array<i64: 1, 512, 512>}, {transform_indices = @transform_2, window_bounds = array<i64: 1, 1, 512>}, {transform_indices = @transform_3, window_bounds = array<i64: 1, 1, 512>}, {transform_indices = @transform_4, window_bounds = array<i64: 1, 8, 512>}]} {
    %get3A = arith.constant 0 : index
    %get3A_0 = arith.constant 0 : index
    %get3A_1 = arith.constant 0 : index
    %get3A_2 = vector.load %arg2[%get3A, %get3A_0, %get3A_1] : memref<1x512x512xf32, #tpu.memory_space<vmem>>, vector<1x512x512xf32>
    %get3A_3 = vector.shape_cast %get3A_2 : vector<1x512x512xf32> to vector<512x512xf32>
    %get3A_4 = arith.constant 0 : index
    %get3A_5 = arith.constant 0 : index
    %get3A_6 = arith.constant 0 : index
    %get3A_7 = vector.load %arg5[%get3A_4, %get3A_5, %get3A_6] : memref<1x1x512xf32, #tpu.memory_space<vmem>>, vector<1x1x512xf32>
    %get3A_8 = vector.shape_cast %get3A_7 : vector<1x1x512xf32> to vector<1x512xf32>
    %add3A = vector.broadcast %get3A_8 : vector<1x512xf32> to vector<512x512xf32>
    %add3A_9 = arith.addf %get3A_3, %add3A : vector<512x512xf32>
    %get3A_10 = arith.constant 0 : index
    %get3A_11 = arith.constant 0 : index
    %get3A_12 = arith.constant 0 : index
    %get3A_13 = vector.load %arg3[%get3A_10, %get3A_11, %get3A_12] : memref<1x512x512xf32, #tpu.memory_space<vmem>>, vector<1x512x512xf32>
    %get3A_14 = vector.shape_cast %get3A_13 : vector<1x512x512xf32> to vector<512x512xf32>
    %get3A_15 = arith.constant 0 : index
    %get3A_16 = arith.constant 0 : index
    %get3A_17 = arith.constant 0 : index
    %get3A_18 = vector.load %arg4[%get3A_15, %get3A_16, %get3A_17] : memref<1x1x512xf32, #tpu.memory_space<vmem>>, vector<1x1x512xf32>
    %get3A_19 = vector.shape_cast %get3A_18 : vector<1x1x512xf32> to vector<1x512xf32>
    %iota3A = tpu.iota {dimensions = array<i32: 0>} : vector<512x8xi32>
    %jit3A = arith.constant 64 : i32
    %div3A = vector.broadcast %jit3A : i32 to vector<512x8xi32>
    %div3A_20 = arith.divsi %iota3A, %div3A : vector<512x8xi32>
    %sign3A = arith.constant 0 : i32
    %sign3A_21 = vector.broadcast %sign3A : i32 to vector<512x8xi32>
    %sign3A_22 = arith.cmpi sgt, %iota3A, %sign3A_21 : vector<512x8xi32>
    %sign3A_23 = arith.extui %sign3A_22 : vector<512x8xi1> to vector<512x8xi32>
    %sign3A_24 = arith.constant 0 : i32
    %sign3A_25 = vector.broadcast %sign3A_24 : i32 to vector<512x8xi32>
    %sign3A_26 = arith.cmpi slt, %iota3A, %sign3A_25 : vector<512x8xi32>
    %sign3A_27 = arith.extui %sign3A_26 : vector<512x8xi1> to vector<512x8xi32>
    %sign3A_28 = arith.subi %sign3A_23, %sign3A_27 : vector<512x8xi32>
    %sign3A_29 = arith.constant 0 : i32
    %sign3A_30 = arith.cmpi sgt, %jit3A, %sign3A_29 : i32
    %sign3A_31 = arith.extui %sign3A_30 : i1 to i32
    %sign3A_32 = arith.constant 0 : i32
    %sign3A_33 = arith.cmpi slt, %jit3A, %sign3A_32 : i32
    %sign3A_34 = arith.extui %sign3A_33 : i1 to i32
    %sign3A_35 = arith.subi %sign3A_31, %sign3A_34 : i32
    %ne3A = vector.broadcast %sign3A_35 : i32 to vector<512x8xi32>
    %ne3A_36 = arith.cmpi ne, %sign3A_28, %ne3A : vector<512x8xi32>
    %rem3A = vector.broadcast %jit3A : i32 to vector<512x8xi32>
    %rem3A_37 = arith.remsi %iota3A, %rem3A : vector<512x8xi32>
    %ne3A_38 = arith.constant 0 : i32
    %ne3A_39 = vector.broadcast %ne3A_38 : i32 to vector<512x8xi32>
    %ne3A_40 = arith.cmpi ne, %rem3A_37, %ne3A_39 : vector<512x8xi32>
    %and3A = arith.andi %ne3A_36, %ne3A_40 : vector<512x8xi1>
    %sub3A = arith.constant 1 : i32
    %sub3A_41 = vector.broadcast %sub3A : i32 to vector<512x8xi32>
    %sub3A_42 = arith.subi %div3A_20, %sub3A_41 : vector<512x8xi32>
    %select_n3A = arith.select %and3A, %sub3A_42, %div3A_20 : vector<512x8xi1>, vector<512x8xi32>
    %iota3A_43 = tpu.iota {dimensions = array<i32: 1>} : vector<512x8xi32>
    %eq3A = arith.cmpi eq, %select_n3A, %iota3A_43 : vector<512x8xi32>
    %convert_element_type3A = arith.extui %eq3A : vector<512x8xi1> to vector<512x8xi32>
    %convert_element_type3A_44 = arith.sitofp %convert_element_type3A : vector<512x8xi32> to vector<512x8xf32>
    %mul3A = vector.broadcast %get3A_19 : vector<1x512xf32> to vector<512x512xf32>
    %mul3A_45 = arith.mulf %get3A_14, %mul3A : vector<512x512xf32>
    %convert_element_type3A_46 = arith.truncf %mul3A_45 : vector<512x512xf32> to vector<512x512xbf16>
    %convert_element_type3A_47 = arith.truncf %convert_element_type3A_44 : vector<512x8xf32> to vector<512x8xbf16>
    %dot_general3A = arith.constant dense<0.000000e+00> : vector<512x8xf32>
    %dot_general3A_48 = tpu.matmul %convert_element_type3A_46, %convert_element_type3A_47, %dot_general3A {dimension_numbers = #tpu.dot_dimension_numbers<[1], [0], [0], [1], [0, 0, 1, 1], [], []>, transpose_lhs_hint = false} : vector<512x512xbf16>, vector<512x8xbf16>, vector<512x8xf32> -> vector<512x8xf32>
    %convert_element_type3A_49 = arith.truncf %dot_general3A_48 : vector<512x8xf32> to vector<512x8xbf16>
    %convert_element_type3A_50 = arith.truncf %add3A_9 : vector<512x512xf32> to vector<512x512xbf16>
    %dot_general3A_51 = arith.constant dense<0.000000e+00> : vector<8x512xf32>
    %dot_general3A_52 = tpu.matmul %convert_element_type3A_49, %convert_element_type3A_50, %dot_general3A_51 {dimension_numbers = #tpu.dot_dimension_numbers<[0], [1], [1], [0], [0, 1, 1, 0], [], []>, transpose_lhs_hint = false} : vector<512x8xbf16>, vector<512x512xbf16>, vector<8x512xf32> -> vector<8x512xf32>
    %swap3A = arith.constant 0 : index
    %swap3A_53 = arith.constant 0 : index
    %swap3A_54 = arith.constant 0 : index
    %swap3A_55 = vector.load %arg6[%swap3A, %swap3A_53, %swap3A_54] : memref<1x8x512xf32, #tpu.memory_space<vmem>>, vector<1x8x512xf32>
    %swap3A_56 = vector.shape_cast %swap3A_55 : vector<1x8x512xf32> to vector<8x512xf32>
    %swap3A_57 = vector.shape_cast %dot_general3A_52 : vector<8x512xf32> to vector<1x8x512xf32>
    tpu.vector_store %arg6[%swap3A, %swap3A_53, %swap3A_54], %swap3A_57 {strides = array<i32>} : memref<1x8x512xf32, #tpu.memory_space<vmem>>, vector<1x8x512xf32>,
    return
  }
  func.func @transform_0(%arg0: i32, %arg1: i32) -> (i32, i32, i32) {
    %c0_i32 = arith.constant 0 : i32
    %c0_i32_0 = arith.constant 0 : i32
    return %arg0, %arg1, %c0_i32 : i32, i32, i32
  }
  func.func @transform_1(%arg0: i32, %arg1: i32) -> (i32, i32, i32) {
    %c0_i32 = arith.constant 0 : i32
    %c0_i32_0 = arith.constant 0 : i32
    %c0_i32_1 = arith.constant 0 : i32
    return %arg0, %c0_i32, %c0_i32_0 : i32, i32, i32
  }
  func.func @transform_2(%arg0: i32, %arg1: i32) -> (i32, i32, i32) {
    %c0_i32 = arith.constant 0 : i32
    %c0_i32_0 = arith.constant 0 : i32
    %c0_i32_1 = arith.constant 0 : i32
    return %arg0, %c0_i32, %c0_i32_0 : i32, i32, i32
  }
  func.func @transform_3(%arg0: i32, %arg1: i32) -> (i32, i32, i32) {
    %c0_i32 = arith.constant 0 : i32
    %c0_i32_0 = arith.constant 0 : i32
    %c0_i32_1 = arith.constant 0 : i32
    return %arg0, %c0_i32, %c0_i32_0 : i32, i32, i32
  }
  func.func @transform_4(%arg0: i32, %arg1: i32) -> (i32, i32, i32) {
    %c0_i32 = arith.constant 0 : i32
    %c0_i32_0 = arith.constant 0 : i32
    return %arg0, %c0_i32, %arg1 : i32, i32, i32
  }
}

module attributes {stable_mosaic.version = 14 : i64} {
  func.func @_fuse_body(%arg0: i32, %arg1: memref<3x2x2x512x128xf32, #tpu.memory_space<vmem>>, %arg2: memref<3x2x512x4xf32, #tpu.memory_space<vmem>>, %arg3: memref<3x512xf32, #tpu.memory_space<vmem>>, %arg4: memref<512x3xf32, #tpu.memory_space<vmem>>, %arg5: memref<512x128xf32, #tpu.memory_space<vmem>>, %arg6: memref<1x128xf32, #tpu.memory_space<vmem>>, %arg7: memref<512x128xf32, #tpu.memory_space<vmem>>) attributes {dimension_semantics = [#tpu.dimension_semantics<arbitrary>], iteration_bounds = array<i64: 8>, scalar_prefetch = 0 : i64, scratch_operands = 0 : i64, tpu.core_type = #tpu.core_type<tc>, window_params = [{transform_indices = @transform_0, window_bounds = array<i64: 3, 2, 2, 512, 128>}, {transform_indices = @transform_1, window_bounds = array<i64: 3, 2, 512, 4>}, {pipeline_mode = #tpu.pipeline_mode<synchronous>, transform_indices = @transform_2, window_bounds = array<i64: 3, 512>}, {transform_indices = @transform_3, window_bounds = array<i64: 512, 3>}, {pipeline_mode = #tpu.pipeline_mode<synchronous>, transform_indices = @transform_4, window_bounds = array<i64: 512, 128>}, {pipeline_mode = #tpu.pipeline_mode<synchronous>, transform_indices = @transform_5, window_bounds = array<i64: 1, 128>}, {transform_indices = @transform_6, window_bounds = array<i64: 512, 128>}]} {
    %iota3A = tpu.iota {dimensions = array<i32: 0>} : vector<4x256xi32>
    %iota3A_0 = tpu.iota {dimensions = array<i32: 1>} : vector<4x256xi32>
    %jit3A = arith.constant 64 : i32
    %div3A = vector.broadcast %jit3A : i32 to vector<4x256xi32>
    %div3A_1 = arith.divsi %iota3A_0, %div3A : vector<4x256xi32>
    %sign3A = arith.constant 0 : i32
    %sign3A_2 = vector.broadcast %sign3A : i32 to vector<4x256xi32>
    %sign3A_3 = arith.cmpi sgt, %iota3A_0, %sign3A_2 : vector<4x256xi32>
    %sign3A_4 = arith.extui %sign3A_3 : vector<4x256xi1> to vector<4x256xi32>
    %sign3A_5 = arith.constant 0 : i32
    %sign3A_6 = vector.broadcast %sign3A_5 : i32 to vector<4x256xi32>
    %sign3A_7 = arith.cmpi slt, %iota3A_0, %sign3A_6 : vector<4x256xi32>
    %sign3A_8 = arith.extui %sign3A_7 : vector<4x256xi1> to vector<4x256xi32>
    %sign3A_9 = arith.subi %sign3A_4, %sign3A_8 : vector<4x256xi32>
    %sign3A_10 = arith.constant 0 : i32
    %sign3A_11 = arith.cmpi sgt, %jit3A, %sign3A_10 : i32
    %sign3A_12 = arith.extui %sign3A_11 : i1 to i32
    %sign3A_13 = arith.constant 0 : i32
    %sign3A_14 = arith.cmpi slt, %jit3A, %sign3A_13 : i32
    %sign3A_15 = arith.extui %sign3A_14 : i1 to i32
    %sign3A_16 = arith.subi %sign3A_12, %sign3A_15 : i32
    %ne3A = vector.broadcast %sign3A_16 : i32 to vector<4x256xi32>
    %ne3A_17 = arith.cmpi ne, %sign3A_9, %ne3A : vector<4x256xi32>
    %rem3A = vector.broadcast %jit3A : i32 to vector<4x256xi32>
    %rem3A_18 = arith.remsi %iota3A_0, %rem3A : vector<4x256xi32>
    %ne3A_19 = arith.constant 0 : i32
    %ne3A_20 = vector.broadcast %ne3A_19 : i32 to vector<4x256xi32>
    %ne3A_21 = arith.cmpi ne, %rem3A_18, %ne3A_20 : vector<4x256xi32>
    %and3A = arith.andi %ne3A_17, %ne3A_21 : vector<4x256xi1>
    %sub3A = arith.constant 1 : i32
    %sub3A_22 = vector.broadcast %sub3A : i32 to vector<4x256xi32>
    %sub3A_23 = arith.subi %div3A_1, %sub3A_22 : vector<4x256xi32>
    %select_n3A = arith.select %and3A, %sub3A_23, %div3A_1 : vector<4x256xi1>, vector<4x256xi32>
    %eq3A = arith.cmpi eq, %iota3A, %select_n3A : vector<4x256xi32>
    %convert_element_type3A = arith.extui %eq3A : vector<4x256xi1> to vector<4x256xi32>
    %convert_element_type3A_24 = arith.sitofp %convert_element_type3A : vector<4x256xi32> to vector<4x256xf32>
    %broadcast_in_dim3A = arith.constant 0.000000e+00 : f32
    %broadcast_in_dim3A_25 = vector.broadcast %broadcast_in_dim3A : f32 to vector<512x512xf32>
    %get3A = arith.constant 0 : index
    %get3A_26 = arith.constant 0 : index
    %get3A_27 = arith.constant 0 : index
    %get3A_28 = arith.constant 0 : index
    %get3A_29 = arith.constant 0 : index
    %get3A_30 = vector.load %arg1[%get3A, %get3A_26, %get3A_27, %get3A_28, %get3A_29] : memref<3x2x2x512x128xf32, #tpu.memory_space<vmem>>, vector<1x1x1x512x128xf32>
    %get3A_31 = vector.shape_cast %get3A_30 : vector<1x1x1x512x128xf32> to vector<512x128xf32>
    %get3A_32 = arith.constant 0 : index
    %get3A_33 = arith.constant 0 : index
    %get3A_34 = arith.constant 1 : index
    %get3A_35 = arith.constant 0 : index
    %get3A_36 = arith.constant 0 : index
    %get3A_37 = vector.load %arg1[%get3A_32, %get3A_33, %get3A_34, %get3A_35, %get3A_36] : memref<3x2x2x512x128xf32, #tpu.memory_space<vmem>>, vector<1x1x1x512x128xf32>
    %get3A_38 = vector.shape_cast %get3A_37 : vector<1x1x1x512x128xf32> to vector<512x128xf32>
    %concatenate3A = tpu.concatenate %get3A_31, %get3A_38 in 1 : vector<512x128xf32>, vector<512x128xf32> -> vector<512x256xf32>
    %get3A_39 = arith.constant 0 : index
    %get3A_40 = arith.constant 0 : index
    %get3A_41 = arith.constant 0 : index
    %get3A_42 = arith.constant 0 : index
    %get3A_43 = vector.load %arg2[%get3A_39, %get3A_40, %get3A_41, %get3A_42] : memref<3x2x512x4xf32, #tpu.memory_space<vmem>>, vector<1x1x512x4xf32>
    %get3A_44 = vector.shape_cast %get3A_43 : vector<1x1x512x4xf32> to vector<512x4xf32>
    %add3A = arith.constant 1.000000e-16 : f32
    %add3A_45 = vector.broadcast %add3A : f32 to vector<512x4xf32>
    %add3A_46 = arith.addf %get3A_44, %add3A_45 : vector<512x4xf32>
    %div3A_47 = arith.constant 1.000000e+00 : f32
    %div3A_48 = vector.broadcast %div3A_47 : f32 to vector<512x4xf32>
    %div3A_49 = arith.divf %div3A_48, %add3A_46 : vector<512x4xf32>
    %dot_general3A = arith.constant dense<0.000000e+00> : vector<512x256xf32>
    %dot_general3A_50 = tpu.matmul %div3A_49, %convert_element_type3A_24, %dot_general3A {dimension_numbers = #tpu.dot_dimension_numbers<[1], [0], [0], [1], [0, 0, 1, 1], [], []>, precision = #tpu.contract_precision<fp32>, transpose_lhs_hint = false} : vector<512x4xf32>, vector<4x256xf32>, vector<512x256xf32> -> vector<512x256xf32>
    %mul3A = arith.mulf %concatenate3A, %dot_general3A_50 : vector<512x256xf32>
    %get3A_51 = arith.constant 0 : index
    %get3A_52 = arith.constant 1 : index
    %get3A_53 = arith.constant 0 : index
    %get3A_54 = arith.constant 0 : index
    %get3A_55 = arith.constant 0 : index
    %get3A_56 = vector.load %arg1[%get3A_51, %get3A_52, %get3A_53, %get3A_54, %get3A_55] : memref<3x2x2x512x128xf32, #tpu.memory_space<vmem>>, vector<1x1x1x512x128xf32>
    %get3A_57 = vector.shape_cast %get3A_56 : vector<1x1x1x512x128xf32> to vector<512x128xf32>
    %get3A_58 = arith.constant 0 : index
    %get3A_59 = arith.constant 1 : index
    %get3A_60 = arith.constant 1 : index
    %get3A_61 = arith.constant 0 : index
    %get3A_62 = arith.constant 0 : index
    %get3A_63 = vector.load %arg1[%get3A_58, %get3A_59, %get3A_60, %get3A_61, %get3A_62] : memref<3x2x2x512x128xf32, #tpu.memory_space<vmem>>, vector<1x1x1x512x128xf32>
    %get3A_64 = vector.shape_cast %get3A_63 : vector<1x1x1x512x128xf32> to vector<512x128xf32>
    %concatenate3A_65 = tpu.concatenate %get3A_57, %get3A_64 in 1 : vector<512x128xf32>, vector<512x128xf32> -> vector<512x256xf32>
    %get3A_66 = arith.constant 0 : index
    %get3A_67 = arith.constant 1 : index
    %get3A_68 = arith.constant 0 : index
    %get3A_69 = arith.constant 0 : index
    %get3A_70 = vector.load %arg2[%get3A_66, %get3A_67, %get3A_68, %get3A_69] : memref<3x2x512x4xf32, #tpu.memory_space<vmem>>, vector<1x1x512x4xf32>
    %get3A_71 = vector.shape_cast %get3A_70 : vector<1x1x512x4xf32> to vector<512x4xf32>
    %add3A_72 = arith.constant 1.000000e-16 : f32
    %add3A_73 = vector.broadcast %add3A_72 : f32 to vector<512x4xf32>
    %add3A_74 = arith.addf %get3A_71, %add3A_73 : vector<512x4xf32>
    %div3A_75 = arith.constant 1.000000e+00 : f32
    %div3A_76 = vector.broadcast %div3A_75 : f32 to vector<512x4xf32>
    %div3A_77 = arith.divf %div3A_76, %add3A_74 : vector<512x4xf32>
    %dot_general3A_78 = arith.constant dense<0.000000e+00> : vector<512x256xf32>
    %dot_general3A_79 = tpu.matmul %div3A_77, %convert_element_type3A_24, %dot_general3A_78 {dimension_numbers = #tpu.dot_dimension_numbers<[1], [0], [0], [1], [0, 0, 1, 1], [], []>, precision = #tpu.contract_precision<fp32>, transpose_lhs_hint = false} : vector<512x4xf32>, vector<4x256xf32>, vector<512x256xf32> -> vector<512x256xf32>
    %mul3A_80 = arith.mulf %concatenate3A_65, %dot_general3A_79 : vector<512x256xf32>
    %concatenate3A_81 = tpu.concatenate %mul3A, %mul3A_80 in 1 : vector<512x256xf32>, vector<512x256xf32> -> vector<512x512xf32>
    %get3A_82 = arith.constant 0 : index
    %get3A_83 = arith.constant 0 : index
    %get3A_84 = vector.load %arg3[%get3A_82, %get3A_83] : memref<3x512xf32, #tpu.memory_space<vmem>>, vector<1x512xf32>
    %get3A_85 = vector.shape_cast %get3A_84 : vector<1x512xf32> to vector<512xf32>
    %broadcast_in_dim3A_86 = vector.shape_cast %get3A_85 : vector<512xf32> to vector<1x512xf32>
    %add3A_87 = vector.broadcast %broadcast_in_dim3A_86 : vector<1x512xf32> to vector<512x512xf32>
    %add3A_88 = arith.addf %concatenate3A_81, %add3A_87 : vector<512x512xf32>
    %get3A_89 = arith.constant 0 : index
    %get3A_90 = arith.constant 0 : index
    %get3A_91 = vector.load %arg4[%get3A_89, %get3A_90] : memref<512x3xf32, #tpu.memory_space<vmem>>, vector<512x1xf32>
    %mul3A_92 = vector.broadcast %get3A_91 : vector<512x1xf32> to vector<512x512xf32>
    %mul3A_93 = arith.mulf %mul3A_92, %add3A_88 : vector<512x512xf32>
    %add3A_94 = arith.addf %broadcast_in_dim3A_25, %mul3A_93 : vector<512x512xf32>
    %get3A_95 = arith.constant 1 : index
    %get3A_96 = arith.constant 0 : index
    %get3A_97 = arith.constant 0 : index
    %get3A_98 = arith.constant 0 : index
    %get3A_99 = arith.constant 0 : index
    %get3A_100 = vector.load %arg1[%get3A_95, %get3A_96, %get3A_97, %get3A_98, %get3A_99] : memref<3x2x2x512x128xf32, #tpu.memory_space<vmem>>, vector<1x1x1x512x128xf32>
    %get3A_101 = vector.shape_cast %get3A_100 : vector<1x1x1x512x128xf32> to vector<512x128xf32>
    %get3A_102 = arith.constant 1 : index
    %get3A_103 = arith.constant 0 : index
    %get3A_104 = arith.constant 1 : index
    %get3A_105 = arith.constant 0 : index
    %get3A_106 = arith.constant 0 : index
    %get3A_107 = vector.load %arg1[%get3A_102, %get3A_103, %get3A_104, %get3A_105, %get3A_106] : memref<3x2x2x512x128xf32, #tpu.memory_space<vmem>>, vector<1x1x1x512x128xf32>
    %get3A_108 = vector.shape_cast %get3A_107 : vector<1x1x1x512x128xf32> to vector<512x128xf32>
    %concatenate3A_109 = tpu.concatenate %get3A_101, %get3A_108 in 1 : vector<512x128xf32>, vector<512x128xf32> -> vector<512x256xf32>
    %get3A_110 = arith.constant 1 : index
    %get3A_111 = arith.constant 0 : index
    %get3A_112 = arith.constant 0 : index
    %get3A_113 = arith.constant 0 : index
    %get3A_114 = vector.load %arg2[%get3A_110, %get3A_111, %get3A_112, %get3A_113] : memref<3x2x512x4xf32, #tpu.memory_space<vmem>>, vector<1x1x512x4xf32>
    %get3A_115 = vector.shape_cast %get3A_114 : vector<1x1x512x4xf32> to vector<512x4xf32>
    %add3A_116 = arith.constant 1.000000e-16 : f32
    %add3A_117 = vector.broadcast %add3A_116 : f32 to vector<512x4xf32>
    %add3A_118 = arith.addf %get3A_115, %add3A_117 : vector<512x4xf32>
    %div3A_119 = arith.constant 1.000000e+00 : f32
    %div3A_120 = vector.broadcast %div3A_119 : f32 to vector<512x4xf32>
    %div3A_121 = arith.divf %div3A_120, %add3A_118 : vector<512x4xf32>
    %dot_general3A_122 = arith.constant dense<0.000000e+00> : vector<512x256xf32>
    %dot_general3A_123 = tpu.matmul %div3A_121, %convert_element_type3A_24, %dot_general3A_122 {dimension_numbers = #tpu.dot_dimension_numbers<[1], [0], [0], [1], [0, 0, 1, 1], [], []>, precision = #tpu.contract_precision<fp32>, transpose_lhs_hint = false} : vector<512x4xf32>, vector<4x256xf32>, vector<512x256xf32> -> vector<512x256xf32>
    %mul3A_124 = arith.mulf %concatenate3A_109, %dot_general3A_123 : vector<512x256xf32>
    %get3A_125 = arith.constant 1 : index
    %get3A_126 = arith.constant 1 : index
    %get3A_127 = arith.constant 0 : index
    %get3A_128 = arith.constant 0 : index
    %get3A_129 = arith.constant 0 : index
    %get3A_130 = vector.load %arg1[%get3A_125, %get3A_126, %get3A_127, %get3A_128, %get3A_129] : memref<3x2x2x512x128xf32, #tpu.memory_space<vmem>>, vector<1x1x1x512x128xf32>
    %get3A_131 = vector.shape_cast %get3A_130 : vector<1x1x1x512x128xf32> to vector<512x128xf32>
    %get3A_132 = arith.constant 1 : index
    %get3A_133 = arith.constant 1 : index
    %get3A_134 = arith.constant 1 : index
    %get3A_135 = arith.constant 0 : index
    %get3A_136 = arith.constant 0 : index
    %get3A_137 = vector.load %arg1[%get3A_132, %get3A_133, %get3A_134, %get3A_135, %get3A_136] : memref<3x2x2x512x128xf32, #tpu.memory_space<vmem>>, vector<1x1x1x512x128xf32>
    %get3A_138 = vector.shape_cast %get3A_137 : vector<1x1x1x512x128xf32> to vector<512x128xf32>
    %concatenate3A_139 = tpu.concatenate %get3A_131, %get3A_138 in 1 : vector<512x128xf32>, vector<512x128xf32> -> vector<512x256xf32>
    %get3A_140 = arith.constant 1 : index
    %get3A_141 = arith.constant 1 : index
    %get3A_142 = arith.constant 0 : index
    %get3A_143 = arith.constant 0 : index
    %get3A_144 = vector.load %arg2[%get3A_140, %get3A_141, %get3A_142, %get3A_143] : memref<3x2x512x4xf32, #tpu.memory_space<vmem>>, vector<1x1x512x4xf32>
    %get3A_145 = vector.shape_cast %get3A_144 : vector<1x1x512x4xf32> to vector<512x4xf32>
    %add3A_146 = arith.constant 1.000000e-16 : f32
    %add3A_147 = vector.broadcast %add3A_146 : f32 to vector<512x4xf32>
    %add3A_148 = arith.addf %get3A_145, %add3A_147 : vector<512x4xf32>
    %div3A_149 = arith.constant 1.000000e+00 : f32
    %div3A_150 = vector.broadcast %div3A_149 : f32 to vector<512x4xf32>
    %div3A_151 = arith.divf %div3A_150, %add3A_148 : vector<512x4xf32>
    %dot_general3A_152 = arith.constant dense<0.000000e+00> : vector<512x256xf32>
    %dot_general3A_153 = tpu.matmul %div3A_151, %convert_element_type3A_24, %dot_general3A_152 {dimension_numbers = #tpu.dot_dimension_numbers<[1], [0], [0], [1], [0, 0, 1, 1], [], []>, precision = #tpu.contract_precision<fp32>, transpose_lhs_hint = false} : vector<512x4xf32>, vector<4x256xf32>, vector<512x256xf32> -> vector<512x256xf32>
    %mul3A_154 = arith.mulf %concatenate3A_139, %dot_general3A_153 : vector<512x256xf32>
    %concatenate3A_155 = tpu.concatenate %mul3A_124, %mul3A_154 in 1 : vector<512x256xf32>, vector<512x256xf32> -> vector<512x512xf32>
    %get3A_156 = arith.constant 1 : index
    %get3A_157 = arith.constant 0 : index
    %get3A_158 = vector.load %arg3[%get3A_156, %get3A_157] : memref<3x512xf32, #tpu.memory_space<vmem>>, vector<1x512xf32>
    %get3A_159 = vector.shape_cast %get3A_158 : vector<1x512xf32> to vector<512xf32>
    %broadcast_in_dim3A_160 = vector.shape_cast %get3A_159 : vector<512xf32> to vector<1x512xf32>
    %add3A_161 = vector.broadcast %broadcast_in_dim3A_160 : vector<1x512xf32> to vector<512x512xf32>
    %add3A_162 = arith.addf %concatenate3A_155, %add3A_161 : vector<512x512xf32>
    %get3A_163 = arith.constant 0 : index
    %get3A_164 = arith.constant 1 : index
    %get3A_165 = vector.load %arg4[%get3A_163, %get3A_164] : memref<512x3xf32, #tpu.memory_space<vmem>>, vector<512x1xf32>
    %mul3A_166 = vector.broadcast %get3A_165 : vector<512x1xf32> to vector<512x512xf32>
    %mul3A_167 = arith.mulf %mul3A_166, %add3A_162 : vector<512x512xf32>
    %add3A_168 = arith.addf %add3A_94, %mul3A_167 : vector<512x512xf32>
    %get3A_169 = arith.constant 2 : index
    %get3A_170 = arith.constant 0 : index
    %get3A_171 = arith.constant 0 : index
    %get3A_172 = arith.constant 0 : index
    %get3A_173 = arith.constant 0 : index
    %get3A_174 = vector.load %arg1[%get3A_169, %get3A_170, %get3A_171, %get3A_172, %get3A_173] : memref<3x2x2x512x128xf32, #tpu.memory_space<vmem>>, vector<1x1x1x512x128xf32>
    %get3A_175 = vector.shape_cast %get3A_174 : vector<1x1x1x512x128xf32> to vector<512x128xf32>
    %get3A_176 = arith.constant 2 : index
    %get3A_177 = arith.constant 0 : index
    %get3A_178 = arith.constant 1 : index
    %get3A_179 = arith.constant 0 : index
    %get3A_180 = arith.constant 0 : index
    %get3A_181 = vector.load %arg1[%get3A_176, %get3A_177, %get3A_178, %get3A_179, %get3A_180] : memref<3x2x2x512x128xf32, #tpu.memory_space<vmem>>, vector<1x1x1x512x128xf32>
    %get3A_182 = vector.shape_cast %get3A_181 : vector<1x1x1x512x128xf32> to vector<512x128xf32>
    %concatenate3A_183 = tpu.concatenate %get3A_175, %get3A_182 in 1 : vector<512x128xf32>, vector<512x128xf32> -> vector<512x256xf32>
    %get3A_184 = arith.constant 2 : index
    %get3A_185 = arith.constant 0 : index
    %get3A_186 = arith.constant 0 : index
    %get3A_187 = arith.constant 0 : index
    %get3A_188 = vector.load %arg2[%get3A_184, %get3A_185, %get3A_186, %get3A_187] : memref<3x2x512x4xf32, #tpu.memory_space<vmem>>, vector<1x1x512x4xf32>
    %get3A_189 = vector.shape_cast %get3A_188 : vector<1x1x512x4xf32> to vector<512x4xf32>
    %add3A_190 = arith.constant 1.000000e-16 : f32
    %add3A_191 = vector.broadcast %add3A_190 : f32 to vector<512x4xf32>
    %add3A_192 = arith.addf %get3A_189, %add3A_191 : vector<512x4xf32>
    %div3A_193 = arith.constant 1.000000e+00 : f32
    %div3A_194 = vector.broadcast %div3A_193 : f32 to vector<512x4xf32>
    %div3A_195 = arith.divf %div3A_194, %add3A_192 : vector<512x4xf32>
    %dot_general3A_196 = arith.constant dense<0.000000e+00> : vector<512x256xf32>
    %dot_general3A_197 = tpu.matmul %div3A_195, %convert_element_type3A_24, %dot_general3A_196 {dimension_numbers = #tpu.dot_dimension_numbers<[1], [0], [0], [1], [0, 0, 1, 1], [], []>, precision = #tpu.contract_precision<fp32>, transpose_lhs_hint = false} : vector<512x4xf32>, vector<4x256xf32>, vector<512x256xf32> -> vector<512x256xf32>
    %mul3A_198 = arith.mulf %concatenate3A_183, %dot_general3A_197 : vector<512x256xf32>
    %get3A_199 = arith.constant 2 : index
    %get3A_200 = arith.constant 1 : index
    %get3A_201 = arith.constant 0 : index
    %get3A_202 = arith.constant 0 : index
    %get3A_203 = arith.constant 0 : index
    %get3A_204 = vector.load %arg1[%get3A_199, %get3A_200, %get3A_201, %get3A_202, %get3A_203] : memref<3x2x2x512x128xf32, #tpu.memory_space<vmem>>, vector<1x1x1x512x128xf32>
    %get3A_205 = vector.shape_cast %get3A_204 : vector<1x1x1x512x128xf32> to vector<512x128xf32>
    %get3A_206 = arith.constant 2 : index
    %get3A_207 = arith.constant 1 : index
    %get3A_208 = arith.constant 1 : index
    %get3A_209 = arith.constant 0 : index
    %get3A_210 = arith.constant 0 : index
    %get3A_211 = vector.load %arg1[%get3A_206, %get3A_207, %get3A_208, %get3A_209, %get3A_210] : memref<3x2x2x512x128xf32, #tpu.memory_space<vmem>>, vector<1x1x1x512x128xf32>
    %get3A_212 = vector.shape_cast %get3A_211 : vector<1x1x1x512x128xf32> to vector<512x128xf32>
    %concatenate3A_213 = tpu.concatenate %get3A_205, %get3A_212 in 1 : vector<512x128xf32>, vector<512x128xf32> -> vector<512x256xf32>
    %get3A_214 = arith.constant 2 : index
    %get3A_215 = arith.constant 1 : index
    %get3A_216 = arith.constant 0 : index
    %get3A_217 = arith.constant 0 : index
    %get3A_218 = vector.load %arg2[%get3A_214, %get3A_215, %get3A_216, %get3A_217] : memref<3x2x512x4xf32, #tpu.memory_space<vmem>>, vector<1x1x512x4xf32>
    %get3A_219 = vector.shape_cast %get3A_218 : vector<1x1x512x4xf32> to vector<512x4xf32>
    %add3A_220 = arith.constant 1.000000e-16 : f32
    %add3A_221 = vector.broadcast %add3A_220 : f32 to vector<512x4xf32>
    %add3A_222 = arith.addf %get3A_219, %add3A_221 : vector<512x4xf32>
    %div3A_223 = arith.constant 1.000000e+00 : f32
    %div3A_224 = vector.broadcast %div3A_223 : f32 to vector<512x4xf32>
    %div3A_225 = arith.divf %div3A_224, %add3A_222 : vector<512x4xf32>
    %dot_general3A_226 = arith.constant dense<0.000000e+00> : vector<512x256xf32>
    %dot_general3A_227 = tpu.matmul %div3A_225, %convert_element_type3A_24, %dot_general3A_226 {dimension_numbers = #tpu.dot_dimension_numbers<[1], [0], [0], [1], [0, 0, 1, 1], [], []>, precision = #tpu.contract_precision<fp32>, transpose_lhs_hint = false} : vector<512x4xf32>, vector<4x256xf32>, vector<512x256xf32> -> vector<512x256xf32>
    %mul3A_228 = arith.mulf %concatenate3A_213, %dot_general3A_227 : vector<512x256xf32>
    %concatenate3A_229 = tpu.concatenate %mul3A_198, %mul3A_228 in 1 : vector<512x256xf32>, vector<512x256xf32> -> vector<512x512xf32>
    %get3A_230 = arith.constant 2 : index
    %get3A_231 = arith.constant 0 : index
    %get3A_232 = vector.load %arg3[%get3A_230, %get3A_231] : memref<3x512xf32, #tpu.memory_space<vmem>>, vector<1x512xf32>
    %get3A_233 = vector.shape_cast %get3A_232 : vector<1x512xf32> to vector<512xf32>
    %broadcast_in_dim3A_234 = vector.shape_cast %get3A_233 : vector<512xf32> to vector<1x512xf32>
    %add3A_235 = vector.broadcast %broadcast_in_dim3A_234 : vector<1x512xf32> to vector<512x512xf32>
    %add3A_236 = arith.addf %concatenate3A_229, %add3A_235 : vector<512x512xf32>
    %get3A_237 = arith.constant 0 : index
    %get3A_238 = arith.constant 2 : index
    %get3A_239 = vector.load %arg4[%get3A_237, %get3A_238] : memref<512x3xf32, #tpu.memory_space<vmem>>, vector<512x1xf32>
    %mul3A_240 = vector.broadcast %get3A_239 : vector<512x1xf32> to vector<512x512xf32>
    %mul3A_241 = arith.mulf %mul3A_240, %add3A_236 : vector<512x512xf32>
    %add3A_242 = arith.addf %add3A_168, %mul3A_241 : vector<512x512xf32>
    %get3A_243 = arith.constant 0 : index
    %get3A_244 = arith.constant 0 : index
    %get3A_245 = vector.load %arg5[%get3A_243, %get3A_244] : memref<512x128xf32, #tpu.memory_space<vmem>>, vector<512x128xf32>
    %dot_general3A_246 = arith.constant dense<0.000000e+00> : vector<512x128xf32>
    %dot_general3A_247 = tpu.matmul %add3A_242, %get3A_245, %dot_general3A_246 {dimension_numbers = #tpu.dot_dimension_numbers<[1], [0], [0], [1], [0, 0, 1, 1], [], []>, transpose_lhs_hint = false} : vector<512x512xf32>, vector<512x128xf32>, vector<512x128xf32> -> vector<512x128xf32>
    %get3A_248 = arith.constant 0 : index
    %get3A_249 = arith.constant 0 : index
    %get3A_250 = vector.load %arg6[%get3A_248, %get3A_249] : memref<1x128xf32, #tpu.memory_space<vmem>>, vector<1x128xf32>
    %add3A_251 = vector.broadcast %get3A_250 : vector<1x128xf32> to vector<512x128xf32>
    %add3A_252 = arith.addf %dot_general3A_247, %add3A_251 : vector<512x128xf32>
    %swap3A = arith.constant 0 : index
    %swap3A_253 = arith.constant 0 : index
    %swap3A_254 = vector.load %arg7[%swap3A, %swap3A_253] : memref<512x128xf32, #tpu.memory_space<vmem>>, vector<512x128xf32>
    tpu.vector_store %arg7[%swap3A, %swap3A_253], %add3A_252 {strides = array<i32>} : memref<512x128xf32, #tpu.memory_space<vmem>>, vector<512x128xf32>,
    return
  }
  func.func @transform_0(%arg0: i32) -> (i32, i32, i32, i32, i32) {
    %c0_i32 = arith.constant 0 : i32
    %c0_i32_0 = arith.constant 0 : i32
    %c0_i32_1 = arith.constant 0 : i32
    %c0_i32_2 = arith.constant 0 : i32
    %c0_i32_3 = arith.constant 0 : i32
    return %c0_i32, %c0_i32_0, %c0_i32_1, %arg0, %c0_i32_2 : i32, i32, i32, i32, i32
  }
  func.func @transform_1(%arg0: i32) -> (i32, i32, i32, i32) {
    %c0_i32 = arith.constant 0 : i32
    %c0_i32_0 = arith.constant 0 : i32
    %c0_i32_1 = arith.constant 0 : i32
    %c0_i32_2 = arith.constant 0 : i32
    return %c0_i32, %c0_i32_0, %arg0, %c0_i32_1 : i32, i32, i32, i32
  }
  func.func @transform_2(%arg0: i32) -> (i32, i32) {
    %c0_i32 = arith.constant 0 : i32
    %c0_i32_0 = arith.constant 0 : i32
    %c0_i32_1 = arith.constant 0 : i32
    return %c0_i32, %c0_i32_0 : i32, i32
  }
  func.func @transform_3(%arg0: i32) -> (i32, i32) {
    %c0_i32 = arith.constant 0 : i32
    %c0_i32_0 = arith.constant 0 : i32
    return %arg0, %c0_i32 : i32, i32
  }
  func.func @transform_4(%arg0: i32) -> (i32, i32) {
    %c0_i32 = arith.constant 0 : i32
    %c0_i32_0 = arith.constant 0 : i32
    %c0_i32_1 = arith.constant 0 : i32
    return %c0_i32, %c0_i32_0 : i32, i32
  }
  func.func @transform_5(%arg0: i32) -> (i32, i32) {
    %c0_i32 = arith.constant 0 : i32
    %c0_i32_0 = arith.constant 0 : i32
    %c0_i32_1 = arith.constant 0 : i32
    return %c0_i32, %c0_i32_0 : i32, i32
  }
  func.func @transform_6(%arg0: i32) -> (i32, i32) {
    %c0_i32 = arith.constant 0 : i32
    %c0_i32_0 = arith.constant 0 : i32
    return %arg0, %c0_i32 : i32, i32
  }
}

module attributes {stable_mosaic.version = 14 : i64} {
  func.func @_dot_body(%arg0: i32, %arg1: i32, %arg2: memref<512x128xf32, #tpu.memory_space<vmem>>, %arg3: memref<512x128xf32, #tpu.memory_space<vmem>>, %arg4: memref<512x512xf32, #tpu.memory_space<vmem>>) attributes {dimension_semantics = [#tpu.dimension_semantics<arbitrary>, #tpu.dimension_semantics<arbitrary>], iteration_bounds = array<i64: 8, 8>, scalar_prefetch = 0 : i64, scratch_operands = 0 : i64, tpu.core_type = #tpu.core_type<tc>, window_params = [{transform_indices = @transform_0, window_bounds = array<i64: 512, 128>}, {transform_indices = @transform_1, window_bounds = array<i64: 512, 128>}, {transform_indices = @transform_2, window_bounds = array<i64: 512, 512>}]} {
    %get3A = arith.constant 0 : index
    %get3A_0 = arith.constant 0 : index
    %get3A_1 = vector.load %arg2[%get3A, %get3A_0] : memref<512x128xf32, #tpu.memory_space<vmem>>, vector<512x128xf32>
    %convert_element_type3A = arith.truncf %get3A_1 : vector<512x128xf32> to vector<512x128xbf16>
    %get3A_2 = arith.constant 0 : index
    %get3A_3 = arith.constant 0 : index
    %get3A_4 = vector.load %arg3[%get3A_2, %get3A_3] : memref<512x128xf32, #tpu.memory_space<vmem>>, vector<512x128xf32>
    %convert_element_type3A_5 = arith.truncf %get3A_4 : vector<512x128xf32> to vector<512x128xbf16>
    %dot_general3A = arith.constant dense<0.000000e+00> : vector<512x512xf32>
    %dot_general3A_6 = tpu.matmul %convert_element_type3A, %convert_element_type3A_5, %dot_general3A {dimension_numbers = #tpu.dot_dimension_numbers<[1], [1], [0], [0], [0, 0, 1, 0], [], []>, transpose_lhs_hint = false} : vector<512x128xbf16>, vector<512x128xbf16>, vector<512x512xf32> -> vector<512x512xf32>
    %swap3A = arith.constant 0 : index
    %swap3A_7 = arith.constant 0 : index
    %swap3A_8 = vector.load %arg4[%swap3A, %swap3A_7] : memref<512x512xf32, #tpu.memory_space<vmem>>, vector<512x512xf32>
    tpu.vector_store %arg4[%swap3A, %swap3A_7], %dot_general3A_6 {strides = array<i32>} : memref<512x512xf32, #tpu.memory_space<vmem>>, vector<512x512xf32>,
    return
  }
  func.func @transform_0(%arg0: i32, %arg1: i32) -> (i32, i32) {
    %c0_i32 = arith.constant 0 : i32
    %c0_i32_0 = arith.constant 0 : i32
    return %arg0, %c0_i32 : i32, i32
  }
  func.func @transform_1(%arg0: i32, %arg1: i32) -> (i32, i32) {
    %c0_i32 = arith.constant 0 : i32
    %c0_i32_0 = arith.constant 0 : i32
    return %arg1, %c0_i32 : i32, i32
  }
  func.func @transform_2(%arg0: i32, %arg1: i32) -> (i32, i32) {
    %c0_i32 = arith.constant 0 : i32
    return %arg0, %arg1 : i32, i32
  }
}

</mosaic_0001>

<sc_bundles>
// kernel: kernel.11.cloned.1.call-start
scs
__scs_entry_jumppad:
0x0: {  	(pc) =	sbr.rel $0x88, $3  }
0x1: {  	(tag) =	ssettag $0x0;
	lr =	simm.s32 $0x1  }
0x2: {  	[smem:$0x3F93] =	sst lr;
	_ =	strace $0xD0000000  }
0x3: {  	_ = 	snop  }
0x4: {  	_ = 	snop  }
0x5: {  	_ = 	snop  }
0x6: {  	_ = 	snop  }
0x7: {  	_ = 	snop  }
__scs_overlays_trampoline_lowered:
0x8: {  	[smem:$0x3FA2] =	sst s0  }
0x9: {  	[smem:$0x3FA3] =	sst s1  }
0xa: {  	[smem:$0x3FA4] =	sst s2  }
0xb: {  	[smem:$0x3FA5] =	sst s3  }
0xc: {  	[smem:$0x3FA6] =	sst s4  }
0xd: {  	[smem:$0x3FA7] =	sst s5  }
0xe: {  	[smem:$0x3FA8] =	sst s6  }
0xf: {  	[smem:$0x3FA9] =	sst s7  }
0x10: {  	[smem:$0x3FAA] =	sst s8  }
0x11: {  	[smem:$0x3FAB] =	sst s9;
	s0 =	simm.s32 @!p0 $0x0  }
0x12: {  	s1 =	sld [smem:$0x3F91];
	s0 =	simm.s32 @p0 $0x1  }
0x13: {  	[smem:$0x3FAC] =	sst s0;
	s0 =	simm.s32 @!p1 $0x0  }
0x14: {  	s2 =	sld [smem:$0x3F90];
	s0 =	simm.s32 @p1 $0x1  }
0x15: {  	[smem:$0x3FAD] =	sst s0;
	s0 =	simm.s32 @!p2 $0x0  }
0x16: {  	s3 =	sld [smem:$0x3FDB];
	s0 =	simm.s32 @p2 $0x1  }
0x17: {  	s4 =	simm.s32 $0x1BF5;
	[smem:$0x3FAF] =	sst s0  }
0x18: {  	s0 =	sld [smem:$0x3F92];
	_ =	swait.ge [sflag:s4], $0x0  }
0x19: {  	s7 =	sld [smem:$0x3F93]  }
0x1a: {  	s8 =	sadd.s32 $0xFFFFE003, lr  }
0x1b: {  	s9 =	sadd.s32 $0xFFFFFEF7, lr;
	s5 =	simm.s32 $0xFFFFFFFF;
	p2 =	slt.u32 s8, $0xFFFFF086  }
0x1c: {  	p1 =	slt.u32 s9, $0xF7A;
	s5 =	simm.s32 @!p2 $0x0  }
0x1d: {  	s5 =	simm.s32 @p1 $0x1;
	p0 =	seq.s32 s7, s2  }
0x1e: {  	s7 =	smul.u32 @!p0 $0xF7A, s2;
	p2 =	seq.s32 @!p0 s5, $0x0  }
0x1f: {  	s9 =	smul.u32 $0xF7A, s1;
	s8 =	simm.s32 @!p0 $0x1BF5;
	p2 =	por !p2, p0  }
0x20: {  	[sflag:s8] =	ssyncset.s32 @!p0 $0xFFFFF086;
	s6 =	sadd.s32 @!p0 s3, s7;
	s7 =	simm.s32 @!p0 $0x108  }
0x21: {  	s3 =	sadd.s32 s3, s9;
	s6 =	sadd.s32 @!p0 $0x88, s6;
	s7 =	simm.s32 @p2 $0x1082  }
0x22: {  	[simem:s7], [sflag:s8] =	dma.local @!p0 [hbm:s6], $0xF7A  }
0x23: {  	s9 =	sor.u32 $0xD0000000, s2;
	s6 =	simm.s32 $0x108;
	_ =	swait.ge @!p0 [sflag:s8], $0x0  }
0x24: {  	s3 =	sadd.s32 $0x88, s3;
	s6 =	simm.s32 @!p1 $0x1082;
	[sflag:s4] =	ssyncset.s32 $0xFFFFF086  }
0x25: {  	[simem:s6], [sflag:s4] =	dma.local [hbm:s3], $0xF7A  }
0x26: {  	[smem:$0x3F93] =	sst s1;
	(tag) =	ssettag s2;
	_ =	strace s9  }
0x27: {  	s1 =	sld [smem:$0x3FA3]  }
0x28: {  	s2 =	sld [smem:$0x3FA4]  }
0x29: {  	s4 =	sld [smem:$0x3FA6]  }
0x2a: {  	p0 =	seq.s32 s5, $0x0;
	s5 =	sld [smem:$0x3FA7]  }
0x2b: {  	s6 =	sld [smem:$0x3FA8]  }
0x2c: {  	s7 =	sld [smem:$0x3FA9]  }
0x2d: {  	s3 =	simm.s32 $0x108;
	s8 =	sld [smem:$0x3FAA]  }
0x2e: {  	s3 =	simm.s32 @!p0 $0x1082;
	s9 =	sld [smem:$0x3FAB]  }
0x2f: {  	lr =	sadd.s32 s0, s3;
	s0 =	sld [smem:$0x3FA2]  }
0x30: {  	s3 =	sld [smem:$0x3FA5]  }
0x31: {  	[smem:$0x3FAE] =	sst s10  }
0x32: {  	s10 =	sld [smem:$0x3FAC];
	_ =	sdelay $0x3  }
0x33: {  	p0 =	seq.s32 s10, $0x1;
	s10 =	sld [smem:$0x3FAE];
	_ =	sdelay $0x3  }
0x34: {  	[smem:$0x3FAE] =	sst s10  }
0x35: {  	s10 =	sld [smem:$0x3FAD];
	_ =	sdelay $0x3  }
0x36: {  	p1 =	seq.s32 s10, $0x1;
	s10 =	sld [smem:$0x3FAE];
	_ =	sdelay $0x3  }
0x37: {  	[smem:$0x3FAE] =	sst s10  }
0x38: {  	s10 =	sld [smem:$0x3FAF]  }
0x39: {  	_ = 	snop;
	(pc) =	sbr.ind lr, $3  }
0x3a: {  	_ = 	snop  }
0x3b: {  	_ = 	snop  }
0x3c: {  	p2 =	seq.s32 s10, $0x1;
	s10 =	sld [smem:$0x3FAE]  }
0x3d: {  	_ =	shalt  }
0x3e: {  	_ =	shalt  }
0x3f: {  	_ =	shalt  }
0x40: {  	_ =	shalt  }
0x41: {  	_ =	shalt  }
0x42: {  	_ =	shalt  }
0x43: {  	_ =	shalt  }
0x44: {  	_ =	shalt  }
0x45: {  	_ =	shalt  }
0x46: {  	_ =	shalt  }
0x47: {  	_ =	shalt  }
0x48: {  	_ =	shalt  }
0x49: {  	_ =	shalt  }
0x4a: {  	_ =	shalt  }
0x4b: {  	_ =	shalt  }
0x4c: {  	_ =	shalt  }
0x4d: {  	_ =	shalt  }
0x4e: {  	_ =	shalt  }
0x4f: {  	_ =	shalt  }
0x50: {  	_ =	shalt  }
0x51: {  	_ =	shalt  }
0x52: {  	_ =	shalt  }
0x53: {  	_ =	shalt  }
0x54: {  	_ =	shalt  }
0x55: {  	_ =	shalt  }
0x56: {  	_ =	shalt  }
0x57: {  	_ =	shalt  }
0x58: {  	_ =	shalt  }
0x59: {  	_ =	shalt  }
0x5a: {  	_ =	shalt  }
0x5b: {  	_ =	shalt  }
0x5c: {  	_ =	shalt  }
0x5d: {  	_ =	shalt  }
0x5e: {  	_ =	shalt  }
0x5f: {  	_ =	shalt  }
0x60: {  	_ =	shalt  }
0x61: {  	_ =	shalt  }
0x62: {  	_ =	shalt  }
0x63: {  	_ =	shalt  }
0x64: {  	_ =	shalt  }
0x65: {  	_ =	shalt  }
0x66: {  	_ =	shalt  }
0x67: {  	_ =	shalt  }
0x68: {  	_ =	shalt  }
0x69: {  	_ =	shalt  }
0x6a: {  	_ =	shalt  }
0x6b: {  	_ =	shalt  }
0x6c: {  	_ =	shalt  }
0x6d: {  	_ =	shalt  }
0x6e: {  	_ =	shalt  }
0x6f: {  	_ =	shalt  }
0x70: {  	_ =	shalt  }
0x71: {  	_ =	shalt  }
0x72: {  	_ =	shalt  }
0x73: {  	_ =	shalt  }
0x74: {  	_ =	shalt  }
0x75: {  	_ =	shalt  }
0x76: {  	_ =	shalt  }
0x77: {  	_ =	shalt  }
0x78: {  	_ =	shalt  }
0x79: {  	_ =	shalt  }
0x7a: {  	_ =	shalt  }
0x7b: {  	_ =	shalt  }
0x7c: {  	_ =	shalt  }
0x7d: {  	_ =	shalt  }
0x7e: {  	_ =	shalt  }
0x7f: {  	_ =	shalt  }
0x80: {  	_ =	shalt  }
0x81: {  	_ =	shalt  }
0x82: {  	_ =	shalt  }
0x83: {  	_ =	shalt  }
0x84: {  	_ =	shalt  }
0x85: {  	_ =	shalt  }
0x86: {  	_ =	shalt  }
0x87: {  	_ =	shalt  }
.Lfunc_end0:
.L_simem_size_0:
called_computation.1_lowered:
.L_overlay_start_0:
0x88: {  	s2 =	sld [smem:$0x3FD9]  }
0x89: {  	s3 =	sld [smem:$0x3FFE];
	_ =	sdelay $0x1  }
0x8a: {  	s1 =	srdreg.scid  }
0x8b: {  	s0 =	sand.u32 $0x1, s1  }
0x8c: {  	s14 =	sshll.u32 s0, $0xA;
	s2 =	sadd.s32 s3, s2  }
0x8d: {  	s2 =	sadd.s32 s2, s14  }
0x8e: {  	[smem:$0x3FBA] =	sst s2  }
0x8f: {  	_ = 	snop  }
0x90: {  	s2 =	sld [smem:$0x3FD0];
	_ =	sdelay $0x2  }
0x91: {  	s15 =	simm.s32 $0xA;
	s4 =	simm.s32 $0x10  }
0x92: {  	[smem:s4], [sflag:s15] =	dma.local [hbm:s2], $0x1  }
0x93: {  	_ =	swait.eq [sflag:s15], $0x1  }
0x94: {  	[sflag:s15] =	ssyncset.done $0x0  }
0x95: {  	s16 =	sld [smem:$0x10];
	[sflag:s15] =	ssyncadd.s32 $0xFFFFFFFF  }
0x96: {  	s17 =	sld [smem:$0x11];
	(tm) =	ssettm $0x1  }
0x97: {  	s18 =	sld [smem:$0x3FFB];
	_ =	sdelay $0x3  }
0x98: {  	_ =	strace s18  }
0x99: {  	s4 =	sld [smem:$0x3FFC];
	_ =	sdelay $0x3  }
0x9a: {  	_ =	strace s4  }
0x9b: {  	s4 =	sld [smem:$0x3FFD];
	_ =	sdelay $0x3  }
0x9c: {  	_ =	strace s4  }
0x9d: {  	_ =	strace $0x8FFFFFFF  }
0x9e: {  	s19 =	sld [smem:$0x3FDB];
	_ =	sdelay $0x1  }
0x9f: {  	s5 =	simm.s32 $_scs_section_size  }
0xa0: {  	s6 =	simm.s32 $_size__tile_overlayer_lowered;
	s7 =	simm.s32 $_tile_overlayer_lowered  }
0xa1: {  	s22 =	simm.s32 $0x1BFF;
	s21 =	sshll.u32 s7, $0x1;
	s4 =	sadd.s32 s5, s19  }
0xa2: {  	s8 =	simm.s32 $0x0;
	s20 =	sshll.u32 s6, $0x1;
	s6 =	sadd.s32 s21, s4  }
0xa3: {  	[timem:s8], [sflag:s22] =	dma.local [hbm:s6], s20  }
0xa4: {  	_ =	swait.ge [sflag:s22], s20  }
0xa5: {  	s5 =	ssub.s32 $0x0, s20;
	[sflag:s22] =	ssyncset.done $0x0  }
0xa6: {  	[sflag:s22] =	ssyncadd.s32 s5;
	_ =	sdelay $0x1  }
0xa7: {  	s23 =	simm.s32 $0x1B8B  }
0xa8: {  	_ =	swait.ge [sflag:s23], $0x1  }
0xa9: {  	[sflag:s23] =	ssyncset.done $0x0  }
0xaa: {  	s25 =	simm.s32 $0x1B8E;
	s24 =	sld [smem:$0x3FFE];
	[sflag:s23] =	ssyncadd.s32 $0xFFFFFFFF  }
0xab: {  	s26 =	simm.s32 $execute0_lowered;
	[smem:$0x3FD2] =	sst s25  }
0xac: {  	s6 =	sshll.u32 s26, $0x1;
	_ =	strace $0x80000049;
	[dreg:$0x1] =	wrdreg $0xFFFFFFFF  }
0xad: {  	s28 =	simm.s32 $_size_execute0_lowered;
	s4 =	sadd.s32 s4, s6;
	[dreg:$0x0] =	wrdreg $0x0  }
0xae: {  	s6 =	sshll.u32 s28, $0x1;
	[dreg:$0x2] =	wrdreg s4  }
0xaf: {  	[dreg:$0x3] =	wrdreg s6  }
0xb0: {  	[dreg:$0x4] =	wrdreg $0xC0  }
0xb1: {  	_ =	task [dreg:s8], $0x5FFFF  }
0xb2: {  	[dreg:$0x1] =	wrdreg $0xFFFFFFFF  }
0xb3: {  	[dreg:$0x0] =	wrdreg $0x60  }
0xb4: {  	[dreg:$0x2] =	wrdreg s24  }
0xb5: {  	[dreg:$0x3] =	wrdreg s17  }
0xb6: {  	[dreg:$0x4] =	wrdreg s16  }
0xb7: {  	[dreg:$0x5] =	wrdreg $0xE0000  }
0xb8: {  	[dreg:$0x6] =	wrdreg $0x160000  }
0xb9: {  	[dreg:$0x7] =	wrdreg $0xDC000  }
0xba: {  	[dreg:$0x8] =	wrdreg $0x9  }
0xbb: {  	_ =	task.clear_ibuf [dreg:s8], $0x9FFFF;
	_ =	strace $0x90000049  }
0xbc: {  	s29 =	simm.s32 $0x9;
	_ =	strace $0x8000004B  }
0xbd: {  	_ =	swait.ge [sflag:s29], $0x1  }
0xbe: {  	[sflag:s29] =	ssyncadd.s32 $0xFFFFFFFF  }
0xbf: {  	_ =	strace $0x9000004B  }
0xc0: {  	_ =	sfence  }
0xc1: {  	s30 =	sld [smem:$0x0];
	_ =	sdelay $0x2  }
0xc2: {  	s31 =	sshll.u32 s1, $0xD;
	s1 =	sshrl.u32 s1, $0x2  }
0xc3: {  	s3 =	sand.u32 $0x4000, s31;
	s1 =	sadd.s32 s1, s30  }
0xc4: {  	s0 =	sor.u32 s3, s0;
	s1 =	sshll.u32 s1, $0x11  }
0xc5: {  	s0 =	sor.u32 s1, s0  }
0xc6: {  	s0 =	sadd.s32 $0x8F2B, s0  }
0xc7: {  	[sflag:s0] =	ssyncadd.remote.s32 $0x1  }
0xc8: {  	_ =	sfence.sel $0xFFFF  }
0xc9: {  	[dreg:$0x0] =	wrdreg $0xFFFFFFFF;
	(pc) =	sbr.abs _section_cstart, $3  }
0xca: {  	[dreg:$0x1] =	wrdreg $0xFFFFFFFF  }
0xcb: {  	_ =	task.clear_ibuf [dreg:s8], $0x2FFFF;
	_ =	strace $0x9FFFFFFF  }
0xcc: {  	(tm) =	ssettm $0x7FFFFFFF  }
0xcd: {  	_ =	shalt  }
tec
execute0_lowered:
.L_overlay_start_1:
0x0: {  	(tag) =	ssettag $0x1  }
0x1: {  	s0 =	rddreg [dreg:$0x0]  }
0x2: {  	s7 =	rddreg [dreg:$0x2]  }
0x3: {  	s3 =	rddreg [dreg:$0x3]  }
0x4: {  	s4 =	rddreg [dreg:$0x4]  }
0x5: {  	s6 =	rddreg [dreg:$0x5]  }
0x6: {  	s1 =	simm.s32 $0x0;
	s9 =	stileid.u32;
	s2 =	srdreg.scid  }
0x7: {  	s28 =	simm.s32 $0x2;
	s29 =	simm.s32 $0x9700;
	s30 =	simm.s32 $0x9480  }
0x8: {  	s31 =	simm.s32 $0x3;
	[smem:$0x7FF] =	sst s1;
	s18 =	smul.u32 $0x220, s9  }
0x9: {  	s8 =	sadd.s32 $0x187600, s0;
	s2 =	sand.u32 $0x1, s2;
	s5 =	sadd.s32 $0x1000, s0  }
0xa: {  	s10 =	sshll.u32 s9, $0xF;
	_ =	strace $0x8000004A;
	[dreg:$0x7] =	wrdreg s5  }
0xb: {  	s19 =	ssub.s32 $0x2, s2;
	s26 =	sshll.u32 s2, $0x1;
	[dreg:$0x9] =	wrdreg s10  }
0xc: {  	s25 =	sshll.u32 s2, $0x7;
	s2 =	sshll.u32 s2, $0x14;
	[dreg:$0xf] =	wrdreg s26  }
0xd: {  	s23 =	sshll.u32 s9, $0xB;
	s24 =	sshll.u32 s9, $0xA;
	[dreg:$0x10] =	wrdreg s2  }
0xe: {  	s15 =	sadd.s32 s24, s6;
	s9 =	sor.u32 $0x1000, s10;
	[dreg:$0xe] =	wrdreg s25  }
0xf: {  	s1 =	sadd.s32 s18, s0;
	s0 =	sadd.s32 $0x2800, s0;
	[dreg:$0xd] =	wrdreg s15  }
0x10: {  	s12 =	sor.u32 $0x2000, s10;
	s11 =	sadd.s32 s9, s3;
	[dreg:$0x8] =	wrdreg s0  }
0x11: {  	s14 =	sor.u32 $0x3000, s10;
	s13 =	sadd.s32 s12, s3;
	[dreg:$0x13] =	wrdreg s11  }
0x12: {  	s17 =	sor.u32 $0x4000, s10;
	s16 =	sadd.s32 s14, s3;
	[dreg:$0x15] =	wrdreg s13  }
0x13: {  	s5 =	simm.s32 $0x9800;
	s18 =	sadd.s32 s17, s3;
	[dreg:$0x17] =	wrdreg s16  }
0x14: {  	s20 =	sshrl.u32 s19, $0x1;
	s26 =	sadd.s32 $0x10000, s7;
	[dreg:$0x19] =	wrdreg s18  }
0x15: {  	s2 =	simm.s32 $0x5;
	s21 =	sadd.s32 $0x185400, s1;
	[smem:$0x7FB] =	sst s26  }
0x16: {  	s7 =	simm.s32 $0x0;
	s22 =	sadd.s32 $0x183200, s1;
	[dreg:$0xa] =	wrdreg s21  }
0x17: {  	s0 =	ssub.s32 s19, s20;
	s1 =	sadd.s32 $0x181000, s1;
	[dreg:$0xb] =	wrdreg s22  }
0x18: {  	s19 =	sor.u32 $0x5000, s10;
	s16 =	sadd.s32 s10, s3;
	[dreg:$0xc] =	wrdreg s1  }
0x19: {  	s11 =	simm.s32 $0x3300;
	s1 =	sor.u32 s25, s23;
	[smem:$0x7FC] =	sst s16  }
0x1a: {  	s18 =	simm.s32 $0x7300;
	s0 =	smax.u32 s0, $0x1;
	[dreg:$0x11] =	wrdreg s1  }
0x1b: {  	s26 =	simm.s32 $0x1;
	s20 =	sadd.s32 s19, s3;
	[dreg:$0x12] =	wrdreg s0  }
0x1c: {  	s21 =	sor.u32 $0x6000, s10;
	s1 =	sadd.s32 s9, s4;
	[dreg:$0x1b] =	wrdreg s20  }
0x1d: {  	s23 =	sor.u32 $0x7000, s10;
	s0 =	sadd.s32 s12, s4;
	[dreg:$0x14] =	wrdreg s1  }
0x1e: {  	v0 =	vlaneseq.u32;
	v1 =	vimm.f32 $0.0e+00;
	s22 =	sadd.s32 s21, s3;
	s24 =	sadd.s32 s23, s3;
	[dreg:$0x16] =	wrdreg s0  }
0x1f: {  	v9 =	vimm.s32 $0x0;
	v10 =	vimm.s32 $0x1;
	v11 =	vimm.s32 $0x4;
	s25 =	sadd.s32 s23, s4;
	s9 =	simm.s32 $0xA800;
	[dreg:$0x1d] =	wrdreg s22  }
0x20: {  	v12 =	vimm.s32 $0x5;
	v13 =	vimm.s32 $0x8;
	v14 =	vimm.s32 $0x9;
	s23 =	simm.s32 $0x9680;
	s12 =	simm.s32 $0x9780;
	[dreg:$0x1f] =	wrdreg s24  }
0x21: {  	v15 =	vimm.s32 $0xC;
	v16 =	vimm.s32 $0xD;
	v17 =	vimm.s32 $0x2;
	s1 =	sadd.s32 s14, s4;
	s0 =	sadd.s32 s17, s4;
	[smem:$0x7FA] =	sst s25  }
0x22: {  	v18 =	vimm.s32 $0x3;
	v19 =	vimm.s32 $0x6;
	v0 =	vmul.u32 $0x4, v0;
	s17 =	sadd.s32 s10, s4;
	s10 =	simm.s32 $0x80;
	[dreg:$0x18] =	wrdreg s1  }
0x23: {  	v20 =	vimm.s32 $0x7;
	v21 =	vimm.s32 $0xA;
	v22 =	vimm.s32 $0xB;
	s22 =	simm.s32 $0xB800;
	s24 =	simm.s32 $0xC800;
	[dreg:$0x1a] =	wrdreg s0  }
0x24: {  	v23 =	vimm.s32 $0xE;
	v24 =	vimm.s32 $0xF;
	v2 =	vor.u32 $0x1, v0;
	s25 =	simm.s32 $0x9400;
	s1 =	sadd.s32 s19, s4;
	[smem:$0x7FD] =	sst s17  }
0x25: {  	v3 =	vor.u32 $0x2, v0;
	v4 =	vor.u32 $0x3, v0;
	v5 =	vor.u32 $0x40, v0;
	s0 =	sadd.s32 s21, s4;
	s19 =	simm.s32 $0x20;
	[dreg:$0x1c] =	wrdreg s1  }
0x26: {  	v6 =	vor.u32 $0x41, v0;
	v7 =	vor.u32 $0x42, v0;
	v8 =	vor.u32 $0x43, v0;
	s21 =	simm.s32 $0x9600;
	[dreg:$0x1e] =	wrdreg s0;
	s0 =	simm.s32 $0x4  }
.LBB2_1:
0x27: {  	[smem:$0x7F9] =	sst s7  }
0x28: {  	s1 =	simm.s32 $0x0;
	s14 =	rddreg [dreg:$0xa]  }
0x29: {  	[tilespmem:s1], [sflag:$0x5] =	stream.linear.gather [hbm4b:s14+s1], $0x1100, $0x38;
	[tilespmem:$0x1E000] =	vst v63  }
0x2a: {  	_ =	swait.ge [sflag:s2], $0x1100  }
0x2b: {  	[sflag:s2] =	ssyncset.done $0x0  }
0x2c: {  	s13 =	simm.s32 $0x1100;
	s20 =	rddreg [dreg:$0xb];
	[sflag:s2] =	ssyncadd.s32 $0xFFFFEF00  }
0x2d: {  	[tilespmem:s13], [sflag:$0x5] =	stream.linear.gather [hbm4b:s20+s1], $0x1100, $0x38;
	[tilespmem:$0x1E000] =	vst v63  }
0x2e: {  	_ =	swait.ge [sflag:s2], $0x1100  }
0x2f: {  	[sflag:s2] =	ssyncset.done $0x0  }
0x30: {  	s20 =	simm.s32 $0x2200;
	s14 =	rddreg [dreg:$0xc];
	[sflag:s2] =	ssyncadd.s32 $0xFFFFEF00  }
0x31: {  	[tilespmem:s20], [sflag:$0x5] =	stream.linear.gather [hbm4b:s14+s1], $0x1100, $0x38;
	[tilespmem:$0x1E000] =	vst v63  }
0x32: {  	_ =	swait.ge [sflag:s2], $0x1100  }
0x33: {  	[sflag:s2] =	ssyncset.done $0x0  }
0x34: {  	s13 =	simm.s32 $0x0;
	[sflag:s2] =	ssyncadd.s32 $0xFFFFEF00  }
.LBB2_2:
0x35: {  	s1 =	simm.s32 $0x0;
	s7 =	simm.s32 $0x200  }
.LBB2_3:
0x36: {  	p0 =	sne.s32 s7, $0x3E00;
	[tilespmem:s1+$0xA870] =	vst v1  }
0x37: {  	[tilespmem:s1+$0x9800] =	vst v1  }
0x38: {  	[tilespmem:s1+$0xA800] =	vst v1  }
0x39: {  	[tilespmem:s1+$0x9810] =	vst v1  }
0x3a: {  	[tilespmem:s1+$0xA810] =	vst v1  }
0x3b: {  	[tilespmem:s1+$0x9820] =	vst v1  }
0x3c: {  	[tilespmem:s1+$0xA820] =	vst v1  }
0x3d: {  	[tilespmem:s1+$0x9830] =	vst v1  }
0x3e: {  	[tilespmem:s1+$0xA830] =	vst v1  }
0x3f: {  	[tilespmem:s1+$0x9840] =	vst v1  }
0x40: {  	[tilespmem:s1+$0xA840] =	vst v1  }
.Ltmp0:
0x41: {  	[tilespmem:s1+$0x9850] =	vst v1;
	(pc) =	sbr.rel @p0 .LBB2_3-.Ltmp0, $4  }
0x42: {  	[tilespmem:s1+$0xA850] =	vst v1  }
0x43: {  	[tilespmem:s1+$0x9860] =	vst v1  }
0x44: {  	[tilespmem:s1+$0xA860] =	vst v1  }
0x45: {  	[tilespmem:s1+$0x9870] =	vst v1;
	s1 =	sshra.s32 s7, $0x2;
	s7 =	sadd.s32 $0x200, s7  }
0x46: {  	[tilespmem:s1+$0xA870] =	vst v1  }
0x47: {  	[tilespmem:s1+$0x9800] =	vst v1  }
0x48: {  	[tilespmem:s1+$0xA800] =	vst v1  }
0x49: {  	[tilespmem:s1+$0x9810] =	vst v1  }
0x4a: {  	[tilespmem:s1+$0xA810] =	vst v1  }
0x4b: {  	[tilespmem:s1+$0x9820] =	vst v1  }
0x4c: {  	[tilespmem:s1+$0xA820] =	vst v1  }
0x4d: {  	[tilespmem:s1+$0x9830] =	vst v1  }
0x4e: {  	[tilespmem:s1+$0xA830] =	vst v1  }
0x4f: {  	[tilespmem:s1+$0x9840] =	vst v1  }
0x50: {  	[tilespmem:s1+$0xA840] =	vst v1  }
0x51: {  	[tilespmem:s1+$0x9850] =	vst v1  }
0x52: {  	[tilespmem:s1+$0xA850] =	vst v1  }
0x53: {  	[tilespmem:s1+$0x9860] =	vst v1  }
0x54: {  	[tilespmem:s1+$0xA860] =	vst v1  }
0x55: {  	[tilespmem:s1+$0x9870] =	vst v1;
	s1 =	simm.s32 $0x40;
	s7 =	simm.s32 $0x0  }
.LBB2_5:
0x56: {  	p0 =	sne.s32 s1, $0xFC0;
	[tilespmem:s7+$0xD800] =	vst v1;
	s7 =	smov.u32 s1;
	s1 =	sadd.s32 $0x40, s1  }
.Ltmp1:
0x57: {  	(pc) =	sbr.rel @p0 .LBB2_5-.Ltmp1, $2  }
0x58: {  	_ =	sdelay $0x2  }
0x59: {  	s7 =	sshra.s32 s7, $0x2  }
0x5a: {  	[tilespmem:s7+$0xD800] =	vst v1;
	s1 =	simm.s32 $0xD800  }
0x5b: {  	[spmem:s15] =	stream.linear.scatter [tilespmem:s1], [sflag:$0x5], $0x400, $0x38;
	[tilespmem:$0x1E000] =	vst v63  }
0x5c: {  	_ =	swait.ge [sflag:s2], $0x400  }
0x5d: {  	[sflag:s2] =	ssyncset.done $0x0  }
0x5e: {  	[sflag:s2] =	ssyncadd.s32 $0xFFFFFC00  }
0x5f: {  	[spmem:s16] =	stream.linear.scatter [tilespmem:s5], [sflag:$0x5], $0x1000, $0x38;
	[tilespmem:$0x1E000] =	vst v63  }
0x60: {  	_ =	swait.ge [sflag:s2], $0x1000  }
0x61: {  	[sflag:s2] =	ssyncset.done $0x0  }
0x62: {  	[sflag:s2] =	ssyncadd.s32 $0xFFFFF000  }
0x63: {  	[spmem:s17] =	stream.linear.scatter [tilespmem:s9], [sflag:$0x5], $0x1000, $0x38;
	[tilespmem:$0x1E000] =	vst v63  }
0x64: {  	_ =	swait.ge [sflag:s2], $0x1000  }
0x65: {  	[sflag:s2] =	ssyncset.done $0x0  }
0x66: {  	s7 =	rddreg [dreg:$0x13];
	[sflag:s2] =	ssyncadd.s32 $0xFFFFF000  }
0x67: {  	[spmem:s7] =	stream.linear.scatter [tilespmem:s5], [sflag:$0x5], $0x1000, $0x38;
	[tilespmem:$0x1E000] =	vst v63  }
0x68: {  	_ =	swait.ge [sflag:s2], $0x1000  }
0x69: {  	[sflag:s2] =	ssyncset.done $0x0  }
0x6a: {  	s14 =	rddreg [dreg:$0x14];
	[sflag:s2] =	ssyncadd.s32 $0xFFFFF000  }
0x6b: {  	[spmem:s14] =	stream.linear.scatter [tilespmem:s9], [sflag:$0x5], $0x1000, $0x38;
	[tilespmem:$0x1E000] =	vst v63  }
0x6c: {  	_ =	swait.ge [sflag:s2], $0x1000  }
0x6d: {  	[sflag:s2] =	ssyncset.done $0x0  }
0x6e: {  	s15 =	rddreg [dreg:$0x15];
	[sflag:s2] =	ssyncadd.s32 $0xFFFFF000  }
0x6f: {  	[spmem:s15] =	stream.linear.scatter [tilespmem:s5], [sflag:$0x5], $0x1000, $0x38;
	[tilespmem:$0x1E000] =	vst v63  }
0x70: {  	_ =	swait.ge [sflag:s2], $0x1000  }
0x71: {  	[sflag:s2] =	ssyncset.done $0x0  }
0x72: {  	s16 =	rddreg [dreg:$0x16];
	[sflag:s2] =	ssyncadd.s32 $0xFFFFF000  }
0x73: {  	[spmem:s16] =	stream.linear.scatter [tilespmem:s9], [sflag:$0x5], $0x1000, $0x38;
	[tilespmem:$0x1E000] =	vst v63  }
0x74: {  	_ =	swait.ge [sflag:s2], $0x1000  }
0x75: {  	[sflag:s2] =	ssyncset.done $0x0  }
0x76: {  	s17 =	rddreg [dreg:$0x17];
	[sflag:s2] =	ssyncadd.s32 $0xFFFFF000  }
0x77: {  	[spmem:s17] =	stream.linear.scatter [tilespmem:s5], [sflag:$0x5], $0x1000, $0x38;
	[tilespmem:$0x1E000] =	vst v63  }
0x78: {  	_ =	swait.ge [sflag:s2], $0x1000  }
0x79: {  	[sflag:s2] =	ssyncset.done $0x0  }
0x7a: {  	s20 =	rddreg [dreg:$0x18];
	[sflag:s2] =	ssyncadd.s32 $0xFFFFF000  }
0x7b: {  	[spmem:s20] =	stream.linear.scatter [tilespmem:s9], [sflag:$0x5], $0x1000, $0x38;
	[tilespmem:$0x1E000] =	vst v63  }
0x7c: {  	_ =	swait.ge [sflag:s2], $0x1000  }
0x7d: {  	[sflag:s2] =	ssyncset.done $0x0  }
0x7e: {  	s7 =	rddreg [dreg:$0x19];
	[sflag:s2] =	ssyncadd.s32 $0xFFFFF000  }
0x7f: {  	[spmem:s7] =	stream.linear.scatter [tilespmem:s5], [sflag:$0x5], $0x1000, $0x38;
	[tilespmem:$0x1E000] =	vst v63  }
0x80: {  	_ =	swait.ge [sflag:s2], $0x1000  }
0x81: {  	[sflag:s2] =	ssyncset.done $0x0  }
0x82: {  	s14 =	rddreg [dreg:$0x1a];
	[sflag:s2] =	ssyncadd.s32 $0xFFFFF000  }
0x83: {  	[spmem:s14] =	stream.linear.scatter [tilespmem:s9], [sflag:$0x5], $0x1000, $0x38;
	[tilespmem:$0x1E000] =	vst v63  }
0x84: {  	_ =	swait.ge [sflag:s2], $0x1000  }
0x85: {  	[sflag:s2] =	ssyncset.done $0x0  }
0x86: {  	s15 =	rddreg [dreg:$0x1b];
	[sflag:s2] =	ssyncadd.s32 $0xFFFFF000  }
0x87: {  	[spmem:s15] =	stream.linear.scatter [tilespmem:s5], [sflag:$0x5], $0x1000, $0x38;
	[tilespmem:$0x1E000] =	vst v63  }
0x88: {  	_ =	swait.ge [sflag:s2], $0x1000  }
0x89: {  	[sflag:s2] =	ssyncset.done $0x0  }
0x8a: {  	s16 =	rddreg [dreg:$0x1c];
	[sflag:s2] =	ssyncadd.s32 $0xFFFFF000  }
0x8b: {  	[spmem:s16] =	stream.linear.scatter [tilespmem:s9], [sflag:$0x5], $0x1000, $0x38;
	[tilespmem:$0x1E000] =	vst v63  }
0x8c: {  	_ =	swait.ge [sflag:s2], $0x1000  }
0x8d: {  	[sflag:s2] =	ssyncset.done $0x0  }
0x8e: {  	s17 =	rddreg [dreg:$0x1d];
	[sflag:s2] =	ssyncadd.s32 $0xFFFFF000  }
0x8f: {  	[spmem:s17] =	stream.linear.scatter [tilespmem:s5], [sflag:$0x5], $0x1000, $0x38;
	[tilespmem:$0x1E000] =	vst v63  }
0x90: {  	_ =	swait.ge [sflag:s2], $0x1000  }
0x91: {  	[sflag:s2] =	ssyncset.done $0x0  }
0x92: {  	s20 =	rddreg [dreg:$0x1e];
	[sflag:s2] =	ssyncadd.s32 $0xFFFFF000  }
0x93: {  	[spmem:s20] =	stream.linear.scatter [tilespmem:s9], [sflag:$0x5], $0x1000, $0x38;
	[tilespmem:$0x1E000] =	vst v63  }
0x94: {  	_ =	swait.ge [sflag:s2], $0x1000  }
0x95: {  	[sflag:s2] =	ssyncset.done $0x0  }
0x96: {  	s7 =	rddreg [dreg:$0x1f];
	[sflag:s2] =	ssyncadd.s32 $0xFFFFF000  }
0x97: {  	[spmem:s7] =	stream.linear.scatter [tilespmem:s5], [sflag:$0x5], $0x1000, $0x38;
	[tilespmem:$0x1E000] =	vst v63  }
0x98: {  	_ =	swait.ge [sflag:s2], $0x1000  }
0x99: {  	s14 =	sld [smem:$0x7FA]  }
0x9a: {  	[sflag:s2] =	ssyncset.done $0x0  }
0x9b: {  	[sflag:s2] =	ssyncadd.s32 $0xFFFFF000  }
0x9c: {  	[spmem:s14] =	stream.linear.scatter [tilespmem:s9], [sflag:$0x5], $0x1000, $0x38;
	[tilespmem:$0x1E000] =	vst v63  }
0x9d: {  	_ =	swait.ge [sflag:s2], $0x1000  }
0x9e: {  	s16 =	sshll.u32 s13, $0xF;
	s14 =	rddreg [dreg:$0xe];
	[sflag:s2] =	ssyncset.done $0x0  }
0x9f: {  	s15 =	sor.u32 s14, s16;
	[sflag:s2] =	ssyncadd.s32 $0xFFFFF000  }
0xa0: {  	s1 =	sshrl.u32 s15, $0x3;
	s17 =	rddreg [dreg:$0x1]  }
0xa1: {  	s20 =	simm.s32 $0x100;
	s7 =	sshll.u32 s13, $0xE;
	s1 =	sadd.s32 s17, s1  }
0xa2: {  	[tilespmem:s11], [sflag:$0x5] =	stream.strided.gather [hbm4b:s1+s10], $0x4000, s20, s10, $0x38;
	[tilespmem:$0x1E000] =	vst v63  }
0xa3: {  	s1 =	sor.u32 s14, s7;
	_ =	swait.ge [sflag:s2], $0x4000  }
0xa4: {  	s1 =	sshrl.u32 s1, $0x3;
	[sflag:s2] =	ssyncset.done $0x0;
	s14 =	rddreg [dreg:$0x7]  }
0xa5: {  	[sflag:s2] =	ssyncadd.s32 $0xFFFFC000;
	s1 =	sadd.s32 s14, s1  }
0xa6: {  	[tilespmem:s18], [sflag:$0x5] =	stream.strided.gather [hbm4b:s1+s10], $0x2000, s20, s10, $0x38;
	[tilespmem:$0x1E000] =	vst v63  }
0xa7: {  	_ =	swait.ge [sflag:s2], $0x2000  }
0xa8: {  	[sflag:s2] =	ssyncset.done $0x0  }
0xa9: {  	[sflag:s2] =	ssyncadd.s32 $0xFFFFE000  }
0xaa: {  	[bflag:$0x0] =	sbarrier.arrive $0xFFFF  }
0xab: {  	v25 =	vld [tilespmem:$0x0]  }
0xac: {  	v27 =	vld [tilespmem:$0x1100]  }
0xad: {  	v63 =	vld [tilespmem:$0x1110]  }
0xae: {  	v26 =	vld [tilespmem:$0x10]  }
0xaf: {  	s15 =	rddreg [dreg:$0xf]  }
0xb0: {  	s1 =	sor.u32 s15, s16  }
0xb1: {  	[smem:$0x7F8] =	sst s16;
	s16 =	sor.u32 $0x1, s1;
	v25 =	vshll.u32 v25, $0x2;
	[tilespmem:$0x9700] =	vst v27  }
0xb2: {  	[tilespmem:$0x9710] =	vst v63;
	v28 =	vadd.s32 s1, v25;
	v25 =	vadd.s32 s16, v25  }
0xb3: {  	[tilespmem:$0x9580] =	vst v25;
	v25 =	vshll.u32 v26, $0x2  }
0xb4: {  	[tilespmem:$0x9500] =	vst v28;
	v26 =	vadd.s32 s1, v25  }
0xb5: {  	v25 =	vadd.s32 s16, v25;
	[tilespmem:$0x9510] =	vst v26  }
0xb6: {  	s17 =	simm.s32 $0x9500;
	[tilespmem:$0x9590] =	vst v25  }
0xb7: {  	[tilespmem:s5], [sflag:$0x1] =	stream.indirect.gather [hbm4b:s8+s19], $0x80, s17, s19, $0xb8;
	[tilespmem:$0x1E000] =	vst v63  }
0xb8: {  	s7 =	simm.s32 $0x0;
	s20 =	simm.s32 $0x9580  }
0xb9: {  	v25 =	vmov s1;
	v26 =	vmov s16;
	[tilespmem:s9], [sflag:$0x2] =	stream.indirect.gather [hbm4b:s8+s19], $0x80, s20, s19, $0xb8;
	[tilespmem:$0x1E000] =	vst v63  }
.LBB2_7:
0xba: {  	s17 =	sshll.u32 s7, $0x6  }
0xbb: {  	v27 =	vld [tilespmem:s17+$0x20];
	_ =	sdelay $0x4  }
0xbc: {  	v27 =	vshll.u32 v27, $0x2  }
0xbd: {  	v28 =	vadd.s32 v25, v27  }
0xbe: {  	v27 =	vadd.s32 v26, v27;
	[tilespmem:$0x9600] =	vst v28  }
0xbf: {  	[tilespmem:$0x9680] =	vst v27  }
0xc0: {  	v27 =	vld [tilespmem:s17+$0x1120];
	_ =	sdelay $0x4  }
0xc1: {  	[tilespmem:$0x9780] =	vst v27  }
0xc2: {  	v27 =	vld [tilespmem:s17+$0x30];
	_ =	sdelay $0x4  }
0xc3: {  	v27 =	vshll.u32 v27, $0x2  }
0xc4: {  	v37 =	vadd.s32 v25, v27  }
0xc5: {  	v27 =	vadd.s32 v26, v27;
	[tilespmem:$0x9610] =	vst v37  }
0xc6: {  	[tilespmem:$0x9690] =	vst v27  }
0xc7: {  	v27 =	vld [tilespmem:s17+$0x1130];
	_ =	sdelay $0x4  }
0xc8: {  	[tilespmem:$0x9790] =	vst v27  }
0xc9: {  	[tilespmem:s22], [sflag:$0x3] =	stream.indirect.gather [hbm4b:s8+s19], $0x80, s21, s19, $0xb8;
	[tilespmem:$0x1E000] =	vst v63  }
0xca: {  	_ = 	snop  }
0xcb: {  	[tilespmem:s24], [sflag:$0x4] =	stream.indirect.gather [hbm4b:s8+s19], $0x80, s23, s19, $0xb8;
	[tilespmem:$0x1E000] =	vst v63  }
0xcc: {  	v27 =	vld [tilespmem:s17+$0x0]  }
0xcd: {  	v28 =	vld [tilespmem:s17+$0x1100];
	_ =	sdelay $0x6  }
0xce: {  	v29 =	vld.idx.msk [tilespmem:v27+s11+$0x0], $0xffff  }
0xcf: {  	v30 =	vld.idx.msk [tilespmem:v28+s18+$0x0], $0xffff;
	_ =	sdelay $0x4  }
0xd0: {  	v31 =	vshll.u32 v29, $0x10;
	v32 =	vshll.u32 v30, $0x10  }
0xd1: {  	v33 =	vld [tilespmem:s17+$0x2200];
	v31 =	vadd.f32 v32, v31  }
0xd2: {  	v29 =	vand.u32 $0xFFFF0000, v29;
	v30 =	vand.u32 $0xFFFF0000, v30  }
0xd3: {  	v29 =	vadd.f32 v30, v29;
	v32 =	vmul.f32 $1.000000010e-01, v31  }
0xd4: {  	vm0 =	vge.f32 v31, $0.0e+00  }
0xd5: {  	v39 =	vmul.f32 $1.000000010e-01, v29;
	v38 =	vsel vm0, v31, v32  }
0xd6: {  	vm9 =	vge.f32 v29, $0.0e+00;
	v30 =	vmul.f32 v38, v33  }
0xd7: {  	v29 =	vsel vm9, v29, v39  }
0xd8: {  	v29 =	vmul.f32 v29, v33;
	v30 =	vmul.f32 $1.442695020e+00, v30;
	_ =	sdelay $0x1  }
0xd9: {  	v29 =	vmul.f32 $1.442695020e+00, v29;
	(erf) = vpow2.f32 v30;
	_ =	sdelay $0x1  }
0xda: {  	(erf) = vpow2.f32 v29;
	_ =	sdelay $0x6  }
0xdb: {  	s15 =	simm.s32 $0x9300;
	v27 =	vadd.s32 $0x2000, v27;
	v40 =	vpop (erf)  }
0xdc: {  	v41 =	vshll.u32 v28, $0x2;
	v28 =	vadd.s32 $0x1000, v28;
	[tilespmem:v0+s15+$0x0] =	vst.idx.msk $0xffff, v40  }
0xdd: {  	v42 =	vpop (erf);
	[tilespmem:v0+s25+$0x0] =	vst.idx.msk $0xffff, v41  }
0xde: {  	v43 =	vor.u32 $0x1, v41;
	[tilespmem:v2+s15+$0x0] =	vst.idx.msk $0xffff, v42  }
0xdf: {  	[tilespmem:v2+s25+$0x0] =	vst.idx.msk $0xffff, v43  }
0xe0: {  	v27 =	vld.idx.msk [tilespmem:v27+s11+$0x0], $0xffff  }
0xe1: {  	v28 =	vld.idx.msk [tilespmem:v28+s18+$0x0], $0xffff;
	_ =	sdelay $0x4  }
0xe2: {  	v44 =	vshll.u32 v27, $0x10;
	v45 =	vshll.u32 v28, $0x10  }
0xe3: {  	v30 =	vadd.f32 v45, v44;
	_ =	sdelay $0x1  }
0xe4: {  	v31 =	vmul.f32 $1.000000010e-01, v30  }
0xe5: {  	v27 =	vand.u32 $0xFFFF0000, v27;
	v28 =	vand.u32 $0xFFFF0000, v28;
	vm10 =	vge.f32 v30, $0.0e+00  }
0xe6: {  	v27 =	vadd.f32 v28, v27;
	v46 =	vsel vm10, v30, v31  }
0xe7: {  	v28 =	vmul.f32 v46, v33  }
0xe8: {  	v47 =	vmul.f32 $1.000000010e-01, v27  }
0xe9: {  	vm11 =	vge.f32 v27, $0.0e+00;
	v28 =	vmul.f32 $1.442695020e+00, v28  }
0xea: {  	v27 =	vsel vm11, v27, v47  }
0xeb: {  	v27 =	vmul.f32 v27, v33;
	(erf) = vpow2.f32 v28;
	_ =	sdelay $0x1  }
0xec: {  	v27 =	vmul.f32 $1.442695020e+00, v27;
	_ =	sdelay $0x1  }
0xed: {  	(erf) = vpow2.f32 v27;
	_ =	sdelay $0x4  }
0xee: {  	v27 =	vpop (erf)  }
0xef: {  	[tilespmem:v3+s15+$0x0] =	vst.idx.msk $0xffff, v27;
	v27 =	vor.u32 $0x2, v41;
	_ =	sdelay $0x2  }
0xf0: {  	[tilespmem:v3+s25+$0x0] =	vst.idx.msk $0xffff, v27;
	v27 =	vpop (erf)  }
0xf1: {  	[tilespmem:v4+s15+$0x0] =	vst.idx.msk $0xffff, v27;
	v27 =	vor.u32 $0x3, v41  }
0xf2: {  	[tilespmem:v4+s25+$0x0] =	vst.idx.msk $0xffff, v27  }
0xf3: {  	v27 =	vld [tilespmem:s17+$0x10]  }
0xf4: {  	v48 =	vld [tilespmem:s17+$0x1110];
	_ =	sdelay $0x6  }
0xf5: {  	v49 =	vld.idx.msk [tilespmem:v27+s11+$0x0], $0xffff  }
0xf6: {  	v50 =	vld.idx.msk [tilespmem:v48+s18+$0x0], $0xffff;
	_ =	sdelay $0x4  }
0xf7: {  	v51 =	vshll.u32 v49, $0x10;
	v52 =	vshll.u32 v50, $0x10  }
0xf8: {  	v53 =	vld [tilespmem:s17+$0x2210];
	v31 =	vadd.f32 v52, v51  }
0xf9: {  	v29 =	vand.u32 $0xFFFF0000, v49;
	v30 =	vand.u32 $0xFFFF0000, v50  }
0xfa: {  	v29 =	vadd.f32 v30, v29;
	v32 =	vmul.f32 $1.000000010e-01, v31  }
0xfb: {  	vm12 =	vge.f32 v31, $0.0e+00  }
0xfc: {  	v55 =	vmul.f32 $1.000000010e-01, v29;
	v54 =	vsel vm12, v31, v32  }
0xfd: {  	vm13 =	vge.f32 v29, $0.0e+00;
	v30 =	vmul.f32 v54, v53  }
0xfe: {  	v29 =	vsel vm13, v29, v55  }
0xff: {  	v29 =	vmul.f32 v29, v53;
	v30 =	vmul.f32 $1.442695020e+00, v30;
	_ =	sdelay $0x1  }
0x100: {  	v29 =	vmul.f32 $1.442695020e+00, v29;
	(erf) = vpow2.f32 v30;
	_ =	sdelay $0x1  }
0x101: {  	(erf) = vpow2.f32 v29;
	_ =	sdelay $0x6  }
0x102: {  	v27 =	vadd.s32 $0x2000, v27;
	v56 =	vpop (erf)  }
0x103: {  	v57 =	vshll.u32 v48, $0x2;
	v28 =	vadd.s32 $0x1000, v48;
	[tilespmem:v5+s15+$0x0] =	vst.idx.msk $0xffff, v56  }
0x104: {  	v58 =	vpop (erf);
	[tilespmem:v5+s25+$0x0] =	vst.idx.msk $0xffff, v57  }
0x105: {  	v59 =	vor.u32 $0x1, v57;
	[tilespmem:v6+s15+$0x0] =	vst.idx.msk $0xffff, v58  }
0x106: {  	[tilespmem:v6+s25+$0x0] =	vst.idx.msk $0xffff, v59  }
0x107: {  	v27 =	vld.idx.msk [tilespmem:v27+s11+$0x0], $0xffff  }
0x108: {  	v28 =	vld.idx.msk [tilespmem:v28+s18+$0x0], $0xffff;
	_ =	sdelay $0x4  }
0x109: {  	v60 =	vshll.u32 v27, $0x10;
	v61 =	vshll.u32 v28, $0x10  }
0x10a: {  	v30 =	vadd.f32 v61, v60;
	_ =	sdelay $0x1  }
0x10b: {  	v31 =	vmul.f32 $1.000000010e-01, v30  }
0x10c: {  	v27 =	vand.u32 $0xFFFF0000, v27;
	v28 =	vand.u32 $0xFFFF0000, v28;
	vm14 =	vge.f32 v30, $0.0e+00  }
0x10d: {  	v27 =	vadd.f32 v28, v27;
	v62 =	vsel vm14, v30, v31  }
0x10e: {  	v28 =	vmul.f32 v62, v53  }
0x10f: {  	v63 =	vmul.f32 $1.000000010e-01, v27  }
0x110: {  	vm15 =	vge.f32 v27, $0.0e+00;
	v28 =	vmul.f32 $1.442695020e+00, v28  }
0x111: {  	v27 =	vsel vm15, v27, v63  }
0x112: {  	v27 =	vmul.f32 v27, v53;
	(erf) = vpow2.f32 v28;
	_ =	sdelay $0x1  }
0x113: {  	v27 =	vmul.f32 $1.442695020e+00, v27;
	_ =	sdelay $0x1  }
0x114: {  	(erf) = vpow2.f32 v27;
	_ =	sdelay $0x4  }
0x115: {  	v27 =	vpop (erf)  }
0x116: {  	[tilespmem:v7+s15+$0x0] =	vst.idx.msk $0xffff, v27;
	v27 =	vor.u32 $0x2, v57;
	_ =	sdelay $0x2  }
0x117: {  	[tilespmem:v7+s25+$0x0] =	vst.idx.msk $0xffff, v27;
	v27 =	vpop (erf)  }
0x118: {  	[tilespmem:v8+s15+$0x0] =	vst.idx.msk $0xffff, v27;
	v27 =	vor.u32 $0x3, v57  }
0x119: {  	[tilespmem:v8+s25+$0x0] =	vst.idx.msk $0xffff, v27  }
0x11a: {  	[spmem:s6] =	stream.indirect.scatter.add.f32 [tilespmem:s15], [sflag:$0x5], $0x1, s25, s10, $0xb8;
	[tilespmem:$0x1E000] =	vst v63  }
0x11b: {  	_ =	swait.ge [sflag:s2], $0x80  }
0x11c: {  	[sflag:s2] =	ssyncset.done $0x0  }
0x11d: {  	[sflag:s2] =	ssyncadd.s32 $0xFFFFFF80  }
0x11e: {  	_ =	swait.ge [sflag:s26], $0x1000  }
0x11f: {  	[sflag:s26] =	ssyncset.done $0x0  }
0x120: {  	[sflag:s26] =	ssyncadd.s32 $0xFFFFF000  }
0x121: {  	_ =	swait.ge [sflag:s28], $0x1000  }
0x122: {  	s1 =	simm.s32 $0x0;
	[sflag:s28] =	ssyncset.done $0x0  }
0x123: {  	s20 =	sor.u32 $0x20, s17;
	s16 =	sor.u32 $0x30, s17;
	[sflag:s28] =	ssyncadd.s32 $0xFFFFF000  }
.LBB2_8:
0x124: {  	v27 =	vld [tilespmem:s15+$0x0]  }
0x125: {  	s14 =	sshra.s32 s1, $0x2  }
0x126: {  	v28 =	vld [tilespmem:s14+$0x9800]  }
0x127: {  	v29 =	vld [tilespmem:s14+$0x9810]  }
0x128: {  	v30 =	vld [tilespmem:s14+$0x9820]  }
0x129: {  	v32 =	vld [tilespmem:s14+$0x9830];
	v31 =	vperm.xlane v27, v9  }
0x12a: {  	v33 =	vld [tilespmem:s14+$0x9840]  }
0x12b: {  	v34 =	vld [tilespmem:s14+$0x9850];
	v28 =	vmul.f32 v28, v31  }
0x12c: {  	v35 =	vld [tilespmem:s14+$0x9860];
	v29 =	vmul.f32 v29, v31  }
0x12d: {  	v57 =	vld [tilespmem:s14+$0x9870];
	v36 =	vperm.xlane v27, v10;
	v56 =	vmul.f32 v30, v31;
	[tilespmem:s14+$0x9800] =	vst v28  }
0x12e: {  	v59 =	vld [tilespmem:s14+$0x9880];
	v58 =	vmul.f32 v32, v31;
	[tilespmem:s14+$0x9810] =	vst v29  }
0x12f: {  	v61 =	vld [tilespmem:s14+$0x9890];
	v60 =	vmul.f32 v33, v36;
	[tilespmem:s14+$0x9820] =	vst v56  }
0x130: {  	v63 =	vld [tilespmem:s14+$0x98A0];
	v62 =	vmul.f32 v34, v36;
	[tilespmem:s14+$0x9830] =	vst v58  }
0x131: {  	v42 =	vld [tilespmem:s14+$0x98B0];
	v41 =	vperm.xlane v27, v11;
	v40 =	vmul.f32 v35, v36;
	[tilespmem:s14+$0x9840] =	vst v60  }
0x132: {  	v44 =	vld [tilespmem:s14+$0x98C0];
	v43 =	vmul.f32 v57, v36;
	[tilespmem:s14+$0x9850] =	vst v62  }
0x133: {  	v51 =	vld [tilespmem:s14+$0x98F0];
	v45 =	vmul.f32 v59, v41;
	[tilespmem:s14+$0x9860] =	vst v40  }
0x134: {  	v46 =	vld [tilespmem:s14+$0x98D0];
	v47 =	vmul.f32 v61, v41;
	[tilespmem:s14+$0x9870] =	vst v43  }
0x135: {  	v48 =	vld [tilespmem:s14+$0x98E0];
	v49 =	vperm.xlane v27, v12;
	v50 =	vmul.f32 v63, v41;
	[tilespmem:s14+$0x9880] =	vst v45  }
0x136: {  	v53 =	vld [tilespmem:s14+$0x9900];
	v52 =	vmul.f32 v42, v41;
	[tilespmem:s14+$0x9890] =	vst v47  }
0x137: {  	v55 =	vld [tilespmem:s14+$0x9910];
	v54 =	vmul.f32 v44, v49;
	[tilespmem:s14+$0x98A0] =	vst v50  }
0x138: {  	v57 =	vld [tilespmem:s14+$0x9920];
	v61 =	vmul.f32 v51, v49;
	[tilespmem:s14+$0x98B0] =	vst v52  }
0x139: {  	v59 =	vperm.xlane v27, v13;
	v42 =	vld [tilespmem:s14+$0x9960];
	v56 =	vmul.f32 v46, v49;
	[tilespmem:s14+$0x98C0] =	vst v54  }
0x13a: {  	v58 =	vmul.f32 v48, v49;
	v60 =	vld [tilespmem:s14+$0x9930];
	[tilespmem:s14+$0x98F0] =	vst v61  }
0x13b: {  	v62 =	vld [tilespmem:s14+$0x9940];
	v63 =	vmul.f32 v53, v59;
	[tilespmem:s14+$0x98D0] =	vst v56  }
0x13c: {  	v40 =	vld [tilespmem:s14+$0x9950];
	v41 =	vmul.f32 v55, v59;
	v43 =	vperm.xlane v27, v14;
	[tilespmem:s14+$0x98E0] =	vst v58  }
0x13d: {  	v45 =	vld [tilespmem:s14+$0x9970];
	[tilespmem:s14+$0x9900] =	vst v63;
	v44 =	vmul.f32 v57, v59  }
0x13e: {  	v47 =	vld [tilespmem:s14+$0x9980];
	[tilespmem:s14+$0x9910] =	vst v41;
	v52 =	vmul.f32 v42, v43  }
0x13f: {  	v49 =	vld [tilespmem:s14+$0x9990];
	v46 =	vmul.f32 v60, v59;
	[tilespmem:s14+$0x9920] =	vst v44  }
0x140: {  	v51 =	vld [tilespmem:s14+$0x99A0];
	v48 =	vmul.f32 v62, v43;
	[tilespmem:s14+$0x9960] =	vst v52  }
0x141: {  	v53 =	vperm.xlane v27, v15;
	v54 =	vld [tilespmem:s14+$0x99B0];
	v50 =	vmul.f32 v40, v43;
	[tilespmem:s14+$0x9930] =	vst v46  }
0x142: {  	v56 =	vld [tilespmem:s14+$0x99C0];
	v55 =	vmul.f32 v45, v43;
	[tilespmem:s14+$0x9940] =	vst v48  }
0x143: {  	v58 =	vld [tilespmem:s14+$0x99D0];
	v57 =	vmul.f32 v47, v53;
	[tilespmem:s14+$0x9950] =	vst v50  }
0x144: {  	v63 =	vld [tilespmem:s14+$0x99F0];
	v59 =	vmul.f32 v49, v53;
	[tilespmem:s14+$0x9970] =	vst v55  }
0x145: {  	v38 =	vld [tilespmem:s14+$0xA800];
	v61 =	vperm.xlane v27, v16;
	v62 =	vmul.f32 v51, v53;
	[tilespmem:s14+$0x9980] =	vst v57  }
0x146: {  	v42 =	vld [tilespmem:s14+$0xA820];
	v37 =	vmul.f32 v54, v53;
	[tilespmem:s14+$0x9990] =	vst v59  }
0x147: {  	v60 =	vld [tilespmem:s14+$0x99E0];
	[tilespmem:s14+$0x99A0] =	vst v62;
	v39 =	vmul.f32 v56, v61  }
0x148: {  	v40 =	vld [tilespmem:s14+$0xA810];
	v44 =	vperm.xlane v27, v17;
	[tilespmem:s14+$0x99B0] =	vst v37;
	v41 =	vmul.f32 v58, v61  }
0x149: {  	v45 =	vld [tilespmem:s14+$0xA830];
	v46 =	vmul.f32 v63, v61;
	[tilespmem:s14+$0x99C0] =	vst v39  }
0x14a: {  	v47 =	vld [tilespmem:s14+$0xA840];
	v48 =	vmul.f32 v38, v44;
	[tilespmem:s14+$0x99D0] =	vst v41  }
0x14b: {  	v49 =	vld [tilespmem:s14+$0xA850];
	v53 =	vmul.f32 v42, v44;
	[tilespmem:s14+$0x99F0] =	vst v46  }
0x14c: {  	v51 =	vld [tilespmem:s14+$0xA860];
	[tilespmem:s14+$0xA800] =	vst v48;
	v43 =	vmul.f32 v60, v61  }
0x14d: {  	v52 =	vperm.xlane v27, v18;
	v54 =	vld [tilespmem:s14+$0xA870];
	v50 =	vmul.f32 v40, v44;
	[tilespmem:s14+$0xA820] =	vst v53  }
0x14e: {  	v56 =	vld [tilespmem:s14+$0xA880];
	v55 =	vmul.f32 v45, v44;
	[tilespmem:s14+$0x99E0] =	vst v43  }
0x14f: {  	v58 =	vld [tilespmem:s14+$0xA890];
	v57 =	vmul.f32 v47, v52;
	[tilespmem:s14+$0xA810] =	vst v50  }
0x150: {  	v63 =	vld [tilespmem:s14+$0xA8B0];
	v59 =	vmul.f32 v49, v52;
	[tilespmem:s14+$0xA830] =	vst v55  }
0x151: {  	v62 =	vperm.xlane v27, v19;
	v41 =	vld [tilespmem:s14+$0xA8C0];
	v61 =	vmul.f32 v51, v52;
	[tilespmem:s14+$0xA840] =	vst v57  }
0x152: {  	v48 =	vld [tilespmem:s14+$0xA8F0];
	v40 =	vmul.f32 v54, v52;
	[tilespmem:s14+$0xA850] =	vst v59  }
0x153: {  	v60 =	vld [tilespmem:s14+$0xA8A0];
	[tilespmem:s14+$0xA860] =	vst v61;
	v42 =	vmul.f32 v56, v62  }
0x154: {  	v46 =	vperm.xlane v27, v20;
	v45 =	vld [tilespmem:s14+$0xA8E0];
	[tilespmem:s14+$0xA870] =	vst v40;
	v44 =	vmul.f32 v58, v62  }
0x155: {  	v52 =	vld [tilespmem:s14+$0xA910];
	v49 =	vmul.f32 v63, v62;
	[tilespmem:s14+$0xA880] =	vst v42  }
0x156: {  	v54 =	vld [tilespmem:s14+$0xA920];
	[tilespmem:s14+$0xA890] =	vst v44;
	v51 =	vmul.f32 v41, v46  }
0x157: {  	v43 =	vld [tilespmem:s14+$0xA8D0];
	[tilespmem:s14+$0xA8B0] =	vst v49;
	v58 =	vmul.f32 v48, v46  }
0x158: {  	v50 =	vld [tilespmem:s14+$0xA900];
	v56 =	vperm.xlane v27, v21;
	v47 =	vmul.f32 v60, v62;
	[tilespmem:s14+$0xA8C0] =	vst v51  }
0x159: {  	v57 =	vld [tilespmem:s14+$0xA930];
	v55 =	vmul.f32 v45, v46;
	[tilespmem:s14+$0xA8F0] =	vst v58  }
0x15a: {  	v59 =	vld [tilespmem:s14+$0xA940];
	v62 =	vmul.f32 v52, v56;
	[tilespmem:s14+$0xA8A0] =	vst v47  }
0x15b: {  	v61 =	vld [tilespmem:s14+$0xA950];
	v41 =	vmul.f32 v54, v56;
	[tilespmem:s14+$0xA8E0] =	vst v55  }
0x15c: {  	v63 =	vld [tilespmem:s14+$0xA960];
	v53 =	vmul.f32 v43, v46;
	[tilespmem:s14+$0xA910] =	vst v62  }
0x15d: {  	v40 =	vperm.xlane v27, v22;
	v42 =	vld [tilespmem:s14+$0xA970];
	v60 =	vmul.f32 v50, v56;
	[tilespmem:s14+$0xA920] =	vst v41  }
0x15e: {  	v44 =	vld [tilespmem:s14+$0xA980];
	v43 =	vmul.f32 v57, v56;
	[tilespmem:s14+$0xA8D0] =	vst v53  }
0x15f: {  	v48 =	vld [tilespmem:s14+$0xA9A0];
	v45 =	vmul.f32 v59, v40;
	[tilespmem:s14+$0xA900] =	vst v60  }
0x160: {  	v51 =	vld [tilespmem:s14+$0xA9B0];
	v47 =	vmul.f32 v61, v40;
	[tilespmem:s14+$0xA930] =	vst v43  }
0x161: {  	v46 =	vld [tilespmem:s14+$0xA990];
	v49 =	vmul.f32 v63, v40;
	v50 =	vperm.xlane v27, v23;
	[tilespmem:s14+$0xA940] =	vst v45  }
0x162: {  	v55 =	vld [tilespmem:s14+$0xA9D0];
	[tilespmem:s14+$0xA950] =	vst v47;
	v52 =	vmul.f32 v42, v40  }
0x163: {  	v57 =	vld [tilespmem:s14+$0xA9E0];
	[tilespmem:s14+$0xA960] =	vst v49;
	v54 =	vmul.f32 v44, v50  }
0x164: {  	v53 =	vld [tilespmem:s14+$0xA9C0];
	v58 =	vmul.f32 v48, v50;
	[tilespmem:s14+$0xA970] =	vst v52  }
0x165: {  	v27 =	vperm.xlane v27, v24;
	v59 =	vld [tilespmem:s14+$0xA9F0];
	[tilespmem:s14+$0xA980] =	vst v54;
	v60 =	vmul.f32 v51, v50  }
0x166: {  	[tilespmem:s14+$0xA9A0] =	vst v58;
	v56 =	vmul.f32 v46, v50  }
0x167: {  	p0 =	sne.s32 s1, $0x3800;
	v62 =	vmul.f32 v55, v27;
	[tilespmem:s14+$0xA9B0] =	vst v60  }
.Ltmp2:
0x168: {  	v63 =	vmul.f32 v57, v27;
	[tilespmem:s14+$0xA990] =	vst v56;
	(pc) =	sbr.rel @p0 .LBB2_8-.Ltmp2, $4  }
0x169: {  	v61 =	vmul.f32 v53, v27;
	[tilespmem:s14+$0xA9D0] =	vst v62  }
0x16a: {  	v27 =	vmul.f32 v59, v27;
	[tilespmem:s14+$0xA9E0] =	vst v63  }
0x16b: {  	[tilespmem:s14+$0xA9C0] =	vst v61  }
0x16c: {  	s15 =	sadd.s32 $0x10, s15;
	s1 =	sadd.s32 $0x800, s1;
	[tilespmem:s14+$0xA9F0] =	vst v27  }
0x16d: {  	[spmem:s3] =	stream.indirect.scatter.add.f32 [tilespmem:s5], [sflag:$0x5], $0x80, s29, s19, $0xb8;
	[tilespmem:$0x1E000] =	vst v63  }
0x16e: {  	_ =	swait.ge [sflag:s2], $0x1000  }
0x16f: {  	[sflag:s2] =	ssyncset.done $0x0  }
0x170: {  	[sflag:s2] =	ssyncadd.s32 $0xFFFFF000  }
0x171: {  	[spmem:s4] =	stream.indirect.scatter.add.f32 [tilespmem:s9], [sflag:$0x5], $0x80, s29, s19, $0xb8;
	[tilespmem:$0x1E000] =	vst v63  }
0x172: {  	_ =	swait.ge [sflag:s2], $0x1000  }
0x173: {  	[sflag:s2] =	ssyncset.done $0x0  }
0x174: {  	p0 =	seq.s32 s7, $0x43;
	[sflag:s2] =	ssyncadd.s32 $0xFFFFF000  }
0x175: {  	v27 =	vld @!p0 [tilespmem:s17+$0x40];
	_ =	sdelay $0x4  }
0x176: {  	v27 =	vshll.u32 @!p0 v27, $0x2  }
0x177: {  	v28 =	vadd.s32 @!p0 v25, v27  }
0x178: {  	v27 =	vadd.s32 @!p0 v26, v27;
	[tilespmem:$0x9500] =	vst @!p0 v28  }
0x179: {  	[tilespmem:$0x9580] =	vst @!p0 v27  }
0x17a: {  	v27 =	vld @!p0 [tilespmem:s17+$0x1140];
	_ =	sdelay $0x4  }
0x17b: {  	[tilespmem:$0x9700] =	vst @!p0 v27  }
0x17c: {  	v27 =	vld @!p0 [tilespmem:s17+$0x50];
	_ =	sdelay $0x4  }
0x17d: {  	v27 =	vshll.u32 @!p0 v27, $0x2  }
0x17e: {  	v28 =	vadd.s32 @!p0 v25, v27  }
0x17f: {  	v27 =	vadd.s32 @!p0 v26, v27;
	[tilespmem:$0x9510] =	vst @!p0 v28  }
0x180: {  	[tilespmem:$0x9590] =	vst @!p0 v27  }
0x181: {  	v27 =	vld @!p0 [tilespmem:s17+$0x1150];
	_ =	sdelay $0x4  }
0x182: {  	s1 =	simm.s32 @!p0 $0x20;
	s14 =	simm.s32 @!p0 $0x9500;
	s15 =	simm.s32 @!p0 $0x9800;
	[tilespmem:$0x9710] =	vst @!p0 v27  }
0x183: {  	[tilespmem:s15], [sflag:$0x1] =	stream.indirect.gather @!p0 [hbm4b:s8+s1], $0x80, s14, s1, $0xb8;
	[tilespmem:$0x1E000] =	vst v63  }
0x184: {  	s14 =	simm.s32 @!p0 $0x9580;
	s15 =	simm.s32 @!p0 $0xA800  }
0x185: {  	[tilespmem:s15], [sflag:$0x2] =	stream.indirect.gather @!p0 [hbm4b:s8+s1], $0x80, s14, s1, $0xb8;
	[tilespmem:$0x1E000] =	vst v63  }
0x186: {  	v27 =	vld [tilespmem:s20+$0x0]  }
0x187: {  	v28 =	vld [tilespmem:s20+$0x1100];
	_ =	sdelay $0x6  }
0x188: {  	v29 =	vld.idx.msk [tilespmem:v27+s11+$0x0], $0xffff  }
0x189: {  	v30 =	vld.idx.msk [tilespmem:v28+s18+$0x0], $0xffff;
	_ =	sdelay $0x4  }
0x18a: {  	v31 =	vshll.u32 v29, $0x10;
	v32 =	vshll.u32 v30, $0x10  }
0x18b: {  	v33 =	vld [tilespmem:s20+$0x2200];
	v31 =	vadd.f32 v32, v31  }
0x18c: {  	v29 =	vand.u32 $0xFFFF0000, v29;
	v30 =	vand.u32 $0xFFFF0000, v30  }
0x18d: {  	v29 =	vadd.f32 v30, v29;
	v32 =	vmul.f32 $1.000000010e-01, v31  }
0x18e: {  	vm0 =	vge.f32 v31, $0.0e+00  }
0x18f: {  	v39 =	vmul.f32 $1.000000010e-01, v29;
	v38 =	vsel vm0, v31, v32  }
0x190: {  	vm9 =	vge.f32 v29, $0.0e+00;
	v30 =	vmul.f32 v38, v33  }
0x191: {  	v29 =	vsel vm9, v29, v39  }
0x192: {  	v29 =	vmul.f32 v29, v33;
	v30 =	vmul.f32 $1.442695020e+00, v30;
	_ =	sdelay $0x1  }
0x193: {  	v29 =	vmul.f32 $1.442695020e+00, v29;
	(erf) = vpow2.f32 v30;
	_ =	sdelay $0x1  }
0x194: {  	(erf) = vpow2.f32 v29;
	_ =	sdelay $0x6  }
0x195: {  	s15 =	simm.s32 $0x9380;
	v27 =	vadd.s32 $0x2000, v27;
	v40 =	vpop (erf)  }
0x196: {  	v41 =	vshll.u32 v28, $0x2;
	v28 =	vadd.s32 $0x1000, v28;
	[tilespmem:v0+s15+$0x0] =	vst.idx.msk $0xffff, v40  }
0x197: {  	v42 =	vpop (erf);
	[tilespmem:v0+s30+$0x0] =	vst.idx.msk $0xffff, v41  }
0x198: {  	v43 =	vor.u32 $0x1, v41;
	[tilespmem:v2+s15+$0x0] =	vst.idx.msk $0xffff, v42  }
0x199: {  	[tilespmem:v2+s30+$0x0] =	vst.idx.msk $0xffff, v43  }
0x19a: {  	v27 =	vld.idx.msk [tilespmem:v27+s11+$0x0], $0xffff  }
0x19b: {  	v28 =	vld.idx.msk [tilespmem:v28+s18+$0x0], $0xffff;
	_ =	sdelay $0x4  }
0x19c: {  	v44 =	vshll.u32 v27, $0x10;
	v45 =	vshll.u32 v28, $0x10  }
0x19d: {  	v30 =	vadd.f32 v45, v44;
	_ =	sdelay $0x1  }
0x19e: {  	v31 =	vmul.f32 $1.000000010e-01, v30  }
0x19f: {  	v27 =	vand.u32 $0xFFFF0000, v27;
	v28 =	vand.u32 $0xFFFF0000, v28;
	vm10 =	vge.f32 v30, $0.0e+00  }
0x1a0: {  	v27 =	vadd.f32 v28, v27;
	v46 =	vsel vm10, v30, v31  }
0x1a1: {  	v28 =	vmul.f32 v46, v33  }
0x1a2: {  	v47 =	vmul.f32 $1.000000010e-01, v27  }
0x1a3: {  	vm11 =	vge.f32 v27, $0.0e+00;
	v28 =	vmul.f32 $1.442695020e+00, v28  }
0x1a4: {  	v27 =	vsel vm11, v27, v47  }
0x1a5: {  	v27 =	vmul.f32 v27, v33;
	(erf) = vpow2.f32 v28;
	_ =	sdelay $0x1  }
0x1a6: {  	v27 =	vmul.f32 $1.442695020e+00, v27;
	_ =	sdelay $0x1  }
0x1a7: {  	(erf) = vpow2.f32 v27;
	_ =	sdelay $0x4  }
0x1a8: {  	v27 =	vpop (erf)  }
0x1a9: {  	[tilespmem:v3+s15+$0x0] =	vst.idx.msk $0xffff, v27;
	v27 =	vor.u32 $0x2, v41;
	_ =	sdelay $0x2  }
0x1aa: {  	[tilespmem:v3+s30+$0x0] =	vst.idx.msk $0xffff, v27;
	v27 =	vpop (erf)  }
0x1ab: {  	[tilespmem:v4+s15+$0x0] =	vst.idx.msk $0xffff, v27;
	v27 =	vor.u32 $0x3, v41  }
0x1ac: {  	[tilespmem:v4+s30+$0x0] =	vst.idx.msk $0xffff, v27  }
0x1ad: {  	v27 =	vld [tilespmem:s16+$0x0]  }
0x1ae: {  	v48 =	vld [tilespmem:s16+$0x1100];
	_ =	sdelay $0x6  }
0x1af: {  	v49 =	vld.idx.msk [tilespmem:v27+s11+$0x0], $0xffff  }
0x1b0: {  	v50 =	vld.idx.msk [tilespmem:v48+s18+$0x0], $0xffff;
	_ =	sdelay $0x4  }
0x1b1: {  	v51 =	vshll.u32 v49, $0x10;
	v52 =	vshll.u32 v50, $0x10  }
0x1b2: {  	v53 =	vld [tilespmem:s16+$0x2200];
	v31 =	vadd.f32 v52, v51  }
0x1b3: {  	v29 =	vand.u32 $0xFFFF0000, v49;
	v30 =	vand.u32 $0xFFFF0000, v50  }
0x1b4: {  	v29 =	vadd.f32 v30, v29;
	v32 =	vmul.f32 $1.000000010e-01, v31  }
0x1b5: {  	vm12 =	vge.f32 v31, $0.0e+00  }
0x1b6: {  	v55 =	vmul.f32 $1.000000010e-01, v29;
	v54 =	vsel vm12, v31, v32  }
0x1b7: {  	vm13 =	vge.f32 v29, $0.0e+00;
	v30 =	vmul.f32 v54, v53  }
0x1b8: {  	v29 =	vsel vm13, v29, v55  }
0x1b9: {  	v29 =	vmul.f32 v29, v53;
	v30 =	vmul.f32 $1.442695020e+00, v30;
	_ =	sdelay $0x1  }
0x1ba: {  	v29 =	vmul.f32 $1.442695020e+00, v29;
	(erf) = vpow2.f32 v30;
	_ =	sdelay $0x1  }
0x1bb: {  	(erf) = vpow2.f32 v29;
	_ =	sdelay $0x6  }
0x1bc: {  	v27 =	vadd.s32 $0x2000, v27;
	v56 =	vpop (erf)  }
0x1bd: {  	v57 =	vshll.u32 v48, $0x2;
	v28 =	vadd.s32 $0x1000, v48;
	[tilespmem:v5+s15+$0x0] =	vst.idx.msk $0xffff, v56  }
0x1be: {  	v58 =	vpop (erf);
	[tilespmem:v5+s30+$0x0] =	vst.idx.msk $0xffff, v57  }
0x1bf: {  	v59 =	vor.u32 $0x1, v57;
	[tilespmem:v6+s15+$0x0] =	vst.idx.msk $0xffff, v58  }
0x1c0: {  	[tilespmem:v6+s30+$0x0] =	vst.idx.msk $0xffff, v59  }
0x1c1: {  	v27 =	vld.idx.msk [tilespmem:v27+s11+$0x0], $0xffff  }
0x1c2: {  	v28 =	vld.idx.msk [tilespmem:v28+s18+$0x0], $0xffff;
	_ =	sdelay $0x4  }
0x1c3: {  	v60 =	vshll.u32 v27, $0x10;
	v61 =	vshll.u32 v28, $0x10  }
0x1c4: {  	v30 =	vadd.f32 v61, v60;
	_ =	sdelay $0x1  }
0x1c5: {  	v31 =	vmul.f32 $1.000000010e-01, v30  }
0x1c6: {  	v27 =	vand.u32 $0xFFFF0000, v27;
	v28 =	vand.u32 $0xFFFF0000, v28;
	vm14 =	vge.f32 v30, $0.0e+00  }
0x1c7: {  	v27 =	vadd.f32 v28, v27;
	v62 =	vsel vm14, v30, v31  }
0x1c8: {  	v28 =	vmul.f32 v62, v53  }
0x1c9: {  	v63 =	vmul.f32 $1.000000010e-01, v27  }
0x1ca: {  	vm15 =	vge.f32 v27, $0.0e+00;
	v28 =	vmul.f32 $1.442695020e+00, v28  }
0x1cb: {  	v27 =	vsel vm15, v27, v63  }
0x1cc: {  	v27 =	vmul.f32 v27, v53;
	(erf) = vpow2.f32 v28;
	_ =	sdelay $0x1  }
0x1cd: {  	v27 =	vmul.f32 $1.442695020e+00, v27;
	_ =	sdelay $0x1  }
0x1ce: {  	(erf) = vpow2.f32 v27;
	_ =	sdelay $0x4  }
0x1cf: {  	v27 =	vpop (erf)  }
0x1d0: {  	[tilespmem:v7+s15+$0x0] =	vst.idx.msk $0xffff, v27;
	v27 =	vor.u32 $0x2, v57;
	_ =	sdelay $0x2  }
0x1d1: {  	[tilespmem:v7+s30+$0x0] =	vst.idx.msk $0xffff, v27;
	v27 =	vpop (erf)  }
0x1d2: {  	[tilespmem:v8+s15+$0x0] =	vst.idx.msk $0xffff, v27;
	v27 =	vor.u32 $0x3, v57  }
0x1d3: {  	[tilespmem:v8+s30+$0x0] =	vst.idx.msk $0xffff, v27  }
0x1d4: {  	[spmem:s6] =	stream.indirect.scatter.add.f32 [tilespmem:s15], [sflag:$0x5], $0x1, s30, s10, $0xb8;
	[tilespmem:$0x1E000] =	vst v63  }
0x1d5: {  	_ =	swait.ge [sflag:s2], $0x80  }
0x1d6: {  	[sflag:s2] =	ssyncset.done $0x0  }
0x1d7: {  	[sflag:s2] =	ssyncadd.s32 $0xFFFFFF80  }
0x1d8: {  	_ =	swait.ge [sflag:s31], $0x1000  }
0x1d9: {  	[sflag:s31] =	ssyncset.done $0x0  }
0x1da: {  	[sflag:s31] =	ssyncadd.s32 $0xFFFFF000  }
0x1db: {  	_ =	swait.ge [sflag:s0], $0x1000  }
0x1dc: {  	[sflag:s0] =	ssyncset.done $0x0  }
0x1dd: {  	s7 =	sadd.s32 $0x1, s7;
	s1 =	simm.s32 $0x0;
	[sflag:s0] =	ssyncadd.s32 $0xFFFFF000  }
.LBB2_10:
0x1de: {  	v27 =	vld [tilespmem:s15+$0x0]  }
0x1df: {  	s14 =	sshra.s32 s1, $0x2  }
0x1e0: {  	v28 =	vld [tilespmem:s14+$0xB800]  }
0x1e1: {  	v29 =	vld [tilespmem:s14+$0xB810]  }
0x1e2: {  	v30 =	vld [tilespmem:s14+$0xB820]  }
0x1e3: {  	v32 =	vld [tilespmem:s14+$0xB830];
	v31 =	vperm.xlane v27, v9  }
0x1e4: {  	v33 =	vld [tilespmem:s14+$0xB840]  }
0x1e5: {  	v34 =	vld [tilespmem:s14+$0xB850];
	v28 =	vmul.f32 v28, v31  }
0x1e6: {  	v35 =	vld [tilespmem:s14+$0xB860];
	v29 =	vmul.f32 v29, v31  }
0x1e7: {  	v57 =	vld [tilespmem:s14+$0xB870];
	v36 =	vperm.xlane v27, v10;
	v56 =	vmul.f32 v30, v31;
	[tilespmem:s14+$0xB800] =	vst v28  }
0x1e8: {  	v59 =	vld [tilespmem:s14+$0xB880];
	v58 =	vmul.f32 v32, v31;
	[tilespmem:s14+$0xB810] =	vst v29  }
0x1e9: {  	v61 =	vld [tilespmem:s14+$0xB890];
	v60 =	vmul.f32 v33, v36;
	[tilespmem:s14+$0xB820] =	vst v56  }
0x1ea: {  	v63 =	vld [tilespmem:s14+$0xB8A0];
	v62 =	vmul.f32 v34, v36;
	[tilespmem:s14+$0xB830] =	vst v58  }
0x1eb: {  	v42 =	vld [tilespmem:s14+$0xB8B0];
	v41 =	vperm.xlane v27, v11;
	v40 =	vmul.f32 v35, v36;
	[tilespmem:s14+$0xB840] =	vst v60  }
0x1ec: {  	v44 =	vld [tilespmem:s14+$0xB8C0];
	v43 =	vmul.f32 v57, v36;
	[tilespmem:s14+$0xB850] =	vst v62  }
0x1ed: {  	v51 =	vld [tilespmem:s14+$0xB8F0];
	v45 =	vmul.f32 v59, v41;
	[tilespmem:s14+$0xB860] =	vst v40  }
0x1ee: {  	v46 =	vld [tilespmem:s14+$0xB8D0];
	v47 =	vmul.f32 v61, v41;
	[tilespmem:s14+$0xB870] =	vst v43  }
0x1ef: {  	v48 =	vld [tilespmem:s14+$0xB8E0];
	v49 =	vperm.xlane v27, v12;
	v50 =	vmul.f32 v63, v41;
	[tilespmem:s14+$0xB880] =	vst v45  }
0x1f0: {  	v53 =	vld [tilespmem:s14+$0xB900];
	v52 =	vmul.f32 v42, v41;
	[tilespmem:s14+$0xB890] =	vst v47  }
0x1f1: {  	v55 =	vld [tilespmem:s14+$0xB910];
	v54 =	vmul.f32 v44, v49;
	[tilespmem:s14+$0xB8A0] =	vst v50  }
0x1f2: {  	v57 =	vld [tilespmem:s14+$0xB920];
	v61 =	vmul.f32 v51, v49;
	[tilespmem:s14+$0xB8B0] =	vst v52  }
0x1f3: {  	v59 =	vperm.xlane v27, v13;
	v42 =	vld [tilespmem:s14+$0xB960];
	v56 =	vmul.f32 v46, v49;
	[tilespmem:s14+$0xB8C0] =	vst v54  }
0x1f4: {  	v58 =	vmul.f32 v48, v49;
	v60 =	vld [tilespmem:s14+$0xB930];
	[tilespmem:s14+$0xB8F0] =	vst v61  }
0x1f5: {  	v62 =	vld [tilespmem:s14+$0xB940];
	v63 =	vmul.f32 v53, v59;
	[tilespmem:s14+$0xB8D0] =	vst v56  }
0x1f6: {  	v40 =	vld [tilespmem:s14+$0xB950];
	v41 =	vmul.f32 v55, v59;
	v43 =	vperm.xlane v27, v14;
	[tilespmem:s14+$0xB8E0] =	vst v58  }
0x1f7: {  	v45 =	vld [tilespmem:s14+$0xB970];
	[tilespmem:s14+$0xB900] =	vst v63;
	v44 =	vmul.f32 v57, v59  }
0x1f8: {  	v47 =	vld [tilespmem:s14+$0xB980];
	[tilespmem:s14+$0xB910] =	vst v41;
	v52 =	vmul.f32 v42, v43  }
0x1f9: {  	v49 =	vld [tilespmem:s14+$0xB990];
	v46 =	vmul.f32 v60, v59;
	[tilespmem:s14+$0xB920] =	vst v44  }
0x1fa: {  	v51 =	vld [tilespmem:s14+$0xB9A0];
	v48 =	vmul.f32 v62, v43;
	[tilespmem:s14+$0xB960] =	vst v52  }
0x1fb: {  	v53 =	vperm.xlane v27, v15;
	v54 =	vld [tilespmem:s14+$0xB9B0];
	v50 =	vmul.f32 v40, v43;
	[tilespmem:s14+$0xB930] =	vst v46  }
0x1fc: {  	v56 =	vld [tilespmem:s14+$0xB9C0];
	v55 =	vmul.f32 v45, v43;
	[tilespmem:s14+$0xB940] =	vst v48  }
0x1fd: {  	v58 =	vld [tilespmem:s14+$0xB9D0];
	v57 =	vmul.f32 v47, v53;
	[tilespmem:s14+$0xB950] =	vst v50  }
0x1fe: {  	v63 =	vld [tilespmem:s14+$0xB9F0];
	v59 =	vmul.f32 v49, v53;
	[tilespmem:s14+$0xB970] =	vst v55  }
0x1ff: {  	v38 =	vld [tilespmem:s14+$0xC800];
	v61 =	vperm.xlane v27, v16;
	v62 =	vmul.f32 v51, v53;
	[tilespmem:s14+$0xB980] =	vst v57  }
0x200: {  	v42 =	vld [tilespmem:s14+$0xC820];
	v37 =	vmul.f32 v54, v53;
	[tilespmem:s14+$0xB990] =	vst v59  }
0x201: {  	v60 =	vld [tilespmem:s14+$0xB9E0];
	[tilespmem:s14+$0xB9A0] =	vst v62;
	v39 =	vmul.f32 v56, v61  }
0x202: {  	v40 =	vld [tilespmem:s14+$0xC810];
	v44 =	vperm.xlane v27, v17;
	[tilespmem:s14+$0xB9B0] =	vst v37;
	v41 =	vmul.f32 v58, v61  }
0x203: {  	v45 =	vld [tilespmem:s14+$0xC830];
	v46 =	vmul.f32 v63, v61;
	[tilespmem:s14+$0xB9C0] =	vst v39  }
0x204: {  	v47 =	vld [tilespmem:s14+$0xC840];
	v48 =	vmul.f32 v38, v44;
	[tilespmem:s14+$0xB9D0] =	vst v41  }
0x205: {  	v49 =	vld [tilespmem:s14+$0xC850];
	v53 =	vmul.f32 v42, v44;
	[tilespmem:s14+$0xB9F0] =	vst v46  }
0x206: {  	v51 =	vld [tilespmem:s14+$0xC860];
	[tilespmem:s14+$0xC800] =	vst v48;
	v43 =	vmul.f32 v60, v61  }
0x207: {  	v52 =	vperm.xlane v27, v18;
	v54 =	vld [tilespmem:s14+$0xC870];
	v50 =	vmul.f32 v40, v44;
	[tilespmem:s14+$0xC820] =	vst v53  }
0x208: {  	v56 =	vld [tilespmem:s14+$0xC880];
	v55 =	vmul.f32 v45, v44;
	[tilespmem:s14+$0xB9E0] =	vst v43  }
0x209: {  	v58 =	vld [tilespmem:s14+$0xC890];
	v57 =	vmul.f32 v47, v52;
	[tilespmem:s14+$0xC810] =	vst v50  }
0x20a: {  	v63 =	vld [tilespmem:s14+$0xC8B0];
	v59 =	vmul.f32 v49, v52;
	[tilespmem:s14+$0xC830] =	vst v55  }
0x20b: {  	v62 =	vperm.xlane v27, v19;
	v41 =	vld [tilespmem:s14+$0xC8C0];
	v61 =	vmul.f32 v51, v52;
	[tilespmem:s14+$0xC840] =	vst v57  }
0x20c: {  	v48 =	vld [tilespmem:s14+$0xC8F0];
	v40 =	vmul.f32 v54, v52;
	[tilespmem:s14+$0xC850] =	vst v59  }
0x20d: {  	v60 =	vld [tilespmem:s14+$0xC8A0];
	[tilespmem:s14+$0xC860] =	vst v61;
	v42 =	vmul.f32 v56, v62  }
0x20e: {  	v46 =	vperm.xlane v27, v20;
	v45 =	vld [tilespmem:s14+$0xC8E0];
	[tilespmem:s14+$0xC870] =	vst v40;
	v44 =	vmul.f32 v58, v62  }
0x20f: {  	v52 =	vld [tilespmem:s14+$0xC910];
	v49 =	vmul.f32 v63, v62;
	[tilespmem:s14+$0xC880] =	vst v42  }
0x210: {  	v54 =	vld [tilespmem:s14+$0xC920];
	[tilespmem:s14+$0xC890] =	vst v44;
	v51 =	vmul.f32 v41, v46  }
0x211: {  	v43 =	vld [tilespmem:s14+$0xC8D0];
	[tilespmem:s14+$0xC8B0] =	vst v49;
	v58 =	vmul.f32 v48, v46  }
0x212: {  	v50 =	vld [tilespmem:s14+$0xC900];
	v56 =	vperm.xlane v27, v21;
	v47 =	vmul.f32 v60, v62;
	[tilespmem:s14+$0xC8C0] =	vst v51  }
0x213: {  	v57 =	vld [tilespmem:s14+$0xC930];
	v55 =	vmul.f32 v45, v46;
	[tilespmem:s14+$0xC8F0] =	vst v58  }
0x214: {  	v59 =	vld [tilespmem:s14+$0xC940];
	v62 =	vmul.f32 v52, v56;
	[tilespmem:s14+$0xC8A0] =	vst v47  }
0x215: {  	v61 =	vld [tilespmem:s14+$0xC950];
	v41 =	vmul.f32 v54, v56;
	[tilespmem:s14+$0xC8E0] =	vst v55  }
0x216: {  	v63 =	vld [tilespmem:s14+$0xC960];
	v53 =	vmul.f32 v43, v46;
	[tilespmem:s14+$0xC910] =	vst v62  }
0x217: {  	v40 =	vperm.xlane v27, v22;
	v42 =	vld [tilespmem:s14+$0xC970];
	v60 =	vmul.f32 v50, v56;
	[tilespmem:s14+$0xC920] =	vst v41  }
0x218: {  	v44 =	vld [tilespmem:s14+$0xC980];
	v43 =	vmul.f32 v57, v56;
	[tilespmem:s14+$0xC8D0] =	vst v53  }
0x219: {  	v48 =	vld [tilespmem:s14+$0xC9A0];
	v45 =	vmul.f32 v59, v40;
	[tilespmem:s14+$0xC900] =	vst v60  }
0x21a: {  	v51 =	vld [tilespmem:s14+$0xC9B0];
	v47 =	vmul.f32 v61, v40;
	[tilespmem:s14+$0xC930] =	vst v43  }
0x21b: {  	v46 =	vld [tilespmem:s14+$0xC990];
	v49 =	vmul.f32 v63, v40;
	v50 =	vperm.xlane v27, v23;
	[tilespmem:s14+$0xC940] =	vst v45  }
0x21c: {  	v55 =	vld [tilespmem:s14+$0xC9D0];
	[tilespmem:s14+$0xC950] =	vst v47;
	v52 =	vmul.f32 v42, v40  }
0x21d: {  	v57 =	vld [tilespmem:s14+$0xC9E0];
	[tilespmem:s14+$0xC960] =	vst v49;
	v54 =	vmul.f32 v44, v50  }
0x21e: {  	v53 =	vld [tilespmem:s14+$0xC9C0];
	v58 =	vmul.f32 v48, v50;
	[tilespmem:s14+$0xC970] =	vst v52  }
0x21f: {  	v27 =	vperm.xlane v27, v24;
	v59 =	vld [tilespmem:s14+$0xC9F0];
	[tilespmem:s14+$0xC980] =	vst v54;
	v60 =	vmul.f32 v51, v50  }
0x220: {  	[tilespmem:s14+$0xC9A0] =	vst v58;
	v56 =	vmul.f32 v46, v50  }
0x221: {  	p0 =	sne.s32 s1, $0x3800;
	v62 =	vmul.f32 v55, v27;
	[tilespmem:s14+$0xC9B0] =	vst v60  }
.Ltmp3:
0x222: {  	v63 =	vmul.f32 v57, v27;
	[tilespmem:s14+$0xC990] =	vst v56;
	(pc) =	sbr.rel @p0 .LBB2_10-.Ltmp3, $4  }
0x223: {  	v61 =	vmul.f32 v53, v27;
	[tilespmem:s14+$0xC9D0] =	vst v62  }
0x224: {  	v27 =	vmul.f32 v59, v27;
	[tilespmem:s14+$0xC9E0] =	vst v63  }
0x225: {  	[tilespmem:s14+$0xC9C0] =	vst v61  }
0x226: {  	s15 =	sadd.s32 $0x10, s15;
	s1 =	sadd.s32 $0x800, s1;
	[tilespmem:s14+$0xC9F0] =	vst v27  }
0x227: {  	[spmem:s3] =	stream.indirect.scatter.add.f32 [tilespmem:s22], [sflag:$0x5], $0x80, s12, s19, $0xb8;
	[tilespmem:$0x1E000] =	vst v63  }
0x228: {  	_ =	swait.ge [sflag:s2], $0x1000  }
0x229: {  	p0 =	sne.s32 s7, $0x44;
	[sflag:s2] =	ssyncset.done $0x0  }
.Ltmp4:
0x22a: {  	[sflag:s2] =	ssyncadd.s32 $0xFFFFF000;
	(pc) =	sbr.rel @p0 .LBB2_7-.Ltmp4, $4  }
0x22b: {  	[spmem:s4] =	stream.indirect.scatter.add.f32 [tilespmem:s24], [sflag:$0x5], $0x80, s12, s19, $0xb8;
	[tilespmem:$0x1E000] =	vst v63  }
0x22c: {  	_ =	swait.ge [sflag:s2], $0x1000  }
0x22d: {  	[sflag:s2] =	ssyncset.done $0x0  }
0x22e: {  	[sflag:s2] =	ssyncadd.s32 $0xFFFFF000  }
0x22f: {  	s1 =	sshll.u32 s13, $0x15;
	s7 =	rddreg [dreg:$0x10]  }
0x230: {  	s15 =	rddreg [dreg:$0x9];
	[bflag:$0x0] =	sbarrier.arrive $0xFFFF;
	s16 =	stileid.u32  }
0x231: {  	s1 =	sor.u32 s1, s7;
	s7 =	sshll.u32 s16, $0x6;
	s16 =	sld [smem:$0x7FC]  }
0x232: {  	s1 =	sor.u32 s15, s1  }
0x233: {  	s14 =	rddreg [dreg:$0x2];
	s1 =	sshrl.u32 s1, $0x3  }
0x234: {  	s7 =	sor.u32 $0x1C05, s7;
	s14 =	sadd.s32 s14, s1;
	s15 =	sshrl.u32 s16, $0x3  }
0x235: {  	[hbm:s14], [sflag:s7] =	dma.local [spmem:s15], $0x1000  }
0x236: {  	_ =	swait.ge [sflag:s2], $0x1000  }
0x237: {  	s17 =	sld [smem:$0x7FB];
	_ =	sdelay $0x2  }
0x238: {  	s1 =	sadd.s32 s1, s17;
	s17 =	sld [smem:$0x7FD];
	_ =	sdelay $0x1  }
0x239: {  	[sflag:s2] =	ssyncset.done $0x0  }
0x23a: {  	[sflag:s2] =	ssyncadd.s32 $0xFFFFF000;
	s20 =	sshrl.u32 s17, $0x3  }
0x23b: {  	[hbm:s1], [sflag:s7] =	dma.local [spmem:s20], $0x1000  }
0x23c: {  	_ =	swait.ge [sflag:s2], $0x1000  }
0x23d: {  	s15 =	sld [smem:$0x7F8]  }
0x23e: {  	s13 =	sadd.s32 $0x1, s13;
	s14 =	rddreg [dreg:$0x11]  }
0x23f: {  	p0 =	sne.s32 s13, $0x3;
	s20 =	rddreg [dreg:$0x8]  }
0x240: {  	[sflag:s2] =	ssyncset.done $0x0;
	s1 =	sor.u32 s14, s15;
	s15 =	rddreg [dreg:$0xd]  }
0x241: {  	[sflag:s2] =	ssyncadd.s32 $0xFFFFF000;
	s1 =	sshrl.u32 s1, $0x3;
	s14 =	sshrl.u32 s15, $0x3  }
.Ltmp5:
0x242: {  	s1 =	sadd.s32 s20, s1;
	s20 =	simm.s32 $0x10;
	(pc) =	sbr.rel @p0 .LBB2_2-.Ltmp5, $4  }
0x243: {  	[hbm:s1@s19], [sflag:s7] =	dma.strided [spmem:s14@s20], $0x80, s26, $0x10   }
0x244: {  	_ =	swait.ge [sflag:s2], $0x80  }
0x245: {  	[sflag:s2] =	ssyncset.done $0x0  }
0x246: {  	[sflag:s2] =	ssyncadd.s32 $0xFFFFFF80  }
0x247: {  	s7 =	sld [smem:$0x7F9];
	_ =	sdelay $0x2  }
0x248: {  	s1 =	rddreg [dreg:$0x12];
	s7 =	sadd.s32 $0x1, s7  }
0x249: {  	p0 =	sne.s32 s7, s1  }
.Ltmp6:
0x24a: {  	_ = 	snop;
	(pc) =	sbr.rel @p0 .LBB2_1-.Ltmp6, $1  }
0x24b: {  	_ =	sdelay $0x3  }
0x24c: {  	_ =	sfence.sel $0x180000  }
0x24d: {  	[bflag:$0x0] =	sbarrier.arrive $0xFFFF  }
0x24e: {  	_ =	strace $0x9000004A  }
0x24f: {  	s0 =	stileid.u32;
	[bflag:$0x2] =	sbarrier.arrive $0xFFFF  }
0x250: {  	p0 =	sne.s32 s0, $0x0;
	s0 =	rddreg [dreg:$0x6]  }
0x251: {  	s0 =	sadd.s32 @!p0 $0x100000, s0  }
0x252: {  	[sflag:s0] =	ssyncadd.tile.s32 @!p0 $0x1;
	_ =	shalt  }
.Lfunc_end2:
_tile_overlayer_lowered:
.L_overlay_start_2:
0x253: {  	(tag) =	ssettag $0x2  }
0x254: {  	s0 =	rddreg [dreg:$0x0];
	s2 =	stileid.u32  }
0x255: {  	s1 =	rddreg [dreg:$0x1];
	p0 =	sne.s32 s2, $0x0  }
0x256: {  	s3 =	rddreg [dreg:$0x2];
	[bflag:$0x3] =	sbarrier.arrive $0xFFFF;
	s2 =	simm.s32 @!p0 $0x1C05  }
0x257: {  	[timem:s3], [sflag:s2] =	dma.local @!p0 [hbm:s0], s1  }
0x258: {  	s0 =	simm.s32 @!p0 $0x5  }
0x259: {  	_ =	swait.ge @!p0 [sflag:s0], s1  }
0x25a: {  	s1 =	ssub.s32 @!p0 $0x0, s1;
	[sflag:s0] =	ssyncset.done @!p0 $0x0  }
0x25b: {  	[sflag:s0] =	ssyncadd.s32 @!p0 s1  }
0x25c: {  	[bflag:$0x3] =	sbarrier.arrive $0xFFFF  }
0x25d: {  	_ =	shalt  }

// kernel: kernel.8.cloned.1.call-start
scs
__scs_entry_jumppad:
0x0: {  	(pc) =	sbr.rel $0x88, $3  }
0x1: {  	(tag) =	ssettag $0x0;
	lr =	simm.s32 $0x1  }
0x2: {  	[smem:$0x3F93] =	sst lr;
	_ =	strace $0xD0000000  }
0x3: {  	_ = 	snop  }
0x4: {  	_ = 	snop  }
0x5: {  	_ = 	snop  }
0x6: {  	_ = 	snop  }
0x7: {  	_ = 	snop  }
__scs_overlays_trampoline_lowered:
0x8: {  	[smem:$0x3FA2] =	sst s0  }
0x9: {  	[smem:$0x3FA3] =	sst s1  }
0xa: {  	[smem:$0x3FA4] =	sst s2  }
0xb: {  	[smem:$0x3FA5] =	sst s3  }
0xc: {  	[smem:$0x3FA6] =	sst s4  }
0xd: {  	[smem:$0x3FA7] =	sst s5  }
0xe: {  	[smem:$0x3FA8] =	sst s6  }
0xf: {  	[smem:$0x3FA9] =	sst s7  }
0x10: {  	[smem:$0x3FAA] =	sst s8  }
0x11: {  	[smem:$0x3FAB] =	sst s9;
	s0 =	simm.s32 @!p0 $0x0  }
0x12: {  	s1 =	sld [smem:$0x3F91];
	s0 =	simm.s32 @p0 $0x1  }
0x13: {  	[smem:$0x3FAC] =	sst s0;
	s0 =	simm.s32 @!p1 $0x0  }
0x14: {  	s2 =	sld [smem:$0x3F90];
	s0 =	simm.s32 @p1 $0x1  }
0x15: {  	[smem:$0x3FAD] =	sst s0;
	s0 =	simm.s32 @!p2 $0x0  }
0x16: {  	s3 =	sld [smem:$0x3FDB];
	s0 =	simm.s32 @p2 $0x1  }
0x17: {  	s4 =	simm.s32 $0x1BF5;
	[smem:$0x3FAF] =	sst s0  }
0x18: {  	s0 =	sld [smem:$0x3F92];
	_ =	swait.ge [sflag:s4], $0x0  }
0x19: {  	s7 =	sld [smem:$0x3F93]  }
0x1a: {  	s8 =	sadd.s32 $0xFFFFE003, lr  }
0x1b: {  	s9 =	sadd.s32 $0xFFFFFEF7, lr;
	s5 =	simm.s32 $0xFFFFFFFF;
	p2 =	slt.u32 s8, $0xFFFFF086  }
0x1c: {  	p1 =	slt.u32 s9, $0xF7A;
	s5 =	simm.s32 @!p2 $0x0  }
0x1d: {  	s5 =	simm.s32 @p1 $0x1;
	p0 =	seq.s32 s7, s2  }
0x1e: {  	s7 =	smul.u32 @!p0 $0xF7A, s2;
	p2 =	seq.s32 @!p0 s5, $0x0  }
0x1f: {  	s9 =	smul.u32 $0xF7A, s1;
	s8 =	simm.s32 @!p0 $0x1BF5;
	p2 =	por !p2, p0  }
0x20: {  	[sflag:s8] =	ssyncset.s32 @!p0 $0xFFFFF086;
	s6 =	sadd.s32 @!p0 s3, s7;
	s7 =	simm.s32 @!p0 $0x108  }
0x21: {  	s3 =	sadd.s32 s3, s9;
	s6 =	sadd.s32 @!p0 $0x88, s6;
	s7 =	simm.s32 @p2 $0x1082  }
0x22: {  	[simem:s7], [sflag:s8] =	dma.local @!p0 [hbm:s6], $0xF7A  }
0x23: {  	s9 =	sor.u32 $0xD0000000, s2;
	s6 =	simm.s32 $0x108;
	_ =	swait.ge @!p0 [sflag:s8], $0x0  }
0x24: {  	s3 =	sadd.s32 $0x88, s3;
	s6 =	simm.s32 @!p1 $0x1082;
	[sflag:s4] =	ssyncset.s32 $0xFFFFF086  }
0x25: {  	[simem:s6], [sflag:s4] =	dma.local [hbm:s3], $0xF7A  }
0x26: {  	[smem:$0x3F93] =	sst s1;
	(tag) =	ssettag s2;
	_ =	strace s9  }
0x27: {  	s1 =	sld [smem:$0x3FA3]  }
0x28: {  	s2 =	sld [smem:$0x3FA4]  }
0x29: {  	s4 =	sld [smem:$0x3FA6]  }
0x2a: {  	p0 =	seq.s32 s5, $0x0;
	s5 =	sld [smem:$0x3FA7]  }
0x2b: {  	s6 =	sld [smem:$0x3FA8]  }
0x2c: {  	s7 =	sld [smem:$0x3FA9]  }
0x2d: {  	s3 =	simm.s32 $0x108;
	s8 =	sld [smem:$0x3FAA]  }
0x2e: {  	s3 =	simm.s32 @!p0 $0x1082;
	s9 =	sld [smem:$0x3FAB]  }
0x2f: {  	lr =	sadd.s32 s0, s3;
	s0 =	sld [smem:$0x3FA2]  }
0x30: {  	s3 =	sld [smem:$0x3FA5]  }
0x31: {  	[smem:$0x3FAE] =	sst s10  }
0x32: {  	s10 =	sld [smem:$0x3FAC];
	_ =	sdelay $0x3  }
0x33: {  	p0 =	seq.s32 s10, $0x1;
	s10 =	sld [smem:$0x3FAE];
	_ =	sdelay $0x3  }
0x34: {  	[smem:$0x3FAE] =	sst s10  }
0x35: {  	s10 =	sld [smem:$0x3FAD];
	_ =	sdelay $0x3  }
0x36: {  	p1 =	seq.s32 s10, $0x1;
	s10 =	sld [smem:$0x3FAE];
	_ =	sdelay $0x3  }
0x37: {  	[smem:$0x3FAE] =	sst s10  }
0x38: {  	s10 =	sld [smem:$0x3FAF]  }
0x39: {  	_ = 	snop;
	(pc) =	sbr.ind lr, $3  }
0x3a: {  	_ = 	snop  }
0x3b: {  	_ = 	snop  }
0x3c: {  	p2 =	seq.s32 s10, $0x1;
	s10 =	sld [smem:$0x3FAE]  }
0x3d: {  	_ =	shalt  }
0x3e: {  	_ =	shalt  }
0x3f: {  	_ =	shalt  }
0x40: {  	_ =	shalt  }
0x41: {  	_ =	shalt  }
0x42: {  	_ =	shalt  }
0x43: {  	_ =	shalt  }
0x44: {  	_ =	shalt  }
0x45: {  	_ =	shalt  }
0x46: {  	_ =	shalt  }
0x47: {  	_ =	shalt  }
0x48: {  	_ =	shalt  }
0x49: {  	_ =	shalt  }
0x4a: {  	_ =	shalt  }
0x4b: {  	_ =	shalt  }
0x4c: {  	_ =	shalt  }
0x4d: {  	_ =	shalt  }
0x4e: {  	_ =	shalt  }
0x4f: {  	_ =	shalt  }
0x50: {  	_ =	shalt  }
0x51: {  	_ =	shalt  }
0x52: {  	_ =	shalt  }
0x53: {  	_ =	shalt  }
0x54: {  	_ =	shalt  }
0x55: {  	_ =	shalt  }
0x56: {  	_ =	shalt  }
0x57: {  	_ =	shalt  }
0x58: {  	_ =	shalt  }
0x59: {  	_ =	shalt  }
0x5a: {  	_ =	shalt  }
0x5b: {  	_ =	shalt  }
0x5c: {  	_ =	shalt  }
0x5d: {  	_ =	shalt  }
0x5e: {  	_ =	shalt  }
0x5f: {  	_ =	shalt  }
0x60: {  	_ =	shalt  }
0x61: {  	_ =	shalt  }
0x62: {  	_ =	shalt  }
0x63: {  	_ =	shalt  }
0x64: {  	_ =	shalt  }
0x65: {  	_ =	shalt  }
0x66: {  	_ =	shalt  }
0x67: {  	_ =	shalt  }
0x68: {  	_ =	shalt  }
0x69: {  	_ =	shalt  }
0x6a: {  	_ =	shalt  }
0x6b: {  	_ =	shalt  }
0x6c: {  	_ =	shalt  }
0x6d: {  	_ =	shalt  }
0x6e: {  	_ =	shalt  }
0x6f: {  	_ =	shalt  }
0x70: {  	_ =	shalt  }
0x71: {  	_ =	shalt  }
0x72: {  	_ =	shalt  }
0x73: {  	_ =	shalt  }
0x74: {  	_ =	shalt  }
0x75: {  	_ =	shalt  }
0x76: {  	_ =	shalt  }
0x77: {  	_ =	shalt  }
0x78: {  	_ =	shalt  }
0x79: {  	_ =	shalt  }
0x7a: {  	_ =	shalt  }
0x7b: {  	_ =	shalt  }
0x7c: {  	_ =	shalt  }
0x7d: {  	_ =	shalt  }
0x7e: {  	_ =	shalt  }
0x7f: {  	_ =	shalt  }
0x80: {  	_ =	shalt  }
0x81: {  	_ =	shalt  }
0x82: {  	_ =	shalt  }
0x83: {  	_ =	shalt  }
0x84: {  	_ =	shalt  }
0x85: {  	_ =	shalt  }
0x86: {  	_ =	shalt  }
0x87: {  	_ =	shalt  }
.Lfunc_end0:
.L_simem_size_0:
called_computation_lowered:
.L_overlay_start_0:
0x88: {  	s2 =	sld [smem:$0x3FD9]  }
0x89: {  	s3 =	sld [smem:$0x3FFE];
	_ =	sdelay $0x1  }
0x8a: {  	s1 =	srdreg.scid  }
0x8b: {  	s0 =	sand.u32 $0x1, s1  }
0x8c: {  	s17 =	sshll.u32 s0, $0xA;
	s2 =	sadd.s32 s3, s2  }
0x8d: {  	s2 =	sadd.s32 s2, s17  }
0x8e: {  	[smem:$0x3FBA] =	sst s2  }
0x8f: {  	_ = 	snop  }
0x90: {  	s2 =	sld [smem:$0x3FC9]  }
0x91: {  	s18 =	sld [smem:$0x3FC5];
	(tm) =	ssettm $0x1  }
0x92: {  	s4 =	sld [smem:$0x3FFB];
	_ =	sdelay $0x3  }
0x93: {  	_ =	strace s4  }
0x94: {  	s4 =	sld [smem:$0x3FFC];
	_ =	sdelay $0x3  }
0x95: {  	_ =	strace s4  }
0x96: {  	s4 =	sld [smem:$0x3FFD];
	_ =	sdelay $0x3  }
0x97: {  	_ =	strace s4  }
0x98: {  	_ =	strace $0x8FFFFFFF  }
0x99: {  	s19 =	sld [smem:$0x3FDB];
	_ =	sdelay $0x1  }
0x9a: {  	s5 =	simm.s32 $_scs_section_size  }
0x9b: {  	s6 =	simm.s32 $_size__tile_overlayer_lowered;
	s7 =	simm.s32 $_tile_overlayer_lowered  }
0x9c: {  	s22 =	simm.s32 $0x1BFF;
	s21 =	sshll.u32 s7, $0x1;
	s4 =	sadd.s32 s5, s19  }
0x9d: {  	s8 =	simm.s32 $0x0;
	s20 =	sshll.u32 s6, $0x1;
	s6 =	sadd.s32 s21, s4  }
0x9e: {  	[timem:s8], [sflag:s22] =	dma.local [hbm:s6], s20  }
0x9f: {  	_ =	swait.ge [sflag:s22], s20  }
0xa0: {  	s5 =	ssub.s32 $0x0, s20;
	[sflag:s22] =	ssyncset.done $0x0  }
0xa1: {  	[sflag:s22] =	ssyncadd.s32 s5;
	_ =	sdelay $0x1  }
0xa2: {  	s23 =	simm.s32 $0x1B8B  }
0xa3: {  	_ =	swait.ge [sflag:s23], $0x1  }
0xa4: {  	[sflag:s23] =	ssyncset.done $0x0  }
0xa5: {  	s25 =	simm.s32 $0x1B8E;
	s24 =	sld [smem:$0x3FFE];
	[sflag:s23] =	ssyncadd.s32 $0xFFFFFFFF  }
0xa6: {  	s26 =	simm.s32 $execute0_lowered;
	[smem:$0x3FD2] =	sst s25  }
0xa7: {  	s6 =	sshll.u32 s26, $0x1;
	_ =	strace $0x80000046;
	[dreg:$0x1] =	wrdreg $0xFFFFFFFF  }
0xa8: {  	s28 =	simm.s32 $_size_execute0_lowered;
	s4 =	sadd.s32 s4, s6;
	[dreg:$0x0] =	wrdreg $0x0  }
0xa9: {  	s6 =	sshll.u32 s28, $0x1;
	[dreg:$0x2] =	wrdreg s4  }
0xaa: {  	[dreg:$0x3] =	wrdreg s6  }
0xab: {  	[dreg:$0x4] =	wrdreg $0xC0  }
0xac: {  	_ =	task [dreg:s8], $0x5FFFF  }
0xad: {  	[dreg:$0x1] =	wrdreg $0xFFFFFFFF  }
0xae: {  	[dreg:$0x0] =	wrdreg $0x60  }
0xaf: {  	[dreg:$0x2] =	wrdreg s18  }
0xb0: {  	[dreg:$0x3] =	wrdreg s2  }
0xb1: {  	[dreg:$0x4] =	wrdreg s24  }
0xb2: {  	[dreg:$0x5] =	wrdreg $0x9  }
0xb3: {  	_ =	task.clear_ibuf [dreg:s8], $0x6FFFF;
	_ =	strace $0x90000046  }
0xb4: {  	s29 =	simm.s32 $0x9;
	_ =	strace $0x80000048  }
0xb5: {  	_ =	swait.ge [sflag:s29], $0x1  }
0xb6: {  	[sflag:s29] =	ssyncadd.s32 $0xFFFFFFFF  }
0xb7: {  	_ =	strace $0x90000048  }
0xb8: {  	_ =	sfence  }
0xb9: {  	s30 =	sld [smem:$0x0];
	_ =	sdelay $0x2  }
0xba: {  	s31 =	sshll.u32 s1, $0xD;
	s1 =	sshrl.u32 s1, $0x2  }
0xbb: {  	s3 =	sand.u32 $0x4000, s31;
	s1 =	sadd.s32 s1, s30  }
0xbc: {  	s0 =	sor.u32 s3, s0;
	s1 =	sshll.u32 s1, $0x11  }
0xbd: {  	s0 =	sor.u32 s1, s0  }
0xbe: {  	s0 =	sadd.s32 $0x8F2B, s0  }
0xbf: {  	[sflag:s0] =	ssyncadd.remote.s32 $0x1  }
0xc0: {  	_ =	sfence.sel $0xFFFF  }
0xc1: {  	[dreg:$0x0] =	wrdreg $0xFFFFFFFF;
	(pc) =	sbr.abs _section_cstart, $3  }
0xc2: {  	[dreg:$0x1] =	wrdreg $0xFFFFFFFF  }
0xc3: {  	_ =	task.clear_ibuf [dreg:s8], $0x2FFFF;
	_ =	strace $0x9FFFFFFF  }
0xc4: {  	(tm) =	ssettm $0x7FFFFFFF  }
0xc5: {  	_ =	shalt  }
tec
execute0_lowered:
.L_overlay_start_1:
0x0: {  	(tag) =	ssettag $0x1  }
0x1: {  	s0 =	srdreg.scid  }
0x2: {  	s1 =	rddreg [dreg:$0x0];
	s3 =	stileid.u32;
	s0 =	sand.u32 $0x1, s0  }
0x3: {  	s2 =	rddreg [dreg:$0x1];
	s5 =	sshll.u32 s3, $0x9;
	s6 =	sshll.u32 s0, $0x8  }
0x4: {  	s4 =	rddreg [dreg:$0x2];
	s11 =	simm.s32 $0x180;
	s5 =	sor.u32 s6, s5  }
0x5: {  	s3 =	simm.s32 $0x0;
	s6 =	sshll.u32 s5, $0x6;
	s5 =	sshrl.u32 s5, $0x3  }
0x6: {  	[smem:$0x7FF] =	sst s3;
	s6 =	sadd.s32 s6, s4;
	s2 =	sadd.s32 s2, s5  }
0x7: {  	_ =	strace $0x80000047;
	[dreg:$0x4] =	wrdreg s2;
	s24 =	sadd.s32 $0x1000, s6  }
0x8: {  	s14 =	simm.s32 $0x1;
	s25 =	sadd.s32 $0x3000, s6;
	[dreg:$0x5] =	wrdreg s24  }
0x9: {  	s0 =	ssub.s32 $0x2, s0;
	s26 =	sadd.s32 $0x81000, s6;
	[dreg:$0x6] =	wrdreg s25  }
0xa: {  	s28 =	sshrl.u32 s0, $0x1;
	s29 =	sadd.s32 $0x83000, s6;
	[dreg:$0x7] =	wrdreg s26  }
0xb: {  	v2 =	vlaneseq.u32;
	s0 =	ssub.s32 s0, s28;
	s30 =	sadd.s32 $0x101000, s6;
	[dreg:$0x8] =	wrdreg s29  }
0xc: {  	vm0 =	vmmov $0xffff;
	v1 =	vshrl.u32 v2, $0x3;
	s4 =	sadd.s32 $0x100, s1;
	s31 =	sadd.s32 $0x103000, s6;
	[dreg:$0x9] =	wrdreg s30  }
0xd: {  	v0 =	vand.u32 $0x7, v2;
	v2 =	vor.u32 $0x8, v2;
	v1 =	vmul.u32 $0x8, v1;
	s5 =	smax.u32 s0, $0x1;
	s6 =	simm.s32 $0x2;
	[dreg:$0xa] =	wrdreg s31  }
.LBB2_1:
0xe: {  	s15 =	rddreg [dreg:$0x4]  }
0xf: {  	[tilespmem:s3], [sflag:$0x2] =	stream.linear.gather [hbm4b:s15+s3], $0x100, $0x38;
	[tilespmem:$0x10180] =	vst v63  }
0x10: {  	_ =	swait.ge [sflag:s6], $0x100  }
0x11: {  	[sflag:s6] =	ssyncset.done $0x0  }
0x12: {  	[sflag:s6] =	ssyncadd.s32 $0xFFFFFF00  }
0x13: {  	v3 =	vld [tilespmem:$0x0];
	_ =	sdelay $0x2  }
0x14: {  	v4 =	vld [tilespmem:$0x10]  }
0x15: {  	v5 =	vld [tilespmem:$0x20]  }
0x16: {  	v6 =	vld [tilespmem:$0x30];
	v7 =	vshll.u32 v3, $0x2  }
0x17: {  	v8 =	vld [tilespmem:$0x40];
	v9 =	vand.u32 $0x7, v3;
	v7 =	vand.u32 $0xFFFFFFE0, v7  }
0x18: {  	[tilespmem:$0x100] =	vst v3;
	v3 =	vld [tilespmem:$0x50];
	v7 =	vor.u32 v9, v7  }
0x19: {  	v59 =	vld [tilespmem:$0x60];
	[tilespmem:$0x110] =	vst v4;
	v9 =	vperm.xlane v7, v0  }
0x1a: {  	v60 =	vld [tilespmem:$0x70];
	[tilespmem:$0x120] =	vst v5  }
0x1b: {  	[tilespmem:$0x130] =	vst v6;
	v61 =	vadd.s32 v1, v9  }
0x1c: {  	[tilespmem:$0x140] =	vst v8  }
0x1d: {  	[tilespmem:$0x150] =	vst v3;
	v3 =	vperm.xlane v7, v2  }
0x1e: {  	[tilespmem:$0x160] =	vst v59  }
0x1f: {  	[tilespmem:$0x170] =	vst v60;
	v3 =	vadd.s32 v1, v3  }
0x20: {  	[tilespmem:s11], [sflag:$0x1] =	stream.indirect_vreg.gather [hbm4b:s1+s3], $0x80, v61, vm0, $0xb8;
	[tilespmem:$0x10180] =	vst v63  }
0x21: {  	s0 =	simm.s32 $0x980  }
0x22: {  	[tilespmem:s0], [sflag:$0x1] =	stream.indirect_vreg.gather [hbm4b:s4+s3], $0x80, v61, vm0, $0xb8;
	[tilespmem:$0x10180] =	vst v63  }
0x23: {  	s16 =	simm.s32 $0x1180  }
0x24: {  	[tilespmem:s16], [sflag:$0x1] =	stream.indirect_vreg.gather [hbm4b:s1+s3], $0x80, v3, vm0, $0xb8;
	[tilespmem:$0x10180] =	vst v63  }
0x25: {  	s17 =	simm.s32 $0x1980  }
0x26: {  	[tilespmem:s17], [sflag:$0x1] =	stream.indirect_vreg.gather [hbm4b:s4+s3], $0x80, v3, vm0, $0xb8;
	[tilespmem:$0x10180] =	vst v63  }
0x27: {  	v3 =	vld [tilespmem:$0x110];
	_ =	sdelay $0x4  }
0x28: {  	v62 =	vshll.u32 v3, $0x2  }
0x29: {  	v3 =	vand.u32 $0x7, v3;
	v4 =	vand.u32 $0xFFFFFFE0, v62  }
0x2a: {  	v3 =	vor.u32 v3, v4  }
0x2b: {  	v4 =	vperm.xlane v3, v0;
	_ =	sdelay $0x1  }
0x2c: {  	v4 =	vadd.s32 v1, v4;
	_ =	sdelay $0x1  }
0x2d: {  	v3 =	vperm.xlane v3, v2;
	_ =	sdelay $0x1  }
0x2e: {  	s18 =	simm.s32 $0x2180;
	v3 =	vadd.s32 v1, v3  }
0x2f: {  	[tilespmem:s18], [sflag:$0x1] =	stream.indirect_vreg.gather [hbm4b:s1+s3], $0x80, v4, vm0, $0xb8;
	[tilespmem:$0x10180] =	vst v63  }
0x30: {  	s19 =	simm.s32 $0x2980  }
0x31: {  	[tilespmem:s19], [sflag:$0x1] =	stream.indirect_vreg.gather [hbm4b:s4+s3], $0x80, v4, vm0, $0xb8;
	[tilespmem:$0x10180] =	vst v63  }
0x32: {  	s20 =	simm.s32 $0x3180  }
0x33: {  	[tilespmem:s20], [sflag:$0x1] =	stream.indirect_vreg.gather [hbm4b:s1+s3], $0x80, v3, vm0, $0xb8;
	[tilespmem:$0x10180] =	vst v63  }
0x34: {  	s21 =	simm.s32 $0x3980  }
0x35: {  	[tilespmem:s21], [sflag:$0x1] =	stream.indirect_vreg.gather [hbm4b:s4+s3], $0x80, v3, vm0, $0xb8;
	[tilespmem:$0x10180] =	vst v63  }
0x36: {  	v3 =	vld [tilespmem:$0x120];
	_ =	sdelay $0x4  }
0x37: {  	v63 =	vshll.u32 v3, $0x2  }
0x38: {  	v3 =	vand.u32 $0x7, v3;
	v4 =	vand.u32 $0xFFFFFFE0, v63  }
0x39: {  	v3 =	vor.u32 v3, v4  }
0x3a: {  	v4 =	vperm.xlane v3, v0;
	_ =	sdelay $0x1  }
0x3b: {  	v4 =	vadd.s32 v1, v4;
	_ =	sdelay $0x1  }
0x3c: {  	v3 =	vperm.xlane v3, v2;
	_ =	sdelay $0x1  }
0x3d: {  	s22 =	simm.s32 $0x4180;
	v3 =	vadd.s32 v1, v3  }
0x3e: {  	[tilespmem:s22], [sflag:$0x1] =	stream.indirect_vreg.gather [hbm4b:s1+s3], $0x80, v4, vm0, $0xb8;
	[tilespmem:$0x10180] =	vst v63  }
0x3f: {  	s23 =	simm.s32 $0x4980  }
0x40: {  	[tilespmem:s23], [sflag:$0x1] =	stream.indirect_vreg.gather [hbm4b:s4+s3], $0x80, v4, vm0, $0xb8;
	[tilespmem:$0x10180] =	vst v63  }
0x41: {  	s25 =	simm.s32 $0x5180  }
0x42: {  	[tilespmem:s25], [sflag:$0x1] =	stream.indirect_vreg.gather [hbm4b:s1+s3], $0x80, v3, vm0, $0xb8;
	[tilespmem:$0x10180] =	vst v63  }
0x43: {  	s26 =	simm.s32 $0x5980  }
0x44: {  	[tilespmem:s26], [sflag:$0x1] =	stream.indirect_vreg.gather [hbm4b:s4+s3], $0x80, v3, vm0, $0xb8;
	[tilespmem:$0x10180] =	vst v63  }
0x45: {  	v3 =	vld [tilespmem:$0x130];
	_ =	sdelay $0x4  }
0x46: {  	v8 =	vshll.u32 v3, $0x2  }
0x47: {  	v3 =	vand.u32 $0x7, v3;
	v4 =	vand.u32 $0xFFFFFFE0, v8  }
0x48: {  	v3 =	vor.u32 v3, v4  }
0x49: {  	v4 =	vperm.xlane v3, v0;
	_ =	sdelay $0x1  }
0x4a: {  	v4 =	vadd.s32 v1, v4;
	_ =	sdelay $0x1  }
0x4b: {  	v3 =	vperm.xlane v3, v2;
	_ =	sdelay $0x1  }
0x4c: {  	s28 =	simm.s32 $0x6180;
	v3 =	vadd.s32 v1, v3  }
0x4d: {  	[tilespmem:s28], [sflag:$0x1] =	stream.indirect_vreg.gather [hbm4b:s1+s3], $0x80, v4, vm0, $0xb8;
	[tilespmem:$0x10180] =	vst v63  }
0x4e: {  	s29 =	simm.s32 $0x6980  }
0x4f: {  	[tilespmem:s29], [sflag:$0x1] =	stream.indirect_vreg.gather [hbm4b:s4+s3], $0x80, v4, vm0, $0xb8;
	[tilespmem:$0x10180] =	vst v63  }
0x50: {  	s30 =	simm.s32 $0x7180  }
0x51: {  	[tilespmem:s30], [sflag:$0x1] =	stream.indirect_vreg.gather [hbm4b:s1+s3], $0x80, v3, vm0, $0xb8;
	[tilespmem:$0x10180] =	vst v63  }
0x52: {  	s31 =	simm.s32 $0x7980  }
0x53: {  	[tilespmem:s31], [sflag:$0x1] =	stream.indirect_vreg.gather [hbm4b:s4+s3], $0x80, v3, vm0, $0xb8;
	[tilespmem:$0x10180] =	vst v63  }
0x54: {  	v3 =	vld [tilespmem:$0x140];
	_ =	sdelay $0x4  }
0x55: {  	v9 =	vshll.u32 v3, $0x2  }
0x56: {  	v3 =	vand.u32 $0x7, v3;
	v4 =	vand.u32 $0xFFFFFFE0, v9  }
0x57: {  	v3 =	vor.u32 v3, v4  }
0x58: {  	v4 =	vperm.xlane v3, v0;
	_ =	sdelay $0x1  }
0x59: {  	v4 =	vadd.s32 v1, v4;
	_ =	sdelay $0x1  }
0x5a: {  	v3 =	vperm.xlane v3, v2;
	_ =	sdelay $0x1  }
0x5b: {  	s8 =	simm.s32 $0x8180;
	v3 =	vadd.s32 v1, v3  }
0x5c: {  	[tilespmem:s8], [sflag:$0x1] =	stream.indirect_vreg.gather [hbm4b:s1+s3], $0x80, v4, vm0, $0xb8;
	[tilespmem:$0x10180] =	vst v63  }
0x5d: {  	s9 =	simm.s32 $0x8980  }
0x5e: {  	[tilespmem:s9], [sflag:$0x1] =	stream.indirect_vreg.gather [hbm4b:s4+s3], $0x80, v4, vm0, $0xb8;
	[tilespmem:$0x10180] =	vst v63  }
0x5f: {  	s10 =	simm.s32 $0x9180  }
0x60: {  	[tilespmem:s10], [sflag:$0x1] =	stream.indirect_vreg.gather [hbm4b:s1+s3], $0x80, v3, vm0, $0xb8;
	[tilespmem:$0x10180] =	vst v63  }
0x61: {  	s12 =	simm.s32 $0x9980  }
0x62: {  	[tilespmem:s12], [sflag:$0x1] =	stream.indirect_vreg.gather [hbm4b:s4+s3], $0x80, v3, vm0, $0xb8;
	[tilespmem:$0x10180] =	vst v63  }
0x63: {  	v3 =	vld [tilespmem:$0x150];
	_ =	sdelay $0x4  }
0x64: {  	v10 =	vshll.u32 v3, $0x2  }
0x65: {  	v3 =	vand.u32 $0x7, v3;
	v4 =	vand.u32 $0xFFFFFFE0, v10  }
0x66: {  	v3 =	vor.u32 v3, v4  }
0x67: {  	v4 =	vperm.xlane v3, v0;
	_ =	sdelay $0x1  }
0x68: {  	v4 =	vadd.s32 v1, v4;
	_ =	sdelay $0x1  }
0x69: {  	v3 =	vperm.xlane v3, v2;
	_ =	sdelay $0x1  }
0x6a: {  	s13 =	simm.s32 $0xA180;
	v3 =	vadd.s32 v1, v3  }
0x6b: {  	[tilespmem:s13], [sflag:$0x1] =	stream.indirect_vreg.gather [hbm4b:s1+s3], $0x80, v4, vm0, $0xb8;
	[tilespmem:$0x10180] =	vst v63  }
0x6c: {  	s15 =	simm.s32 $0xA980  }
0x6d: {  	[tilespmem:s15], [sflag:$0x1] =	stream.indirect_vreg.gather [hbm4b:s4+s3], $0x80, v4, vm0, $0xb8;
	[tilespmem:$0x10180] =	vst v63  }
0x6e: {  	s20 =	simm.s32 $0xB180  }
0x6f: {  	[tilespmem:s20], [sflag:$0x1] =	stream.indirect_vreg.gather [hbm4b:s1+s3], $0x80, v3, vm0, $0xb8;
	[tilespmem:$0x10180] =	vst v63  }
0x70: {  	s21 =	simm.s32 $0xB980  }
0x71: {  	[tilespmem:s21], [sflag:$0x1] =	stream.indirect_vreg.gather [hbm4b:s4+s3], $0x80, v3, vm0, $0xb8;
	[tilespmem:$0x10180] =	vst v63  }
0x72: {  	v3 =	vld [tilespmem:$0x160];
	_ =	sdelay $0x4  }
0x73: {  	v11 =	vshll.u32 v3, $0x2  }
0x74: {  	v3 =	vand.u32 $0x7, v3;
	v4 =	vand.u32 $0xFFFFFFE0, v11  }
0x75: {  	v3 =	vor.u32 v3, v4  }
0x76: {  	v4 =	vperm.xlane v3, v0;
	_ =	sdelay $0x1  }
0x77: {  	v4 =	vadd.s32 v1, v4;
	_ =	sdelay $0x1  }
0x78: {  	v3 =	vperm.xlane v3, v2;
	_ =	sdelay $0x1  }
0x79: {  	s22 =	simm.s32 $0xC180;
	v3 =	vadd.s32 v1, v3  }
0x7a: {  	[tilespmem:s22], [sflag:$0x1] =	stream.indirect_vreg.gather [hbm4b:s1+s3], $0x80, v4, vm0, $0xb8;
	[tilespmem:$0x10180] =	vst v63  }
0x7b: {  	s23 =	simm.s32 $0xC980  }
0x7c: {  	[tilespmem:s23], [sflag:$0x1] =	stream.indirect_vreg.gather [hbm4b:s4+s3], $0x80, v4, vm0, $0xb8;
	[tilespmem:$0x10180] =	vst v63  }
0x7d: {  	s25 =	simm.s32 $0xD180  }
0x7e: {  	[tilespmem:s25], [sflag:$0x1] =	stream.indirect_vreg.gather [hbm4b:s1+s3], $0x80, v3, vm0, $0xb8;
	[tilespmem:$0x10180] =	vst v63  }
0x7f: {  	s26 =	simm.s32 $0xD980  }
0x80: {  	[tilespmem:s26], [sflag:$0x1] =	stream.indirect_vreg.gather [hbm4b:s4+s3], $0x80, v3, vm0, $0xb8;
	[tilespmem:$0x10180] =	vst v63  }
0x81: {  	v3 =	vld [tilespmem:$0x170];
	_ =	sdelay $0x4  }
0x82: {  	v12 =	vshll.u32 v3, $0x2  }
0x83: {  	v3 =	vand.u32 $0x7, v3;
	v4 =	vand.u32 $0xFFFFFFE0, v12  }
0x84: {  	v3 =	vor.u32 v3, v4  }
0x85: {  	v4 =	vperm.xlane v3, v0;
	_ =	sdelay $0x1  }
0x86: {  	v4 =	vadd.s32 v1, v4;
	_ =	sdelay $0x1  }
0x87: {  	v3 =	vperm.xlane v3, v2;
	_ =	sdelay $0x1  }
0x88: {  	s28 =	simm.s32 $0xE180;
	v3 =	vadd.s32 v1, v3  }
0x89: {  	[tilespmem:s28], [sflag:$0x1] =	stream.indirect_vreg.gather [hbm4b:s1+s3], $0x80, v4, vm0, $0xb8;
	[tilespmem:$0x10180] =	vst v63  }
0x8a: {  	s29 =	simm.s32 $0xE980  }
0x8b: {  	[tilespmem:s29], [sflag:$0x1] =	stream.indirect_vreg.gather [hbm4b:s4+s3], $0x80, v4, vm0, $0xb8;
	[tilespmem:$0x10180] =	vst v63  }
0x8c: {  	s30 =	simm.s32 $0xF180  }
0x8d: {  	[tilespmem:s30], [sflag:$0x1] =	stream.indirect_vreg.gather [hbm4b:s1+s3], $0x80, v3, vm0, $0xb8;
	[tilespmem:$0x10180] =	vst v63  }
0x8e: {  	s31 =	simm.s32 $0xF980  }
0x8f: {  	[tilespmem:s31], [sflag:$0x1] =	stream.indirect_vreg.gather [hbm4b:s4+s3], $0x80, v3, vm0, $0xb8;
	[tilespmem:$0x10180] =	vst v63  }
0x90: {  	_ =	swait.ge [sflag:s14], $0x10000  }
0x91: {  	[sflag:s14] =	ssyncset.done $0x0  }
0x92: {  	s0 =	rddreg [dreg:$0x5];
	[sflag:s14] =	ssyncadd.s32 $0xFFFF0000  }
0x93: {  	[hbm4b:s0+s3] =	stream.linear.scatter [tilespmem:s11], [sflag:$0x2], $0x10000, $0x38;
	[tilespmem:$0x10180] =	vst v63  }
0x94: {  	_ =	swait.ge [sflag:s6], $0x10000  }
0x95: {  	[sflag:s6] =	ssyncset.done $0x0  }
0x96: {  	[sflag:s6] =	ssyncadd.s32 $0xFFFF0000  }
0x97: {  	v3 =	vld [tilespmem:$0x80];
	_ =	sdelay $0x2  }
0x98: {  	v13 =	vld [tilespmem:$0x90]  }
0x99: {  	v14 =	vld [tilespmem:$0xA0]  }
0x9a: {  	v15 =	vld [tilespmem:$0xB0];
	v16 =	vshll.u32 v3, $0x2  }
0x9b: {  	v17 =	vld [tilespmem:$0xC0];
	v18 =	vand.u32 $0x7, v3;
	v7 =	vand.u32 $0xFFFFFFE0, v16  }
0x9c: {  	[tilespmem:$0x100] =	vst v3;
	v3 =	vld [tilespmem:$0xD0];
	v7 =	vor.u32 v18, v7  }
0x9d: {  	v19 =	vld [tilespmem:$0xE0];
	[tilespmem:$0x110] =	vst v13;
	v9 =	vperm.xlane v7, v0  }
0x9e: {  	v20 =	vld [tilespmem:$0xF0];
	[tilespmem:$0x120] =	vst v14  }
0x9f: {  	[tilespmem:$0x130] =	vst v15;
	v21 =	vadd.s32 v1, v9  }
0xa0: {  	[tilespmem:$0x140] =	vst v17  }
0xa1: {  	[tilespmem:$0x150] =	vst v3;
	v3 =	vperm.xlane v7, v2  }
0xa2: {  	[tilespmem:$0x160] =	vst v19  }
0xa3: {  	[tilespmem:$0x170] =	vst v20;
	v3 =	vadd.s32 v1, v3  }
0xa4: {  	[tilespmem:s11], [sflag:$0x1] =	stream.indirect_vreg.gather [hbm4b:s1+s3], $0x80, v21, vm0, $0xb8;
	[tilespmem:$0x10180] =	vst v63  }
0xa5: {  	s2 =	simm.s32 $0x980  }
0xa6: {  	[tilespmem:s2], [sflag:$0x1] =	stream.indirect_vreg.gather [hbm4b:s4+s3], $0x80, v21, vm0, $0xb8;
	[tilespmem:$0x10180] =	vst v63  }
0xa7: {  	s7 =	simm.s32 $0x1180  }
0xa8: {  	[tilespmem:s7], [sflag:$0x1] =	stream.indirect_vreg.gather [hbm4b:s1+s3], $0x80, v3, vm0, $0xb8;
	[tilespmem:$0x10180] =	vst v63  }
0xa9: {  	s22 =	simm.s32 $0x1980  }
0xaa: {  	[tilespmem:s22], [sflag:$0x1] =	stream.indirect_vreg.gather [hbm4b:s4+s3], $0x80, v3, vm0, $0xb8;
	[tilespmem:$0x10180] =	vst v63  }
0xab: {  	v3 =	vld [tilespmem:$0x110];
	_ =	sdelay $0x4  }
0xac: {  	v22 =	vshll.u32 v3, $0x2  }
0xad: {  	v3 =	vand.u32 $0x7, v3;
	v4 =	vand.u32 $0xFFFFFFE0, v22  }
0xae: {  	v3 =	vor.u32 v3, v4  }
0xaf: {  	v4 =	vperm.xlane v3, v0;
	_ =	sdelay $0x1  }
0xb0: {  	v4 =	vadd.s32 v1, v4;
	_ =	sdelay $0x1  }
0xb1: {  	v3 =	vperm.xlane v3, v2;
	_ =	sdelay $0x1  }
0xb2: {  	s16 =	simm.s32 $0x2180;
	v3 =	vadd.s32 v1, v3  }
0xb3: {  	[tilespmem:s16], [sflag:$0x1] =	stream.indirect_vreg.gather [hbm4b:s1+s3], $0x80, v4, vm0, $0xb8;
	[tilespmem:$0x10180] =	vst v63  }
0xb4: {  	s17 =	simm.s32 $0x2980  }
0xb5: {  	[tilespmem:s17], [sflag:$0x1] =	stream.indirect_vreg.gather [hbm4b:s4+s3], $0x80, v4, vm0, $0xb8;
	[tilespmem:$0x10180] =	vst v63  }
0xb6: {  	s18 =	simm.s32 $0x3180  }
0xb7: {  	[tilespmem:s18], [sflag:$0x1] =	stream.indirect_vreg.gather [hbm4b:s1+s3], $0x80, v3, vm0, $0xb8;
	[tilespmem:$0x10180] =	vst v63  }
0xb8: {  	s24 =	simm.s32 $0x3980  }
0xb9: {  	[tilespmem:s24], [sflag:$0x1] =	stream.indirect_vreg.gather [hbm4b:s4+s3], $0x80, v3, vm0, $0xb8;
	[tilespmem:$0x10180] =	vst v63  }
0xba: {  	v3 =	vld [tilespmem:$0x120];
	_ =	sdelay $0x4  }
0xbb: {  	v23 =	vshll.u32 v3, $0x2  }
0xbc: {  	v3 =	vand.u32 $0x7, v3;
	v4 =	vand.u32 $0xFFFFFFE0, v23  }
0xbd: {  	v3 =	vor.u32 v3, v4  }
0xbe: {  	v4 =	vperm.xlane v3, v0;
	_ =	sdelay $0x1  }
0xbf: {  	v4 =	vadd.s32 v1, v4;
	_ =	sdelay $0x1  }
0xc0: {  	v3 =	vperm.xlane v3, v2;
	_ =	sdelay $0x1  }
0xc1: {  	s19 =	simm.s32 $0x4180;
	v3 =	vadd.s32 v1, v3  }
0xc2: {  	[tilespmem:s19], [sflag:$0x1] =	stream.indirect_vreg.gather [hbm4b:s1+s3], $0x80, v4, vm0, $0xb8;
	[tilespmem:$0x10180] =	vst v63  }
0xc3: {  	s24 =	simm.s32 $0x4980  }
0xc4: {  	[tilespmem:s24], [sflag:$0x1] =	stream.indirect_vreg.gather [hbm4b:s4+s3], $0x80, v4, vm0, $0xb8;
	[tilespmem:$0x10180] =	vst v63  }
0xc5: {  	s25 =	simm.s32 $0x5180  }
0xc6: {  	[tilespmem:s25], [sflag:$0x1] =	stream.indirect_vreg.gather [hbm4b:s1+s3], $0x80, v3, vm0, $0xb8;
	[tilespmem:$0x10180] =	vst v63  }
0xc7: {  	s26 =	simm.s32 $0x5980  }
0xc8: {  	[tilespmem:s26], [sflag:$0x1] =	stream.indirect_vreg.gather [hbm4b:s4+s3], $0x80, v3, vm0, $0xb8;
	[tilespmem:$0x10180] =	vst v63  }
0xc9: {  	v3 =	vld [tilespmem:$0x130];
	_ =	sdelay $0x4  }
0xca: {  	v24 =	vshll.u32 v3, $0x2  }
0xcb: {  	v3 =	vand.u32 $0x7, v3;
	v4 =	vand.u32 $0xFFFFFFE0, v24  }
0xcc: {  	v3 =	vor.u32 v3, v4  }
0xcd: {  	v4 =	vperm.xlane v3, v0;
	_ =	sdelay $0x1  }
0xce: {  	v4 =	vadd.s32 v1, v4;
	_ =	sdelay $0x1  }
0xcf: {  	v3 =	vperm.xlane v3, v2;
	_ =	sdelay $0x1  }
0xd0: {  	s28 =	simm.s32 $0x6180;
	v3 =	vadd.s32 v1, v3  }
0xd1: {  	[tilespmem:s28], [sflag:$0x1] =	stream.indirect_vreg.gather [hbm4b:s1+s3], $0x80, v4, vm0, $0xb8;
	[tilespmem:$0x10180] =	vst v63  }
0xd2: {  	s29 =	simm.s32 $0x6980  }
0xd3: {  	[tilespmem:s29], [sflag:$0x1] =	stream.indirect_vreg.gather [hbm4b:s4+s3], $0x80, v4, vm0, $0xb8;
	[tilespmem:$0x10180] =	vst v63  }
0xd4: {  	s30 =	simm.s32 $0x7180  }
0xd5: {  	[tilespmem:s30], [sflag:$0x1] =	stream.indirect_vreg.gather [hbm4b:s1+s3], $0x80, v3, vm0, $0xb8;
	[tilespmem:$0x10180] =	vst v63  }
0xd6: {  	s31 =	simm.s32 $0x7980  }
0xd7: {  	[tilespmem:s31], [sflag:$0x1] =	stream.indirect_vreg.gather [hbm4b:s4+s3], $0x80, v3, vm0, $0xb8;
	[tilespmem:$0x10180] =	vst v63  }
0xd8: {  	v3 =	vld [tilespmem:$0x140];
	_ =	sdelay $0x4  }
0xd9: {  	v25 =	vshll.u32 v3, $0x2  }
0xda: {  	v3 =	vand.u32 $0x7, v3;
	v4 =	vand.u32 $0xFFFFFFE0, v25  }
0xdb: {  	v3 =	vor.u32 v3, v4  }
0xdc: {  	v4 =	vperm.xlane v3, v0;
	_ =	sdelay $0x1  }
0xdd: {  	v4 =	vadd.s32 v1, v4;
	_ =	sdelay $0x1  }
0xde: {  	v3 =	vperm.xlane v3, v2;
	_ =	sdelay $0x1  }
0xdf: {  	s2 =	simm.s32 $0x8180;
	v3 =	vadd.s32 v1, v3  }
0xe0: {  	[tilespmem:s2], [sflag:$0x1] =	stream.indirect_vreg.gather [hbm4b:s1+s3], $0x80, v4, vm0, $0xb8;
	[tilespmem:$0x10180] =	vst v63  }
0xe1: {  	s0 =	simm.s32 $0x8980  }
0xe2: {  	[tilespmem:s0], [sflag:$0x1] =	stream.indirect_vreg.gather [hbm4b:s4+s3], $0x80, v4, vm0, $0xb8;
	[tilespmem:$0x10180] =	vst v63  }
0xe3: {  	s7 =	simm.s32 $0x9180  }
0xe4: {  	[tilespmem:s7], [sflag:$0x1] =	stream.indirect_vreg.gather [hbm4b:s1+s3], $0x80, v3, vm0, $0xb8;
	[tilespmem:$0x10180] =	vst v63  }
0xe5: {  	s19 =	simm.s32 $0x9980  }
0xe6: {  	[tilespmem:s19], [sflag:$0x1] =	stream.indirect_vreg.gather [hbm4b:s4+s3], $0x80, v3, vm0, $0xb8;
	[tilespmem:$0x10180] =	vst v63  }
0xe7: {  	v3 =	vld [tilespmem:$0x150];
	_ =	sdelay $0x4  }
0xe8: {  	v26 =	vshll.u32 v3, $0x2  }
0xe9: {  	v3 =	vand.u32 $0x7, v3;
	v4 =	vand.u32 $0xFFFFFFE0, v26  }
0xea: {  	v3 =	vor.u32 v3, v4  }
0xeb: {  	v4 =	vperm.xlane v3, v0;
	_ =	sdelay $0x1  }
0xec: {  	v4 =	vadd.s32 v1, v4;
	_ =	sdelay $0x1  }
0xed: {  	v3 =	vperm.xlane v3, v2;
	_ =	sdelay $0x1  }
0xee: {  	s16 =	simm.s32 $0xA180;
	v3 =	vadd.s32 v1, v3  }
0xef: {  	[tilespmem:s16], [sflag:$0x1] =	stream.indirect_vreg.gather [hbm4b:s1+s3], $0x80, v4, vm0, $0xb8;
	[tilespmem:$0x10180] =	vst v63  }
0xf0: {  	s17 =	simm.s32 $0xA980  }
0xf1: {  	[tilespmem:s17], [sflag:$0x1] =	stream.indirect_vreg.gather [hbm4b:s4+s3], $0x80, v4, vm0, $0xb8;
	[tilespmem:$0x10180] =	vst v63  }
0xf2: {  	s18 =	simm.s32 $0xB180  }
0xf3: {  	[tilespmem:s18], [sflag:$0x1] =	stream.indirect_vreg.gather [hbm4b:s1+s3], $0x80, v3, vm0, $0xb8;
	[tilespmem:$0x10180] =	vst v63  }
0xf4: {  	s10 =	simm.s32 $0xB980  }
0xf5: {  	[tilespmem:s10], [sflag:$0x1] =	stream.indirect_vreg.gather [hbm4b:s4+s3], $0x80, v3, vm0, $0xb8;
	[tilespmem:$0x10180] =	vst v63  }
0xf6: {  	v3 =	vld [tilespmem:$0x160];
	_ =	sdelay $0x4  }
0xf7: {  	v27 =	vshll.u32 v3, $0x2  }
0xf8: {  	v3 =	vand.u32 $0x7, v3;
	v4 =	vand.u32 $0xFFFFFFE0, v27  }
0xf9: {  	v3 =	vor.u32 v3, v4  }
0xfa: {  	v4 =	vperm.xlane v3, v0;
	_ =	sdelay $0x1  }
0xfb: {  	v4 =	vadd.s32 v1, v4;
	_ =	sdelay $0x1  }
0xfc: {  	v3 =	vperm.xlane v3, v2;
	_ =	sdelay $0x1  }
0xfd: {  	s12 =	simm.s32 $0xC180;
	v3 =	vadd.s32 v1, v3  }
0xfe: {  	[tilespmem:s12], [sflag:$0x1] =	stream.indirect_vreg.gather [hbm4b:s1+s3], $0x80, v4, vm0, $0xb8;
	[tilespmem:$0x10180] =	vst v63  }
0xff: {  	s13 =	simm.s32 $0xC980  }
0x100: {  	[tilespmem:s13], [sflag:$0x1] =	stream.indirect_vreg.gather [hbm4b:s4+s3], $0x80, v4, vm0, $0xb8;
	[tilespmem:$0x10180] =	vst v63  }
0x101: {  	s20 =	simm.s32 $0xD180  }
0x102: {  	[tilespmem:s20], [sflag:$0x1] =	stream.indirect_vreg.gather [hbm4b:s1+s3], $0x80, v3, vm0, $0xb8;
	[tilespmem:$0x10180] =	vst v63  }
0x103: {  	s8 =	simm.s32 $0xD980  }
0x104: {  	[tilespmem:s8], [sflag:$0x1] =	stream.indirect_vreg.gather [hbm4b:s4+s3], $0x80, v3, vm0, $0xb8;
	[tilespmem:$0x10180] =	vst v63  }
0x105: {  	v3 =	vld [tilespmem:$0x170];
	_ =	sdelay $0x4  }
0x106: {  	v28 =	vshll.u32 v3, $0x2  }
0x107: {  	v3 =	vand.u32 $0x7, v3;
	v4 =	vand.u32 $0xFFFFFFE0, v28  }
0x108: {  	v3 =	vor.u32 v3, v4  }
0x109: {  	v4 =	vperm.xlane v3, v0;
	_ =	sdelay $0x1  }
0x10a: {  	v4 =	vadd.s32 v1, v4;
	_ =	sdelay $0x1  }
0x10b: {  	v3 =	vperm.xlane v3, v2;
	_ =	sdelay $0x1  }
0x10c: {  	s21 =	simm.s32 $0xE180;
	v3 =	vadd.s32 v1, v3  }
0x10d: {  	[tilespmem:s21], [sflag:$0x1] =	stream.indirect_vreg.gather [hbm4b:s1+s3], $0x80, v4, vm0, $0xb8;
	[tilespmem:$0x10180] =	vst v63  }
0x10e: {  	s23 =	simm.s32 $0xE980  }
0x10f: {  	[tilespmem:s23], [sflag:$0x1] =	stream.indirect_vreg.gather [hbm4b:s4+s3], $0x80, v4, vm0, $0xb8;
	[tilespmem:$0x10180] =	vst v63  }
0x110: {  	s21 =	simm.s32 $0xF180  }
0x111: {  	[tilespmem:s21], [sflag:$0x1] =	stream.indirect_vreg.gather [hbm4b:s1+s3], $0x80, v3, vm0, $0xb8;
	[tilespmem:$0x10180] =	vst v63  }
0x112: {  	s9 =	simm.s32 $0xF980  }
0x113: {  	[tilespmem:s9], [sflag:$0x1] =	stream.indirect_vreg.gather [hbm4b:s4+s3], $0x80, v3, vm0, $0xb8;
	[tilespmem:$0x10180] =	vst v63  }
0x114: {  	_ =	swait.ge [sflag:s14], $0x10000  }
0x115: {  	[sflag:s14] =	ssyncset.done $0x0  }
0x116: {  	s23 =	rddreg [dreg:$0x6];
	[sflag:s14] =	ssyncadd.s32 $0xFFFF0000  }
0x117: {  	[hbm4b:s23+s3] =	stream.linear.scatter [tilespmem:s11], [sflag:$0x2], $0x10000, $0x38;
	[tilespmem:$0x10180] =	vst v63  }
0x118: {  	_ =	swait.ge [sflag:s6], $0x10000  }
0x119: {  	[sflag:s6] =	ssyncset.done $0x0  }
0x11a: {  	[sflag:s6] =	ssyncadd.s32 $0xFFFF0000  }
0x11b: {  	v3 =	vld [tilespmem:$0x0];
	_ =	sdelay $0x2  }
0x11c: {  	v29 =	vld [tilespmem:$0x10]  }
0x11d: {  	v30 =	vld [tilespmem:$0x20]  }
0x11e: {  	v32 =	vld [tilespmem:$0x30];
	v31 =	vadd.s32 $0x2710, v3  }
0x11f: {  	v33 =	vld [tilespmem:$0x40];
	v34 =	vshll.u32 v31, $0x2  }
0x120: {  	v10 =	vld [tilespmem:$0x50];
	v3 =	vand.u32 $0x7, v3;
	v9 =	vand.u32 $0xFFFFFFE0, v34  }
0x121: {  	v35 =	vld [tilespmem:$0x60];
	v4 =	vadd.s32 $0x2710, v29;
	[tilespmem:$0x100] =	vst v31;
	v3 =	vor.u32 v3, v9  }
0x122: {  	v37 =	vld [tilespmem:$0x70];
	v36 =	vadd.s32 $0x2710, v30;
	[tilespmem:$0x110] =	vst v4;
	v9 =	vperm.xlane v3, v0  }
0x123: {  	v38 =	vadd.s32 $0x2710, v32;
	[tilespmem:$0x120] =	vst v36  }
0x124: {  	v39 =	vadd.s32 $0x2710, v33;
	[tilespmem:$0x130] =	vst v38;
	v40 =	vadd.s32 v1, v9  }
0x125: {  	v41 =	vadd.s32 $0x2710, v10;
	[tilespmem:$0x140] =	vst v39  }
0x126: {  	v42 =	vadd.s32 $0x2710, v35;
	[tilespmem:$0x150] =	vst v41;
	v3 =	vperm.xlane v3, v2  }
0x127: {  	v43 =	vadd.s32 $0x2710, v37;
	[tilespmem:$0x160] =	vst v42  }
0x128: {  	[tilespmem:$0x170] =	vst v43;
	v3 =	vadd.s32 v1, v3  }
0x129: {  	[tilespmem:s11], [sflag:$0x1] =	stream.indirect_vreg.gather [hbm4b:s1+s3], $0x80, v40, vm0, $0xb8;
	[tilespmem:$0x10180] =	vst v63  }
0x12a: {  	s23 =	simm.s32 $0x980  }
0x12b: {  	[tilespmem:s23], [sflag:$0x1] =	stream.indirect_vreg.gather [hbm4b:s4+s3], $0x80, v40, vm0, $0xb8;
	[tilespmem:$0x10180] =	vst v63  }
0x12c: {  	s23 =	simm.s32 $0x1180  }
0x12d: {  	[tilespmem:s23], [sflag:$0x1] =	stream.indirect_vreg.gather [hbm4b:s1+s3], $0x80, v3, vm0, $0xb8;
	[tilespmem:$0x10180] =	vst v63  }
0x12e: {  	_ = 	snop  }
0x12f: {  	[tilespmem:s22], [sflag:$0x1] =	stream.indirect_vreg.gather [hbm4b:s4+s3], $0x80, v3, vm0, $0xb8;
	[tilespmem:$0x10180] =	vst v63  }
0x130: {  	v3 =	vld [tilespmem:$0x110];
	_ =	sdelay $0x4  }
0x131: {  	v44 =	vshll.u32 v3, $0x2  }
0x132: {  	v3 =	vand.u32 $0x7, v3;
	v4 =	vand.u32 $0xFFFFFFE0, v44  }
0x133: {  	v3 =	vor.u32 v3, v4  }
0x134: {  	v4 =	vperm.xlane v3, v0;
	_ =	sdelay $0x1  }
0x135: {  	v4 =	vadd.s32 v1, v4;
	_ =	sdelay $0x1  }
0x136: {  	v3 =	vperm.xlane v3, v2;
	_ =	sdelay $0x1  }
0x137: {  	s23 =	simm.s32 $0x2180;
	v3 =	vadd.s32 v1, v3  }
0x138: {  	[tilespmem:s23], [sflag:$0x1] =	stream.indirect_vreg.gather [hbm4b:s1+s3], $0x80, v4, vm0, $0xb8;
	[tilespmem:$0x10180] =	vst v63  }
0x139: {  	s23 =	simm.s32 $0x2980  }
0x13a: {  	[tilespmem:s23], [sflag:$0x1] =	stream.indirect_vreg.gather [hbm4b:s4+s3], $0x80, v4, vm0, $0xb8;
	[tilespmem:$0x10180] =	vst v63  }
0x13b: {  	s23 =	simm.s32 $0x3180  }
0x13c: {  	[tilespmem:s23], [sflag:$0x1] =	stream.indirect_vreg.gather [hbm4b:s1+s3], $0x80, v3, vm0, $0xb8;
	[tilespmem:$0x10180] =	vst v63  }
0x13d: {  	s23 =	simm.s32 $0x3980  }
0x13e: {  	[tilespmem:s23], [sflag:$0x1] =	stream.indirect_vreg.gather [hbm4b:s4+s3], $0x80, v3, vm0, $0xb8;
	[tilespmem:$0x10180] =	vst v63  }
0x13f: {  	v3 =	vld [tilespmem:$0x120];
	_ =	sdelay $0x4  }
0x140: {  	v45 =	vshll.u32 v3, $0x2  }
0x141: {  	v3 =	vand.u32 $0x7, v3;
	v4 =	vand.u32 $0xFFFFFFE0, v45  }
0x142: {  	v3 =	vor.u32 v3, v4  }
0x143: {  	v4 =	vperm.xlane v3, v0;
	_ =	sdelay $0x1  }
0x144: {  	v4 =	vadd.s32 v1, v4;
	_ =	sdelay $0x1  }
0x145: {  	v3 =	vperm.xlane v3, v2;
	_ =	sdelay $0x1  }
0x146: {  	s23 =	simm.s32 $0x4180;
	v3 =	vadd.s32 v1, v3  }
0x147: {  	[tilespmem:s23], [sflag:$0x1] =	stream.indirect_vreg.gather [hbm4b:s1+s3], $0x80, v4, vm0, $0xb8;
	[tilespmem:$0x10180] =	vst v63  }
0x148: {  	_ = 	snop  }
0x149: {  	[tilespmem:s24], [sflag:$0x1] =	stream.indirect_vreg.gather [hbm4b:s4+s3], $0x80, v4, vm0, $0xb8;
	[tilespmem:$0x10180] =	vst v63  }
0x14a: {  	_ = 	snop  }
0x14b: {  	[tilespmem:s25], [sflag:$0x1] =	stream.indirect_vreg.gather [hbm4b:s1+s3], $0x80, v3, vm0, $0xb8;
	[tilespmem:$0x10180] =	vst v63  }
0x14c: {  	_ = 	snop  }
0x14d: {  	[tilespmem:s26], [sflag:$0x1] =	stream.indirect_vreg.gather [hbm4b:s4+s3], $0x80, v3, vm0, $0xb8;
	[tilespmem:$0x10180] =	vst v63  }
0x14e: {  	v3 =	vld [tilespmem:$0x130];
	_ =	sdelay $0x4  }
0x14f: {  	v46 =	vshll.u32 v3, $0x2  }
0x150: {  	v3 =	vand.u32 $0x7, v3;
	v4 =	vand.u32 $0xFFFFFFE0, v46  }
0x151: {  	v3 =	vor.u32 v3, v4  }
0x152: {  	v4 =	vperm.xlane v3, v0;
	_ =	sdelay $0x1  }
0x153: {  	v4 =	vadd.s32 v1, v4;
	_ =	sdelay $0x1  }
0x154: {  	v3 =	vperm.xlane v3, v2;
	_ =	sdelay $0x1  }
0x155: {  	v3 =	vadd.s32 v1, v3  }
0x156: {  	[tilespmem:s28], [sflag:$0x1] =	stream.indirect_vreg.gather [hbm4b:s1+s3], $0x80, v4, vm0, $0xb8;
	[tilespmem:$0x10180] =	vst v63  }
0x157: {  	_ = 	snop  }
0x158: {  	[tilespmem:s29], [sflag:$0x1] =	stream.indirect_vreg.gather [hbm4b:s4+s3], $0x80, v4, vm0, $0xb8;
	[tilespmem:$0x10180] =	vst v63  }
0x159: {  	_ = 	snop  }
0x15a: {  	[tilespmem:s30], [sflag:$0x1] =	stream.indirect_vreg.gather [hbm4b:s1+s3], $0x80, v3, vm0, $0xb8;
	[tilespmem:$0x10180] =	vst v63  }
0x15b: {  	_ = 	snop  }
0x15c: {  	[tilespmem:s31], [sflag:$0x1] =	stream.indirect_vreg.gather [hbm4b:s4+s3], $0x80, v3, vm0, $0xb8;
	[tilespmem:$0x10180] =	vst v63  }
0x15d: {  	v3 =	vld [tilespmem:$0x140];
	_ =	sdelay $0x4  }
0x15e: {  	v47 =	vshll.u32 v3, $0x2  }
0x15f: {  	v3 =	vand.u32 $0x7, v3;
	v4 =	vand.u32 $0xFFFFFFE0, v47  }
0x160: {  	v3 =	vor.u32 v3, v4  }
0x161: {  	v4 =	vperm.xlane v3, v0;
	_ =	sdelay $0x1  }
0x162: {  	v4 =	vadd.s32 v1, v4;
	_ =	sdelay $0x1  }
0x163: {  	v3 =	vperm.xlane v3, v2;
	_ =	sdelay $0x1  }
0x164: {  	v3 =	vadd.s32 v1, v3  }
0x165: {  	[tilespmem:s2], [sflag:$0x1] =	stream.indirect_vreg.gather [hbm4b:s1+s3], $0x80, v4, vm0, $0xb8;
	[tilespmem:$0x10180] =	vst v63  }
0x166: {  	_ = 	snop  }
0x167: {  	[tilespmem:s0], [sflag:$0x1] =	stream.indirect_vreg.gather [hbm4b:s4+s3], $0x80, v4, vm0, $0xb8;
	[tilespmem:$0x10180] =	vst v63  }
0x168: {  	_ = 	snop  }
0x169: {  	[tilespmem:s7], [sflag:$0x1] =	stream.indirect_vreg.gather [hbm4b:s1+s3], $0x80, v3, vm0, $0xb8;
	[tilespmem:$0x10180] =	vst v63  }
0x16a: {  	_ = 	snop  }
0x16b: {  	[tilespmem:s19], [sflag:$0x1] =	stream.indirect_vreg.gather [hbm4b:s4+s3], $0x80, v3, vm0, $0xb8;
	[tilespmem:$0x10180] =	vst v63  }
0x16c: {  	v3 =	vld [tilespmem:$0x150];
	_ =	sdelay $0x4  }
0x16d: {  	v48 =	vshll.u32 v3, $0x2  }
0x16e: {  	v3 =	vand.u32 $0x7, v3;
	v4 =	vand.u32 $0xFFFFFFE0, v48  }
0x16f: {  	v3 =	vor.u32 v3, v4  }
0x170: {  	v4 =	vperm.xlane v3, v0;
	_ =	sdelay $0x1  }
0x171: {  	v4 =	vadd.s32 v1, v4;
	_ =	sdelay $0x1  }
0x172: {  	v3 =	vperm.xlane v3, v2;
	_ =	sdelay $0x1  }
0x173: {  	v3 =	vadd.s32 v1, v3  }
0x174: {  	[tilespmem:s16], [sflag:$0x1] =	stream.indirect_vreg.gather [hbm4b:s1+s3], $0x80, v4, vm0, $0xb8;
	[tilespmem:$0x10180] =	vst v63  }
0x175: {  	_ = 	snop  }
0x176: {  	[tilespmem:s17], [sflag:$0x1] =	stream.indirect_vreg.gather [hbm4b:s4+s3], $0x80, v4, vm0, $0xb8;
	[tilespmem:$0x10180] =	vst v63  }
0x177: {  	_ = 	snop  }
0x178: {  	[tilespmem:s18], [sflag:$0x1] =	stream.indirect_vreg.gather [hbm4b:s1+s3], $0x80, v3, vm0, $0xb8;
	[tilespmem:$0x10180] =	vst v63  }
0x179: {  	s18 =	simm.s32 $0xB980  }
0x17a: {  	[tilespmem:s18], [sflag:$0x1] =	stream.indirect_vreg.gather [hbm4b:s4+s3], $0x80, v3, vm0, $0xb8;
	[tilespmem:$0x10180] =	vst v63  }
0x17b: {  	v3 =	vld [tilespmem:$0x160];
	_ =	sdelay $0x4  }
0x17c: {  	v49 =	vshll.u32 v3, $0x2  }
0x17d: {  	v3 =	vand.u32 $0x7, v3;
	v4 =	vand.u32 $0xFFFFFFE0, v49  }
0x17e: {  	v3 =	vor.u32 v3, v4  }
0x17f: {  	v4 =	vperm.xlane v3, v0;
	_ =	sdelay $0x1  }
0x180: {  	v4 =	vadd.s32 v1, v4;
	_ =	sdelay $0x1  }
0x181: {  	v3 =	vperm.xlane v3, v2;
	_ =	sdelay $0x1  }
0x182: {  	s10 =	simm.s32 $0xC180;
	v3 =	vadd.s32 v1, v3  }
0x183: {  	[tilespmem:s10], [sflag:$0x1] =	stream.indirect_vreg.gather [hbm4b:s1+s3], $0x80, v4, vm0, $0xb8;
	[tilespmem:$0x10180] =	vst v63  }
0x184: {  	s12 =	simm.s32 $0xC980  }
0x185: {  	[tilespmem:s12], [sflag:$0x1] =	stream.indirect_vreg.gather [hbm4b:s4+s3], $0x80, v4, vm0, $0xb8;
	[tilespmem:$0x10180] =	vst v63  }
0x186: {  	s13 =	simm.s32 $0xD180  }
0x187: {  	[tilespmem:s13], [sflag:$0x1] =	stream.indirect_vreg.gather [hbm4b:s1+s3], $0x80, v3, vm0, $0xb8;
	[tilespmem:$0x10180] =	vst v63  }
0x188: {  	s19 =	simm.s32 $0xD980  }
0x189: {  	[tilespmem:s19], [sflag:$0x1] =	stream.indirect_vreg.gather [hbm4b:s4+s3], $0x80, v3, vm0, $0xb8;
	[tilespmem:$0x10180] =	vst v63  }
0x18a: {  	v3 =	vld [tilespmem:$0x170];
	_ =	sdelay $0x4  }
0x18b: {  	v50 =	vshll.u32 v3, $0x2  }
0x18c: {  	v3 =	vand.u32 $0x7, v3;
	v4 =	vand.u32 $0xFFFFFFE0, v50  }
0x18d: {  	v3 =	vor.u32 v3, v4  }
0x18e: {  	v4 =	vperm.xlane v3, v0;
	_ =	sdelay $0x1  }
0x18f: {  	v4 =	vadd.s32 v1, v4;
	_ =	sdelay $0x1  }
0x190: {  	v3 =	vperm.xlane v3, v2;
	_ =	sdelay $0x1  }
0x191: {  	s20 =	simm.s32 $0xE180;
	v3 =	vadd.s32 v1, v3  }
0x192: {  	[tilespmem:s20], [sflag:$0x1] =	stream.indirect_vreg.gather [hbm4b:s1+s3], $0x80, v4, vm0, $0xb8;
	[tilespmem:$0x10180] =	vst v63  }
0x193: {  	s8 =	simm.s32 $0xE980  }
0x194: {  	[tilespmem:s8], [sflag:$0x1] =	stream.indirect_vreg.gather [hbm4b:s4+s3], $0x80, v4, vm0, $0xb8;
	[tilespmem:$0x10180] =	vst v63  }
0x195: {  	s21 =	simm.s32 $0xF180  }
0x196: {  	[tilespmem:s21], [sflag:$0x1] =	stream.indirect_vreg.gather [hbm4b:s1+s3], $0x80, v3, vm0, $0xb8;
	[tilespmem:$0x10180] =	vst v63  }
0x197: {  	s9 =	simm.s32 $0xF980  }
0x198: {  	[tilespmem:s9], [sflag:$0x1] =	stream.indirect_vreg.gather [hbm4b:s4+s3], $0x80, v3, vm0, $0xb8;
	[tilespmem:$0x10180] =	vst v63  }
0x199: {  	_ =	swait.ge [sflag:s14], $0x10000  }
0x19a: {  	[sflag:s14] =	ssyncset.done $0x0  }
0x19b: {  	s20 =	rddreg [dreg:$0x7];
	[sflag:s14] =	ssyncadd.s32 $0xFFFF0000  }
0x19c: {  	[hbm4b:s20+s3] =	stream.linear.scatter [tilespmem:s11], [sflag:$0x2], $0x10000, $0x38;
	[tilespmem:$0x10180] =	vst v63  }
0x19d: {  	_ =	swait.ge [sflag:s6], $0x10000  }
0x19e: {  	[sflag:s6] =	ssyncset.done $0x0  }
0x19f: {  	[sflag:s6] =	ssyncadd.s32 $0xFFFF0000  }
0x1a0: {  	v3 =	vld [tilespmem:$0x80];
	_ =	sdelay $0x2  }
0x1a1: {  	v51 =	vld [tilespmem:$0x90]  }
0x1a2: {  	v52 =	vld [tilespmem:$0xA0]  }
0x1a3: {  	v54 =	vld [tilespmem:$0xB0];
	v53 =	vadd.s32 $0x2710, v3  }
0x1a4: {  	v55 =	vld [tilespmem:$0xC0];
	v56 =	vshll.u32 v53, $0x2  }
0x1a5: {  	v57 =	vld [tilespmem:$0xD0];
	v3 =	vand.u32 $0x7, v3;
	v9 =	vand.u32 $0xFFFFFFE0, v56  }
0x1a6: {  	v60 =	vld [tilespmem:$0xF0];
	v4 =	vadd.s32 $0x2710, v51;
	[tilespmem:$0x100] =	vst v53;
	v3 =	vor.u32 v3, v9  }
0x1a7: {  	v58 =	vld [tilespmem:$0xE0];
	v59 =	vadd.s32 $0x2710, v52;
	[tilespmem:$0x110] =	vst v4;
	v9 =	vperm.xlane v3, v0  }
0x1a8: {  	v61 =	vadd.s32 $0x2710, v54;
	[tilespmem:$0x120] =	vst v59  }
0x1a9: {  	v62 =	vadd.s32 $0x2710, v55;
	[tilespmem:$0x130] =	vst v61;
	v63 =	vadd.s32 v1, v9  }
0x1aa: {  	v8 =	vadd.s32 $0x2710, v57;
	[tilespmem:$0x140] =	vst v62  }
0x1ab: {  	v10 =	vadd.s32 $0x2710, v60;
	[tilespmem:$0x150] =	vst v8;
	v3 =	vperm.xlane v3, v2  }
0x1ac: {  	[tilespmem:$0x170] =	vst v10;
	v9 =	vadd.s32 $0x2710, v58  }
0x1ad: {  	v3 =	vadd.s32 v1, v3;
	[tilespmem:$0x160] =	vst v9  }
0x1ae: {  	[tilespmem:s11], [sflag:$0x1] =	stream.indirect_vreg.gather [hbm4b:s1+s3], $0x80, v63, vm0, $0xb8;
	[tilespmem:$0x10180] =	vst v63  }
0x1af: {  	s21 =	simm.s32 $0x980  }
0x1b0: {  	[tilespmem:s21], [sflag:$0x1] =	stream.indirect_vreg.gather [hbm4b:s4+s3], $0x80, v63, vm0, $0xb8;
	[tilespmem:$0x10180] =	vst v63  }
0x1b1: {  	s20 =	simm.s32 $0x1180  }
0x1b2: {  	[tilespmem:s20], [sflag:$0x1] =	stream.indirect_vreg.gather [hbm4b:s1+s3], $0x80, v3, vm0, $0xb8;
	[tilespmem:$0x10180] =	vst v63  }
0x1b3: {  	s22 =	simm.s32 $0x1980  }
0x1b4: {  	[tilespmem:s22], [sflag:$0x1] =	stream.indirect_vreg.gather [hbm4b:s4+s3], $0x80, v3, vm0, $0xb8;
	[tilespmem:$0x10180] =	vst v63  }
0x1b5: {  	v3 =	vld [tilespmem:$0x110];
	_ =	sdelay $0x4  }
0x1b6: {  	v11 =	vshll.u32 v3, $0x2  }
0x1b7: {  	v3 =	vand.u32 $0x7, v3;
	v4 =	vand.u32 $0xFFFFFFE0, v11  }
0x1b8: {  	v3 =	vor.u32 v3, v4  }
0x1b9: {  	v4 =	vperm.xlane v3, v0;
	_ =	sdelay $0x1  }
0x1ba: {  	v4 =	vadd.s32 v1, v4;
	_ =	sdelay $0x1  }
0x1bb: {  	v3 =	vperm.xlane v3, v2;
	_ =	sdelay $0x1  }
0x1bc: {  	s21 =	simm.s32 $0x2180;
	v3 =	vadd.s32 v1, v3  }
0x1bd: {  	[tilespmem:s21], [sflag:$0x1] =	stream.indirect_vreg.gather [hbm4b:s1+s3], $0x80, v4, vm0, $0xb8;
	[tilespmem:$0x10180] =	vst v63  }
0x1be: {  	s22 =	simm.s32 $0x2980  }
0x1bf: {  	[tilespmem:s22], [sflag:$0x1] =	stream.indirect_vreg.gather [hbm4b:s4+s3], $0x80, v4, vm0, $0xb8;
	[tilespmem:$0x10180] =	vst v63  }
0x1c0: {  	s21 =	simm.s32 $0x3180  }
0x1c1: {  	[tilespmem:s21], [sflag:$0x1] =	stream.indirect_vreg.gather [hbm4b:s1+s3], $0x80, v3, vm0, $0xb8;
	[tilespmem:$0x10180] =	vst v63  }
0x1c2: {  	s22 =	simm.s32 $0x3980  }
0x1c3: {  	[tilespmem:s22], [sflag:$0x1] =	stream.indirect_vreg.gather [hbm4b:s4+s3], $0x80, v3, vm0, $0xb8;
	[tilespmem:$0x10180] =	vst v63  }
0x1c4: {  	v3 =	vld [tilespmem:$0x120];
	_ =	sdelay $0x4  }
0x1c5: {  	v12 =	vshll.u32 v3, $0x2  }
0x1c6: {  	v3 =	vand.u32 $0x7, v3;
	v4 =	vand.u32 $0xFFFFFFE0, v12  }
0x1c7: {  	v3 =	vor.u32 v3, v4  }
0x1c8: {  	v4 =	vperm.xlane v3, v0;
	_ =	sdelay $0x1  }
0x1c9: {  	v4 =	vadd.s32 v1, v4;
	_ =	sdelay $0x1  }
0x1ca: {  	v3 =	vperm.xlane v3, v2;
	_ =	sdelay $0x1  }
0x1cb: {  	s21 =	simm.s32 $0x4180;
	v3 =	vadd.s32 v1, v3  }
0x1cc: {  	[tilespmem:s21], [sflag:$0x1] =	stream.indirect_vreg.gather [hbm4b:s1+s3], $0x80, v4, vm0, $0xb8;
	[tilespmem:$0x10180] =	vst v63  }
0x1cd: {  	s23 =	simm.s32 $0x4980  }
0x1ce: {  	[tilespmem:s23], [sflag:$0x1] =	stream.indirect_vreg.gather [hbm4b:s4+s3], $0x80, v4, vm0, $0xb8;
	[tilespmem:$0x10180] =	vst v63  }
0x1cf: {  	s24 =	simm.s32 $0x5180  }
0x1d0: {  	[tilespmem:s24], [sflag:$0x1] =	stream.indirect_vreg.gather [hbm4b:s1+s3], $0x80, v3, vm0, $0xb8;
	[tilespmem:$0x10180] =	vst v63  }
0x1d1: {  	s25 =	simm.s32 $0x5980  }
0x1d2: {  	[tilespmem:s25], [sflag:$0x1] =	stream.indirect_vreg.gather [hbm4b:s4+s3], $0x80, v3, vm0, $0xb8;
	[tilespmem:$0x10180] =	vst v63  }
0x1d3: {  	v3 =	vld [tilespmem:$0x130];
	_ =	sdelay $0x4  }
0x1d4: {  	v13 =	vshll.u32 v3, $0x2  }
0x1d5: {  	v3 =	vand.u32 $0x7, v3;
	v4 =	vand.u32 $0xFFFFFFE0, v13  }
0x1d6: {  	v3 =	vor.u32 v3, v4  }
0x1d7: {  	v4 =	vperm.xlane v3, v0;
	_ =	sdelay $0x1  }
0x1d8: {  	v4 =	vadd.s32 v1, v4;
	_ =	sdelay $0x1  }
0x1d9: {  	v3 =	vperm.xlane v3, v2;
	_ =	sdelay $0x1  }
0x1da: {  	s26 =	simm.s32 $0x6180;
	v3 =	vadd.s32 v1, v3  }
0x1db: {  	[tilespmem:s26], [sflag:$0x1] =	stream.indirect_vreg.gather [hbm4b:s1+s3], $0x80, v4, vm0, $0xb8;
	[tilespmem:$0x10180] =	vst v63  }
0x1dc: {  	s28 =	simm.s32 $0x6980  }
0x1dd: {  	[tilespmem:s28], [sflag:$0x1] =	stream.indirect_vreg.gather [hbm4b:s4+s3], $0x80, v4, vm0, $0xb8;
	[tilespmem:$0x10180] =	vst v63  }
0x1de: {  	s29 =	simm.s32 $0x7180  }
0x1df: {  	[tilespmem:s29], [sflag:$0x1] =	stream.indirect_vreg.gather [hbm4b:s1+s3], $0x80, v3, vm0, $0xb8;
	[tilespmem:$0x10180] =	vst v63  }
0x1e0: {  	s30 =	simm.s32 $0x7980  }
0x1e1: {  	[tilespmem:s30], [sflag:$0x1] =	stream.indirect_vreg.gather [hbm4b:s4+s3], $0x80, v3, vm0, $0xb8;
	[tilespmem:$0x10180] =	vst v63  }
0x1e2: {  	v3 =	vld [tilespmem:$0x140];
	_ =	sdelay $0x4  }
0x1e3: {  	v14 =	vshll.u32 v3, $0x2  }
0x1e4: {  	v3 =	vand.u32 $0x7, v3;
	v4 =	vand.u32 $0xFFFFFFE0, v14  }
0x1e5: {  	v3 =	vor.u32 v3, v4  }
0x1e6: {  	v4 =	vperm.xlane v3, v0;
	_ =	sdelay $0x1  }
0x1e7: {  	v4 =	vadd.s32 v1, v4;
	_ =	sdelay $0x1  }
0x1e8: {  	v3 =	vperm.xlane v3, v2;
	_ =	sdelay $0x1  }
0x1e9: {  	s22 =	simm.s32 $0x8180;
	v3 =	vadd.s32 v1, v3  }
0x1ea: {  	[tilespmem:s22], [sflag:$0x1] =	stream.indirect_vreg.gather [hbm4b:s1+s3], $0x80, v4, vm0, $0xb8;
	[tilespmem:$0x10180] =	vst v63  }
0x1eb: {  	s31 =	simm.s32 $0x8980  }
0x1ec: {  	[tilespmem:s31], [sflag:$0x1] =	stream.indirect_vreg.gather [hbm4b:s4+s3], $0x80, v4, vm0, $0xb8;
	[tilespmem:$0x10180] =	vst v63  }
0x1ed: {  	s2 =	simm.s32 $0x9180  }
0x1ee: {  	[tilespmem:s2], [sflag:$0x1] =	stream.indirect_vreg.gather [hbm4b:s1+s3], $0x80, v3, vm0, $0xb8;
	[tilespmem:$0x10180] =	vst v63  }
0x1ef: {  	s0 =	simm.s32 $0x9980  }
0x1f0: {  	[tilespmem:s0], [sflag:$0x1] =	stream.indirect_vreg.gather [hbm4b:s4+s3], $0x80, v3, vm0, $0xb8;
	[tilespmem:$0x10180] =	vst v63  }
0x1f1: {  	v3 =	vld [tilespmem:$0x150];
	_ =	sdelay $0x4  }
0x1f2: {  	v15 =	vshll.u32 v3, $0x2  }
0x1f3: {  	v3 =	vand.u32 $0x7, v3;
	v4 =	vand.u32 $0xFFFFFFE0, v15  }
0x1f4: {  	v3 =	vor.u32 v3, v4  }
0x1f5: {  	v4 =	vperm.xlane v3, v0;
	_ =	sdelay $0x1  }
0x1f6: {  	v4 =	vadd.s32 v1, v4;
	_ =	sdelay $0x1  }
0x1f7: {  	v3 =	vperm.xlane v3, v2;
	_ =	sdelay $0x1  }
0x1f8: {  	s7 =	simm.s32 $0xA180;
	v3 =	vadd.s32 v1, v3  }
0x1f9: {  	[tilespmem:s7], [sflag:$0x1] =	stream.indirect_vreg.gather [hbm4b:s1+s3], $0x80, v4, vm0, $0xb8;
	[tilespmem:$0x10180] =	vst v63  }
0x1fa: {  	s16 =	simm.s32 $0xA980  }
0x1fb: {  	[tilespmem:s16], [sflag:$0x1] =	stream.indirect_vreg.gather [hbm4b:s4+s3], $0x80, v4, vm0, $0xb8;
	[tilespmem:$0x10180] =	vst v63  }
0x1fc: {  	s17 =	simm.s32 $0xB180  }
0x1fd: {  	[tilespmem:s17], [sflag:$0x1] =	stream.indirect_vreg.gather [hbm4b:s1+s3], $0x80, v3, vm0, $0xb8;
	[tilespmem:$0x10180] =	vst v63  }
0x1fe: {  	s16 =	simm.s32 $0xB980  }
0x1ff: {  	[tilespmem:s16], [sflag:$0x1] =	stream.indirect_vreg.gather [hbm4b:s4+s3], $0x80, v3, vm0, $0xb8;
	[tilespmem:$0x10180] =	vst v63  }
0x200: {  	v3 =	vld [tilespmem:$0x160];
	_ =	sdelay $0x4  }
0x201: {  	v16 =	vshll.u32 v3, $0x2  }
0x202: {  	v3 =	vand.u32 $0x7, v3;
	v4 =	vand.u32 $0xFFFFFFE0, v16  }
0x203: {  	v3 =	vor.u32 v3, v4  }
0x204: {  	v4 =	vperm.xlane v3, v0;
	_ =	sdelay $0x1  }
0x205: {  	v4 =	vadd.s32 v1, v4;
	_ =	sdelay $0x1  }
0x206: {  	v3 =	vperm.xlane v3, v2;
	_ =	sdelay $0x1  }
0x207: {  	s10 =	simm.s32 $0xC180;
	v3 =	vadd.s32 v1, v3  }
0x208: {  	[tilespmem:s10], [sflag:$0x1] =	stream.indirect_vreg.gather [hbm4b:s1+s3], $0x80, v4, vm0, $0xb8;
	[tilespmem:$0x10180] =	vst v63  }
0x209: {  	s12 =	simm.s32 $0xC980  }
0x20a: {  	[tilespmem:s12], [sflag:$0x1] =	stream.indirect_vreg.gather [hbm4b:s4+s3], $0x80, v4, vm0, $0xb8;
	[tilespmem:$0x10180] =	vst v63  }
0x20b: {  	s13 =	simm.s32 $0xD180  }
0x20c: {  	[tilespmem:s13], [sflag:$0x1] =	stream.indirect_vreg.gather [hbm4b:s1+s3], $0x80, v3, vm0, $0xb8;
	[tilespmem:$0x10180] =	vst v63  }
0x20d: {  	s16 =	simm.s32 $0xD980  }
0x20e: {  	[tilespmem:s16], [sflag:$0x1] =	stream.indirect_vreg.gather [hbm4b:s4+s3], $0x80, v3, vm0, $0xb8;
	[tilespmem:$0x10180] =	vst v63  }
0x20f: {  	v3 =	vld [tilespmem:$0x170];
	_ =	sdelay $0x4  }
0x210: {  	v17 =	vshll.u32 v3, $0x2  }
0x211: {  	v3 =	vand.u32 $0x7, v3;
	v4 =	vand.u32 $0xFFFFFFE0, v17  }
0x212: {  	v3 =	vor.u32 v3, v4  }
0x213: {  	v4 =	vperm.xlane v3, v0;
	_ =	sdelay $0x1  }
0x214: {  	v4 =	vadd.s32 v1, v4;
	_ =	sdelay $0x1  }
0x215: {  	v3 =	vperm.xlane v3, v2;
	_ =	sdelay $0x1  }
0x216: {  	s18 =	simm.s32 $0xE180;
	v3 =	vadd.s32 v1, v3  }
0x217: {  	[tilespmem:s18], [sflag:$0x1] =	stream.indirect_vreg.gather [hbm4b:s1+s3], $0x80, v4, vm0, $0xb8;
	[tilespmem:$0x10180] =	vst v63  }
0x218: {  	s8 =	simm.s32 $0xE980  }
0x219: {  	[tilespmem:s8], [sflag:$0x1] =	stream.indirect_vreg.gather [hbm4b:s4+s3], $0x80, v4, vm0, $0xb8;
	[tilespmem:$0x10180] =	vst v63  }
0x21a: {  	s19 =	simm.s32 $0xF180  }
0x21b: {  	[tilespmem:s19], [sflag:$0x1] =	stream.indirect_vreg.gather [hbm4b:s1+s3], $0x80, v3, vm0, $0xb8;
	[tilespmem:$0x10180] =	vst v63  }
0x21c: {  	s9 =	simm.s32 $0xF980  }
0x21d: {  	[tilespmem:s9], [sflag:$0x1] =	stream.indirect_vreg.gather [hbm4b:s4+s3], $0x80, v3, vm0, $0xb8;
	[tilespmem:$0x10180] =	vst v63  }
0x21e: {  	_ =	swait.ge [sflag:s14], $0x10000  }
0x21f: {  	[sflag:s14] =	ssyncset.done $0x0  }
0x220: {  	s9 =	rddreg [dreg:$0x8];
	[sflag:s14] =	ssyncadd.s32 $0xFFFF0000  }
0x221: {  	[hbm4b:s9+s3] =	stream.linear.scatter [tilespmem:s11], [sflag:$0x2], $0x10000, $0x38;
	[tilespmem:$0x10180] =	vst v63  }
0x222: {  	_ =	swait.ge [sflag:s6], $0x10000  }
0x223: {  	[sflag:s6] =	ssyncset.done $0x0  }
0x224: {  	[sflag:s6] =	ssyncadd.s32 $0xFFFF0000  }
0x225: {  	v3 =	vld [tilespmem:$0x0];
	_ =	sdelay $0x2  }
0x226: {  	v18 =	vld [tilespmem:$0x10]  }
0x227: {  	v19 =	vld [tilespmem:$0x20]  }
0x228: {  	v21 =	vld [tilespmem:$0x30];
	v20 =	vadd.s32 $0x4E20, v3  }
0x229: {  	v22 =	vld [tilespmem:$0x40];
	v23 =	vshll.u32 v20, $0x2  }
0x22a: {  	v24 =	vld [tilespmem:$0x50];
	v3 =	vand.u32 $0x7, v3;
	v9 =	vand.u32 $0xFFFFFFE0, v23  }
0x22b: {  	v25 =	vld [tilespmem:$0x60];
	v4 =	vadd.s32 $0x4E20, v18;
	[tilespmem:$0x100] =	vst v20;
	v3 =	vor.u32 v3, v9  }
0x22c: {  	v27 =	vld [tilespmem:$0x70];
	v26 =	vadd.s32 $0x4E20, v19;
	[tilespmem:$0x110] =	vst v4;
	v9 =	vperm.xlane v3, v0  }
0x22d: {  	v28 =	vadd.s32 $0x4E20, v21;
	[tilespmem:$0x120] =	vst v26  }
0x22e: {  	v29 =	vadd.s32 $0x4E20, v22;
	[tilespmem:$0x130] =	vst v28;
	v30 =	vadd.s32 v1, v9  }
0x22f: {  	v31 =	vadd.s32 $0x4E20, v24;
	[tilespmem:$0x140] =	vst v29  }
0x230: {  	v32 =	vadd.s32 $0x4E20, v25;
	[tilespmem:$0x150] =	vst v31;
	v3 =	vperm.xlane v3, v2  }
0x231: {  	v33 =	vadd.s32 $0x4E20, v27;
	[tilespmem:$0x160] =	vst v32  }
0x232: {  	[tilespmem:$0x170] =	vst v33;
	v3 =	vadd.s32 v1, v3  }
0x233: {  	[tilespmem:s11], [sflag:$0x1] =	stream.indirect_vreg.gather [hbm4b:s1+s3], $0x80, v30, vm0, $0xb8;
	[tilespmem:$0x10180] =	vst v63  }
0x234: {  	s19 =	simm.s32 $0x980  }
0x235: {  	[tilespmem:s19], [sflag:$0x1] =	stream.indirect_vreg.gather [hbm4b:s4+s3], $0x80, v30, vm0, $0xb8;
	[tilespmem:$0x10180] =	vst v63  }
0x236: {  	s9 =	simm.s32 $0x1180  }
0x237: {  	[tilespmem:s9], [sflag:$0x1] =	stream.indirect_vreg.gather [hbm4b:s1+s3], $0x80, v3, vm0, $0xb8;
	[tilespmem:$0x10180] =	vst v63  }
0x238: {  	s20 =	simm.s32 $0x1980  }
0x239: {  	[tilespmem:s20], [sflag:$0x1] =	stream.indirect_vreg.gather [hbm4b:s4+s3], $0x80, v3, vm0, $0xb8;
	[tilespmem:$0x10180] =	vst v63  }
0x23a: {  	v3 =	vld [tilespmem:$0x110];
	_ =	sdelay $0x4  }
0x23b: {  	v34 =	vshll.u32 v3, $0x2  }
0x23c: {  	v3 =	vand.u32 $0x7, v3;
	v4 =	vand.u32 $0xFFFFFFE0, v34  }
0x23d: {  	v3 =	vor.u32 v3, v4  }
0x23e: {  	v4 =	vperm.xlane v3, v0;
	_ =	sdelay $0x1  }
0x23f: {  	v4 =	vadd.s32 v1, v4;
	_ =	sdelay $0x1  }
0x240: {  	v3 =	vperm.xlane v3, v2;
	_ =	sdelay $0x1  }
0x241: {  	s15 =	simm.s32 $0x2180;
	v3 =	vadd.s32 v1, v3  }
0x242: {  	[tilespmem:s15], [sflag:$0x1] =	stream.indirect_vreg.gather [hbm4b:s1+s3], $0x80, v4, vm0, $0xb8;
	[tilespmem:$0x10180] =	vst v63  }
0x243: {  	s20 =	simm.s32 $0x2980  }
0x244: {  	[tilespmem:s20], [sflag:$0x1] =	stream.indirect_vreg.gather [hbm4b:s4+s3], $0x80, v4, vm0, $0xb8;
	[tilespmem:$0x10180] =	vst v63  }
0x245: {  	s9 =	simm.s32 $0x3180  }
0x246: {  	[tilespmem:s9], [sflag:$0x1] =	stream.indirect_vreg.gather [hbm4b:s1+s3], $0x80, v3, vm0, $0xb8;
	[tilespmem:$0x10180] =	vst v63  }
0x247: {  	s15 =	simm.s32 $0x3980  }
0x248: {  	[tilespmem:s15], [sflag:$0x1] =	stream.indirect_vreg.gather [hbm4b:s4+s3], $0x80, v3, vm0, $0xb8;
	[tilespmem:$0x10180] =	vst v63  }
0x249: {  	v3 =	vld [tilespmem:$0x120];
	_ =	sdelay $0x4  }
0x24a: {  	v35 =	vshll.u32 v3, $0x2  }
0x24b: {  	v3 =	vand.u32 $0x7, v3;
	v4 =	vand.u32 $0xFFFFFFE0, v35  }
0x24c: {  	v3 =	vor.u32 v3, v4  }
0x24d: {  	v4 =	vperm.xlane v3, v0;
	_ =	sdelay $0x1  }
0x24e: {  	v4 =	vadd.s32 v1, v4;
	_ =	sdelay $0x1  }
0x24f: {  	v3 =	vperm.xlane v3, v2;
	_ =	sdelay $0x1  }
0x250: {  	s20 =	simm.s32 $0x4180;
	v3 =	vadd.s32 v1, v3  }
0x251: {  	[tilespmem:s20], [sflag:$0x1] =	stream.indirect_vreg.gather [hbm4b:s1+s3], $0x80, v4, vm0, $0xb8;
	[tilespmem:$0x10180] =	vst v63  }
0x252: {  	s23 =	simm.s32 $0x4980  }
0x253: {  	[tilespmem:s23], [sflag:$0x1] =	stream.indirect_vreg.gather [hbm4b:s4+s3], $0x80, v4, vm0, $0xb8;
	[tilespmem:$0x10180] =	vst v63  }
0x254: {  	s24 =	simm.s32 $0x5180  }
0x255: {  	[tilespmem:s24], [sflag:$0x1] =	stream.indirect_vreg.gather [hbm4b:s1+s3], $0x80, v3, vm0, $0xb8;
	[tilespmem:$0x10180] =	vst v63  }
0x256: {  	s25 =	simm.s32 $0x5980  }
0x257: {  	[tilespmem:s25], [sflag:$0x1] =	stream.indirect_vreg.gather [hbm4b:s4+s3], $0x80, v3, vm0, $0xb8;
	[tilespmem:$0x10180] =	vst v63  }
0x258: {  	v3 =	vld [tilespmem:$0x130];
	_ =	sdelay $0x4  }
0x259: {  	v36 =	vshll.u32 v3, $0x2  }
0x25a: {  	v3 =	vand.u32 $0x7, v3;
	v4 =	vand.u32 $0xFFFFFFE0, v36  }
0x25b: {  	v3 =	vor.u32 v3, v4  }
0x25c: {  	v4 =	vperm.xlane v3, v0;
	_ =	sdelay $0x1  }
0x25d: {  	v4 =	vadd.s32 v1, v4;
	_ =	sdelay $0x1  }
0x25e: {  	v3 =	vperm.xlane v3, v2;
	_ =	sdelay $0x1  }
0x25f: {  	s26 =	simm.s32 $0x6180;
	v3 =	vadd.s32 v1, v3  }
0x260: {  	[tilespmem:s26], [sflag:$0x1] =	stream.indirect_vreg.gather [hbm4b:s1+s3], $0x80, v4, vm0, $0xb8;
	[tilespmem:$0x10180] =	vst v63  }
0x261: {  	s28 =	simm.s32 $0x6980  }
0x262: {  	[tilespmem:s28], [sflag:$0x1] =	stream.indirect_vreg.gather [hbm4b:s4+s3], $0x80, v4, vm0, $0xb8;
	[tilespmem:$0x10180] =	vst v63  }
0x263: {  	s29 =	simm.s32 $0x7180  }
0x264: {  	[tilespmem:s29], [sflag:$0x1] =	stream.indirect_vreg.gather [hbm4b:s1+s3], $0x80, v3, vm0, $0xb8;
	[tilespmem:$0x10180] =	vst v63  }
0x265: {  	s30 =	simm.s32 $0x7980  }
0x266: {  	[tilespmem:s30], [sflag:$0x1] =	stream.indirect_vreg.gather [hbm4b:s4+s3], $0x80, v3, vm0, $0xb8;
	[tilespmem:$0x10180] =	vst v63  }
0x267: {  	v3 =	vld [tilespmem:$0x140];
	_ =	sdelay $0x4  }
0x268: {  	v37 =	vshll.u32 v3, $0x2  }
0x269: {  	v3 =	vand.u32 $0x7, v3;
	v4 =	vand.u32 $0xFFFFFFE0, v37  }
0x26a: {  	v3 =	vor.u32 v3, v4  }
0x26b: {  	v4 =	vperm.xlane v3, v0;
	_ =	sdelay $0x1  }
0x26c: {  	v4 =	vadd.s32 v1, v4;
	_ =	sdelay $0x1  }
0x26d: {  	v3 =	vperm.xlane v3, v2;
	_ =	sdelay $0x1  }
0x26e: {  	s21 =	simm.s32 $0x8180;
	v3 =	vadd.s32 v1, v3  }
0x26f: {  	[tilespmem:s21], [sflag:$0x1] =	stream.indirect_vreg.gather [hbm4b:s1+s3], $0x80, v4, vm0, $0xb8;
	[tilespmem:$0x10180] =	vst v63  }
0x270: {  	s31 =	simm.s32 $0x8980  }
0x271: {  	[tilespmem:s31], [sflag:$0x1] =	stream.indirect_vreg.gather [hbm4b:s4+s3], $0x80, v4, vm0, $0xb8;
	[tilespmem:$0x10180] =	vst v63  }
0x272: {  	s22 =	simm.s32 $0x9180  }
0x273: {  	[tilespmem:s22], [sflag:$0x1] =	stream.indirect_vreg.gather [hbm4b:s1+s3], $0x80, v3, vm0, $0xb8;
	[tilespmem:$0x10180] =	vst v63  }
0x274: {  	s0 =	simm.s32 $0x9980  }
0x275: {  	[tilespmem:s0], [sflag:$0x1] =	stream.indirect_vreg.gather [hbm4b:s4+s3], $0x80, v3, vm0, $0xb8;
	[tilespmem:$0x10180] =	vst v63  }
0x276: {  	v3 =	vld [tilespmem:$0x150];
	_ =	sdelay $0x4  }
0x277: {  	v38 =	vshll.u32 v3, $0x2  }
0x278: {  	v3 =	vand.u32 $0x7, v3;
	v4 =	vand.u32 $0xFFFFFFE0, v38  }
0x279: {  	v3 =	vor.u32 v3, v4  }
0x27a: {  	v4 =	vperm.xlane v3, v0;
	_ =	sdelay $0x1  }
0x27b: {  	v4 =	vadd.s32 v1, v4;
	_ =	sdelay $0x1  }
0x27c: {  	v3 =	vperm.xlane v3, v2;
	_ =	sdelay $0x1  }
0x27d: {  	s2 =	simm.s32 $0xA180;
	v3 =	vadd.s32 v1, v3  }
0x27e: {  	[tilespmem:s2], [sflag:$0x1] =	stream.indirect_vreg.gather [hbm4b:s1+s3], $0x80, v4, vm0, $0xb8;
	[tilespmem:$0x10180] =	vst v63  }
0x27f: {  	s7 =	simm.s32 $0xA980  }
0x280: {  	[tilespmem:s7], [sflag:$0x1] =	stream.indirect_vreg.gather [hbm4b:s4+s3], $0x80, v4, vm0, $0xb8;
	[tilespmem:$0x10180] =	vst v63  }
0x281: {  	s17 =	simm.s32 $0xB180  }
0x282: {  	[tilespmem:s17], [sflag:$0x1] =	stream.indirect_vreg.gather [hbm4b:s1+s3], $0x80, v3, vm0, $0xb8;
	[tilespmem:$0x10180] =	vst v63  }
0x283: {  	s31 =	simm.s32 $0xB980  }
0x284: {  	[tilespmem:s31], [sflag:$0x1] =	stream.indirect_vreg.gather [hbm4b:s4+s3], $0x80, v3, vm0, $0xb8;
	[tilespmem:$0x10180] =	vst v63  }
0x285: {  	v3 =	vld [tilespmem:$0x160];
	_ =	sdelay $0x4  }
0x286: {  	v39 =	vshll.u32 v3, $0x2  }
0x287: {  	v3 =	vand.u32 $0x7, v3;
	v4 =	vand.u32 $0xFFFFFFE0, v39  }
0x288: {  	v3 =	vor.u32 v3, v4  }
0x289: {  	v4 =	vperm.xlane v3, v0;
	_ =	sdelay $0x1  }
0x28a: {  	v4 =	vadd.s32 v1, v4;
	_ =	sdelay $0x1  }
0x28b: {  	v3 =	vperm.xlane v3, v2;
	_ =	sdelay $0x1  }
0x28c: {  	s10 =	simm.s32 $0xC180;
	v3 =	vadd.s32 v1, v3  }
0x28d: {  	[tilespmem:s10], [sflag:$0x1] =	stream.indirect_vreg.gather [hbm4b:s1+s3], $0x80, v4, vm0, $0xb8;
	[tilespmem:$0x10180] =	vst v63  }
0x28e: {  	s12 =	simm.s32 $0xC980  }
0x28f: {  	[tilespmem:s12], [sflag:$0x1] =	stream.indirect_vreg.gather [hbm4b:s4+s3], $0x80, v4, vm0, $0xb8;
	[tilespmem:$0x10180] =	vst v63  }
0x290: {  	s13 =	simm.s32 $0xD180  }
0x291: {  	[tilespmem:s13], [sflag:$0x1] =	stream.indirect_vreg.gather [hbm4b:s1+s3], $0x80, v3, vm0, $0xb8;
	[tilespmem:$0x10180] =	vst v63  }
0x292: {  	s15 =	simm.s32 $0xD980  }
0x293: {  	[tilespmem:s15], [sflag:$0x1] =	stream.indirect_vreg.gather [hbm4b:s4+s3], $0x80, v3, vm0, $0xb8;
	[tilespmem:$0x10180] =	vst v63  }
0x294: {  	v3 =	vld [tilespmem:$0x170];
	_ =	sdelay $0x4  }
0x295: {  	v40 =	vshll.u32 v3, $0x2  }
0x296: {  	v3 =	vand.u32 $0x7, v3;
	v4 =	vand.u32 $0xFFFFFFE0, v40  }
0x297: {  	v3 =	vor.u32 v3, v4  }
0x298: {  	v4 =	vperm.xlane v3, v0;
	_ =	sdelay $0x1  }
0x299: {  	v4 =	vadd.s32 v1, v4;
	_ =	sdelay $0x1  }
0x29a: {  	v3 =	vperm.xlane v3, v2;
	_ =	sdelay $0x1  }
0x29b: {  	s18 =	simm.s32 $0xE180;
	v3 =	vadd.s32 v1, v3  }
0x29c: {  	[tilespmem:s18], [sflag:$0x1] =	stream.indirect_vreg.gather [hbm4b:s1+s3], $0x80, v4, vm0, $0xb8;
	[tilespmem:$0x10180] =	vst v63  }
0x29d: {  	s16 =	simm.s32 $0xE980  }
0x29e: {  	[tilespmem:s16], [sflag:$0x1] =	stream.indirect_vreg.gather [hbm4b:s4+s3], $0x80, v4, vm0, $0xb8;
	[tilespmem:$0x10180] =	vst v63  }
0x29f: {  	s16 =	simm.s32 $0xF180  }
0x2a0: {  	[tilespmem:s16], [sflag:$0x1] =	stream.indirect_vreg.gather [hbm4b:s1+s3], $0x80, v3, vm0, $0xb8;
	[tilespmem:$0x10180] =	vst v63  }
0x2a1: {  	s18 =	simm.s32 $0xF980  }
0x2a2: {  	[tilespmem:s18], [sflag:$0x1] =	stream.indirect_vreg.gather [hbm4b:s4+s3], $0x80, v3, vm0, $0xb8;
	[tilespmem:$0x10180] =	vst v63  }
0x2a3: {  	_ =	swait.ge [sflag:s14], $0x10000  }
0x2a4: {  	[sflag:s14] =	ssyncset.done $0x0  }
0x2a5: {  	s15 =	rddreg [dreg:$0x9];
	[sflag:s14] =	ssyncadd.s32 $0xFFFF0000  }
0x2a6: {  	[hbm4b:s15+s3] =	stream.linear.scatter [tilespmem:s11], [sflag:$0x2], $0x10000, $0x38;
	[tilespmem:$0x10180] =	vst v63  }
0x2a7: {  	_ =	swait.ge [sflag:s6], $0x10000  }
0x2a8: {  	[sflag:s6] =	ssyncset.done $0x0  }
0x2a9: {  	[sflag:s6] =	ssyncadd.s32 $0xFFFF0000  }
0x2aa: {  	v3 =	vld [tilespmem:$0x80];
	_ =	sdelay $0x2  }
0x2ab: {  	v41 =	vld [tilespmem:$0x90]  }
0x2ac: {  	v42 =	vld [tilespmem:$0xA0]  }
0x2ad: {  	v44 =	vld [tilespmem:$0xB0];
	v43 =	vadd.s32 $0x4E20, v3  }
0x2ae: {  	v45 =	vld [tilespmem:$0xC0];
	v46 =	vshll.u32 v43, $0x2  }
0x2af: {  	v47 =	vld [tilespmem:$0xD0];
	v3 =	vand.u32 $0x7, v3;
	v9 =	vand.u32 $0xFFFFFFE0, v46  }
0x2b0: {  	v48 =	vld [tilespmem:$0xE0];
	v4 =	vadd.s32 $0x4E20, v41;
	[tilespmem:$0x100] =	vst v43;
	v3 =	vor.u32 v3, v9  }
0x2b1: {  	v50 =	vld [tilespmem:$0xF0];
	v49 =	vadd.s32 $0x4E20, v42;
	[tilespmem:$0x110] =	vst v4;
	v9 =	vperm.xlane v3, v0  }
0x2b2: {  	v51 =	vadd.s32 $0x4E20, v44;
	[tilespmem:$0x120] =	vst v49  }
0x2b3: {  	v52 =	vadd.s32 $0x4E20, v45;
	[tilespmem:$0x130] =	vst v51;
	v53 =	vadd.s32 v1, v9  }
0x2b4: {  	v54 =	vadd.s32 $0x4E20, v47;
	[tilespmem:$0x140] =	vst v52  }
0x2b5: {  	v55 =	vadd.s32 $0x4E20, v48;
	[tilespmem:$0x150] =	vst v54;
	v3 =	vperm.xlane v3, v2  }
0x2b6: {  	v56 =	vadd.s32 $0x4E20, v50;
	[tilespmem:$0x160] =	vst v55  }
0x2b7: {  	[tilespmem:$0x170] =	vst v56;
	v3 =	vadd.s32 v1, v3  }
0x2b8: {  	[tilespmem:s11], [sflag:$0x1] =	stream.indirect_vreg.gather [hbm4b:s1+s3], $0x80, v53, vm0, $0xb8;
	[tilespmem:$0x10180] =	vst v63  }
0x2b9: {  	s15 =	simm.s32 $0x980  }
0x2ba: {  	[tilespmem:s15], [sflag:$0x1] =	stream.indirect_vreg.gather [hbm4b:s4+s3], $0x80, v53, vm0, $0xb8;
	[tilespmem:$0x10180] =	vst v63  }
0x2bb: {  	s15 =	simm.s32 $0x1180  }
0x2bc: {  	[tilespmem:s15], [sflag:$0x1] =	stream.indirect_vreg.gather [hbm4b:s1+s3], $0x80, v3, vm0, $0xb8;
	[tilespmem:$0x10180] =	vst v63  }
0x2bd: {  	s19 =	simm.s32 $0x1980  }
0x2be: {  	[tilespmem:s19], [sflag:$0x1] =	stream.indirect_vreg.gather [hbm4b:s4+s3], $0x80, v3, vm0, $0xb8;
	[tilespmem:$0x10180] =	vst v63  }
0x2bf: {  	v3 =	vld [tilespmem:$0x110];
	_ =	sdelay $0x4  }
0x2c0: {  	v57 =	vshll.u32 v3, $0x2  }
0x2c1: {  	v3 =	vand.u32 $0x7, v3;
	v4 =	vand.u32 $0xFFFFFFE0, v57  }
0x2c2: {  	v3 =	vor.u32 v3, v4  }
0x2c3: {  	v4 =	vperm.xlane v3, v0;
	_ =	sdelay $0x1  }
0x2c4: {  	v4 =	vadd.s32 v1, v4;
	_ =	sdelay $0x1  }
0x2c5: {  	v3 =	vperm.xlane v3, v2;
	_ =	sdelay $0x1  }
0x2c6: {  	s19 =	simm.s32 $0x2180;
	v3 =	vadd.s32 v1, v3  }
0x2c7: {  	[tilespmem:s19], [sflag:$0x1] =	stream.indirect_vreg.gather [hbm4b:s1+s3], $0x80, v4, vm0, $0xb8;
	[tilespmem:$0x10180] =	vst v63  }
0x2c8: {  	s19 =	simm.s32 $0x2980  }
0x2c9: {  	[tilespmem:s19], [sflag:$0x1] =	stream.indirect_vreg.gather [hbm4b:s4+s3], $0x80, v4, vm0, $0xb8;
	[tilespmem:$0x10180] =	vst v63  }
0x2ca: {  	s19 =	simm.s32 $0x3180  }
0x2cb: {  	[tilespmem:s19], [sflag:$0x1] =	stream.indirect_vreg.gather [hbm4b:s1+s3], $0x80, v3, vm0, $0xb8;
	[tilespmem:$0x10180] =	vst v63  }
0x2cc: {  	s19 =	simm.s32 $0x3980  }
0x2cd: {  	[tilespmem:s19], [sflag:$0x1] =	stream.indirect_vreg.gather [hbm4b:s4+s3], $0x80, v3, vm0, $0xb8;
	[tilespmem:$0x10180] =	vst v63  }
0x2ce: {  	v3 =	vld [tilespmem:$0x120];
	_ =	sdelay $0x4  }
0x2cf: {  	v58 =	vshll.u32 v3, $0x2  }
0x2d0: {  	v3 =	vand.u32 $0x7, v3;
	v4 =	vand.u32 $0xFFFFFFE0, v58  }
0x2d1: {  	v3 =	vor.u32 v3, v4  }
0x2d2: {  	v4 =	vperm.xlane v3, v0;
	_ =	sdelay $0x1  }
0x2d3: {  	v4 =	vadd.s32 v1, v4;
	_ =	sdelay $0x1  }
0x2d4: {  	v3 =	vperm.xlane v3, v2;
	_ =	sdelay $0x1  }
0x2d5: {  	s19 =	simm.s32 $0x4180;
	v3 =	vadd.s32 v1, v3  }
0x2d6: {  	[tilespmem:s19], [sflag:$0x1] =	stream.indirect_vreg.gather [hbm4b:s1+s3], $0x80, v4, vm0, $0xb8;
	[tilespmem:$0x10180] =	vst v63  }
0x2d7: {  	s8 =	simm.s32 $0x4980  }
0x2d8: {  	[tilespmem:s8], [sflag:$0x1] =	stream.indirect_vreg.gather [hbm4b:s4+s3], $0x80, v4, vm0, $0xb8;
	[tilespmem:$0x10180] =	vst v63  }
0x2d9: {  	s23 =	simm.s32 $0x5180  }
0x2da: {  	[tilespmem:s23], [sflag:$0x1] =	stream.indirect_vreg.gather [hbm4b:s1+s3], $0x80, v3, vm0, $0xb8;
	[tilespmem:$0x10180] =	vst v63  }
0x2db: {  	s24 =	simm.s32 $0x5980  }
0x2dc: {  	[tilespmem:s24], [sflag:$0x1] =	stream.indirect_vreg.gather [hbm4b:s4+s3], $0x80, v3, vm0, $0xb8;
	[tilespmem:$0x10180] =	vst v63  }
0x2dd: {  	v3 =	vld [tilespmem:$0x130];
	_ =	sdelay $0x4  }
0x2de: {  	v59 =	vshll.u32 v3, $0x2  }
0x2df: {  	v3 =	vand.u32 $0x7, v3;
	v4 =	vand.u32 $0xFFFFFFE0, v59  }
0x2e0: {  	v3 =	vor.u32 v3, v4  }
0x2e1: {  	v4 =	vperm.xlane v3, v0;
	_ =	sdelay $0x1  }
0x2e2: {  	v4 =	vadd.s32 v1, v4;
	_ =	sdelay $0x1  }
0x2e3: {  	v3 =	vperm.xlane v3, v2;
	_ =	sdelay $0x1  }
0x2e4: {  	s25 =	simm.s32 $0x6180;
	v3 =	vadd.s32 v1, v3  }
0x2e5: {  	[tilespmem:s25], [sflag:$0x1] =	stream.indirect_vreg.gather [hbm4b:s1+s3], $0x80, v4, vm0, $0xb8;
	[tilespmem:$0x10180] =	vst v63  }
0x2e6: {  	s26 =	simm.s32 $0x6980  }
0x2e7: {  	[tilespmem:s26], [sflag:$0x1] =	stream.indirect_vreg.gather [hbm4b:s4+s3], $0x80, v4, vm0, $0xb8;
	[tilespmem:$0x10180] =	vst v63  }
0x2e8: {  	s28 =	simm.s32 $0x7180  }
0x2e9: {  	[tilespmem:s28], [sflag:$0x1] =	stream.indirect_vreg.gather [hbm4b:s1+s3], $0x80, v3, vm0, $0xb8;
	[tilespmem:$0x10180] =	vst v63  }
0x2ea: {  	s29 =	simm.s32 $0x7980  }
0x2eb: {  	[tilespmem:s29], [sflag:$0x1] =	stream.indirect_vreg.gather [hbm4b:s4+s3], $0x80, v3, vm0, $0xb8;
	[tilespmem:$0x10180] =	vst v63  }
0x2ec: {  	v3 =	vld [tilespmem:$0x140];
	_ =	sdelay $0x4  }
0x2ed: {  	v60 =	vshll.u32 v3, $0x2  }
0x2ee: {  	v3 =	vand.u32 $0x7, v3;
	v4 =	vand.u32 $0xFFFFFFE0, v60  }
0x2ef: {  	v3 =	vor.u32 v3, v4  }
0x2f0: {  	v4 =	vperm.xlane v3, v0;
	_ =	sdelay $0x1  }
0x2f1: {  	v4 =	vadd.s32 v1, v4;
	_ =	sdelay $0x1  }
0x2f2: {  	v3 =	vperm.xlane v3, v2;
	_ =	sdelay $0x1  }
0x2f3: {  	s20 =	simm.s32 $0x8180;
	v3 =	vadd.s32 v1, v3  }
0x2f4: {  	[tilespmem:s20], [sflag:$0x1] =	stream.indirect_vreg.gather [hbm4b:s1+s3], $0x80, v4, vm0, $0xb8;
	[tilespmem:$0x10180] =	vst v63  }
0x2f5: {  	s30 =	simm.s32 $0x8980  }
0x2f6: {  	[tilespmem:s30], [sflag:$0x1] =	stream.indirect_vreg.gather [hbm4b:s4+s3], $0x80, v4, vm0, $0xb8;
	[tilespmem:$0x10180] =	vst v63  }
0x2f7: {  	s21 =	simm.s32 $0x9180  }
0x2f8: {  	[tilespmem:s21], [sflag:$0x1] =	stream.indirect_vreg.gather [hbm4b:s1+s3], $0x80, v3, vm0, $0xb8;
	[tilespmem:$0x10180] =	vst v63  }
0x2f9: {  	s9 =	simm.s32 $0x9980  }
0x2fa: {  	[tilespmem:s9], [sflag:$0x1] =	stream.indirect_vreg.gather [hbm4b:s4+s3], $0x80, v3, vm0, $0xb8;
	[tilespmem:$0x10180] =	vst v63  }
0x2fb: {  	v3 =	vld [tilespmem:$0x150];
	_ =	sdelay $0x4  }
0x2fc: {  	v61 =	vshll.u32 v3, $0x2  }
0x2fd: {  	v3 =	vand.u32 $0x7, v3;
	v4 =	vand.u32 $0xFFFFFFE0, v61  }
0x2fe: {  	v3 =	vor.u32 v3, v4  }
0x2ff: {  	v4 =	vperm.xlane v3, v0;
	_ =	sdelay $0x1  }
0x300: {  	v4 =	vadd.s32 v1, v4;
	_ =	sdelay $0x1  }
0x301: {  	v3 =	vperm.xlane v3, v2;
	_ =	sdelay $0x1  }
0x302: {  	s0 =	simm.s32 $0xA180;
	v3 =	vadd.s32 v1, v3  }
0x303: {  	[tilespmem:s0], [sflag:$0x1] =	stream.indirect_vreg.gather [hbm4b:s1+s3], $0x80, v4, vm0, $0xb8;
	[tilespmem:$0x10180] =	vst v63  }
0x304: {  	s2 =	simm.s32 $0xA980  }
0x305: {  	[tilespmem:s2], [sflag:$0x1] =	stream.indirect_vreg.gather [hbm4b:s4+s3], $0x80, v4, vm0, $0xb8;
	[tilespmem:$0x10180] =	vst v63  }
0x306: {  	s22 =	simm.s32 $0xB180  }
0x307: {  	[tilespmem:s22], [sflag:$0x1] =	stream.indirect_vreg.gather [hbm4b:s1+s3], $0x80, v3, vm0, $0xb8;
	[tilespmem:$0x10180] =	vst v63  }
0x308: {  	s30 =	simm.s32 $0xB980  }
0x309: {  	[tilespmem:s30], [sflag:$0x1] =	stream.indirect_vreg.gather [hbm4b:s4+s3], $0x80, v3, vm0, $0xb8;
	[tilespmem:$0x10180] =	vst v63  }
0x30a: {  	v3 =	vld [tilespmem:$0x160];
	_ =	sdelay $0x4  }
0x30b: {  	v62 =	vshll.u32 v3, $0x2  }
0x30c: {  	v3 =	vand.u32 $0x7, v3;
	v4 =	vand.u32 $0xFFFFFFE0, v62  }
0x30d: {  	v3 =	vor.u32 v3, v4  }
0x30e: {  	v4 =	vperm.xlane v3, v0;
	_ =	sdelay $0x1  }
0x30f: {  	v4 =	vadd.s32 v1, v4;
	_ =	sdelay $0x1  }
0x310: {  	v3 =	vperm.xlane v3, v2;
	_ =	sdelay $0x1  }
0x311: {  	s7 =	simm.s32 $0xC180;
	v3 =	vadd.s32 v1, v3  }
0x312: {  	[tilespmem:s7], [sflag:$0x1] =	stream.indirect_vreg.gather [hbm4b:s1+s3], $0x80, v4, vm0, $0xb8;
	[tilespmem:$0x10180] =	vst v63  }
0x313: {  	s10 =	simm.s32 $0xC980  }
0x314: {  	[tilespmem:s10], [sflag:$0x1] =	stream.indirect_vreg.gather [hbm4b:s4+s3], $0x80, v4, vm0, $0xb8;
	[tilespmem:$0x10180] =	vst v63  }
0x315: {  	s12 =	simm.s32 $0xD180  }
0x316: {  	[tilespmem:s12], [sflag:$0x1] =	stream.indirect_vreg.gather [hbm4b:s1+s3], $0x80, v3, vm0, $0xb8;
	[tilespmem:$0x10180] =	vst v63  }
0x317: {  	s31 =	simm.s32 $0xD980  }
0x318: {  	[tilespmem:s31], [sflag:$0x1] =	stream.indirect_vreg.gather [hbm4b:s4+s3], $0x80, v3, vm0, $0xb8;
	[tilespmem:$0x10180] =	vst v63  }
0x319: {  	v3 =	vld [tilespmem:$0x170];
	_ =	sdelay $0x4  }
0x31a: {  	v63 =	vshll.u32 v3, $0x2  }
0x31b: {  	v3 =	vand.u32 $0x7, v3;
	v4 =	vand.u32 $0xFFFFFFE0, v63  }
0x31c: {  	v3 =	vor.u32 v3, v4  }
0x31d: {  	v4 =	vperm.xlane v3, v0;
	_ =	sdelay $0x1  }
0x31e: {  	v4 =	vadd.s32 v1, v4;
	_ =	sdelay $0x1  }
0x31f: {  	v3 =	vperm.xlane v3, v2;
	_ =	sdelay $0x1  }
0x320: {  	s17 =	simm.s32 $0xE180;
	v3 =	vadd.s32 v1, v3  }
0x321: {  	[tilespmem:s17], [sflag:$0x1] =	stream.indirect_vreg.gather [hbm4b:s1+s3], $0x80, v4, vm0, $0xb8;
	[tilespmem:$0x10180] =	vst v63  }
0x322: {  	s13 =	simm.s32 $0xE980  }
0x323: {  	[tilespmem:s13], [sflag:$0x1] =	stream.indirect_vreg.gather [hbm4b:s4+s3], $0x80, v4, vm0, $0xb8;
	[tilespmem:$0x10180] =	vst v63  }
0x324: {  	s16 =	simm.s32 $0xF180  }
0x325: {  	[tilespmem:s16], [sflag:$0x1] =	stream.indirect_vreg.gather [hbm4b:s1+s3], $0x80, v3, vm0, $0xb8;
	[tilespmem:$0x10180] =	vst v63  }
0x326: {  	s18 =	simm.s32 $0xF980  }
0x327: {  	[tilespmem:s18], [sflag:$0x1] =	stream.indirect_vreg.gather [hbm4b:s4+s3], $0x80, v3, vm0, $0xb8;
	[tilespmem:$0x10180] =	vst v63  }
0x328: {  	_ =	swait.ge [sflag:s14], $0x10000  }
0x329: {  	p0 =	sne.s32 s5, $0x1;
	[sflag:s14] =	ssyncset.done $0x0  }
.Ltmp0:
0x32a: {  	s31 =	rddreg [dreg:$0xa];
	[sflag:s14] =	ssyncadd.s32 $0xFFFF0000;
	(pc) =	sbr.rel @p0 .LBB2_1-.Ltmp0, $4  }
0x32b: {  	[hbm4b:s31+s3] =	stream.linear.scatter [tilespmem:s11], [sflag:$0x2], $0x10000, $0x38;
	[tilespmem:$0x10180] =	vst v63  }
0x32c: {  	_ =	swait.ge [sflag:s6], $0x10000  }
0x32d: {  	[sflag:s6] =	ssyncset.done $0x0  }
0x32e: {  	s5 =	sadd.s32 $0xFFFFFFFF, s5;
	[sflag:s6] =	ssyncadd.s32 $0xFFFF0000  }
0x32f: {  	_ =	sfence.sel $0x180000  }
0x330: {  	[bflag:$0x0] =	sbarrier.arrive $0xFFFF  }
0x331: {  	_ =	strace $0x90000047  }
0x332: {  	s0 =	stileid.u32;
	[bflag:$0x2] =	sbarrier.arrive $0xFFFF  }
0x333: {  	p0 =	sne.s32 s0, $0x0;
	s0 =	rddreg [dreg:$0x3]  }
0x334: {  	s0 =	sadd.s32 @!p0 $0x100000, s0  }
0x335: {  	[sflag:s0] =	ssyncadd.tile.s32 @!p0 $0x1;
	_ =	shalt  }
.Lfunc_end2:
_tile_overlayer_lowered:
.L_overlay_start_2:
0x336: {  	(tag) =	ssettag $0x2  }
0x337: {  	s0 =	rddreg [dreg:$0x0];
	s2 =	stileid.u32  }
0x338: {  	s1 =	rddreg [dreg:$0x1];
	p0 =	sne.s32 s2, $0x0  }
0x339: {  	s3 =	rddreg [dreg:$0x2];
	[bflag:$0x3] =	sbarrier.arrive $0xFFFF;
	s2 =	simm.s32 @!p0 $0x1C02  }
0x33a: {  	[timem:s3], [sflag:s2] =	dma.local @!p0 [hbm:s0], s1  }
0x33b: {  	s0 =	simm.s32 @!p0 $0x2  }
0x33c: {  	_ =	swait.ge @!p0 [sflag:s0], s1  }
0x33d: {  	s1 =	ssub.s32 @!p0 $0x0, s1;
	[sflag:s0] =	ssyncset.done @!p0 $0x0  }
0x33e: {  	[sflag:s0] =	ssyncadd.s32 @!p0 s1  }
0x33f: {  	[bflag:$0x3] =	sbarrier.arrive $0xFFFF  }
0x340: {  	_ =	shalt  }

</sc_bundles>
